<compile_context>
chip_gen: v7x
topology: tpu7x:2x2x1
jax: 0.10.2.dev20260603
libtpu: 0.0.44.dev20260713+nightly
codegen_flags: <defaults>
</compile_context>

<pallas_src>
import jax
import jax.numpy as jnp
from jax import lax
from jax.experimental import pallas as pl
from jax.experimental.pallas import tpu as pltpu
from jax.experimental.pallas import tpu_sc as plsc

B = 4096
T = 50
D = 384
TP = 56

NC, NS, L = 2, 16, 16
NW = NC * NS
COLS_W = B // NW
CHUNK = 32
CPT = COLS_W // CHUNK
NCHUNK = T * CPT
NBUF = 4
AHEAD = 3
SBUF = 4
assert NCHUNK % NBUF == 0
VPR = D // L
NQ = CHUNK // L


def _sc_body(idx_hbm, tab_hbm, out_hbm, idx_v, pos_v, shared,
             bufs, gsem, xsem, dsem):
    wid = lax.axis_index("s") * NC + lax.axis_index("c")
    sid = lax.axis_index("s")
    col0 = wid * COLS_W

    pltpu.sync_copy(idx_hbm.at[:, pl.ds(col0, COLS_W)], idx_v)

    def chunk_t_half(c):
        t = c // CPT
        return t, c - t * CPT

    def gather_start(c, k):
        t, half = chunk_t_half(c)
        for q in range(NQ):
            iv = idx_v[t, pl.ds(half * CHUNK + q * L, L)]
            pltpu.async_copy(
                tab_hbm.at[iv], bufs[k].at[pl.ds(q * L, L)], gsem[k])

    def gather_wait(k):
        for q in range(NQ):
            iv = idx_v[0, pl.ds(q * L, L)]
            pltpu.make_async_copy(
                tab_hbm.at[iv], bufs[k].at[pl.ds(q * L, L)], gsem[k]).wait()

    def cross_start(c, k, s):
        pltpu.async_copy(bufs[k], shared.at[sid, s], xsem[k])

    def cross_wait(k):
        pltpu.make_async_copy(bufs[k], shared.at[sid, 0], xsem[k]).wait()

    def dma_start(c, s):
        t, half = chunk_t_half(c)
        pltpu.async_copy(
            shared.at[sid, s],
            out_hbm.at[t, pl.ds(col0 + half * CHUNK, CHUNK)], dsem[s])

    def dma_wait(s):
        pltpu.make_async_copy(
            shared.at[sid, s], out_hbm.at[0, pl.ds(col0, CHUNK)],
            dsem[s]).wait()

    def add_pos(c, k):
        t, _ = chunk_t_half(c)
        buf = bufs[k]
        prow = [pos_v[t, pl.ds(j * L, L)] for j in range(VPR)]

        def row_add(r, _):
            for j in range(VPR):
                plsc.addupdate(buf.at[r, pl.ds(j * L, L)], prow[j])
            return 0

        lax.fori_loop(0, CHUNK, row_add, 0, unroll=4)

    for j in range(AHEAD):
        gather_start(j, j)
    pltpu.sync_copy(tab_hbm.at[pl.ds(0, TP)], pos_v)

    @pl.loop(0, NCHUNK, step=NBUF)
    def step(g):
        for b in range(NBUF):
            c = g + b
            k = b
            s = b % SBUF
            ka = (b + AHEAD) % NBUF
            kp = (b + NBUF - 1) % NBUF
            sp = kp % SBUF

            @pl.when(c >= 1)
            def _():
                cross_wait(kp)
                dma_start(c - 1, sp)

            @pl.when(c + AHEAD < NCHUNK)
            def _():
                gather_start(c + AHEAD, ka)

            gather_wait(k)
            add_pos(c, k)

            @pl.when(c >= SBUF)
            def _():
                dma_wait(s)

            cross_start(c, k, s)

    cross_wait((NCHUNK - 1) % NBUF)
    dma_start(NCHUNK - 1, (NCHUNK - 1) % SBUF)
    for s in range(SBUF):
        dma_wait(s)


def _make_kernel():
    mesh = plsc.VectorSubcoreMesh(core_axis_name="c", subcore_axis_name="s")

    def body(idx_hbm, tab_hbm, out_hbm, idx_v, pos_v, shared, *rest):
        bufs = rest[:NBUF]
        gsem = rest[NBUF:2 * NBUF]
        xsem = rest[2 * NBUF:3 * NBUF]
        dsem = rest[3 * NBUF:]
        _sc_body(idx_hbm, tab_hbm, out_hbm, idx_v, pos_v, shared,
                 bufs, gsem, xsem, dsem)

    return pl.kernel(
        body,
        out_type=jax.ShapeDtypeStruct((T, B, D), jnp.float32),
        mesh=mesh,
        scratch_types=(
            [pltpu.VMEM((TP, COLS_W), jnp.int32),
             pltpu.VMEM((TP, D), jnp.float32),
             pltpu.VMEM_SHARED((NS, SBUF, CHUNK, D), jnp.float32)]
            + [pltpu.VMEM((CHUNK, D), jnp.float32)] * NBUF
            + [pltpu.SemaphoreType.DMA] * (2 * NBUF)
            + [pltpu.SemaphoreType.DMA] * SBUF
        ),
        compiler_params=pltpu.CompilerParams(use_tc_tiling_on_sc=True),
    )


@jax.jit
def kernel(idx, token_embedding_table, position_embedding_table):
    del position_embedding_table
    idx_t = jnp.transpose(idx.astype(jnp.int32))
    idx_p = jnp.pad(idx_t, ((0, TP - T), (0, 0)))
    out = _make_kernel()(idx_p, token_embedding_table)
    return jnp.transpose(out, (1, 0, 2))

# --- scband reference (transcript-rebuilt; emitter-appended) ---
"""Pipeline reference for scband-embedding-block-72138270704051 (READ-ONLY COPY).

The authoritative reference and input builder live on the scoring server;
editing this copy changes nothing except your own understanding.
"""

import jax, jax.numpy as jnp
import numpy as np

VOCAB = 100000
N_EMBED = 384
BLOCK_SIZE = 50  # T must be <= VOCAB since forward (faithfully) indexes the TOKEN table with arange(T)


def setup_inputs(seed: int = 0) -> dict:
    key = jax.random.key(seed)
    k1, k2, k3 = jax.random.split(key, 3)
    idx = jax.random.randint(k1, (4096, 50), 0, VOCAB)
    token_embedding_table = jax.random.normal(k2, (VOCAB, N_EMBED), dtype=jnp.float32)
    position_embedding_table = jax.random.normal(k3, (BLOCK_SIZE, N_EMBED), dtype=jnp.float32)
    return {
        "idx": idx,
        "token_embedding_table": token_embedding_table,
        "position_embedding_table": position_embedding_table,
    }


def reference(idx, token_embedding_table, position_embedding_table):
    # Faithful translation: the original forward uses the TOKEN embedding table
    # for the positional lookup as well (position_embedding_table is unused).
    B, T = idx.shape
    token_embedding = jnp.take(token_embedding_table, idx, axis=0)
    positional_embedding = jnp.take(token_embedding_table, jnp.arange(T), axis=0)
    x = token_embedding + positional_embedding
    return x

if __name__ == "__main__":
    import jax
    _d = setup_inputs()
    print(jax.jit(kernel)(*tuple(_d.values())))

</pallas_src>

<mosaic_0001>
#map = affine_map<(d0, d1) -> (0, 0)>
#map1 = affine_map<(d0, d1) -> (0, 0, 0)>
module attributes {stable_mosaic.version = 14 : i64} {
  func.func @body(%arg0: i32, %arg1: i32, %arg2: memref<56x4096xi32, #tpu.memory_space<hbm>>, %arg3: memref<100000x384xf32, #tpu.memory_space<hbm>>, %arg4: memref<50x4096x384xf32, #tpu.memory_space<hbm>>, %arg5: memref<56x128xi32, #tpu.memory_space<vmem>>, %arg6: memref<56x384xf32, #tpu.memory_space<vmem>>, %arg7: memref<16x4x32x384xf32, #tpu.memory_space<vmem_shared>>, %arg8: memref<32x384xf32, #tpu.memory_space<vmem>>, %arg9: memref<32x384xf32, #tpu.memory_space<vmem>>, %arg10: memref<32x384xf32, #tpu.memory_space<vmem>>, %arg11: memref<32x384xf32, #tpu.memory_space<vmem>>, %arg12: memref<!tpu.dma_semaphore, #tpu.memory_space<semaphore_mem>>, %arg13: memref<!tpu.dma_semaphore, #tpu.memory_space<semaphore_mem>>, %arg14: memref<!tpu.dma_semaphore, #tpu.memory_space<semaphore_mem>>, %arg15: memref<!tpu.dma_semaphore, #tpu.memory_space<semaphore_mem>>, %arg16: memref<!tpu.dma_semaphore, #tpu.memory_space<semaphore_mem>>, %arg17: memref<!tpu.dma_semaphore, #tpu.memory_space<semaphore_mem>>, %arg18: memref<!tpu.dma_semaphore, #tpu.memory_space<semaphore_mem>>, %arg19: memref<!tpu.dma_semaphore, #tpu.memory_space<semaphore_mem>>, %arg20: memref<!tpu.dma_semaphore, #tpu.memory_space<semaphore_mem>>, %arg21: memref<!tpu.dma_semaphore, #tpu.memory_space<semaphore_mem>>, %arg22: memref<!tpu.dma_semaphore, #tpu.memory_space<semaphore_mem>>, %arg23: memref<!tpu.dma_semaphore, #tpu.memory_space<semaphore_mem>>) attributes {dimension_semantics = [#tpu.dimension_semantics<core_parallel>, #tpu.dimension_semantics<subcore_parallel>], iteration_bounds = array<i64: 2, 16>, scalar_prefetch = 0 : i64, scratch_operands = 19 : i64, tpu.core_type = #tpu.core_type<sc_vector_subcore>, window_params = [{transform_indices = #map}, {transform_indices = #map}, {transform_indices = #map1}]} {
    %mul3A = arith.constant 2 : i32
    %mul3A_0 = arith.muli %arg1, %mul3A : i32
    %add3A = arith.addi %mul3A_0, %arg0 : i32
    %mul3A_1 = arith.constant 128 : i32
    %mul3A_2 = arith.muli %add3A, %mul3A_1 : i32
    "tpu.region"() ({
      %run_scoped3A = tpu.sem_alloc : memref<!tpu.dma_semaphore, #tpu.memory_space<semaphore_mem>>
      %dma_start3A_126 = arith.constant 0 : i32
      %dma_start3A_127 = tpu.memref_slice %arg2[%dma_start3A_126, %mul3A_2] : memref<56x4096xi32, #tpu.memory_space<hbm>> -> memref<56x128xi32, #tpu.memory_space<hbm>>
      %dma_start3A_128 = arith.constant 0 : i32
      %dma_start3A_129 = tpu.memref_slice %arg2[%dma_start3A_128, %mul3A_2] : memref<56x4096xi32, #tpu.memory_space<hbm>> -> memref<56x128xi32, #tpu.memory_space<hbm>>
      tpu.enqueue_dma source(%dma_start3A_129 : memref<56x128xi32, #tpu.memory_space<hbm>>) target(%arg5 : memref<56x128xi32, #tpu.memory_space<vmem>>) target_semaphore(%run_scoped3A : memref<!tpu.dma_semaphore, #tpu.memory_space<semaphore_mem>>)
      %dma_wait3A_130 = arith.constant 0 : i32
      %dma_wait3A_131 = tpu.memref_slice %arg2[%dma_wait3A_130, %mul3A_2] : memref<56x4096xi32, #tpu.memory_space<hbm>> -> memref<56x128xi32, #tpu.memory_space<hbm>>
      %dma_wait3A_132 = arith.constant 0 : i32
      %dma_wait3A_133 = tpu.memref_slice %arg2[%dma_wait3A_132, %mul3A_2] : memref<56x4096xi32, #tpu.memory_space<hbm>> -> memref<56x128xi32, #tpu.memory_space<hbm>>
      tpu.wait_dma2 semaphore(%run_scoped3A : memref<!tpu.dma_semaphore, #tpu.memory_space<semaphore_mem>>) src(%dma_wait3A_133 : memref<56x128xi32, #tpu.memory_space<hbm>>) dst(%arg5 : memref<56x128xi32, #tpu.memory_space<vmem>>)
      tpu.yield
    }) : () -> ()
    %get3A = arith.constant 0 : i32
    %get3A_3 = arith.index_cast %get3A : i32 to index
    %get3A_4 = arith.constant 0 : index
    %get3A_5 = tpu.vector_load %arg5[%get3A_3, %get3A_4] {strides = array<i32>} : memref<56x128xi32, #tpu.memory_space<vmem>>, vector<1x16xi32>,
    %get3A_6 = vector.shape_cast %get3A_5 : vector<1x16xi32> to vector<16xi32>
    %dma_start3A = arith.constant 0 : i32
    %dma_start3A_7 = arith.constant 0 : i32
    %dma_start3A_8 = tpu.memref_slice %arg8[%dma_start3A, %dma_start3A_7] : memref<32x384xf32, #tpu.memory_space<vmem>> -> memref<16x384xf32, #tpu.memory_space<vmem>>
    %dma_start3A_9 = arith.constant 0 : i32
    %dma_start3A_10 = arith.constant 0 : i32
    %dma_start3A_11 = tpu.memref_slice %arg3[%dma_start3A_9, %dma_start3A_10] : memref<100000x384xf32, #tpu.memory_space<hbm>> -> memref<100000x384xf32, #tpu.memory_space<hbm>>
    tpu.enqueue_indirect_dma source(%dma_start3A_11 : memref<100000x384xf32, #tpu.memory_space<hbm>>) target(%dma_start3A_8 : memref<16x384xf32, #tpu.memory_space<vmem>>) offsets(%get3A_6 : vector<16xi32>) semaphore(%arg12 : memref<!tpu.dma_semaphore, #tpu.memory_space<semaphore_mem>>)
    %get3A_12 = arith.constant 0 : i32
    %get3A_13 = arith.index_cast %get3A_12 : i32 to index
    %get3A_14 = arith.constant 16 : index
    %get3A_15 = tpu.vector_load %arg5[%get3A_13, %get3A_14] {strides = array<i32>} : memref<56x128xi32, #tpu.memory_space<vmem>>, vector<1x16xi32>,
    %get3A_16 = vector.shape_cast %get3A_15 : vector<1x16xi32> to vector<16xi32>
    %dma_start3A_17 = arith.constant 16 : i32
    %dma_start3A_18 = arith.constant 0 : i32
    %dma_start3A_19 = tpu.memref_slice %arg8[%dma_start3A_17, %dma_start3A_18] : memref<32x384xf32, #tpu.memory_space<vmem>> -> memref<16x384xf32, #tpu.memory_space<vmem>>
    %dma_start3A_20 = arith.constant 0 : i32
    %dma_start3A_21 = arith.constant 0 : i32
    %dma_start3A_22 = tpu.memref_slice %arg3[%dma_start3A_20, %dma_start3A_21] : memref<100000x384xf32, #tpu.memory_space<hbm>> -> memref<100000x384xf32, #tpu.memory_space<hbm>>
    tpu.enqueue_indirect_dma source(%dma_start3A_22 : memref<100000x384xf32, #tpu.memory_space<hbm>>) target(%dma_start3A_19 : memref<16x384xf32, #tpu.memory_space<vmem>>) offsets(%get3A_16 : vector<16xi32>) semaphore(%arg12 : memref<!tpu.dma_semaphore, #tpu.memory_space<semaphore_mem>>)
    %get3A_23 = arith.constant 0 : i32
    %get3A_24 = arith.index_cast %get3A_23 : i32 to index
    %get3A_25 = arith.constant 32 : index
    %get3A_26 = tpu.vector_load %arg5[%get3A_24, %get3A_25] {strides = array<i32>} : memref<56x128xi32, #tpu.memory_space<vmem>>, vector<1x16xi32>,
    %get3A_27 = vector.shape_cast %get3A_26 : vector<1x16xi32> to vector<16xi32>
    %dma_start3A_28 = arith.constant 0 : i32
    %dma_start3A_29 = arith.constant 0 : i32
    %dma_start3A_30 = tpu.memref_slice %arg9[%dma_start3A_28, %dma_start3A_29] : memref<32x384xf32, #tpu.memory_space<vmem>> -> memref<16x384xf32, #tpu.memory_space<vmem>>
    %dma_start3A_31 = arith.constant 0 : i32
    %dma_start3A_32 = arith.constant 0 : i32
    %dma_start3A_33 = tpu.memref_slice %arg3[%dma_start3A_31, %dma_start3A_32] : memref<100000x384xf32, #tpu.memory_space<hbm>> -> memref<100000x384xf32, #tpu.memory_space<hbm>>
    tpu.enqueue_indirect_dma source(%dma_start3A_33 : memref<100000x384xf32, #tpu.memory_space<hbm>>) target(%dma_start3A_30 : memref<16x384xf32, #tpu.memory_space<vmem>>) offsets(%get3A_27 : vector<16xi32>) semaphore(%arg13 : memref<!tpu.dma_semaphore, #tpu.memory_space<semaphore_mem>>)
    %get3A_34 = arith.constant 0 : i32
    %get3A_35 = arith.index_cast %get3A_34 : i32 to index
    %get3A_36 = arith.constant 48 : index
    %get3A_37 = tpu.vector_load %arg5[%get3A_35, %get3A_36] {strides = array<i32>} : memref<56x128xi32, #tpu.memory_space<vmem>>, vector<1x16xi32>,
    %get3A_38 = vector.shape_cast %get3A_37 : vector<1x16xi32> to vector<16xi32>
    %dma_start3A_39 = arith.constant 16 : i32
    %dma_start3A_40 = arith.constant 0 : i32
    %dma_start3A_41 = tpu.memref_slice %arg9[%dma_start3A_39, %dma_start3A_40] : memref<32x384xf32, #tpu.memory_space<vmem>> -> memref<16x384xf32, #tpu.memory_space<vmem>>
    %dma_start3A_42 = arith.constant 0 : i32
    %dma_start3A_43 = arith.constant 0 : i32
    %dma_start3A_44 = tpu.memref_slice %arg3[%dma_start3A_42, %dma_start3A_43] : memref<100000x384xf32, #tpu.memory_space<hbm>> -> memref<100000x384xf32, #tpu.memory_space<hbm>>
    tpu.enqueue_indirect_dma source(%dma_start3A_44 : memref<100000x384xf32, #tpu.memory_space<hbm>>) target(%dma_start3A_41 : memref<16x384xf32, #tpu.memory_space<vmem>>) offsets(%get3A_38 : vector<16xi32>) semaphore(%arg13 : memref<!tpu.dma_semaphore, #tpu.memory_space<semaphore_mem>>)
    %get3A_45 = arith.constant 0 : i32
    %get3A_46 = arith.index_cast %get3A_45 : i32 to index
    %get3A_47 = arith.constant 64 : index
    %get3A_48 = tpu.vector_load %arg5[%get3A_46, %get3A_47] {strides = array<i32>} : memref<56x128xi32, #tpu.memory_space<vmem>>, vector<1x16xi32>,
    %get3A_49 = vector.shape_cast %get3A_48 : vector<1x16xi32> to vector<16xi32>
    %dma_start3A_50 = arith.constant 0 : i32
    %dma_start3A_51 = arith.constant 0 : i32
    %dma_start3A_52 = tpu.memref_slice %arg10[%dma_start3A_50, %dma_start3A_51] : memref<32x384xf32, #tpu.memory_space<vmem>> -> memref<16x384xf32, #tpu.memory_space<vmem>>
    %dma_start3A_53 = arith.constant 0 : i32
    %dma_start3A_54 = arith.constant 0 : i32
    %dma_start3A_55 = tpu.memref_slice %arg3[%dma_start3A_53, %dma_start3A_54] : memref<100000x384xf32, #tpu.memory_space<hbm>> -> memref<100000x384xf32, #tpu.memory_space<hbm>>
    tpu.enqueue_indirect_dma source(%dma_start3A_55 : memref<100000x384xf32, #tpu.memory_space<hbm>>) target(%dma_start3A_52 : memref<16x384xf32, #tpu.memory_space<vmem>>) offsets(%get3A_49 : vector<16xi32>) semaphore(%arg14 : memref<!tpu.dma_semaphore, #tpu.memory_space<semaphore_mem>>)
    %get3A_56 = arith.constant 0 : i32
    %get3A_57 = arith.index_cast %get3A_56 : i32 to index
    %get3A_58 = arith.constant 80 : index
    %get3A_59 = tpu.vector_load %arg5[%get3A_57, %get3A_58] {strides = array<i32>} : memref<56x128xi32, #tpu.memory_space<vmem>>, vector<1x16xi32>,
    %get3A_60 = vector.shape_cast %get3A_59 : vector<1x16xi32> to vector<16xi32>
    %dma_start3A_61 = arith.constant 16 : i32
    %dma_start3A_62 = arith.constant 0 : i32
    %dma_start3A_63 = tpu.memref_slice %arg10[%dma_start3A_61, %dma_start3A_62] : memref<32x384xf32, #tpu.memory_space<vmem>> -> memref<16x384xf32, #tpu.memory_space<vmem>>
    %dma_start3A_64 = arith.constant 0 : i32
    %dma_start3A_65 = arith.constant 0 : i32
    %dma_start3A_66 = tpu.memref_slice %arg3[%dma_start3A_64, %dma_start3A_65] : memref<100000x384xf32, #tpu.memory_space<hbm>> -> memref<100000x384xf32, #tpu.memory_space<hbm>>
    tpu.enqueue_indirect_dma source(%dma_start3A_66 : memref<100000x384xf32, #tpu.memory_space<hbm>>) target(%dma_start3A_63 : memref<16x384xf32, #tpu.memory_space<vmem>>) offsets(%get3A_60 : vector<16xi32>) semaphore(%arg14 : memref<!tpu.dma_semaphore, #tpu.memory_space<semaphore_mem>>)
    "tpu.region"() ({
      %run_scoped3A = tpu.sem_alloc : memref<!tpu.dma_semaphore, #tpu.memory_space<semaphore_mem>>
      %dma_start3A_126 = arith.constant 0 : i32
      %dma_start3A_127 = arith.constant 0 : i32
      %dma_start3A_128 = tpu.memref_slice %arg3[%dma_start3A_126, %dma_start3A_127] : memref<100000x384xf32, #tpu.memory_space<hbm>> -> memref<56x384xf32, #tpu.memory_space<hbm>>
      %dma_start3A_129 = arith.constant 0 : i32
      %dma_start3A_130 = arith.constant 0 : i32
      %dma_start3A_131 = tpu.memref_slice %arg3[%dma_start3A_129, %dma_start3A_130] : memref<100000x384xf32, #tpu.memory_space<hbm>> -> memref<56x384xf32, #tpu.memory_space<hbm>>
      tpu.enqueue_dma source(%dma_start3A_131 : memref<56x384xf32, #tpu.memory_space<hbm>>) target(%arg6 : memref<56x384xf32, #tpu.memory_space<vmem>>) target_semaphore(%run_scoped3A : memref<!tpu.dma_semaphore, #tpu.memory_space<semaphore_mem>>)
      %dma_wait3A_132 = arith.constant 0 : i32
      %dma_wait3A_133 = arith.constant 0 : i32
      %dma_wait3A_134 = tpu.memref_slice %arg3[%dma_wait3A_132, %dma_wait3A_133] : memref<100000x384xf32, #tpu.memory_space<hbm>> -> memref<56x384xf32, #tpu.memory_space<hbm>>
      %dma_wait3A_135 = arith.constant 0 : i32
      %dma_wait3A_136 = arith.constant 0 : i32
      %dma_wait3A_137 = tpu.memref_slice %arg3[%dma_wait3A_135, %dma_wait3A_136] : memref<100000x384xf32, #tpu.memory_space<hbm>> -> memref<56x384xf32, #tpu.memory_space<hbm>>
      tpu.wait_dma2 semaphore(%run_scoped3A : memref<!tpu.dma_semaphore, #tpu.memory_space<semaphore_mem>>) src(%dma_wait3A_137 : memref<56x384xf32, #tpu.memory_space<hbm>>) dst(%arg6 : memref<56x384xf32, #tpu.memory_space<vmem>>)
      tpu.yield
    }) : () -> ()
    %scan3A = arith.constant 0 : i32
    %scan3A_67 = arith.constant 50 : i32
    %scan3A_68 = arith.addi %scan3A, %scan3A_67 : i32
    %scan3A_69 = arith.constant 1 : i32
    scf.for %scan3A_126 = %scan3A to %scan3A_68 step %scan3A_69  : i32 {
      %mul3A_127 = arith.constant 4 : i32
      %mul3A_128 = arith.muli %scan3A_126, %mul3A_127 : i32
      %add3A_129 = arith.constant 0 : i32
      %add3A_130 = arith.addi %add3A_129, %mul3A_128 : i32
      %add3A_131 = arith.constant 0 : i32
      %add3A_132 = arith.addi %add3A_130, %add3A_131 : i32
      %ge3A = arith.constant 1 : i32
      %ge3A_133 = arith.cmpi sge, %add3A_132, %ge3A : i32
      %convert_element_type3A = arith.extui %ge3A_133 : i1 to i32
      %cond3A = arith.constant 0 : i32
      %cond3A_134 = arith.cmpi ne, %convert_element_type3A, %cond3A : i32
      scf.if %cond3A_134 {
        %dma_wait3A_839 = arith.constant 0 : i32
        %dma_wait3A_840 = arith.constant 0 : i32
        %dma_wait3A_841 = arith.constant 0 : i32
        %dma_wait3A_842 = tpu.memref_slice %arg7[%arg1, %dma_wait3A_839, %dma_wait3A_840, %dma_wait3A_841] : memref<16x4x32x384xf32, #tpu.memory_space<vmem_shared>> -> memref<1x1x32x384xf32, #tpu.memory_space<vmem_shared>>
        %dma_wait3A_843 = tpu.memref_squeeze %dma_wait3A_842 : memref<1x1x32x384xf32, #tpu.memory_space<vmem_shared>> -> memref<32x384xf32, #tpu.memory_space<vmem_shared>>
        %dma_wait3A_844 = arith.constant 0 : i32
        %dma_wait3A_845 = arith.constant 0 : i32
        %dma_wait3A_846 = tpu.memref_slice %arg7[%arg1, %dma_wait3A_839, %dma_wait3A_844, %dma_wait3A_845] : memref<16x4x32x384xf32, #tpu.memory_space<vmem_shared>> -> memref<1x1x32x384xf32, #tpu.memory_space<vmem_shared>>
        %dma_wait3A_847 = tpu.memref_squeeze %dma_wait3A_846 : memref<1x1x32x384xf32, #tpu.memory_space<vmem_shared>> -> memref<32x384xf32, #tpu.memory_space<vmem_shared>>
        tpu.wait_dma2 semaphore(%arg19 : memref<!tpu.dma_semaphore, #tpu.memory_space<semaphore_mem>>) src(%arg11 : memref<32x384xf32, #tpu.memory_space<vmem>>) dst(%dma_wait3A_847 : memref<32x384xf32, #tpu.memory_space<vmem_shared>>)
        %sub3A_848 = arith.constant 1 : i32
        %sub3A_849 = arith.subi %add3A_132, %sub3A_848 : i32
        %jit3A_850 = arith.constant 4 : i32
        %div3A_851 = arith.divsi %sub3A_849, %jit3A_850 : i32
        %sign3A_852 = arith.constant 0 : i32
        %sign3A_853 = arith.cmpi sgt, %sub3A_849, %sign3A_852 : i32
        %sign3A_854 = arith.extui %sign3A_853 : i1 to i32
        %sign3A_855 = arith.constant 0 : i32
        %sign3A_856 = arith.cmpi slt, %sub3A_849, %sign3A_855 : i32
        %sign3A_857 = arith.extui %sign3A_856 : i1 to i32
        %sign3A_858 = arith.subi %sign3A_854, %sign3A_857 : i32
        %sign3A_859 = arith.constant 0 : i32
        %sign3A_860 = arith.cmpi sgt, %jit3A_850, %sign3A_859 : i32
        %sign3A_861 = arith.extui %sign3A_860 : i1 to i32
        %sign3A_862 = arith.constant 0 : i32
        %sign3A_863 = arith.cmpi slt, %jit3A_850, %sign3A_862 : i32
        %sign3A_864 = arith.extui %sign3A_863 : i1 to i32
        %sign3A_865 = arith.subi %sign3A_861, %sign3A_864 : i32
        %ne3A_866 = arith.cmpi ne, %sign3A_858, %sign3A_865 : i32
        %rem3A_867 = arith.remsi %sub3A_849, %jit3A_850 : i32
        %ne3A_868 = arith.constant 0 : i32
        %ne3A_869 = arith.cmpi ne, %rem3A_867, %ne3A_868 : i32
        %and3A_870 = arith.andi %ne3A_866, %ne3A_869 : i1
        %sub3A_871 = arith.constant 1 : i32
        %sub3A_872 = arith.subi %div3A_851, %sub3A_871 : i32
        %select_n3A_873 = arith.select %and3A_870, %sub3A_872, %div3A_851 : i32
        %mul3A_874 = arith.constant 4 : i32
        %mul3A_875 = arith.muli %select_n3A_873, %mul3A_874 : i32
        %sub3A_876 = arith.subi %sub3A_849, %mul3A_875 : i32
        %mul3A_877 = arith.constant 32 : i32
        %mul3A_878 = arith.muli %sub3A_876, %mul3A_877 : i32
        %add3A_879 = arith.addi %mul3A_2, %mul3A_878 : i32
        %dma_start3A_880 = arith.constant 3 : i32
        %dma_start3A_881 = arith.constant 0 : i32
        %dma_start3A_882 = tpu.memref_slice %arg4[%select_n3A_873, %add3A_879, %dma_start3A_881] : memref<50x4096x384xf32, #tpu.memory_space<hbm>> -> memref<1x32x384xf32, #tpu.memory_space<hbm>>
        %dma_start3A_883 = tpu.memref_squeeze %dma_start3A_882 : memref<1x32x384xf32, #tpu.memory_space<hbm>> -> memref<32x384xf32, #tpu.memory_space<hbm>>
        %dma_start3A_884 = arith.constant 0 : i32
        %dma_start3A_885 = arith.constant 0 : i32
        %dma_start3A_886 = tpu.memref_slice %arg7[%arg1, %dma_start3A_880, %dma_start3A_884, %dma_start3A_885] : memref<16x4x32x384xf32, #tpu.memory_space<vmem_shared>> -> memref<1x1x32x384xf32, #tpu.memory_space<vmem_shared>>
        %dma_start3A_887 = tpu.memref_squeeze %dma_start3A_886 : memref<1x1x32x384xf32, #tpu.memory_space<vmem_shared>> -> memref<32x384xf32, #tpu.memory_space<vmem_shared>>
        tpu.enqueue_dma source(%dma_start3A_887 : memref<32x384xf32, #tpu.memory_space<vmem_shared>>) target(%dma_start3A_883 : memref<32x384xf32, #tpu.memory_space<hbm>>) target_semaphore(%arg23 : memref<!tpu.dma_semaphore, #tpu.memory_space<semaphore_mem>>)
      } else {
      }
      %add3A_135 = arith.constant 3 : i32
      %add3A_136 = arith.addi %add3A_132, %add3A_135 : i32
      %lt3A = arith.constant 200 : i32
      %lt3A_137 = arith.cmpi slt, %add3A_136, %lt3A : i32
      %convert_element_type3A_138 = arith.extui %lt3A_137 : i1 to i32
      %cond3A_139 = arith.constant 0 : i32
      %cond3A_140 = arith.cmpi ne, %convert_element_type3A_138, %cond3A_139 : i32
      scf.if %cond3A_140 {
        %add3A_839 = arith.constant 3 : i32
        %add3A_840 = arith.addi %add3A_132, %add3A_839 : i32
        %jit3A_841 = arith.constant 4 : i32
        %div3A_842 = arith.divsi %add3A_840, %jit3A_841 : i32
        %sign3A_843 = arith.constant 0 : i32
        %sign3A_844 = arith.cmpi sgt, %add3A_840, %sign3A_843 : i32
        %sign3A_845 = arith.extui %sign3A_844 : i1 to i32
        %sign3A_846 = arith.constant 0 : i32
        %sign3A_847 = arith.cmpi slt, %add3A_840, %sign3A_846 : i32
        %sign3A_848 = arith.extui %sign3A_847 : i1 to i32
        %sign3A_849 = arith.subi %sign3A_845, %sign3A_848 : i32
        %sign3A_850 = arith.constant 0 : i32
        %sign3A_851 = arith.cmpi sgt, %jit3A_841, %sign3A_850 : i32
        %sign3A_852 = arith.extui %sign3A_851 : i1 to i32
        %sign3A_853 = arith.constant 0 : i32
        %sign3A_854 = arith.cmpi slt, %jit3A_841, %sign3A_853 : i32
        %sign3A_855 = arith.extui %sign3A_854 : i1 to i32
        %sign3A_856 = arith.subi %sign3A_852, %sign3A_855 : i32
        %ne3A_857 = arith.cmpi ne, %sign3A_849, %sign3A_856 : i32
        %rem3A_858 = arith.remsi %add3A_840, %jit3A_841 : i32
        %ne3A_859 = arith.constant 0 : i32
        %ne3A_860 = arith.cmpi ne, %rem3A_858, %ne3A_859 : i32
        %and3A_861 = arith.andi %ne3A_857, %ne3A_860 : i1
        %sub3A_862 = arith.constant 1 : i32
        %sub3A_863 = arith.subi %div3A_842, %sub3A_862 : i32
        %select_n3A_864 = arith.select %and3A_861, %sub3A_863, %div3A_842 : i32
        %mul3A_865 = arith.constant 4 : i32
        %mul3A_866 = arith.muli %select_n3A_864, %mul3A_865 : i32
        %sub3A_867 = arith.subi %add3A_840, %mul3A_866 : i32
        %mul3A_868 = arith.constant 32 : i32
        %mul3A_869 = arith.muli %sub3A_867, %mul3A_868 : i32
        %add3A_870 = arith.constant 0 : i32
        %add3A_871 = arith.addi %mul3A_869, %add3A_870 : i32
        %get3A_872 = arith.index_cast %select_n3A_864 : i32 to index
        %get3A_873 = arith.index_cast %add3A_871 : i32 to index
        %get3A_874 = tpu.vector_load %arg5[%get3A_872, %get3A_873] {strides = array<i32>} : memref<56x128xi32, #tpu.memory_space<vmem>>, vector<1x16xi32>,
        %get3A_875 = vector.shape_cast %get3A_874 : vector<1x16xi32> to vector<16xi32>
        %dma_start3A_876 = arith.constant 0 : i32
        %dma_start3A_877 = arith.constant 0 : i32
        %dma_start3A_878 = tpu.memref_slice %arg11[%dma_start3A_876, %dma_start3A_877] : memref<32x384xf32, #tpu.memory_space<vmem>> -> memref<16x384xf32, #tpu.memory_space<vmem>>
        %dma_start3A_879 = arith.constant 0 : i32
        %dma_start3A_880 = arith.constant 0 : i32
        %dma_start3A_881 = tpu.memref_slice %arg3[%dma_start3A_879, %dma_start3A_880] : memref<100000x384xf32, #tpu.memory_space<hbm>> -> memref<100000x384xf32, #tpu.memory_space<hbm>>
        tpu.enqueue_indirect_dma source(%dma_start3A_881 : memref<100000x384xf32, #tpu.memory_space<hbm>>) target(%dma_start3A_878 : memref<16x384xf32, #tpu.memory_space<vmem>>) offsets(%get3A_875 : vector<16xi32>) semaphore(%arg15 : memref<!tpu.dma_semaphore, #tpu.memory_space<semaphore_mem>>)
        %mul3A_882 = arith.constant 32 : i32
        %mul3A_883 = arith.muli %sub3A_867, %mul3A_882 : i32
        %add3A_884 = arith.constant 16 : i32
        %add3A_885 = arith.addi %mul3A_883, %add3A_884 : i32
        %get3A_886 = arith.index_cast %select_n3A_864 : i32 to index
        %get3A_887 = arith.index_cast %add3A_885 : i32 to index
        %get3A_888 = tpu.vector_load %arg5[%get3A_886, %get3A_887] {strides = array<i32>} : memref<56x128xi32, #tpu.memory_space<vmem>>, vector<1x16xi32>,
        %get3A_889 = vector.shape_cast %get3A_888 : vector<1x16xi32> to vector<16xi32>
        %dma_start3A_890 = arith.constant 16 : i32
        %dma_start3A_891 = arith.constant 0 : i32
        %dma_start3A_892 = tpu.memref_slice %arg11[%dma_start3A_890, %dma_start3A_891] : memref<32x384xf32, #tpu.memory_space<vmem>> -> memref<16x384xf32, #tpu.memory_space<vmem>>
        %dma_start3A_893 = arith.constant 0 : i32
        %dma_start3A_894 = arith.constant 0 : i32
        %dma_start3A_895 = tpu.memref_slice %arg3[%dma_start3A_893, %dma_start3A_894] : memref<100000x384xf32, #tpu.memory_space<hbm>> -> memref<100000x384xf32, #tpu.memory_space<hbm>>
        tpu.enqueue_indirect_dma source(%dma_start3A_895 : memref<100000x384xf32, #tpu.memory_space<hbm>>) target(%dma_start3A_892 : memref<16x384xf32, #tpu.memory_space<vmem>>) offsets(%get3A_889 : vector<16xi32>) semaphore(%arg15 : memref<!tpu.dma_semaphore, #tpu.memory_space<semaphore_mem>>)
      } else {
      }
      %get3A_141 = arith.constant 0 : i32
      %get3A_142 = arith.index_cast %get3A_141 : i32 to index
      %get3A_143 = arith.constant 0 : index
      %get3A_144 = tpu.vector_load %arg5[%get3A_142, %get3A_143] {strides = array<i32>} : memref<56x128xi32, #tpu.memory_space<vmem>>, vector<1x16xi32>,
      %get3A_145 = vector.shape_cast %get3A_144 : vector<1x16xi32> to vector<16xi32>
      %dma_wait3A_146 = arith.constant 0 : i32
      %dma_wait3A_147 = arith.constant 0 : i32
      %dma_wait3A_148 = tpu.memref_slice %arg8[%dma_wait3A_146, %dma_wait3A_147] : memref<32x384xf32, #tpu.memory_space<vmem>> -> memref<16x384xf32, #tpu.memory_space<vmem>>
      %dma_wait3A_149 = arith.constant 0 : i32
      %dma_wait3A_150 = arith.constant 0 : i32
      %dma_wait3A_151 = tpu.memref_slice %arg3[%dma_wait3A_149, %dma_wait3A_150] : memref<100000x384xf32, #tpu.memory_space<hbm>> -> memref<100000x384xf32, #tpu.memory_space<hbm>>
      tpu.wait_indirect_dma semaphore(%arg12 : memref<!tpu.dma_semaphore, #tpu.memory_space<semaphore_mem>>) src(%dma_wait3A_151 : memref<100000x384xf32, #tpu.memory_space<hbm>>) dst(%dma_wait3A_148 : memref<16x384xf32, #tpu.memory_space<vmem>>)
      %get3A_152 = arith.constant 0 : i32
      %get3A_153 = arith.index_cast %get3A_152 : i32 to index
      %get3A_154 = arith.constant 16 : index
      %get3A_155 = tpu.vector_load %arg5[%get3A_153, %get3A_154] {strides = array<i32>} : memref<56x128xi32, #tpu.memory_space<vmem>>, vector<1x16xi32>,
      %get3A_156 = vector.shape_cast %get3A_155 : vector<1x16xi32> to vector<16xi32>
      %dma_wait3A_157 = arith.constant 16 : i32
      %dma_wait3A_158 = arith.constant 0 : i32
      %dma_wait3A_159 = tpu.memref_slice %arg8[%dma_wait3A_157, %dma_wait3A_158] : memref<32x384xf32, #tpu.memory_space<vmem>> -> memref<16x384xf32, #tpu.memory_space<vmem>>
      %dma_wait3A_160 = arith.constant 0 : i32
      %dma_wait3A_161 = arith.constant 0 : i32
      %dma_wait3A_162 = tpu.memref_slice %arg3[%dma_wait3A_160, %dma_wait3A_161] : memref<100000x384xf32, #tpu.memory_space<hbm>> -> memref<100000x384xf32, #tpu.memory_space<hbm>>
      tpu.wait_indirect_dma semaphore(%arg12 : memref<!tpu.dma_semaphore, #tpu.memory_space<semaphore_mem>>) src(%dma_wait3A_162 : memref<100000x384xf32, #tpu.memory_space<hbm>>) dst(%dma_wait3A_159 : memref<16x384xf32, #tpu.memory_space<vmem>>)
      %jit3A = arith.constant 4 : i32
      %div3A = arith.divsi %add3A_132, %jit3A : i32
      %sign3A = arith.constant 0 : i32
      %sign3A_163 = arith.cmpi sgt, %add3A_132, %sign3A : i32
      %sign3A_164 = arith.extui %sign3A_163 : i1 to i32
      %sign3A_165 = arith.constant 0 : i32
      %sign3A_166 = arith.cmpi slt, %add3A_132, %sign3A_165 : i32
      %sign3A_167 = arith.extui %sign3A_166 : i1 to i32
      %sign3A_168 = arith.subi %sign3A_164, %sign3A_167 : i32
      %sign3A_169 = arith.constant 0 : i32
      %sign3A_170 = arith.cmpi sgt, %jit3A, %sign3A_169 : i32
      %sign3A_171 = arith.extui %sign3A_170 : i1 to i32
      %sign3A_172 = arith.constant 0 : i32
      %sign3A_173 = arith.cmpi slt, %jit3A, %sign3A_172 : i32
      %sign3A_174 = arith.extui %sign3A_173 : i1 to i32
      %sign3A_175 = arith.subi %sign3A_171, %sign3A_174 : i32
      %ne3A = arith.cmpi ne, %sign3A_168, %sign3A_175 : i32
      %rem3A = arith.remsi %add3A_132, %jit3A : i32
      %ne3A_176 = arith.constant 0 : i32
      %ne3A_177 = arith.cmpi ne, %rem3A, %ne3A_176 : i32
      %and3A = arith.andi %ne3A, %ne3A_177 : i1
      %sub3A = arith.constant 1 : i32
      %sub3A_178 = arith.subi %div3A, %sub3A : i32
      %select_n3A = arith.select %and3A, %sub3A_178, %div3A : i32
      %mul3A_179 = arith.constant 4 : i32
      %mul3A_180 = arith.muli %select_n3A, %mul3A_179 : i32
      %sub3A_181 = arith.subi %add3A_132, %mul3A_180 : i32
      %get3A_182 = arith.index_cast %select_n3A : i32 to index
      %get3A_183 = arith.constant 0 : index
      %get3A_184 = tpu.vector_load %arg6[%get3A_182, %get3A_183] {strides = array<i32>} : memref<56x384xf32, #tpu.memory_space<vmem>>, vector<1x16xf32>,
      %get3A_185 = vector.shape_cast %get3A_184 : vector<1x16xf32> to vector<16xf32>
      %get3A_186 = arith.index_cast %select_n3A : i32 to index
      %get3A_187 = arith.constant 16 : index
      %get3A_188 = tpu.vector_load %arg6[%get3A_186, %get3A_187] {strides = array<i32>} : memref<56x384xf32, #tpu.memory_space<vmem>>, vector<1x16xf32>,
      %get3A_189 = vector.shape_cast %get3A_188 : vector<1x16xf32> to vector<16xf32>
      %get3A_190 = arith.index_cast %select_n3A : i32 to index
      %get3A_191 = arith.constant 32 : index
      %get3A_192 = tpu.vector_load %arg6[%get3A_190, %get3A_191] {strides = array<i32>} : memref<56x384xf32, #tpu.memory_space<vmem>>, vector<1x16xf32>,
      %get3A_193 = vector.shape_cast %get3A_192 : vector<1x16xf32> to vector<16xf32>
      %get3A_194 = arith.index_cast %select_n3A : i32 to index
      %get3A_195 = arith.constant 48 : index
      %get3A_196 = tpu.vector_load %arg6[%get3A_194, %get3A_195] {strides = array<i32>} : memref<56x384xf32, #tpu.memory_space<vmem>>, vector<1x16xf32>,
      %get3A_197 = vector.shape_cast %get3A_196 : vector<1x16xf32> to vector<16xf32>
      %get3A_198 = arith.index_cast %select_n3A : i32 to index
      %get3A_199 = arith.constant 64 : index
      %get3A_200 = tpu.vector_load %arg6[%get3A_198, %get3A_199] {strides = array<i32>} : memref<56x384xf32, #tpu.memory_space<vmem>>, vector<1x16xf32>,
      %get3A_201 = vector.shape_cast %get3A_200 : vector<1x16xf32> to vector<16xf32>
      %get3A_202 = arith.index_cast %select_n3A : i32 to index
      %get3A_203 = arith.constant 80 : index
      %get3A_204 = tpu.vector_load %arg6[%get3A_202, %get3A_203] {strides = array<i32>} : memref<56x384xf32, #tpu.memory_space<vmem>>, vector<1x16xf32>,
      %get3A_205 = vector.shape_cast %get3A_204 : vector<1x16xf32> to vector<16xf32>
      %get3A_206 = arith.index_cast %select_n3A : i32 to index
      %get3A_207 = arith.constant 96 : index
      %get3A_208 = tpu.vector_load %arg6[%get3A_206, %get3A_207] {strides = array<i32>} : memref<56x384xf32, #tpu.memory_space<vmem>>, vector<1x16xf32>,
      %get3A_209 = vector.shape_cast %get3A_208 : vector<1x16xf32> to vector<16xf32>
      %get3A_210 = arith.index_cast %select_n3A : i32 to index
      %get3A_211 = arith.constant 112 : index
      %get3A_212 = tpu.vector_load %arg6[%get3A_210, %get3A_211] {strides = array<i32>} : memref<56x384xf32, #tpu.memory_space<vmem>>, vector<1x16xf32>,
      %get3A_213 = vector.shape_cast %get3A_212 : vector<1x16xf32> to vector<16xf32>
      %get3A_214 = arith.index_cast %select_n3A : i32 to index
      %get3A_215 = arith.constant 128 : index
      %get3A_216 = tpu.vector_load %arg6[%get3A_214, %get3A_215] {strides = array<i32>} : memref<56x384xf32, #tpu.memory_space<vmem>>, vector<1x16xf32>,
      %get3A_217 = vector.shape_cast %get3A_216 : vector<1x16xf32> to vector<16xf32>
      %get3A_218 = arith.index_cast %select_n3A : i32 to index
      %get3A_219 = arith.constant 144 : index
      %get3A_220 = tpu.vector_load %arg6[%get3A_218, %get3A_219] {strides = array<i32>} : memref<56x384xf32, #tpu.memory_space<vmem>>, vector<1x16xf32>,
      %get3A_221 = vector.shape_cast %get3A_220 : vector<1x16xf32> to vector<16xf32>
      %get3A_222 = arith.index_cast %select_n3A : i32 to index
      %get3A_223 = arith.constant 160 : index
      %get3A_224 = tpu.vector_load %arg6[%get3A_222, %get3A_223] {strides = array<i32>} : memref<56x384xf32, #tpu.memory_space<vmem>>, vector<1x16xf32>,
      %get3A_225 = vector.shape_cast %get3A_224 : vector<1x16xf32> to vector<16xf32>
      %get3A_226 = arith.index_cast %select_n3A : i32 to index
      %get3A_227 = arith.constant 176 : index
      %get3A_228 = tpu.vector_load %arg6[%get3A_226, %get3A_227] {strides = array<i32>} : memref<56x384xf32, #tpu.memory_space<vmem>>, vector<1x16xf32>,
      %get3A_229 = vector.shape_cast %get3A_228 : vector<1x16xf32> to vector<16xf32>
      %get3A_230 = arith.index_cast %select_n3A : i32 to index
      %get3A_231 = arith.constant 192 : index
      %get3A_232 = tpu.vector_load %arg6[%get3A_230, %get3A_231] {strides = array<i32>} : memref<56x384xf32, #tpu.memory_space<vmem>>, vector<1x16xf32>,
      %get3A_233 = vector.shape_cast %get3A_232 : vector<1x16xf32> to vector<16xf32>
      %get3A_234 = arith.index_cast %select_n3A : i32 to index
      %get3A_235 = arith.constant 208 : index
      %get3A_236 = tpu.vector_load %arg6[%get3A_234, %get3A_235] {strides = array<i32>} : memref<56x384xf32, #tpu.memory_space<vmem>>, vector<1x16xf32>,
      %get3A_237 = vector.shape_cast %get3A_236 : vector<1x16xf32> to vector<16xf32>
      %get3A_238 = arith.index_cast %select_n3A : i32 to index
      %get3A_239 = arith.constant 224 : index
      %get3A_240 = tpu.vector_load %arg6[%get3A_238, %get3A_239] {strides = array<i32>} : memref<56x384xf32, #tpu.memory_space<vmem>>, vector<1x16xf32>,
      %get3A_241 = vector.shape_cast %get3A_240 : vector<1x16xf32> to vector<16xf32>
      %get3A_242 = arith.index_cast %select_n3A : i32 to index
      %get3A_243 = arith.constant 240 : index
      %get3A_244 = tpu.vector_load %arg6[%get3A_242, %get3A_243] {strides = array<i32>} : memref<56x384xf32, #tpu.memory_space<vmem>>, vector<1x16xf32>,
      %get3A_245 = vector.shape_cast %get3A_244 : vector<1x16xf32> to vector<16xf32>
      %get3A_246 = arith.index_cast %select_n3A : i32 to index
      %get3A_247 = arith.constant 256 : index
      %get3A_248 = tpu.vector_load %arg6[%get3A_246, %get3A_247] {strides = array<i32>} : memref<56x384xf32, #tpu.memory_space<vmem>>, vector<1x16xf32>,
      %get3A_249 = vector.shape_cast %get3A_248 : vector<1x16xf32> to vector<16xf32>
      %get3A_250 = arith.index_cast %select_n3A : i32 to index
      %get3A_251 = arith.constant 272 : index
      %get3A_252 = tpu.vector_load %arg6[%get3A_250, %get3A_251] {strides = array<i32>} : memref<56x384xf32, #tpu.memory_space<vmem>>, vector<1x16xf32>,
      %get3A_253 = vector.shape_cast %get3A_252 : vector<1x16xf32> to vector<16xf32>
      %get3A_254 = arith.index_cast %select_n3A : i32 to index
      %get3A_255 = arith.constant 288 : index
      %get3A_256 = tpu.vector_load %arg6[%get3A_254, %get3A_255] {strides = array<i32>} : memref<56x384xf32, #tpu.memory_space<vmem>>, vector<1x16xf32>,
      %get3A_257 = vector.shape_cast %get3A_256 : vector<1x16xf32> to vector<16xf32>
      %get3A_258 = arith.index_cast %select_n3A : i32 to index
      %get3A_259 = arith.constant 304 : index
      %get3A_260 = tpu.vector_load %arg6[%get3A_258, %get3A_259] {strides = array<i32>} : memref<56x384xf32, #tpu.memory_space<vmem>>, vector<1x16xf32>,
      %get3A_261 = vector.shape_cast %get3A_260 : vector<1x16xf32> to vector<16xf32>
      %get3A_262 = arith.index_cast %select_n3A : i32 to index
      %get3A_263 = arith.constant 320 : index
      %get3A_264 = tpu.vector_load %arg6[%get3A_262, %get3A_263] {strides = array<i32>} : memref<56x384xf32, #tpu.memory_space<vmem>>, vector<1x16xf32>,
      %get3A_265 = vector.shape_cast %get3A_264 : vector<1x16xf32> to vector<16xf32>
      %get3A_266 = arith.index_cast %select_n3A : i32 to index
      %get3A_267 = arith.constant 336 : index
      %get3A_268 = tpu.vector_load %arg6[%get3A_266, %get3A_267] {strides = array<i32>} : memref<56x384xf32, #tpu.memory_space<vmem>>, vector<1x16xf32>,
      %get3A_269 = vector.shape_cast %get3A_268 : vector<1x16xf32> to vector<16xf32>
      %get3A_270 = arith.index_cast %select_n3A : i32 to index
      %get3A_271 = arith.constant 352 : index
      %get3A_272 = tpu.vector_load %arg6[%get3A_270, %get3A_271] {strides = array<i32>} : memref<56x384xf32, #tpu.memory_space<vmem>>, vector<1x16xf32>,
      %get3A_273 = vector.shape_cast %get3A_272 : vector<1x16xf32> to vector<16xf32>
      %get3A_274 = arith.index_cast %select_n3A : i32 to index
      %get3A_275 = arith.constant 368 : index
      %get3A_276 = tpu.vector_load %arg6[%get3A_274, %get3A_275] {strides = array<i32>} : memref<56x384xf32, #tpu.memory_space<vmem>>, vector<1x16xf32>,
      %get3A_277 = vector.shape_cast %get3A_276 : vector<1x16xf32> to vector<16xf32>
      %scan3A_278 = arith.constant 0 : i32
      %scan3A_279 = arith.constant 0 : i32
      %scan3A_280 = arith.constant 32 : i32
      %scan3A_281 = arith.addi %scan3A_279, %scan3A_280 : i32
      %scan3A_282 = arith.constant 4 : i32
      %scan3A_283 = scf.for %scan3A_839 = %scan3A_279 to %scan3A_281 step %scan3A_282 iter_args(%scan3A_840 = %scan3A_278) -> (i32)  : i32 {
        %swap3A = arith.index_cast %scan3A_839 : i32 to index
        %swap3A_841 = arith.constant 0 : index
        %swap3A_842 = tpu.vector_load %arg8[%swap3A, %swap3A_841] {strides = array<i32>} : memref<32x384xf32, #tpu.memory_space<vmem>>, vector<1x16xf32>,
        %swap3A_843 = vector.shape_cast %swap3A_842 : vector<1x16xf32> to vector<16xf32>
        %swap3A_844 = vector.shape_cast %get3A_185 : vector<16xf32> to vector<1x16xf32>
        tpu.vector_store %arg8[%swap3A, %swap3A_841], %swap3A_844 {add = true, strides = array<i32>} : memref<32x384xf32, #tpu.memory_space<vmem>>, vector<1x16xf32>,
        %swap3A_845 = arith.index_cast %scan3A_839 : i32 to index
        %swap3A_846 = arith.constant 16 : index
        %swap3A_847 = tpu.vector_load %arg8[%swap3A_845, %swap3A_846] {strides = array<i32>} : memref<32x384xf32, #tpu.memory_space<vmem>>, vector<1x16xf32>,
        %swap3A_848 = vector.shape_cast %swap3A_847 : vector<1x16xf32> to vector<16xf32>
        %swap3A_849 = vector.shape_cast %get3A_189 : vector<16xf32> to vector<1x16xf32>
        tpu.vector_store %arg8[%swap3A_845, %swap3A_846], %swap3A_849 {add = true, strides = array<i32>} : memref<32x384xf32, #tpu.memory_space<vmem>>, vector<1x16xf32>,
        %swap3A_850 = arith.index_cast %scan3A_839 : i32 to index
        %swap3A_851 = arith.constant 32 : index
        %swap3A_852 = tpu.vector_load %arg8[%swap3A_850, %swap3A_851] {strides = array<i32>} : memref<32x384xf32, #tpu.memory_space<vmem>>, vector<1x16xf32>,
        %swap3A_853 = vector.shape_cast %swap3A_852 : vector<1x16xf32> to vector<16xf32>
        %swap3A_854 = vector.shape_cast %get3A_193 : vector<16xf32> to vector<1x16xf32>
        tpu.vector_store %arg8[%swap3A_850, %swap3A_851], %swap3A_854 {add = true, strides = array<i32>} : memref<32x384xf32, #tpu.memory_space<vmem>>, vector<1x16xf32>,
        %swap3A_855 = arith.index_cast %scan3A_839 : i32 to index
        %swap3A_856 = arith.constant 48 : index
        %swap3A_857 = tpu.vector_load %arg8[%swap3A_855, %swap3A_856] {strides = array<i32>} : memref<32x384xf32, #tpu.memory_space<vmem>>, vector<1x16xf32>,
        %swap3A_858 = vector.shape_cast %swap3A_857 : vector<1x16xf32> to vector<16xf32>
        %swap3A_859 = vector.shape_cast %get3A_197 : vector<16xf32> to vector<1x16xf32>
        tpu.vector_store %arg8[%swap3A_855, %swap3A_856], %swap3A_859 {add = true, strides = array<i32>} : memref<32x384xf32, #tpu.memory_space<vmem>>, vector<1x16xf32>,
        %swap3A_860 = arith.index_cast %scan3A_839 : i32 to index
        %swap3A_861 = arith.constant 64 : index
        %swap3A_862 = tpu.vector_load %arg8[%swap3A_860, %swap3A_861] {strides = array<i32>} : memref<32x384xf32, #tpu.memory_space<vmem>>, vector<1x16xf32>,
        %swap3A_863 = vector.shape_cast %swap3A_862 : vector<1x16xf32> to vector<16xf32>
        %swap3A_864 = vector.shape_cast %get3A_201 : vector<16xf32> to vector<1x16xf32>
        tpu.vector_store %arg8[%swap3A_860, %swap3A_861], %swap3A_864 {add = true, strides = array<i32>} : memref<32x384xf32, #tpu.memory_space<vmem>>, vector<1x16xf32>,
        %swap3A_865 = arith.index_cast %scan3A_839 : i32 to index
        %swap3A_866 = arith.constant 80 : index
        %swap3A_867 = tpu.vector_load %arg8[%swap3A_865, %swap3A_866] {strides = array<i32>} : memref<32x384xf32, #tpu.memory_space<vmem>>, vector<1x16xf32>,
        %swap3A_868 = vector.shape_cast %swap3A_867 : vector<1x16xf32> to vector<16xf32>
        %swap3A_869 = vector.shape_cast %get3A_205 : vector<16xf32> to vector<1x16xf32>
        tpu.vector_store %arg8[%swap3A_865, %swap3A_866], %swap3A_869 {add = true, strides = array<i32>} : memref<32x384xf32, #tpu.memory_space<vmem>>, vector<1x16xf32>,
        %swap3A_870 = arith.index_cast %scan3A_839 : i32 to index
        %swap3A_871 = arith.constant 96 : index
        %swap3A_872 = tpu.vector_load %arg8[%swap3A_870, %swap3A_871] {strides = array<i32>} : memref<32x384xf32, #tpu.memory_space<vmem>>, vector<1x16xf32>,
        %swap3A_873 = vector.shape_cast %swap3A_872 : vector<1x16xf32> to vector<16xf32>
        %swap3A_874 = vector.shape_cast %get3A_209 : vector<16xf32> to vector<1x16xf32>
        tpu.vector_store %arg8[%swap3A_870, %swap3A_871], %swap3A_874 {add = true, strides = array<i32>} : memref<32x384xf32, #tpu.memory_space<vmem>>, vector<1x16xf32>,
        %swap3A_875 = arith.index_cast %scan3A_839 : i32 to index
        %swap3A_876 = arith.constant 112 : index
        %swap3A_877 = tpu.vector_load %arg8[%swap3A_875, %swap3A_876] {strides = array<i32>} : memref<32x384xf32, #tpu.memory_space<vmem>>, vector<1x16xf32>,
        %swap3A_878 = vector.shape_cast %swap3A_877 : vector<1x16xf32> to vector<16xf32>
        %swap3A_879 = vector.shape_cast %get3A_213 : vector<16xf32> to vector<1x16xf32>
        tpu.vector_store %arg8[%swap3A_875, %swap3A_876], %swap3A_879 {add = true, strides = array<i32>} : memref<32x384xf32, #tpu.memory_space<vmem>>, vector<1x16xf32>,
        %swap3A_880 = arith.index_cast %scan3A_839 : i32 to index
        %swap3A_881 = arith.constant 128 : index
        %swap3A_882 = tpu.vector_load %arg8[%swap3A_880, %swap3A_881] {strides = array<i32>} : memref<32x384xf32, #tpu.memory_space<vmem>>, vector<1x16xf32>,
        %swap3A_883 = vector.shape_cast %swap3A_882 : vector<1x16xf32> to vector<16xf32>
        %swap3A_884 = vector.shape_cast %get3A_217 : vector<16xf32> to vector<1x16xf32>
        tpu.vector_store %arg8[%swap3A_880, %swap3A_881], %swap3A_884 {add = true, strides = array<i32>} : memref<32x384xf32, #tpu.memory_space<vmem>>, vector<1x16xf32>,
        %swap3A_885 = arith.index_cast %scan3A_839 : i32 to index
        %swap3A_886 = arith.constant 144 : index
        %swap3A_887 = tpu.vector_load %arg8[%swap3A_885, %swap3A_886] {strides = array<i32>} : memref<32x384xf32, #tpu.memory_space<vmem>>, vector<1x16xf32>,
        %swap3A_888 = vector.shape_cast %swap3A_887 : vector<1x16xf32> to vector<16xf32>
        %swap3A_889 = vector.shape_cast %get3A_221 : vector<16xf32> to vector<1x16xf32>
        tpu.vector_store %arg8[%swap3A_885, %swap3A_886], %swap3A_889 {add = true, strides = array<i32>} : memref<32x384xf32, #tpu.memory_space<vmem>>, vector<1x16xf32>,
        %swap3A_890 = arith.index_cast %scan3A_839 : i32 to index
        %swap3A_891 = arith.constant 160 : index
        %swap3A_892 = tpu.vector_load %arg8[%swap3A_890, %swap3A_891] {strides = array<i32>} : memref<32x384xf32, #tpu.memory_space<vmem>>, vector<1x16xf32>,
        %swap3A_893 = vector.shape_cast %swap3A_892 : vector<1x16xf32> to vector<16xf32>
        %swap3A_894 = vector.shape_cast %get3A_225 : vector<16xf32> to vector<1x16xf32>
        tpu.vector_store %arg8[%swap3A_890, %swap3A_891], %swap3A_894 {add = true, strides = array<i32>} : memref<32x384xf32, #tpu.memory_space<vmem>>, vector<1x16xf32>,
        %swap3A_895 = arith.index_cast %scan3A_839 : i32 to index
        %swap3A_896 = arith.constant 176 : index
        %swap3A_897 = tpu.vector_load %arg8[%swap3A_895, %swap3A_896] {strides = array<i32>} : memref<32x384xf32, #tpu.memory_space<vmem>>, vector<1x16xf32>,
        %swap3A_898 = vector.shape_cast %swap3A_897 : vector<1x16xf32> to vector<16xf32>
        %swap3A_899 = vector.shape_cast %get3A_229 : vector<16xf32> to vector<1x16xf32>
        tpu.vector_store %arg8[%swap3A_895, %swap3A_896], %swap3A_899 {add = true, strides = array<i32>} : memref<32x384xf32, #tpu.memory_space<vmem>>, vector<1x16xf32>,
        %swap3A_900 = arith.index_cast %scan3A_839 : i32 to index
        %swap3A_901 = arith.constant 192 : index
        %swap3A_902 = tpu.vector_load %arg8[%swap3A_900, %swap3A_901] {strides = array<i32>} : memref<32x384xf32, #tpu.memory_space<vmem>>, vector<1x16xf32>,
        %swap3A_903 = vector.shape_cast %swap3A_902 : vector<1x16xf32> to vector<16xf32>
        %swap3A_904 = vector.shape_cast %get3A_233 : vector<16xf32> to vector<1x16xf32>
        tpu.vector_store %arg8[%swap3A_900, %swap3A_901], %swap3A_904 {add = true, strides = array<i32>} : memref<32x384xf32, #tpu.memory_space<vmem>>, vector<1x16xf32>,
        %swap3A_905 = arith.index_cast %scan3A_839 : i32 to index
        %swap3A_906 = arith.constant 208 : index
        %swap3A_907 = tpu.vector_load %arg8[%swap3A_905, %swap3A_906] {strides = array<i32>} : memref<32x384xf32, #tpu.memory_space<vmem>>, vector<1x16xf32>,
        %swap3A_908 = vector.shape_cast %swap3A_907 : vector<1x16xf32> to vector<16xf32>
        %swap3A_909 = vector.shape_cast %get3A_237 : vector<16xf32> to vector<1x16xf32>
        tpu.vector_store %arg8[%swap3A_905, %swap3A_906], %swap3A_909 {add = true, strides = array<i32>} : memref<32x384xf32, #tpu.memory_space<vmem>>, vector<1x16xf32>,
        %swap3A_910 = arith.index_cast %scan3A_839 : i32 to index
        %swap3A_911 = arith.constant 224 : index
        %swap3A_912 = tpu.vector_load %arg8[%swap3A_910, %swap3A_911] {strides = array<i32>} : memref<32x384xf32, #tpu.memory_space<vmem>>, vector<1x16xf32>,
        %swap3A_913 = vector.shape_cast %swap3A_912 : vector<1x16xf32> to vector<16xf32>
        %swap3A_914 = vector.shape_cast %get3A_241 : vector<16xf32> to vector<1x16xf32>
        tpu.vector_store %arg8[%swap3A_910, %swap3A_911], %swap3A_914 {add = true, strides = array<i32>} : memref<32x384xf32, #tpu.memory_space<vmem>>, vector<1x16xf32>,
        %swap3A_915 = arith.index_cast %scan3A_839 : i32 to index
        %swap3A_916 = arith.constant 240 : index
        %swap3A_917 = tpu.vector_load %arg8[%swap3A_915, %swap3A_916] {strides = array<i32>} : memref<32x384xf32, #tpu.memory_space<vmem>>, vector<1x16xf32>,
        %swap3A_918 = vector.shape_cast %swap3A_917 : vector<1x16xf32> to vector<16xf32>
        %swap3A_919 = vector.shape_cast %get3A_245 : vector<16xf32> to vector<1x16xf32>
        tpu.vector_store %arg8[%swap3A_915, %swap3A_916], %swap3A_919 {add = true, strides = array<i32>} : memref<32x384xf32, #tpu.memory_space<vmem>>, vector<1x16xf32>,
        %swap3A_920 = arith.index_cast %scan3A_839 : i32 to index
        %swap3A_921 = arith.constant 256 : index
        %swap3A_922 = tpu.vector_load %arg8[%swap3A_920, %swap3A_921] {strides = array<i32>} : memref<32x384xf32, #tpu.memory_space<vmem>>, vector<1x16xf32>,
        %swap3A_923 = vector.shape_cast %swap3A_922 : vector<1x16xf32> to vector<16xf32>
        %swap3A_924 = vector.shape_cast %get3A_249 : vector<16xf32> to vector<1x16xf32>
        tpu.vector_store %arg8[%swap3A_920, %swap3A_921], %swap3A_924 {add = true, strides = array<i32>} : memref<32x384xf32, #tpu.memory_space<vmem>>, vector<1x16xf32>,
        %swap3A_925 = arith.index_cast %scan3A_839 : i32 to index
        %swap3A_926 = arith.constant 272 : index
        %swap3A_927 = tpu.vector_load %arg8[%swap3A_925, %swap3A_926] {strides = array<i32>} : memref<32x384xf32, #tpu.memory_space<vmem>>, vector<1x16xf32>,
        %swap3A_928 = vector.shape_cast %swap3A_927 : vector<1x16xf32> to vector<16xf32>
        %swap3A_929 = vector.shape_cast %get3A_253 : vector<16xf32> to vector<1x16xf32>
        tpu.vector_store %arg8[%swap3A_925, %swap3A_926], %swap3A_929 {add = true, strides = array<i32>} : memref<32x384xf32, #tpu.memory_space<vmem>>, vector<1x16xf32>,
        %swap3A_930 = arith.index_cast %scan3A_839 : i32 to index
        %swap3A_931 = arith.constant 288 : index
        %swap3A_932 = tpu.vector_load %arg8[%swap3A_930, %swap3A_931] {strides = array<i32>} : memref<32x384xf32, #tpu.memory_space<vmem>>, vector<1x16xf32>,
        %swap3A_933 = vector.shape_cast %swap3A_932 : vector<1x16xf32> to vector<16xf32>
        %swap3A_934 = vector.shape_cast %get3A_257 : vector<16xf32> to vector<1x16xf32>
        tpu.vector_store %arg8[%swap3A_930, %swap3A_931], %swap3A_934 {add = true, strides = array<i32>} : memref<32x384xf32, #tpu.memory_space<vmem>>, vector<1x16xf32>,
        %swap3A_935 = arith.index_cast %scan3A_839 : i32 to index
        %swap3A_936 = arith.constant 304 : index
        %swap3A_937 = tpu.vector_load %arg8[%swap3A_935, %swap3A_936] {strides = array<i32>} : memref<32x384xf32, #tpu.memory_space<vmem>>, vector<1x16xf32>,
        %swap3A_938 = vector.shape_cast %swap3A_937 : vector<1x16xf32> to vector<16xf32>
        %swap3A_939 = vector.shape_cast %get3A_261 : vector<16xf32> to vector<1x16xf32>
        tpu.vector_store %arg8[%swap3A_935, %swap3A_936], %swap3A_939 {add = true, strides = array<i32>} : memref<32x384xf32, #tpu.memory_space<vmem>>, vector<1x16xf32>,
        %swap3A_940 = arith.index_cast %scan3A_839 : i32 to index
        %swap3A_941 = arith.constant 320 : index
        %swap3A_942 = tpu.vector_load %arg8[%swap3A_940, %swap3A_941] {strides = array<i32>} : memref<32x384xf32, #tpu.memory_space<vmem>>, vector<1x16xf32>,
        %swap3A_943 = vector.shape_cast %swap3A_942 : vector<1x16xf32> to vector<16xf32>
        %swap3A_944 = vector.shape_cast %get3A_265 : vector<16xf32> to vector<1x16xf32>
        tpu.vector_store %arg8[%swap3A_940, %swap3A_941], %swap3A_944 {add = true, strides = array<i32>} : memref<32x384xf32, #tpu.memory_space<vmem>>, vector<1x16xf32>,
        %swap3A_945 = arith.index_cast %scan3A_839 : i32 to index
        %swap3A_946 = arith.constant 336 : index
        %swap3A_947 = tpu.vector_load %arg8[%swap3A_945, %swap3A_946] {strides = array<i32>} : memref<32x384xf32, #tpu.memory_space<vmem>>, vector<1x16xf32>,
        %swap3A_948 = vector.shape_cast %swap3A_947 : vector<1x16xf32> to vector<16xf32>
        %swap3A_949 = vector.shape_cast %get3A_269 : vector<16xf32> to vector<1x16xf32>
        tpu.vector_store %arg8[%swap3A_945, %swap3A_946], %swap3A_949 {add = true, strides = array<i32>} : memref<32x384xf32, #tpu.memory_space<vmem>>, vector<1x16xf32>,
        %swap3A_950 = arith.index_cast %scan3A_839 : i32 to index
        %swap3A_951 = arith.constant 352 : index
        %swap3A_952 = tpu.vector_load %arg8[%swap3A_950, %swap3A_951] {strides = array<i32>} : memref<32x384xf32, #tpu.memory_space<vmem>>, vector<1x16xf32>,
        %swap3A_953 = vector.shape_cast %swap3A_952 : vector<1x16xf32> to vector<16xf32>
        %swap3A_954 = vector.shape_cast %get3A_273 : vector<16xf32> to vector<1x16xf32>
        tpu.vector_store %arg8[%swap3A_950, %swap3A_951], %swap3A_954 {add = true, strides = array<i32>} : memref<32x384xf32, #tpu.memory_space<vmem>>, vector<1x16xf32>,
        %swap3A_955 = arith.index_cast %scan3A_839 : i32 to index
        %swap3A_956 = arith.constant 368 : index
        %swap3A_957 = tpu.vector_load %arg8[%swap3A_955, %swap3A_956] {strides = array<i32>} : memref<32x384xf32, #tpu.memory_space<vmem>>, vector<1x16xf32>,
        %swap3A_958 = vector.shape_cast %swap3A_957 : vector<1x16xf32> to vector<16xf32>
        %swap3A_959 = vector.shape_cast %get3A_277 : vector<16xf32> to vector<1x16xf32>
        tpu.vector_store %arg8[%swap3A_955, %swap3A_956], %swap3A_959 {add = true, strides = array<i32>} : memref<32x384xf32, #tpu.memory_space<vmem>>, vector<1x16xf32>,
        %scan3A_960 = arith.constant 0 : i32
        %scan3A_961 = arith.constant 1 : i32
        %scan3A_962 = arith.addi %scan3A_839, %scan3A_961 : i32
        %swap3A_963 = arith.index_cast %scan3A_962 : i32 to index
        %swap3A_964 = arith.constant 0 : index
        %swap3A_965 = tpu.vector_load %arg8[%swap3A_963, %swap3A_964] {strides = array<i32>} : memref<32x384xf32, #tpu.memory_space<vmem>>, vector<1x16xf32>,
        %swap3A_966 = vector.shape_cast %swap3A_965 : vector<1x16xf32> to vector<16xf32>
        %swap3A_967 = vector.shape_cast %get3A_185 : vector<16xf32> to vector<1x16xf32>
        tpu.vector_store %arg8[%swap3A_963, %swap3A_964], %swap3A_967 {add = true, strides = array<i32>} : memref<32x384xf32, #tpu.memory_space<vmem>>, vector<1x16xf32>,
        %swap3A_968 = arith.index_cast %scan3A_962 : i32 to index
        %swap3A_969 = arith.constant 16 : index
        %swap3A_970 = tpu.vector_load %arg8[%swap3A_968, %swap3A_969] {strides = array<i32>} : memref<32x384xf32, #tpu.memory_space<vmem>>, vector<1x16xf32>,
        %swap3A_971 = vector.shape_cast %swap3A_970 : vector<1x16xf32> to vector<16xf32>
        %swap3A_972 = vector.shape_cast %get3A_189 : vector<16xf32> to vector<1x16xf32>
        tpu.vector_store %arg8[%swap3A_968, %swap3A_969], %swap3A_972 {add = true, strides = array<i32>} : memref<32x384xf32, #tpu.memory_space<vmem>>, vector<1x16xf32>,
        %swap3A_973 = arith.index_cast %scan3A_962 : i32 to index
        %swap3A_974 = arith.constant 32 : index
        %swap3A_975 = tpu.vector_load %arg8[%swap3A_973, %swap3A_974] {strides = array<i32>} : memref<32x384xf32, #tpu.memory_space<vmem>>, vector<1x16xf32>,
        %swap3A_976 = vector.shape_cast %swap3A_975 : vector<1x16xf32> to vector<16xf32>
        %swap3A_977 = vector.shape_cast %get3A_193 : vector<16xf32> to vector<1x16xf32>
        tpu.vector_store %arg8[%swap3A_973, %swap3A_974], %swap3A_977 {add = true, strides = array<i32>} : memref<32x384xf32, #tpu.memory_space<vmem>>, vector<1x16xf32>,
        %swap3A_978 = arith.index_cast %scan3A_962 : i32 to index
        %swap3A_979 = arith.constant 48 : index
        %swap3A_980 = tpu.vector_load %arg8[%swap3A_978, %swap3A_979] {strides = array<i32>} : memref<32x384xf32, #tpu.memory_space<vmem>>, vector<1x16xf32>,
        %swap3A_981 = vector.shape_cast %swap3A_980 : vector<1x16xf32> to vector<16xf32>
        %swap3A_982 = vector.shape_cast %get3A_197 : vector<16xf32> to vector<1x16xf32>
        tpu.vector_store %arg8[%swap3A_978, %swap3A_979], %swap3A_982 {add = true, strides = array<i32>} : memref<32x384xf32, #tpu.memory_space<vmem>>, vector<1x16xf32>,
        %swap3A_983 = arith.index_cast %scan3A_962 : i32 to index
        %swap3A_984 = arith.constant 64 : index
        %swap3A_985 = tpu.vector_load %arg8[%swap3A_983, %swap3A_984] {strides = array<i32>} : memref<32x384xf32, #tpu.memory_space<vmem>>, vector<1x16xf32>,
        %swap3A_986 = vector.shape_cast %swap3A_985 : vector<1x16xf32> to vector<16xf32>
        %swap3A_987 = vector.shape_cast %get3A_201 : vector<16xf32> to vector<1x16xf32>
        tpu.vector_store %arg8[%swap3A_983, %swap3A_984], %swap3A_987 {add = true, strides = array<i32>} : memref<32x384xf32, #tpu.memory_space<vmem>>, vector<1x16xf32>,
        %swap3A_988 = arith.index_cast %scan3A_962 : i32 to index
        %swap3A_989 = arith.constant 80 : index
        %swap3A_990 = tpu.vector_load %arg8[%swap3A_988, %swap3A_989] {strides = array<i32>} : memref<32x384xf32, #tpu.memory_space<vmem>>, vector<1x16xf32>,
        %swap3A_991 = vector.shape_cast %swap3A_990 : vector<1x16xf32> to vector<16xf32>
        %swap3A_992 = vector.shape_cast %get3A_205 : vector<16xf32> to vector<1x16xf32>
        tpu.vector_store %arg8[%swap3A_988, %swap3A_989], %swap3A_992 {add = true, strides = array<i32>} : memref<32x384xf32, #tpu.memory_space<vmem>>, vector<1x16xf32>,
        %swap3A_993 = arith.index_cast %scan3A_962 : i32 to index
        %swap3A_994 = arith.constant 96 : index
        %swap3A_995 = tpu.vector_load %arg8[%swap3A_993, %swap3A_994] {strides = array<i32>} : memref<32x384xf32, #tpu.memory_space<vmem>>, vector<1x16xf32>,
        %swap3A_996 = vector.shape_cast %swap3A_995 : vector<1x16xf32> to vector<16xf32>
        %swap3A_997 = vector.shape_cast %get3A_209 : vector<16xf32> to vector<1x16xf32>
        tpu.vector_store %arg8[%swap3A_993, %swap3A_994], %swap3A_997 {add = true, strides = array<i32>} : memref<32x384xf32, #tpu.memory_space<vmem>>, vector<1x16xf32>,
        %swap3A_998 = arith.index_cast %scan3A_962 : i32 to index
        %swap3A_999 = arith.constant 112 : index
        %swap3A_1000 = tpu.vector_load %arg8[%swap3A_998, %swap3A_999] {strides = array<i32>} : memref<32x384xf32, #tpu.memory_space<vmem>>, vector<1x16xf32>,
        %swap3A_1001 = vector.shape_cast %swap3A_1000 : vector<1x16xf32> to vector<16xf32>
        %swap3A_1002 = vector.shape_cast %get3A_213 : vector<16xf32> to vector<1x16xf32>
        tpu.vector_store %arg8[%swap3A_998, %swap3A_999], %swap3A_1002 {add = true, strides = array<i32>} : memref<32x384xf32, #tpu.memory_space<vmem>>, vector<1x16xf32>,
        %swap3A_1003 = arith.index_cast %scan3A_962 : i32 to index
        %swap3A_1004 = arith.constant 128 : index
        %swap3A_1005 = tpu.vector_load %arg8[%swap3A_1003, %swap3A_1004] {strides = array<i32>} : memref<32x384xf32, #tpu.memory_space<vmem>>, vector<1x16xf32>,
        %swap3A_1006 = vector.shape_cast %swap3A_1005 : vector<1x16xf32> to vector<16xf32>
        %swap3A_1007 = vector.shape_cast %get3A_217 : vector<16xf32> to vector<1x16xf32>
        tpu.vector_store %arg8[%swap3A_1003, %swap3A_1004], %swap3A_1007 {add = true, strides = array<i32>} : memref<32x384xf32, #tpu.memory_space<vmem>>, vector<1x16xf32>,
        %swap3A_1008 = arith.index_cast %scan3A_962 : i32 to index
        %swap3A_1009 = arith.constant 144 : index
        %swap3A_1010 = tpu.vector_load %arg8[%swap3A_1008, %swap3A_1009] {strides = array<i32>} : memref<32x384xf32, #tpu.memory_space<vmem>>, vector<1x16xf32>,
        %swap3A_1011 = vector.shape_cast %swap3A_1010 : vector<1x16xf32> to vector<16xf32>
        %swap3A_1012 = vector.shape_cast %get3A_221 : vector<16xf32> to vector<1x16xf32>
        tpu.vector_store %arg8[%swap3A_1008, %swap3A_1009], %swap3A_1012 {add = true, strides = array<i32>} : memref<32x384xf32, #tpu.memory_space<vmem>>, vector<1x16xf32>,
        %swap3A_1013 = arith.index_cast %scan3A_962 : i32 to index
        %swap3A_1014 = arith.constant 160 : index
        %swap3A_1015 = tpu.vector_load %arg8[%swap3A_1013, %swap3A_1014] {strides = array<i32>} : memref<32x384xf32, #tpu.memory_space<vmem>>, vector<1x16xf32>,
        %swap3A_1016 = vector.shape_cast %swap3A_1015 : vector<1x16xf32> to vector<16xf32>
        %swap3A_1017 = vector.shape_cast %get3A_225 : vector<16xf32> to vector<1x16xf32>
        tpu.vector_store %arg8[%swap3A_1013, %swap3A_1014], %swap3A_1017 {add = true, strides = array<i32>} : memref<32x384xf32, #tpu.memory_space<vmem>>, vector<1x16xf32>,
        %swap3A_1018 = arith.index_cast %scan3A_962 : i32 to index
        %swap3A_1019 = arith.constant 176 : index
        %swap3A_1020 = tpu.vector_load %arg8[%swap3A_1018, %swap3A_1019] {strides = array<i32>} : memref<32x384xf32, #tpu.memory_space<vmem>>, vector<1x16xf32>,
        %swap3A_1021 = vector.shape_cast %swap3A_1020 : vector<1x16xf32> to vector<16xf32>
        %swap3A_1022 = vector.shape_cast %get3A_229 : vector<16xf32> to vector<1x16xf32>
        tpu.vector_store %arg8[%swap3A_1018, %swap3A_1019], %swap3A_1022 {add = true, strides = array<i32>} : memref<32x384xf32, #tpu.memory_space<vmem>>, vector<1x16xf32>,
        %swap3A_1023 = arith.index_cast %scan3A_962 : i32 to index
        %swap3A_1024 = arith.constant 192 : index
        %swap3A_1025 = tpu.vector_load %arg8[%swap3A_1023, %swap3A_1024] {strides = array<i32>} : memref<32x384xf32, #tpu.memory_space<vmem>>, vector<1x16xf32>,
        %swap3A_1026 = vector.shape_cast %swap3A_1025 : vector<1x16xf32> to vector<16xf32>
        %swap3A_1027 = vector.shape_cast %get3A_233 : vector<16xf32> to vector<1x16xf32>
        tpu.vector_store %arg8[%swap3A_1023, %swap3A_1024], %swap3A_1027 {add = true, strides = array<i32>} : memref<32x384xf32, #tpu.memory_space<vmem>>, vector<1x16xf32>,
        %swap3A_1028 = arith.index_cast %scan3A_962 : i32 to index
        %swap3A_1029 = arith.constant 208 : index
        %swap3A_1030 = tpu.vector_load %arg8[%swap3A_1028, %swap3A_1029] {strides = array<i32>} : memref<32x384xf32, #tpu.memory_space<vmem>>, vector<1x16xf32>,
        %swap3A_1031 = vector.shape_cast %swap3A_1030 : vector<1x16xf32> to vector<16xf32>
        %swap3A_1032 = vector.shape_cast %get3A_237 : vector<16xf32> to vector<1x16xf32>
        tpu.vector_store %arg8[%swap3A_1028, %swap3A_1029], %swap3A_1032 {add = true, strides = array<i32>} : memref<32x384xf32, #tpu.memory_space<vmem>>, vector<1x16xf32>,
        %swap3A_1033 = arith.index_cast %scan3A_962 : i32 to index
        %swap3A_1034 = arith.constant 224 : index
        %swap3A_1035 = tpu.vector_load %arg8[%swap3A_1033, %swap3A_1034] {strides = array<i32>} : memref<32x384xf32, #tpu.memory_space<vmem>>, vector<1x16xf32>,
        %swap3A_1036 = vector.shape_cast %swap3A_1035 : vector<1x16xf32> to vector<16xf32>
        %swap3A_1037 = vector.shape_cast %get3A_241 : vector<16xf32> to vector<1x16xf32>
        tpu.vector_store %arg8[%swap3A_1033, %swap3A_1034], %swap3A_1037 {add = true, strides = array<i32>} : memref<32x384xf32, #tpu.memory_space<vmem>>, vector<1x16xf32>,
        %swap3A_1038 = arith.index_cast %scan3A_962 : i32 to index
        %swap3A_1039 = arith.constant 240 : index
        %swap3A_1040 = tpu.vector_load %arg8[%swap3A_1038, %swap3A_1039] {strides = array<i32>} : memref<32x384xf32, #tpu.memory_space<vmem>>, vector<1x16xf32>,
        %swap3A_1041 = vector.shape_cast %swap3A_1040 : vector<1x16xf32> to vector<16xf32>
        %swap3A_1042 = vector.shape_cast %get3A_245 : vector<16xf32> to vector<1x16xf32>
        tpu.vector_store %arg8[%swap3A_1038, %swap3A_1039], %swap3A_1042 {add = true, strides = array<i32>} : memref<32x384xf32, #tpu.memory_space<vmem>>, vector<1x16xf32>,
        %swap3A_1043 = arith.index_cast %scan3A_962 : i32 to index
        %swap3A_1044 = arith.constant 256 : index
        %swap3A_1045 = tpu.vector_load %arg8[%swap3A_1043, %swap3A_1044] {strides = array<i32>} : memref<32x384xf32, #tpu.memory_space<vmem>>, vector<1x16xf32>,
        %swap3A_1046 = vector.shape_cast %swap3A_1045 : vector<1x16xf32> to vector<16xf32>
        %swap3A_1047 = vector.shape_cast %get3A_249 : vector<16xf32> to vector<1x16xf32>
        tpu.vector_store %arg8[%swap3A_1043, %swap3A_1044], %swap3A_1047 {add = true, strides = array<i32>} : memref<32x384xf32, #tpu.memory_space<vmem>>, vector<1x16xf32>,
        %swap3A_1048 = arith.index_cast %scan3A_962 : i32 to index
        %swap3A_1049 = arith.constant 272 : index
        %swap3A_1050 = tpu.vector_load %arg8[%swap3A_1048, %swap3A_1049] {strides = array<i32>} : memref<32x384xf32, #tpu.memory_space<vmem>>, vector<1x16xf32>,
        %swap3A_1051 = vector.shape_cast %swap3A_1050 : vector<1x16xf32> to vector<16xf32>
        %swap3A_1052 = vector.shape_cast %get3A_253 : vector<16xf32> to vector<1x16xf32>
        tpu.vector_store %arg8[%swap3A_1048, %swap3A_1049], %swap3A_1052 {add = true, strides = array<i32>} : memref<32x384xf32, #tpu.memory_space<vmem>>, vector<1x16xf32>,
        %swap3A_1053 = arith.index_cast %scan3A_962 : i32 to index
        %swap3A_1054 = arith.constant 288 : index
        %swap3A_1055 = tpu.vector_load %arg8[%swap3A_1053, %swap3A_1054] {strides = array<i32>} : memref<32x384xf32, #tpu.memory_space<vmem>>, vector<1x16xf32>,
        %swap3A_1056 = vector.shape_cast %swap3A_1055 : vector<1x16xf32> to vector<16xf32>
        %swap3A_1057 = vector.shape_cast %get3A_257 : vector<16xf32> to vector<1x16xf32>
        tpu.vector_store %arg8[%swap3A_1053, %swap3A_1054], %swap3A_1057 {add = true, strides = array<i32>} : memref<32x384xf32, #tpu.memory_space<vmem>>, vector<1x16xf32>,
        %swap3A_1058 = arith.index_cast %scan3A_962 : i32 to index
        %swap3A_1059 = arith.constant 304 : index
        %swap3A_1060 = tpu.vector_load %arg8[%swap3A_1058, %swap3A_1059] {strides = array<i32>} : memref<32x384xf32, #tpu.memory_space<vmem>>, vector<1x16xf32>,
        %swap3A_1061 = vector.shape_cast %swap3A_1060 : vector<1x16xf32> to vector<16xf32>
        %swap3A_1062 = vector.shape_cast %get3A_261 : vector<16xf32> to vector<1x16xf32>
        tpu.vector_store %arg8[%swap3A_1058, %swap3A_1059], %swap3A_1062 {add = true, strides = array<i32>} : memref<32x384xf32, #tpu.memory_space<vmem>>, vector<1x16xf32>,
        %swap3A_1063 = arith.index_cast %scan3A_962 : i32 to index
        %swap3A_1064 = arith.constant 320 : index
        %swap3A_1065 = tpu.vector_load %arg8[%swap3A_1063, %swap3A_1064] {strides = array<i32>} : memref<32x384xf32, #tpu.memory_space<vmem>>, vector<1x16xf32>,
        %swap3A_1066 = vector.shape_cast %swap3A_1065 : vector<1x16xf32> to vector<16xf32>
        %swap3A_1067 = vector.shape_cast %get3A_265 : vector<16xf32> to vector<1x16xf32>
        tpu.vector_store %arg8[%swap3A_1063, %swap3A_1064], %swap3A_1067 {add = true, strides = array<i32>} : memref<32x384xf32, #tpu.memory_space<vmem>>, vector<1x16xf32>,
        %swap3A_1068 = arith.index_cast %scan3A_962 : i32 to index
        %swap3A_1069 = arith.constant 336 : index
        %swap3A_1070 = tpu.vector_load %arg8[%swap3A_1068, %swap3A_1069] {strides = array<i32>} : memref<32x384xf32, #tpu.memory_space<vmem>>, vector<1x16xf32>,
        %swap3A_1071 = vector.shape_cast %swap3A_1070 : vector<1x16xf32> to vector<16xf32>
        %swap3A_1072 = vector.shape_cast %get3A_269 : vector<16xf32> to vector<1x16xf32>
        tpu.vector_store %arg8[%swap3A_1068, %swap3A_1069], %swap3A_1072 {add = true, strides = array<i32>} : memref<32x384xf32, #tpu.memory_space<vmem>>, vector<1x16xf32>,
        %swap3A_1073 = arith.index_cast %scan3A_962 : i32 to index
        %swap3A_1074 = arith.constant 352 : index
        %swap3A_1075 = tpu.vector_load %arg8[%swap3A_1073, %swap3A_1074] {strides = array<i32>} : memref<32x384xf32, #tpu.memory_space<vmem>>, vector<1x16xf32>,
        %swap3A_1076 = vector.shape_cast %swap3A_1075 : vector<1x16xf32> to vector<16xf32>
        %swap3A_1077 = vector.shape_cast %get3A_273 : vector<16xf32> to vector<1x16xf32>
        tpu.vector_store %arg8[%swap3A_1073, %swap3A_1074], %swap3A_1077 {add = true, strides = array<i32>} : memref<32x384xf32, #tpu.memory_space<vmem>>, vector<1x16xf32>,
        %swap3A_1078 = arith.index_cast %scan3A_962 : i32 to index
        %swap3A_1079 = arith.constant 368 : index
        %swap3A_1080 = tpu.vector_load %arg8[%swap3A_1078, %swap3A_1079] {strides = array<i32>} : memref<32x384xf32, #tpu.memory_space<vmem>>, vector<1x16xf32>,
        %swap3A_1081 = vector.shape_cast %swap3A_1080 : vector<1x16xf32> to vector<16xf32>
        %swap3A_1082 = vector.shape_cast %get3A_277 : vector<16xf32> to vector<1x16xf32>
        tpu.vector_store %arg8[%swap3A_1078, %swap3A_1079], %swap3A_1082 {add = true, strides = array<i32>} : memref<32x384xf32, #tpu.memory_space<vmem>>, vector<1x16xf32>,
        %scan3A_1083 = arith.constant 0 : i32
        %scan3A_1084 = arith.constant 2 : i32
        %scan3A_1085 = arith.addi %scan3A_839, %scan3A_1084 : i32
        %swap3A_1086 = arith.index_cast %scan3A_1085 : i32 to index
        %swap3A_1087 = arith.constant 0 : index
        %swap3A_1088 = tpu.vector_load %arg8[%swap3A_1086, %swap3A_1087] {strides = array<i32>} : memref<32x384xf32, #tpu.memory_space<vmem>>, vector<1x16xf32>,
        %swap3A_1089 = vector.shape_cast %swap3A_1088 : vector<1x16xf32> to vector<16xf32>
        %swap3A_1090 = vector.shape_cast %get3A_185 : vector<16xf32> to vector<1x16xf32>
        tpu.vector_store %arg8[%swap3A_1086, %swap3A_1087], %swap3A_1090 {add = true, strides = array<i32>} : memref<32x384xf32, #tpu.memory_space<vmem>>, vector<1x16xf32>,
        %swap3A_1091 = arith.index_cast %scan3A_1085 : i32 to index
        %swap3A_1092 = arith.constant 16 : index
        %swap3A_1093 = tpu.vector_load %arg8[%swap3A_1091, %swap3A_1092] {strides = array<i32>} : memref<32x384xf32, #tpu.memory_space<vmem>>, vector<1x16xf32>,
        %swap3A_1094 = vector.shape_cast %swap3A_1093 : vector<1x16xf32> to vector<16xf32>
        %swap3A_1095 = vector.shape_cast %get3A_189 : vector<16xf32> to vector<1x16xf32>
        tpu.vector_store %arg8[%swap3A_1091, %swap3A_1092], %swap3A_1095 {add = true, strides = array<i32>} : memref<32x384xf32, #tpu.memory_space<vmem>>, vector<1x16xf32>,
        %swap3A_1096 = arith.index_cast %scan3A_1085 : i32 to index
        %swap3A_1097 = arith.constant 32 : index
        %swap3A_1098 = tpu.vector_load %arg8[%swap3A_1096, %swap3A_1097] {strides = array<i32>} : memref<32x384xf32, #tpu.memory_space<vmem>>, vector<1x16xf32>,
        %swap3A_1099 = vector.shape_cast %swap3A_1098 : vector<1x16xf32> to vector<16xf32>
        %swap3A_1100 = vector.shape_cast %get3A_193 : vector<16xf32> to vector<1x16xf32>
        tpu.vector_store %arg8[%swap3A_1096, %swap3A_1097], %swap3A_1100 {add = true, strides = array<i32>} : memref<32x384xf32, #tpu.memory_space<vmem>>, vector<1x16xf32>,
        %swap3A_1101 = arith.index_cast %scan3A_1085 : i32 to index
        %swap3A_1102 = arith.constant 48 : index
        %swap3A_1103 = tpu.vector_load %arg8[%swap3A_1101, %swap3A_1102] {strides = array<i32>} : memref<32x384xf32, #tpu.memory_space<vmem>>, vector<1x16xf32>,
        %swap3A_1104 = vector.shape_cast %swap3A_1103 : vector<1x16xf32> to vector<16xf32>
        %swap3A_1105 = vector.shape_cast %get3A_197 : vector<16xf32> to vector<1x16xf32>
        tpu.vector_store %arg8[%swap3A_1101, %swap3A_1102], %swap3A_1105 {add = true, strides = array<i32>} : memref<32x384xf32, #tpu.memory_space<vmem>>, vector<1x16xf32>,
        %swap3A_1106 = arith.index_cast %scan3A_1085 : i32 to index
        %swap3A_1107 = arith.constant 64 : index
        %swap3A_1108 = tpu.vector_load %arg8[%swap3A_1106, %swap3A_1107] {strides = array<i32>} : memref<32x384xf32, #tpu.memory_space<vmem>>, vector<1x16xf32>,
        %swap3A_1109 = vector.shape_cast %swap3A_1108 : vector<1x16xf32> to vector<16xf32>
        %swap3A_1110 = vector.shape_cast %get3A_201 : vector<16xf32> to vector<1x16xf32>
        tpu.vector_store %arg8[%swap3A_1106, %swap3A_1107], %swap3A_1110 {add = true, strides = array<i32>} : memref<32x384xf32, #tpu.memory_space<vmem>>, vector<1x16xf32>,
        %swap3A_1111 = arith.index_cast %scan3A_1085 : i32 to index
        %swap3A_1112 = arith.constant 80 : index
        %swap3A_1113 = tpu.vector_load %arg8[%swap3A_1111, %swap3A_1112] {strides = array<i32>} : memref<32x384xf32, #tpu.memory_space<vmem>>, vector<1x16xf32>,
        %swap3A_1114 = vector.shape_cast %swap3A_1113 : vector<1x16xf32> to vector<16xf32>
        %swap3A_1115 = vector.shape_cast %get3A_205 : vector<16xf32> to vector<1x16xf32>
        tpu.vector_store %arg8[%swap3A_1111, %swap3A_1112], %swap3A_1115 {add = true, strides = array<i32>} : memref<32x384xf32, #tpu.memory_space<vmem>>, vector<1x16xf32>,
        %swap3A_1116 = arith.index_cast %scan3A_1085 : i32 to index
        %swap3A_1117 = arith.constant 96 : index
        %swap3A_1118 = tpu.vector_load %arg8[%swap3A_1116, %swap3A_1117] {strides = array<i32>} : memref<32x384xf32, #tpu.memory_space<vmem>>, vector<1x16xf32>,
        %swap3A_1119 = vector.shape_cast %swap3A_1118 : vector<1x16xf32> to vector<16xf32>
        %swap3A_1120 = vector.shape_cast %get3A_209 : vector<16xf32> to vector<1x16xf32>
        tpu.vector_store %arg8[%swap3A_1116, %swap3A_1117], %swap3A_1120 {add = true, strides = array<i32>} : memref<32x384xf32, #tpu.memory_space<vmem>>, vector<1x16xf32>,
        %swap3A_1121 = arith.index_cast %scan3A_1085 : i32 to index
        %swap3A_1122 = arith.constant 112 : index
        %swap3A_1123 = tpu.vector_load %arg8[%swap3A_1121, %swap3A_1122] {strides = array<i32>} : memref<32x384xf32, #tpu.memory_space<vmem>>, vector<1x16xf32>,
        %swap3A_1124 = vector.shape_cast %swap3A_1123 : vector<1x16xf32> to vector<16xf32>
        %swap3A_1125 = vector.shape_cast %get3A_213 : vector<16xf32> to vector<1x16xf32>
        tpu.vector_store %arg8[%swap3A_1121, %swap3A_1122], %swap3A_1125 {add = true, strides = array<i32>} : memref<32x384xf32, #tpu.memory_space<vmem>>, vector<1x16xf32>,
        %swap3A_1126 = arith.index_cast %scan3A_1085 : i32 to index
        %swap3A_1127 = arith.constant 128 : index
        %swap3A_1128 = tpu.vector_load %arg8[%swap3A_1126, %swap3A_1127] {strides = array<i32>} : memref<32x384xf32, #tpu.memory_space<vmem>>, vector<1x16xf32>,
        %swap3A_1129 = vector.shape_cast %swap3A_1128 : vector<1x16xf32> to vector<16xf32>
        %swap3A_1130 = vector.shape_cast %get3A_217 : vector<16xf32> to vector<1x16xf32>
        tpu.vector_store %arg8[%swap3A_1126, %swap3A_1127], %swap3A_1130 {add = true, strides = array<i32>} : memref<32x384xf32, #tpu.memory_space<vmem>>, vector<1x16xf32>,
        %swap3A_1131 = arith.index_cast %scan3A_1085 : i32 to index
        %swap3A_1132 = arith.constant 144 : index
        %swap3A_1133 = tpu.vector_load %arg8[%swap3A_1131, %swap3A_1132] {strides = array<i32>} : memref<32x384xf32, #tpu.memory_space<vmem>>, vector<1x16xf32>,
        %swap3A_1134 = vector.shape_cast %swap3A_1133 : vector<1x16xf32> to vector<16xf32>
        %swap3A_1135 = vector.shape_cast %get3A_221 : vector<16xf32> to vector<1x16xf32>
        tpu.vector_store %arg8[%swap3A_1131, %swap3A_1132], %swap3A_1135 {add = true, strides = array<i32>} : memref<32x384xf32, #tpu.memory_space<vmem>>, vector<1x16xf32>,
        %swap3A_1136 = arith.index_cast %scan3A_1085 : i32 to index
        %swap3A_1137 = arith.constant 160 : index
        %swap3A_1138 = tpu.vector_load %arg8[%swap3A_1136, %swap3A_1137] {strides = array<i32>} : memref<32x384xf32, #tpu.memory_space<vmem>>, vector<1x16xf32>,
        %swap3A_1139 = vector.shape_cast %swap3A_1138 : vector<1x16xf32> to vector<16xf32>
        %swap3A_1140 = vector.shape_cast %get3A_225 : vector<16xf32> to vector<1x16xf32>
        tpu.vector_store %arg8[%swap3A_1136, %swap3A_1137], %swap3A_1140 {add = true, strides = array<i32>} : memref<32x384xf32, #tpu.memory_space<vmem>>, vector<1x16xf32>,
        %swap3A_1141 = arith.index_cast %scan3A_1085 : i32 to index
        %swap3A_1142 = arith.constant 176 : index
        %swap3A_1143 = tpu.vector_load %arg8[%swap3A_1141, %swap3A_1142] {strides = array<i32>} : memref<32x384xf32, #tpu.memory_space<vmem>>, vector<1x16xf32>,
        %swap3A_1144 = vector.shape_cast %swap3A_1143 : vector<1x16xf32> to vector<16xf32>
        %swap3A_1145 = vector.shape_cast %get3A_229 : vector<16xf32> to vector<1x16xf32>
        tpu.vector_store %arg8[%swap3A_1141, %swap3A_1142], %swap3A_1145 {add = true, strides = array<i32>} : memref<32x384xf32, #tpu.memory_space<vmem>>, vector<1x16xf32>,
        %swap3A_1146 = arith.index_cast %scan3A_1085 : i32 to index
        %swap3A_1147 = arith.constant 192 : index
        %swap3A_1148 = tpu.vector_load %arg8[%swap3A_1146, %swap3A_1147] {strides = array<i32>} : memref<32x384xf32, #tpu.memory_space<vmem>>, vector<1x16xf32>,
        %swap3A_1149 = vector.shape_cast %swap3A_1148 : vector<1x16xf32> to vector<16xf32>
        %swap3A_1150 = vector.shape_cast %get3A_233 : vector<16xf32> to vector<1x16xf32>
        tpu.vector_store %arg8[%swap3A_1146, %swap3A_1147], %swap3A_1150 {add = true, strides = array<i32>} : memref<32x384xf32, #tpu.memory_space<vmem>>, vector<1x16xf32>,
        %swap3A_1151 = arith.index_cast %scan3A_1085 : i32 to index
        %swap3A_1152 = arith.constant 208 : index
        %swap3A_1153 = tpu.vector_load %arg8[%swap3A_1151, %swap3A_1152] {strides = array<i32>} : memref<32x384xf32, #tpu.memory_space<vmem>>, vector<1x16xf32>,
        %swap3A_1154 = vector.shape_cast %swap3A_1153 : vector<1x16xf32> to vector<16xf32>
        %swap3A_1155 = vector.shape_cast %get3A_237 : vector<16xf32> to vector<1x16xf32>
        tpu.vector_store %arg8[%swap3A_1151, %swap3A_1152], %swap3A_1155 {add = true, strides = array<i32>} : memref<32x384xf32, #tpu.memory_space<vmem>>, vector<1x16xf32>,
        %swap3A_1156 = arith.index_cast %scan3A_1085 : i32 to index
        %swap3A_1157 = arith.constant 224 : index
        %swap3A_1158 = tpu.vector_load %arg8[%swap3A_1156, %swap3A_1157] {strides = array<i32>} : memref<32x384xf32, #tpu.memory_space<vmem>>, vector<1x16xf32>,
        %swap3A_1159 = vector.shape_cast %swap3A_1158 : vector<1x16xf32> to vector<16xf32>
        %swap3A_1160 = vector.shape_cast %get3A_241 : vector<16xf32> to vector<1x16xf32>
        tpu.vector_store %arg8[%swap3A_1156, %swap3A_1157], %swap3A_1160 {add = true, strides = array<i32>} : memref<32x384xf32, #tpu.memory_space<vmem>>, vector<1x16xf32>,
        %swap3A_1161 = arith.index_cast %scan3A_1085 : i32 to index
        %swap3A_1162 = arith.constant 240 : index
        %swap3A_1163 = tpu.vector_load %arg8[%swap3A_1161, %swap3A_1162] {strides = array<i32>} : memref<32x384xf32, #tpu.memory_space<vmem>>, vector<1x16xf32>,
        %swap3A_1164 = vector.shape_cast %swap3A_1163 : vector<1x16xf32> to vector<16xf32>
        %swap3A_1165 = vector.shape_cast %get3A_245 : vector<16xf32> to vector<1x16xf32>
        tpu.vector_store %arg8[%swap3A_1161, %swap3A_1162], %swap3A_1165 {add = true, strides = array<i32>} : memref<32x384xf32, #tpu.memory_space<vmem>>, vector<1x16xf32>,
        %swap3A_1166 = arith.index_cast %scan3A_1085 : i32 to index
        %swap3A_1167 = arith.constant 256 : index
        %swap3A_1168 = tpu.vector_load %arg8[%swap3A_1166, %swap3A_1167] {strides = array<i32>} : memref<32x384xf32, #tpu.memory_space<vmem>>, vector<1x16xf32>,
        %swap3A_1169 = vector.shape_cast %swap3A_1168 : vector<1x16xf32> to vector<16xf32>
        %swap3A_1170 = vector.shape_cast %get3A_249 : vector<16xf32> to vector<1x16xf32>
        tpu.vector_store %arg8[%swap3A_1166, %swap3A_1167], %swap3A_1170 {add = true, strides = array<i32>} : memref<32x384xf32, #tpu.memory_space<vmem>>, vector<1x16xf32>,
        %swap3A_1171 = arith.index_cast %scan3A_1085 : i32 to index
        %swap3A_1172 = arith.constant 272 : index
        %swap3A_1173 = tpu.vector_load %arg8[%swap3A_1171, %swap3A_1172] {strides = array<i32>} : memref<32x384xf32, #tpu.memory_space<vmem>>, vector<1x16xf32>,
        %swap3A_1174 = vector.shape_cast %swap3A_1173 : vector<1x16xf32> to vector<16xf32>
        %swap3A_1175 = vector.shape_cast %get3A_253 : vector<16xf32> to vector<1x16xf32>
        tpu.vector_store %arg8[%swap3A_1171, %swap3A_1172], %swap3A_1175 {add = true, strides = array<i32>} : memref<32x384xf32, #tpu.memory_space<vmem>>, vector<1x16xf32>,
        %swap3A_1176 = arith.index_cast %scan3A_1085 : i32 to index
        %swap3A_1177 = arith.constant 288 : index
        %swap3A_1178 = tpu.vector_load %arg8[%swap3A_1176, %swap3A_1177] {strides = array<i32>} : memref<32x384xf32, #tpu.memory_space<vmem>>, vector<1x16xf32>,
        %swap3A_1179 = vector.shape_cast %swap3A_1178 : vector<1x16xf32> to vector<16xf32>
        %swap3A_1180 = vector.shape_cast %get3A_257 : vector<16xf32> to vector<1x16xf32>
        tpu.vector_store %arg8[%swap3A_1176, %swap3A_1177], %swap3A_1180 {add = true, strides = array<i32>} : memref<32x384xf32, #tpu.memory_space<vmem>>, vector<1x16xf32>,
        %swap3A_1181 = arith.index_cast %scan3A_1085 : i32 to index
        %swap3A_1182 = arith.constant 304 : index
        %swap3A_1183 = tpu.vector_load %arg8[%swap3A_1181, %swap3A_1182] {strides = array<i32>} : memref<32x384xf32, #tpu.memory_space<vmem>>, vector<1x16xf32>,
        %swap3A_1184 = vector.shape_cast %swap3A_1183 : vector<1x16xf32> to vector<16xf32>
        %swap3A_1185 = vector.shape_cast %get3A_261 : vector<16xf32> to vector<1x16xf32>
        tpu.vector_store %arg8[%swap3A_1181, %swap3A_1182], %swap3A_1185 {add = true, strides = array<i32>} : memref<32x384xf32, #tpu.memory_space<vmem>>, vector<1x16xf32>,
        %swap3A_1186 = arith.index_cast %scan3A_1085 : i32 to index
        %swap3A_1187 = arith.constant 320 : index
        %swap3A_1188 = tpu.vector_load %arg8[%swap3A_1186, %swap3A_1187] {strides = array<i32>} : memref<32x384xf32, #tpu.memory_space<vmem>>, vector<1x16xf32>,
        %swap3A_1189 = vector.shape_cast %swap3A_1188 : vector<1x16xf32> to vector<16xf32>
        %swap3A_1190 = vector.shape_cast %get3A_265 : vector<16xf32> to vector<1x16xf32>
        tpu.vector_store %arg8[%swap3A_1186, %swap3A_1187], %swap3A_1190 {add = true, strides = array<i32>} : memref<32x384xf32, #tpu.memory_space<vmem>>, vector<1x16xf32>,
        %swap3A_1191 = arith.index_cast %scan3A_1085 : i32 to index
        %swap3A_1192 = arith.constant 336 : index
        %swap3A_1193 = tpu.vector_load %arg8[%swap3A_1191, %swap3A_1192] {strides = array<i32>} : memref<32x384xf32, #tpu.memory_space<vmem>>, vector<1x16xf32>,
        %swap3A_1194 = vector.shape_cast %swap3A_1193 : vector<1x16xf32> to vector<16xf32>
        %swap3A_1195 = vector.shape_cast %get3A_269 : vector<16xf32> to vector<1x16xf32>
        tpu.vector_store %arg8[%swap3A_1191, %swap3A_1192], %swap3A_1195 {add = true, strides = array<i32>} : memref<32x384xf32, #tpu.memory_space<vmem>>, vector<1x16xf32>,
        %swap3A_1196 = arith.index_cast %scan3A_1085 : i32 to index
        %swap3A_1197 = arith.constant 352 : index
        %swap3A_1198 = tpu.vector_load %arg8[%swap3A_1196, %swap3A_1197] {strides = array<i32>} : memref<32x384xf32, #tpu.memory_space<vmem>>, vector<1x16xf32>,
        %swap3A_1199 = vector.shape_cast %swap3A_1198 : vector<1x16xf32> to vector<16xf32>
        %swap3A_1200 = vector.shape_cast %get3A_273 : vector<16xf32> to vector<1x16xf32>
        tpu.vector_store %arg8[%swap3A_1196, %swap3A_1197], %swap3A_1200 {add = true, strides = array<i32>} : memref<32x384xf32, #tpu.memory_space<vmem>>, vector<1x16xf32>,
        %swap3A_1201 = arith.index_cast %scan3A_1085 : i32 to index
        %swap3A_1202 = arith.constant 368 : index
        %swap3A_1203 = tpu.vector_load %arg8[%swap3A_1201, %swap3A_1202] {strides = array<i32>} : memref<32x384xf32, #tpu.memory_space<vmem>>, vector<1x16xf32>,
        %swap3A_1204 = vector.shape_cast %swap3A_1203 : vector<1x16xf32> to vector<16xf32>
        %swap3A_1205 = vector.shape_cast %get3A_277 : vector<16xf32> to vector<1x16xf32>
        tpu.vector_store %arg8[%swap3A_1201, %swap3A_1202], %swap3A_1205 {add = true, strides = array<i32>} : memref<32x384xf32, #tpu.memory_space<vmem>>, vector<1x16xf32>,
        %scan3A_1206 = arith.constant 0 : i32
        %scan3A_1207 = arith.constant 3 : i32
        %scan3A_1208 = arith.addi %scan3A_839, %scan3A_1207 : i32
        %swap3A_1209 = arith.index_cast %scan3A_1208 : i32 to index
        %swap3A_1210 = arith.constant 0 : index
        %swap3A_1211 = tpu.vector_load %arg8[%swap3A_1209, %swap3A_1210] {strides = array<i32>} : memref<32x384xf32, #tpu.memory_space<vmem>>, vector<1x16xf32>,
        %swap3A_1212 = vector.shape_cast %swap3A_1211 : vector<1x16xf32> to vector<16xf32>
        %swap3A_1213 = vector.shape_cast %get3A_185 : vector<16xf32> to vector<1x16xf32>
        tpu.vector_store %arg8[%swap3A_1209, %swap3A_1210], %swap3A_1213 {add = true, strides = array<i32>} : memref<32x384xf32, #tpu.memory_space<vmem>>, vector<1x16xf32>,
        %swap3A_1214 = arith.index_cast %scan3A_1208 : i32 to index
        %swap3A_1215 = arith.constant 16 : index
        %swap3A_1216 = tpu.vector_load %arg8[%swap3A_1214, %swap3A_1215] {strides = array<i32>} : memref<32x384xf32, #tpu.memory_space<vmem>>, vector<1x16xf32>,
        %swap3A_1217 = vector.shape_cast %swap3A_1216 : vector<1x16xf32> to vector<16xf32>
        %swap3A_1218 = vector.shape_cast %get3A_189 : vector<16xf32> to vector<1x16xf32>
        tpu.vector_store %arg8[%swap3A_1214, %swap3A_1215], %swap3A_1218 {add = true, strides = array<i32>} : memref<32x384xf32, #tpu.memory_space<vmem>>, vector<1x16xf32>,
        %swap3A_1219 = arith.index_cast %scan3A_1208 : i32 to index
        %swap3A_1220 = arith.constant 32 : index
        %swap3A_1221 = tpu.vector_load %arg8[%swap3A_1219, %swap3A_1220] {strides = array<i32>} : memref<32x384xf32, #tpu.memory_space<vmem>>, vector<1x16xf32>,
        %swap3A_1222 = vector.shape_cast %swap3A_1221 : vector<1x16xf32> to vector<16xf32>
        %swap3A_1223 = vector.shape_cast %get3A_193 : vector<16xf32> to vector<1x16xf32>
        tpu.vector_store %arg8[%swap3A_1219, %swap3A_1220], %swap3A_1223 {add = true, strides = array<i32>} : memref<32x384xf32, #tpu.memory_space<vmem>>, vector<1x16xf32>,
        %swap3A_1224 = arith.index_cast %scan3A_1208 : i32 to index
        %swap3A_1225 = arith.constant 48 : index
        %swap3A_1226 = tpu.vector_load %arg8[%swap3A_1224, %swap3A_1225] {strides = array<i32>} : memref<32x384xf32, #tpu.memory_space<vmem>>, vector<1x16xf32>,
        %swap3A_1227 = vector.shape_cast %swap3A_1226 : vector<1x16xf32> to vector<16xf32>
        %swap3A_1228 = vector.shape_cast %get3A_197 : vector<16xf32> to vector<1x16xf32>
        tpu.vector_store %arg8[%swap3A_1224, %swap3A_1225], %swap3A_1228 {add = true, strides = array<i32>} : memref<32x384xf32, #tpu.memory_space<vmem>>, vector<1x16xf32>,
        %swap3A_1229 = arith.index_cast %scan3A_1208 : i32 to index
        %swap3A_1230 = arith.constant 64 : index
        %swap3A_1231 = tpu.vector_load %arg8[%swap3A_1229, %swap3A_1230] {strides = array<i32>} : memref<32x384xf32, #tpu.memory_space<vmem>>, vector<1x16xf32>,
        %swap3A_1232 = vector.shape_cast %swap3A_1231 : vector<1x16xf32> to vector<16xf32>
        %swap3A_1233 = vector.shape_cast %get3A_201 : vector<16xf32> to vector<1x16xf32>
        tpu.vector_store %arg8[%swap3A_1229, %swap3A_1230], %swap3A_1233 {add = true, strides = array<i32>} : memref<32x384xf32, #tpu.memory_space<vmem>>, vector<1x16xf32>,
        %swap3A_1234 = arith.index_cast %scan3A_1208 : i32 to index
        %swap3A_1235 = arith.constant 80 : index
        %swap3A_1236 = tpu.vector_load %arg8[%swap3A_1234, %swap3A_1235] {strides = array<i32>} : memref<32x384xf32, #tpu.memory_space<vmem>>, vector<1x16xf32>,
        %swap3A_1237 = vector.shape_cast %swap3A_1236 : vector<1x16xf32> to vector<16xf32>
        %swap3A_1238 = vector.shape_cast %get3A_205 : vector<16xf32> to vector<1x16xf32>
        tpu.vector_store %arg8[%swap3A_1234, %swap3A_1235], %swap3A_1238 {add = true, strides = array<i32>} : memref<32x384xf32, #tpu.memory_space<vmem>>, vector<1x16xf32>,
        %swap3A_1239 = arith.index_cast %scan3A_1208 : i32 to index
        %swap3A_1240 = arith.constant 96 : index
        %swap3A_1241 = tpu.vector_load %arg8[%swap3A_1239, %swap3A_1240] {strides = array<i32>} : memref<32x384xf32, #tpu.memory_space<vmem>>, vector<1x16xf32>,
        %swap3A_1242 = vector.shape_cast %swap3A_1241 : vector<1x16xf32> to vector<16xf32>
        %swap3A_1243 = vector.shape_cast %get3A_209 : vector<16xf32> to vector<1x16xf32>
        tpu.vector_store %arg8[%swap3A_1239, %swap3A_1240], %swap3A_1243 {add = true, strides = array<i32>} : memref<32x384xf32, #tpu.memory_space<vmem>>, vector<1x16xf32>,
        %swap3A_1244 = arith.index_cast %scan3A_1208 : i32 to index
        %swap3A_1245 = arith.constant 112 : index
        %swap3A_1246 = tpu.vector_load %arg8[%swap3A_1244, %swap3A_1245] {strides = array<i32>} : memref<32x384xf32, #tpu.memory_space<vmem>>, vector<1x16xf32>,
        %swap3A_1247 = vector.shape_cast %swap3A_1246 : vector<1x16xf32> to vector<16xf32>
        %swap3A_1248 = vector.shape_cast %get3A_213 : vector<16xf32> to vector<1x16xf32>
        tpu.vector_store %arg8[%swap3A_1244, %swap3A_1245], %swap3A_1248 {add = true, strides = array<i32>} : memref<32x384xf32, #tpu.memory_space<vmem>>, vector<1x16xf32>,
        %swap3A_1249 = arith.index_cast %scan3A_1208 : i32 to index
        %swap3A_1250 = arith.constant 128 : index
        %swap3A_1251 = tpu.vector_load %arg8[%swap3A_1249, %swap3A_1250] {strides = array<i32>} : memref<32x384xf32, #tpu.memory_space<vmem>>, vector<1x16xf32>,
        %swap3A_1252 = vector.shape_cast %swap3A_1251 : vector<1x16xf32> to vector<16xf32>
        %swap3A_1253 = vector.shape_cast %get3A_217 : vector<16xf32> to vector<1x16xf32>
        tpu.vector_store %arg8[%swap3A_1249, %swap3A_1250], %swap3A_1253 {add = true, strides = array<i32>} : memref<32x384xf32, #tpu.memory_space<vmem>>, vector<1x16xf32>,
        %swap3A_1254 = arith.index_cast %scan3A_1208 : i32 to index
        %swap3A_1255 = arith.constant 144 : index
        %swap3A_1256 = tpu.vector_load %arg8[%swap3A_1254, %swap3A_1255] {strides = array<i32>} : memref<32x384xf32, #tpu.memory_space<vmem>>, vector<1x16xf32>,
        %swap3A_1257 = vector.shape_cast %swap3A_1256 : vector<1x16xf32> to vector<16xf32>
        %swap3A_1258 = vector.shape_cast %get3A_221 : vector<16xf32> to vector<1x16xf32>
        tpu.vector_store %arg8[%swap3A_1254, %swap3A_1255], %swap3A_1258 {add = true, strides = array<i32>} : memref<32x384xf32, #tpu.memory_space<vmem>>, vector<1x16xf32>,
        %swap3A_1259 = arith.index_cast %scan3A_1208 : i32 to index
        %swap3A_1260 = arith.constant 160 : index
        %swap3A_1261 = tpu.vector_load %arg8[%swap3A_1259, %swap3A_1260] {strides = array<i32>} : memref<32x384xf32, #tpu.memory_space<vmem>>, vector<1x16xf32>,
        %swap3A_1262 = vector.shape_cast %swap3A_1261 : vector<1x16xf32> to vector<16xf32>
        %swap3A_1263 = vector.shape_cast %get3A_225 : vector<16xf32> to vector<1x16xf32>
        tpu.vector_store %arg8[%swap3A_1259, %swap3A_1260], %swap3A_1263 {add = true, strides = array<i32>} : memref<32x384xf32, #tpu.memory_space<vmem>>, vector<1x16xf32>,
        %swap3A_1264 = arith.index_cast %scan3A_1208 : i32 to index
        %swap3A_1265 = arith.constant 176 : index
        %swap3A_1266 = tpu.vector_load %arg8[%swap3A_1264, %swap3A_1265] {strides = array<i32>} : memref<32x384xf32, #tpu.memory_space<vmem>>, vector<1x16xf32>,
        %swap3A_1267 = vector.shape_cast %swap3A_1266 : vector<1x16xf32> to vector<16xf32>
        %swap3A_1268 = vector.shape_cast %get3A_229 : vector<16xf32> to vector<1x16xf32>
        tpu.vector_store %arg8[%swap3A_1264, %swap3A_1265], %swap3A_1268 {add = true, strides = array<i32>} : memref<32x384xf32, #tpu.memory_space<vmem>>, vector<1x16xf32>,
        %swap3A_1269 = arith.index_cast %scan3A_1208 : i32 to index
        %swap3A_1270 = arith.constant 192 : index
        %swap3A_1271 = tpu.vector_load %arg8[%swap3A_1269, %swap3A_1270] {strides = array<i32>} : memref<32x384xf32, #tpu.memory_space<vmem>>, vector<1x16xf32>,
        %swap3A_1272 = vector.shape_cast %swap3A_1271 : vector<1x16xf32> to vector<16xf32>
        %swap3A_1273 = vector.shape_cast %get3A_233 : vector<16xf32> to vector<1x16xf32>
        tpu.vector_store %arg8[%swap3A_1269, %swap3A_1270], %swap3A_1273 {add = true, strides = array<i32>} : memref<32x384xf32, #tpu.memory_space<vmem>>, vector<1x16xf32>,
        %swap3A_1274 = arith.index_cast %scan3A_1208 : i32 to index
        %swap3A_1275 = arith.constant 208 : index
        %swap3A_1276 = tpu.vector_load %arg8[%swap3A_1274, %swap3A_1275] {strides = array<i32>} : memref<32x384xf32, #tpu.memory_space<vmem>>, vector<1x16xf32>,
        %swap3A_1277 = vector.shape_cast %swap3A_1276 : vector<1x16xf32> to vector<16xf32>
        %swap3A_1278 = vector.shape_cast %get3A_237 : vector<16xf32> to vector<1x16xf32>
        tpu.vector_store %arg8[%swap3A_1274, %swap3A_1275], %swap3A_1278 {add = true, strides = array<i32>} : memref<32x384xf32, #tpu.memory_space<vmem>>, vector<1x16xf32>,
        %swap3A_1279 = arith.index_cast %scan3A_1208 : i32 to index
        %swap3A_1280 = arith.constant 224 : index
        %swap3A_1281 = tpu.vector_load %arg8[%swap3A_1279, %swap3A_1280] {strides = array<i32>} : memref<32x384xf32, #tpu.memory_space<vmem>>, vector<1x16xf32>,
        %swap3A_1282 = vector.shape_cast %swap3A_1281 : vector<1x16xf32> to vector<16xf32>
        %swap3A_1283 = vector.shape_cast %get3A_241 : vector<16xf32> to vector<1x16xf32>
        tpu.vector_store %arg8[%swap3A_1279, %swap3A_1280], %swap3A_1283 {add = true, strides = array<i32>} : memref<32x384xf32, #tpu.memory_space<vmem>>, vector<1x16xf32>,
        %swap3A_1284 = arith.index_cast %scan3A_1208 : i32 to index
        %swap3A_1285 = arith.constant 240 : index
        %swap3A_1286 = tpu.vector_load %arg8[%swap3A_1284, %swap3A_1285] {strides = array<i32>} : memref<32x384xf32, #tpu.memory_space<vmem>>, vector<1x16xf32>,
        %swap3A_1287 = vector.shape_cast %swap3A_1286 : vector<1x16xf32> to vector<16xf32>
        %swap3A_1288 = vector.shape_cast %get3A_245 : vector<16xf32> to vector<1x16xf32>
        tpu.vector_store %arg8[%swap3A_1284, %swap3A_1285], %swap3A_1288 {add = true, strides = array<i32>} : memref<32x384xf32, #tpu.memory_space<vmem>>, vector<1x16xf32>,
        %swap3A_1289 = arith.index_cast %scan3A_1208 : i32 to index
        %swap3A_1290 = arith.constant 256 : index
        %swap3A_1291 = tpu.vector_load %arg8[%swap3A_1289, %swap3A_1290] {strides = array<i32>} : memref<32x384xf32, #tpu.memory_space<vmem>>, vector<1x16xf32>,
        %swap3A_1292 = vector.shape_cast %swap3A_1291 : vector<1x16xf32> to vector<16xf32>
        %swap3A_1293 = vector.shape_cast %get3A_249 : vector<16xf32> to vector<1x16xf32>
        tpu.vector_store %arg8[%swap3A_1289, %swap3A_1290], %swap3A_1293 {add = true, strides = array<i32>} : memref<32x384xf32, #tpu.memory_space<vmem>>, vector<1x16xf32>,
        %swap3A_1294 = arith.index_cast %scan3A_1208 : i32 to index
        %swap3A_1295 = arith.constant 272 : index
        %swap3A_1296 = tpu.vector_load %arg8[%swap3A_1294, %swap3A_1295] {strides = array<i32>} : memref<32x384xf32, #tpu.memory_space<vmem>>, vector<1x16xf32>,
        %swap3A_1297 = vector.shape_cast %swap3A_1296 : vector<1x16xf32> to vector<16xf32>
        %swap3A_1298 = vector.shape_cast %get3A_253 : vector<16xf32> to vector<1x16xf32>
        tpu.vector_store %arg8[%swap3A_1294, %swap3A_1295], %swap3A_1298 {add = true, strides = array<i32>} : memref<32x384xf32, #tpu.memory_space<vmem>>, vector<1x16xf32>,
        %swap3A_1299 = arith.index_cast %scan3A_1208 : i32 to index
        %swap3A_1300 = arith.constant 288 : index
        %swap3A_1301 = tpu.vector_load %arg8[%swap3A_1299, %swap3A_1300] {strides = array<i32>} : memref<32x384xf32, #tpu.memory_space<vmem>>, vector<1x16xf32>,
        %swap3A_1302 = vector.shape_cast %swap3A_1301 : vector<1x16xf32> to vector<16xf32>
        %swap3A_1303 = vector.shape_cast %get3A_257 : vector<16xf32> to vector<1x16xf32>
        tpu.vector_store %arg8[%swap3A_1299, %swap3A_1300], %swap3A_1303 {add = true, strides = array<i32>} : memref<32x384xf32, #tpu.memory_space<vmem>>, vector<1x16xf32>,
        %swap3A_1304 = arith.index_cast %scan3A_1208 : i32 to index
        %swap3A_1305 = arith.constant 304 : index
        %swap3A_1306 = tpu.vector_load %arg8[%swap3A_1304, %swap3A_1305] {strides = array<i32>} : memref<32x384xf32, #tpu.memory_space<vmem>>, vector<1x16xf32>,
        %swap3A_1307 = vector.shape_cast %swap3A_1306 : vector<1x16xf32> to vector<16xf32>
        %swap3A_1308 = vector.shape_cast %get3A_261 : vector<16xf32> to vector<1x16xf32>
        tpu.vector_store %arg8[%swap3A_1304, %swap3A_1305], %swap3A_1308 {add = true, strides = array<i32>} : memref<32x384xf32, #tpu.memory_space<vmem>>, vector<1x16xf32>,
        %swap3A_1309 = arith.index_cast %scan3A_1208 : i32 to index
        %swap3A_1310 = arith.constant 320 : index
        %swap3A_1311 = tpu.vector_load %arg8[%swap3A_1309, %swap3A_1310] {strides = array<i32>} : memref<32x384xf32, #tpu.memory_space<vmem>>, vector<1x16xf32>,
        %swap3A_1312 = vector.shape_cast %swap3A_1311 : vector<1x16xf32> to vector<16xf32>
        %swap3A_1313 = vector.shape_cast %get3A_265 : vector<16xf32> to vector<1x16xf32>
        tpu.vector_store %arg8[%swap3A_1309, %swap3A_1310], %swap3A_1313 {add = true, strides = array<i32>} : memref<32x384xf32, #tpu.memory_space<vmem>>, vector<1x16xf32>,
        %swap3A_1314 = arith.index_cast %scan3A_1208 : i32 to index
        %swap3A_1315 = arith.constant 336 : index
        %swap3A_1316 = tpu.vector_load %arg8[%swap3A_1314, %swap3A_1315] {strides = array<i32>} : memref<32x384xf32, #tpu.memory_space<vmem>>, vector<1x16xf32>,
        %swap3A_1317 = vector.shape_cast %swap3A_1316 : vector<1x16xf32> to vector<16xf32>
        %swap3A_1318 = vector.shape_cast %get3A_269 : vector<16xf32> to vector<1x16xf32>
        tpu.vector_store %arg8[%swap3A_1314, %swap3A_1315], %swap3A_1318 {add = true, strides = array<i32>} : memref<32x384xf32, #tpu.memory_space<vmem>>, vector<1x16xf32>,
        %swap3A_1319 = arith.index_cast %scan3A_1208 : i32 to index
        %swap3A_1320 = arith.constant 352 : index
        %swap3A_1321 = tpu.vector_load %arg8[%swap3A_1319, %swap3A_1320] {strides = array<i32>} : memref<32x384xf32, #tpu.memory_space<vmem>>, vector<1x16xf32>,
        %swap3A_1322 = vector.shape_cast %swap3A_1321 : vector<1x16xf32> to vector<16xf32>
        %swap3A_1323 = vector.shape_cast %get3A_273 : vector<16xf32> to vector<1x16xf32>
        tpu.vector_store %arg8[%swap3A_1319, %swap3A_1320], %swap3A_1323 {add = true, strides = array<i32>} : memref<32x384xf32, #tpu.memory_space<vmem>>, vector<1x16xf32>,
        %swap3A_1324 = arith.index_cast %scan3A_1208 : i32 to index
        %swap3A_1325 = arith.constant 368 : index
        %swap3A_1326 = tpu.vector_load %arg8[%swap3A_1324, %swap3A_1325] {strides = array<i32>} : memref<32x384xf32, #tpu.memory_space<vmem>>, vector<1x16xf32>,
        %swap3A_1327 = vector.shape_cast %swap3A_1326 : vector<1x16xf32> to vector<16xf32>
        %swap3A_1328 = vector.shape_cast %get3A_277 : vector<16xf32> to vector<1x16xf32>
        tpu.vector_store %arg8[%swap3A_1324, %swap3A_1325], %swap3A_1328 {add = true, strides = array<i32>} : memref<32x384xf32, #tpu.memory_space<vmem>>, vector<1x16xf32>,
        %scan3A_1329 = arith.constant 0 : i32
        scf.yield %scan3A_1329 : i32
      }
      %scan3A_284 = arith.constant 32 : i32
      %ge3A_285 = arith.constant 4 : i32
      %ge3A_286 = arith.cmpi sge, %add3A_132, %ge3A_285 : i32
      %convert_element_type3A_287 = arith.extui %ge3A_286 : i1 to i32
      %cond3A_288 = arith.constant 0 : i32
      %cond3A_289 = arith.cmpi ne, %convert_element_type3A_287, %cond3A_288 : i32
      scf.if %cond3A_289 {
        %dma_wait3A_839 = arith.constant 0 : i32
        %dma_wait3A_840 = arith.constant 0 : i32
        %dma_wait3A_841 = arith.constant 0 : i32
        %dma_wait3A_842 = tpu.memref_slice %arg4[%dma_wait3A_840, %mul3A_2, %dma_wait3A_841] : memref<50x4096x384xf32, #tpu.memory_space<hbm>> -> memref<1x32x384xf32, #tpu.memory_space<hbm>>
        %dma_wait3A_843 = tpu.memref_squeeze %dma_wait3A_842 : memref<1x32x384xf32, #tpu.memory_space<hbm>> -> memref<32x384xf32, #tpu.memory_space<hbm>>
        %dma_wait3A_844 = arith.constant 0 : i32
        %dma_wait3A_845 = arith.constant 0 : i32
        %dma_wait3A_846 = tpu.memref_slice %arg7[%arg1, %dma_wait3A_839, %dma_wait3A_844, %dma_wait3A_845] : memref<16x4x32x384xf32, #tpu.memory_space<vmem_shared>> -> memref<1x1x32x384xf32, #tpu.memory_space<vmem_shared>>
        %dma_wait3A_847 = tpu.memref_squeeze %dma_wait3A_846 : memref<1x1x32x384xf32, #tpu.memory_space<vmem_shared>> -> memref<32x384xf32, #tpu.memory_space<vmem_shared>>
        tpu.wait_dma2 semaphore(%arg20 : memref<!tpu.dma_semaphore, #tpu.memory_space<semaphore_mem>>) src(%dma_wait3A_847 : memref<32x384xf32, #tpu.memory_space<vmem_shared>>) dst(%dma_wait3A_843 : memref<32x384xf32, #tpu.memory_space<hbm>>)
      } else {
      }
      %dma_start3A_290 = arith.constant 0 : i32
      %dma_start3A_291 = arith.constant 0 : i32
      %dma_start3A_292 = arith.constant 0 : i32
      %dma_start3A_293 = tpu.memref_slice %arg7[%arg1, %dma_start3A_290, %dma_start3A_291, %dma_start3A_292] : memref<16x4x32x384xf32, #tpu.memory_space<vmem_shared>> -> memref<1x1x32x384xf32, #tpu.memory_space<vmem_shared>>
      %dma_start3A_294 = tpu.memref_squeeze %dma_start3A_293 : memref<1x1x32x384xf32, #tpu.memory_space<vmem_shared>> -> memref<32x384xf32, #tpu.memory_space<vmem_shared>>
      %dma_start3A_295 = arith.constant 0 : i32
      %dma_start3A_296 = arith.constant 0 : i32
      %dma_start3A_297 = tpu.memref_slice %arg7[%arg1, %dma_start3A_290, %dma_start3A_295, %dma_start3A_296] : memref<16x4x32x384xf32, #tpu.memory_space<vmem_shared>> -> memref<1x1x32x384xf32, #tpu.memory_space<vmem_shared>>
      %dma_start3A_298 = tpu.memref_squeeze %dma_start3A_297 : memref<1x1x32x384xf32, #tpu.memory_space<vmem_shared>> -> memref<32x384xf32, #tpu.memory_space<vmem_shared>>
      tpu.enqueue_dma source(%arg8 : memref<32x384xf32, #tpu.memory_space<vmem>>) target(%dma_start3A_298 : memref<32x384xf32, #tpu.memory_space<vmem_shared>>) target_semaphore(%arg16 : memref<!tpu.dma_semaphore, #tpu.memory_space<semaphore_mem>>)
      %add3A_299 = arith.constant 1 : i32
      %add3A_300 = arith.addi %add3A_130, %add3A_299 : i32
      %ge3A_301 = arith.constant 1 : i32
      %ge3A_302 = arith.cmpi sge, %add3A_300, %ge3A_301 : i32
      %convert_element_type3A_303 = arith.extui %ge3A_302 : i1 to i32
      %cond3A_304 = arith.constant 0 : i32
      %cond3A_305 = arith.cmpi ne, %convert_element_type3A_303, %cond3A_304 : i32
      scf.if %cond3A_305 {
        %dma_wait3A_839 = arith.constant 0 : i32
        %dma_wait3A_840 = arith.constant 0 : i32
        %dma_wait3A_841 = arith.constant 0 : i32
        %dma_wait3A_842 = tpu.memref_slice %arg7[%arg1, %dma_wait3A_839, %dma_wait3A_840, %dma_wait3A_841] : memref<16x4x32x384xf32, #tpu.memory_space<vmem_shared>> -> memref<1x1x32x384xf32, #tpu.memory_space<vmem_shared>>
        %dma_wait3A_843 = tpu.memref_squeeze %dma_wait3A_842 : memref<1x1x32x384xf32, #tpu.memory_space<vmem_shared>> -> memref<32x384xf32, #tpu.memory_space<vmem_shared>>
        %dma_wait3A_844 = arith.constant 0 : i32
        %dma_wait3A_845 = arith.constant 0 : i32
        %dma_wait3A_846 = tpu.memref_slice %arg7[%arg1, %dma_wait3A_839, %dma_wait3A_844, %dma_wait3A_845] : memref<16x4x32x384xf32, #tpu.memory_space<vmem_shared>> -> memref<1x1x32x384xf32, #tpu.memory_space<vmem_shared>>
        %dma_wait3A_847 = tpu.memref_squeeze %dma_wait3A_846 : memref<1x1x32x384xf32, #tpu.memory_space<vmem_shared>> -> memref<32x384xf32, #tpu.memory_space<vmem_shared>>
        tpu.wait_dma2 semaphore(%arg16 : memref<!tpu.dma_semaphore, #tpu.memory_space<semaphore_mem>>) src(%arg8 : memref<32x384xf32, #tpu.memory_space<vmem>>) dst(%dma_wait3A_847 : memref<32x384xf32, #tpu.memory_space<vmem_shared>>)
        %sub3A_848 = arith.constant 1 : i32
        %sub3A_849 = arith.subi %add3A_300, %sub3A_848 : i32
        %jit3A_850 = arith.constant 4 : i32
        %div3A_851 = arith.divsi %sub3A_849, %jit3A_850 : i32
        %sign3A_852 = arith.constant 0 : i32
        %sign3A_853 = arith.cmpi sgt, %sub3A_849, %sign3A_852 : i32
        %sign3A_854 = arith.extui %sign3A_853 : i1 to i32
        %sign3A_855 = arith.constant 0 : i32
        %sign3A_856 = arith.cmpi slt, %sub3A_849, %sign3A_855 : i32
        %sign3A_857 = arith.extui %sign3A_856 : i1 to i32
        %sign3A_858 = arith.subi %sign3A_854, %sign3A_857 : i32
        %sign3A_859 = arith.constant 0 : i32
        %sign3A_860 = arith.cmpi sgt, %jit3A_850, %sign3A_859 : i32
        %sign3A_861 = arith.extui %sign3A_860 : i1 to i32
        %sign3A_862 = arith.constant 0 : i32
        %sign3A_863 = arith.cmpi slt, %jit3A_850, %sign3A_862 : i32
        %sign3A_864 = arith.extui %sign3A_863 : i1 to i32
        %sign3A_865 = arith.subi %sign3A_861, %sign3A_864 : i32
        %ne3A_866 = arith.cmpi ne, %sign3A_858, %sign3A_865 : i32
        %rem3A_867 = arith.remsi %sub3A_849, %jit3A_850 : i32
        %ne3A_868 = arith.constant 0 : i32
        %ne3A_869 = arith.cmpi ne, %rem3A_867, %ne3A_868 : i32
        %and3A_870 = arith.andi %ne3A_866, %ne3A_869 : i1
        %sub3A_871 = arith.constant 1 : i32
        %sub3A_872 = arith.subi %div3A_851, %sub3A_871 : i32
        %select_n3A_873 = arith.select %and3A_870, %sub3A_872, %div3A_851 : i32
        %mul3A_874 = arith.constant 4 : i32
        %mul3A_875 = arith.muli %select_n3A_873, %mul3A_874 : i32
        %sub3A_876 = arith.subi %sub3A_849, %mul3A_875 : i32
        %mul3A_877 = arith.constant 32 : i32
        %mul3A_878 = arith.muli %sub3A_876, %mul3A_877 : i32
        %add3A_879 = arith.addi %mul3A_2, %mul3A_878 : i32
        %dma_start3A_880 = arith.constant 0 : i32
        %dma_start3A_881 = arith.constant 0 : i32
        %dma_start3A_882 = tpu.memref_slice %arg4[%select_n3A_873, %add3A_879, %dma_start3A_881] : memref<50x4096x384xf32, #tpu.memory_space<hbm>> -> memref<1x32x384xf32, #tpu.memory_space<hbm>>
        %dma_start3A_883 = tpu.memref_squeeze %dma_start3A_882 : memref<1x32x384xf32, #tpu.memory_space<hbm>> -> memref<32x384xf32, #tpu.memory_space<hbm>>
        %dma_start3A_884 = arith.constant 0 : i32
        %dma_start3A_885 = arith.constant 0 : i32
        %dma_start3A_886 = tpu.memref_slice %arg7[%arg1, %dma_start3A_880, %dma_start3A_884, %dma_start3A_885] : memref<16x4x32x384xf32, #tpu.memory_space<vmem_shared>> -> memref<1x1x32x384xf32, #tpu.memory_space<vmem_shared>>
        %dma_start3A_887 = tpu.memref_squeeze %dma_start3A_886 : memref<1x1x32x384xf32, #tpu.memory_space<vmem_shared>> -> memref<32x384xf32, #tpu.memory_space<vmem_shared>>
        tpu.enqueue_dma source(%dma_start3A_887 : memref<32x384xf32, #tpu.memory_space<vmem_shared>>) target(%dma_start3A_883 : memref<32x384xf32, #tpu.memory_space<hbm>>) target_semaphore(%arg20 : memref<!tpu.dma_semaphore, #tpu.memory_space<semaphore_mem>>)
      } else {
      }
      %add3A_306 = arith.constant 3 : i32
      %add3A_307 = arith.addi %add3A_300, %add3A_306 : i32
      %lt3A_308 = arith.constant 200 : i32
      %lt3A_309 = arith.cmpi slt, %add3A_307, %lt3A_308 : i32
      %convert_element_type3A_310 = arith.extui %lt3A_309 : i1 to i32
      %cond3A_311 = arith.constant 0 : i32
      %cond3A_312 = arith.cmpi ne, %convert_element_type3A_310, %cond3A_311 : i32
      scf.if %cond3A_312 {
        %add3A_839 = arith.constant 3 : i32
        %add3A_840 = arith.addi %add3A_300, %add3A_839 : i32
        %jit3A_841 = arith.constant 4 : i32
        %div3A_842 = arith.divsi %add3A_840, %jit3A_841 : i32
        %sign3A_843 = arith.constant 0 : i32
        %sign3A_844 = arith.cmpi sgt, %add3A_840, %sign3A_843 : i32
        %sign3A_845 = arith.extui %sign3A_844 : i1 to i32
        %sign3A_846 = arith.constant 0 : i32
        %sign3A_847 = arith.cmpi slt, %add3A_840, %sign3A_846 : i32
        %sign3A_848 = arith.extui %sign3A_847 : i1 to i32
        %sign3A_849 = arith.subi %sign3A_845, %sign3A_848 : i32
        %sign3A_850 = arith.constant 0 : i32
        %sign3A_851 = arith.cmpi sgt, %jit3A_841, %sign3A_850 : i32
        %sign3A_852 = arith.extui %sign3A_851 : i1 to i32
        %sign3A_853 = arith.constant 0 : i32
        %sign3A_854 = arith.cmpi slt, %jit3A_841, %sign3A_853 : i32
        %sign3A_855 = arith.extui %sign3A_854 : i1 to i32
        %sign3A_856 = arith.subi %sign3A_852, %sign3A_855 : i32
        %ne3A_857 = arith.cmpi ne, %sign3A_849, %sign3A_856 : i32
        %rem3A_858 = arith.remsi %add3A_840, %jit3A_841 : i32
        %ne3A_859 = arith.constant 0 : i32
        %ne3A_860 = arith.cmpi ne, %rem3A_858, %ne3A_859 : i32
        %and3A_861 = arith.andi %ne3A_857, %ne3A_860 : i1
        %sub3A_862 = arith.constant 1 : i32
        %sub3A_863 = arith.subi %div3A_842, %sub3A_862 : i32
        %select_n3A_864 = arith.select %and3A_861, %sub3A_863, %div3A_842 : i32
        %mul3A_865 = arith.constant 4 : i32
        %mul3A_866 = arith.muli %select_n3A_864, %mul3A_865 : i32
        %sub3A_867 = arith.subi %add3A_840, %mul3A_866 : i32
        %mul3A_868 = arith.constant 32 : i32
        %mul3A_869 = arith.muli %sub3A_867, %mul3A_868 : i32
        %add3A_870 = arith.constant 0 : i32
        %add3A_871 = arith.addi %mul3A_869, %add3A_870 : i32
        %get3A_872 = arith.index_cast %select_n3A_864 : i32 to index
        %get3A_873 = arith.index_cast %add3A_871 : i32 to index
        %get3A_874 = tpu.vector_load %arg5[%get3A_872, %get3A_873] {strides = array<i32>} : memref<56x128xi32, #tpu.memory_space<vmem>>, vector<1x16xi32>,
        %get3A_875 = vector.shape_cast %get3A_874 : vector<1x16xi32> to vector<16xi32>
        %dma_start3A_876 = arith.constant 0 : i32
        %dma_start3A_877 = arith.constant 0 : i32
        %dma_start3A_878 = tpu.memref_slice %arg8[%dma_start3A_876, %dma_start3A_877] : memref<32x384xf32, #tpu.memory_space<vmem>> -> memref<16x384xf32, #tpu.memory_space<vmem>>
        %dma_start3A_879 = arith.constant 0 : i32
        %dma_start3A_880 = arith.constant 0 : i32
        %dma_start3A_881 = tpu.memref_slice %arg3[%dma_start3A_879, %dma_start3A_880] : memref<100000x384xf32, #tpu.memory_space<hbm>> -> memref<100000x384xf32, #tpu.memory_space<hbm>>
        tpu.enqueue_indirect_dma source(%dma_start3A_881 : memref<100000x384xf32, #tpu.memory_space<hbm>>) target(%dma_start3A_878 : memref<16x384xf32, #tpu.memory_space<vmem>>) offsets(%get3A_875 : vector<16xi32>) semaphore(%arg12 : memref<!tpu.dma_semaphore, #tpu.memory_space<semaphore_mem>>)
        %mul3A_882 = arith.constant 32 : i32
        %mul3A_883 = arith.muli %sub3A_867, %mul3A_882 : i32
        %add3A_884 = arith.constant 16 : i32
        %add3A_885 = arith.addi %mul3A_883, %add3A_884 : i32
        %get3A_886 = arith.index_cast %select_n3A_864 : i32 to index
        %get3A_887 = arith.index_cast %add3A_885 : i32 to index
        %get3A_888 = tpu.vector_load %arg5[%get3A_886, %get3A_887] {strides = array<i32>} : memref<56x128xi32, #tpu.memory_space<vmem>>, vector<1x16xi32>,
        %get3A_889 = vector.shape_cast %get3A_888 : vector<1x16xi32> to vector<16xi32>
        %dma_start3A_890 = arith.constant 16 : i32
        %dma_start3A_891 = arith.constant 0 : i32
        %dma_start3A_892 = tpu.memref_slice %arg8[%dma_start3A_890, %dma_start3A_891] : memref<32x384xf32, #tpu.memory_space<vmem>> -> memref<16x384xf32, #tpu.memory_space<vmem>>
        %dma_start3A_893 = arith.constant 0 : i32
        %dma_start3A_894 = arith.constant 0 : i32
        %dma_start3A_895 = tpu.memref_slice %arg3[%dma_start3A_893, %dma_start3A_894] : memref<100000x384xf32, #tpu.memory_space<hbm>> -> memref<100000x384xf32, #tpu.memory_space<hbm>>
        tpu.enqueue_indirect_dma source(%dma_start3A_895 : memref<100000x384xf32, #tpu.memory_space<hbm>>) target(%dma_start3A_892 : memref<16x384xf32, #tpu.memory_space<vmem>>) offsets(%get3A_889 : vector<16xi32>) semaphore(%arg12 : memref<!tpu.dma_semaphore, #tpu.memory_space<semaphore_mem>>)
      } else {
      }
      %get3A_313 = arith.constant 0 : i32
      %get3A_314 = arith.index_cast %get3A_313 : i32 to index
      %get3A_315 = arith.constant 0 : index
      %get3A_316 = tpu.vector_load %arg5[%get3A_314, %get3A_315] {strides = array<i32>} : memref<56x128xi32, #tpu.memory_space<vmem>>, vector<1x16xi32>,
      %get3A_317 = vector.shape_cast %get3A_316 : vector<1x16xi32> to vector<16xi32>
      %dma_wait3A_318 = arith.constant 0 : i32
      %dma_wait3A_319 = arith.constant 0 : i32
      %dma_wait3A_320 = tpu.memref_slice %arg9[%dma_wait3A_318, %dma_wait3A_319] : memref<32x384xf32, #tpu.memory_space<vmem>> -> memref<16x384xf32, #tpu.memory_space<vmem>>
      %dma_wait3A_321 = arith.constant 0 : i32
      %dma_wait3A_322 = arith.constant 0 : i32
      %dma_wait3A_323 = tpu.memref_slice %arg3[%dma_wait3A_321, %dma_wait3A_322] : memref<100000x384xf32, #tpu.memory_space<hbm>> -> memref<100000x384xf32, #tpu.memory_space<hbm>>
      tpu.wait_indirect_dma semaphore(%arg13 : memref<!tpu.dma_semaphore, #tpu.memory_space<semaphore_mem>>) src(%dma_wait3A_323 : memref<100000x384xf32, #tpu.memory_space<hbm>>) dst(%dma_wait3A_320 : memref<16x384xf32, #tpu.memory_space<vmem>>)
      %get3A_324 = arith.constant 0 : i32
      %get3A_325 = arith.index_cast %get3A_324 : i32 to index
      %get3A_326 = arith.constant 16 : index
      %get3A_327 = tpu.vector_load %arg5[%get3A_325, %get3A_326] {strides = array<i32>} : memref<56x128xi32, #tpu.memory_space<vmem>>, vector<1x16xi32>,
      %get3A_328 = vector.shape_cast %get3A_327 : vector<1x16xi32> to vector<16xi32>
      %dma_wait3A_329 = arith.constant 16 : i32
      %dma_wait3A_330 = arith.constant 0 : i32
      %dma_wait3A_331 = tpu.memref_slice %arg9[%dma_wait3A_329, %dma_wait3A_330] : memref<32x384xf32, #tpu.memory_space<vmem>> -> memref<16x384xf32, #tpu.memory_space<vmem>>
      %dma_wait3A_332 = arith.constant 0 : i32
      %dma_wait3A_333 = arith.constant 0 : i32
      %dma_wait3A_334 = tpu.memref_slice %arg3[%dma_wait3A_332, %dma_wait3A_333] : memref<100000x384xf32, #tpu.memory_space<hbm>> -> memref<100000x384xf32, #tpu.memory_space<hbm>>
      tpu.wait_indirect_dma semaphore(%arg13 : memref<!tpu.dma_semaphore, #tpu.memory_space<semaphore_mem>>) src(%dma_wait3A_334 : memref<100000x384xf32, #tpu.memory_space<hbm>>) dst(%dma_wait3A_331 : memref<16x384xf32, #tpu.memory_space<vmem>>)
      %jit3A_335 = arith.constant 4 : i32
      %div3A_336 = arith.divsi %add3A_300, %jit3A_335 : i32
      %sign3A_337 = arith.constant 0 : i32
      %sign3A_338 = arith.cmpi sgt, %add3A_300, %sign3A_337 : i32
      %sign3A_339 = arith.extui %sign3A_338 : i1 to i32
      %sign3A_340 = arith.constant 0 : i32
      %sign3A_341 = arith.cmpi slt, %add3A_300, %sign3A_340 : i32
      %sign3A_342 = arith.extui %sign3A_341 : i1 to i32
      %sign3A_343 = arith.subi %sign3A_339, %sign3A_342 : i32
      %sign3A_344 = arith.constant 0 : i32
      %sign3A_345 = arith.cmpi sgt, %jit3A_335, %sign3A_344 : i32
      %sign3A_346 = arith.extui %sign3A_345 : i1 to i32
      %sign3A_347 = arith.constant 0 : i32
      %sign3A_348 = arith.cmpi slt, %jit3A_335, %sign3A_347 : i32
      %sign3A_349 = arith.extui %sign3A_348 : i1 to i32
      %sign3A_350 = arith.subi %sign3A_346, %sign3A_349 : i32
      %ne3A_351 = arith.cmpi ne, %sign3A_343, %sign3A_350 : i32
      %rem3A_352 = arith.remsi %add3A_300, %jit3A_335 : i32
      %ne3A_353 = arith.constant 0 : i32
      %ne3A_354 = arith.cmpi ne, %rem3A_352, %ne3A_353 : i32
      %and3A_355 = arith.andi %ne3A_351, %ne3A_354 : i1
      %sub3A_356 = arith.constant 1 : i32
      %sub3A_357 = arith.subi %div3A_336, %sub3A_356 : i32
      %select_n3A_358 = arith.select %and3A_355, %sub3A_357, %div3A_336 : i32
      %mul3A_359 = arith.constant 4 : i32
      %mul3A_360 = arith.muli %select_n3A_358, %mul3A_359 : i32
      %sub3A_361 = arith.subi %add3A_300, %mul3A_360 : i32
      %get3A_362 = arith.index_cast %select_n3A_358 : i32 to index
      %get3A_363 = arith.constant 0 : index
      %get3A_364 = tpu.vector_load %arg6[%get3A_362, %get3A_363] {strides = array<i32>} : memref<56x384xf32, #tpu.memory_space<vmem>>, vector<1x16xf32>,
      %get3A_365 = vector.shape_cast %get3A_364 : vector<1x16xf32> to vector<16xf32>
      %get3A_366 = arith.index_cast %select_n3A_358 : i32 to index
      %get3A_367 = arith.constant 16 : index
      %get3A_368 = tpu.vector_load %arg6[%get3A_366, %get3A_367] {strides = array<i32>} : memref<56x384xf32, #tpu.memory_space<vmem>>, vector<1x16xf32>,
      %get3A_369 = vector.shape_cast %get3A_368 : vector<1x16xf32> to vector<16xf32>
      %get3A_370 = arith.index_cast %select_n3A_358 : i32 to index
      %get3A_371 = arith.constant 32 : index
      %get3A_372 = tpu.vector_load %arg6[%get3A_370, %get3A_371] {strides = array<i32>} : memref<56x384xf32, #tpu.memory_space<vmem>>, vector<1x16xf32>,
      %get3A_373 = vector.shape_cast %get3A_372 : vector<1x16xf32> to vector<16xf32>
      %get3A_374 = arith.index_cast %select_n3A_358 : i32 to index
      %get3A_375 = arith.constant 48 : index
      %get3A_376 = tpu.vector_load %arg6[%get3A_374, %get3A_375] {strides = array<i32>} : memref<56x384xf32, #tpu.memory_space<vmem>>, vector<1x16xf32>,
      %get3A_377 = vector.shape_cast %get3A_376 : vector<1x16xf32> to vector<16xf32>
      %get3A_378 = arith.index_cast %select_n3A_358 : i32 to index
      %get3A_379 = arith.constant 64 : index
      %get3A_380 = tpu.vector_load %arg6[%get3A_378, %get3A_379] {strides = array<i32>} : memref<56x384xf32, #tpu.memory_space<vmem>>, vector<1x16xf32>,
      %get3A_381 = vector.shape_cast %get3A_380 : vector<1x16xf32> to vector<16xf32>
      %get3A_382 = arith.index_cast %select_n3A_358 : i32 to index
      %get3A_383 = arith.constant 80 : index
      %get3A_384 = tpu.vector_load %arg6[%get3A_382, %get3A_383] {strides = array<i32>} : memref<56x384xf32, #tpu.memory_space<vmem>>, vector<1x16xf32>,
      %get3A_385 = vector.shape_cast %get3A_384 : vector<1x16xf32> to vector<16xf32>
      %get3A_386 = arith.index_cast %select_n3A_358 : i32 to index
      %get3A_387 = arith.constant 96 : index
      %get3A_388 = tpu.vector_load %arg6[%get3A_386, %get3A_387] {strides = array<i32>} : memref<56x384xf32, #tpu.memory_space<vmem>>, vector<1x16xf32>,
      %get3A_389 = vector.shape_cast %get3A_388 : vector<1x16xf32> to vector<16xf32>
      %get3A_390 = arith.index_cast %select_n3A_358 : i32 to index
      %get3A_391 = arith.constant 112 : index
      %get3A_392 = tpu.vector_load %arg6[%get3A_390, %get3A_391] {strides = array<i32>} : memref<56x384xf32, #tpu.memory_space<vmem>>, vector<1x16xf32>,
      %get3A_393 = vector.shape_cast %get3A_392 : vector<1x16xf32> to vector<16xf32>
      %get3A_394 = arith.index_cast %select_n3A_358 : i32 to index
      %get3A_395 = arith.constant 128 : index
      %get3A_396 = tpu.vector_load %arg6[%get3A_394, %get3A_395] {strides = array<i32>} : memref<56x384xf32, #tpu.memory_space<vmem>>, vector<1x16xf32>,
      %get3A_397 = vector.shape_cast %get3A_396 : vector<1x16xf32> to vector<16xf32>
      %get3A_398 = arith.index_cast %select_n3A_358 : i32 to index
      %get3A_399 = arith.constant 144 : index
      %get3A_400 = tpu.vector_load %arg6[%get3A_398, %get3A_399] {strides = array<i32>} : memref<56x384xf32, #tpu.memory_space<vmem>>, vector<1x16xf32>,
      %get3A_401 = vector.shape_cast %get3A_400 : vector<1x16xf32> to vector<16xf32>
      %get3A_402 = arith.index_cast %select_n3A_358 : i32 to index
      %get3A_403 = arith.constant 160 : index
      %get3A_404 = tpu.vector_load %arg6[%get3A_402, %get3A_403] {strides = array<i32>} : memref<56x384xf32, #tpu.memory_space<vmem>>, vector<1x16xf32>,
      %get3A_405 = vector.shape_cast %get3A_404 : vector<1x16xf32> to vector<16xf32>
      %get3A_406 = arith.index_cast %select_n3A_358 : i32 to index
      %get3A_407 = arith.constant 176 : index
      %get3A_408 = tpu.vector_load %arg6[%get3A_406, %get3A_407] {strides = array<i32>} : memref<56x384xf32, #tpu.memory_space<vmem>>, vector<1x16xf32>,
      %get3A_409 = vector.shape_cast %get3A_408 : vector<1x16xf32> to vector<16xf32>
      %get3A_410 = arith.index_cast %select_n3A_358 : i32 to index
      %get3A_411 = arith.constant 192 : index
      %get3A_412 = tpu.vector_load %arg6[%get3A_410, %get3A_411] {strides = array<i32>} : memref<56x384xf32, #tpu.memory_space<vmem>>, vector<1x16xf32>,
      %get3A_413 = vector.shape_cast %get3A_412 : vector<1x16xf32> to vector<16xf32>
      %get3A_414 = arith.index_cast %select_n3A_358 : i32 to index
      %get3A_415 = arith.constant 208 : index
      %get3A_416 = tpu.vector_load %arg6[%get3A_414, %get3A_415] {strides = array<i32>} : memref<56x384xf32, #tpu.memory_space<vmem>>, vector<1x16xf32>,
      %get3A_417 = vector.shape_cast %get3A_416 : vector<1x16xf32> to vector<16xf32>
      %get3A_418 = arith.index_cast %select_n3A_358 : i32 to index
      %get3A_419 = arith.constant 224 : index
      %get3A_420 = tpu.vector_load %arg6[%get3A_418, %get3A_419] {strides = array<i32>} : memref<56x384xf32, #tpu.memory_space<vmem>>, vector<1x16xf32>,
      %get3A_421 = vector.shape_cast %get3A_420 : vector<1x16xf32> to vector<16xf32>
      %get3A_422 = arith.index_cast %select_n3A_358 : i32 to index
      %get3A_423 = arith.constant 240 : index
      %get3A_424 = tpu.vector_load %arg6[%get3A_422, %get3A_423] {strides = array<i32>} : memref<56x384xf32, #tpu.memory_space<vmem>>, vector<1x16xf32>,
      %get3A_425 = vector.shape_cast %get3A_424 : vector<1x16xf32> to vector<16xf32>
      %get3A_426 = arith.index_cast %select_n3A_358 : i32 to index
      %get3A_427 = arith.constant 256 : index
      %get3A_428 = tpu.vector_load %arg6[%get3A_426, %get3A_427] {strides = array<i32>} : memref<56x384xf32, #tpu.memory_space<vmem>>, vector<1x16xf32>,
      %get3A_429 = vector.shape_cast %get3A_428 : vector<1x16xf32> to vector<16xf32>
      %get3A_430 = arith.index_cast %select_n3A_358 : i32 to index
      %get3A_431 = arith.constant 272 : index
      %get3A_432 = tpu.vector_load %arg6[%get3A_430, %get3A_431] {strides = array<i32>} : memref<56x384xf32, #tpu.memory_space<vmem>>, vector<1x16xf32>,
      %get3A_433 = vector.shape_cast %get3A_432 : vector<1x16xf32> to vector<16xf32>
      %get3A_434 = arith.index_cast %select_n3A_358 : i32 to index
      %get3A_435 = arith.constant 288 : index
      %get3A_436 = tpu.vector_load %arg6[%get3A_434, %get3A_435] {strides = array<i32>} : memref<56x384xf32, #tpu.memory_space<vmem>>, vector<1x16xf32>,
      %get3A_437 = vector.shape_cast %get3A_436 : vector<1x16xf32> to vector<16xf32>
      %get3A_438 = arith.index_cast %select_n3A_358 : i32 to index
      %get3A_439 = arith.constant 304 : index
      %get3A_440 = tpu.vector_load %arg6[%get3A_438, %get3A_439] {strides = array<i32>} : memref<56x384xf32, #tpu.memory_space<vmem>>, vector<1x16xf32>,
      %get3A_441 = vector.shape_cast %get3A_440 : vector<1x16xf32> to vector<16xf32>
      %get3A_442 = arith.index_cast %select_n3A_358 : i32 to index
      %get3A_443 = arith.constant 320 : index
      %get3A_444 = tpu.vector_load %arg6[%get3A_442, %get3A_443] {strides = array<i32>} : memref<56x384xf32, #tpu.memory_space<vmem>>, vector<1x16xf32>,
      %get3A_445 = vector.shape_cast %get3A_444 : vector<1x16xf32> to vector<16xf32>
      %get3A_446 = arith.index_cast %select_n3A_358 : i32 to index
      %get3A_447 = arith.constant 336 : index
      %get3A_448 = tpu.vector_load %arg6[%get3A_446, %get3A_447] {strides = array<i32>} : memref<56x384xf32, #tpu.memory_space<vmem>>, vector<1x16xf32>,
      %get3A_449 = vector.shape_cast %get3A_448 : vector<1x16xf32> to vector<16xf32>
      %get3A_450 = arith.index_cast %select_n3A_358 : i32 to index
      %get3A_451 = arith.constant 352 : index
      %get3A_452 = tpu.vector_load %arg6[%get3A_450, %get3A_451] {strides = array<i32>} : memref<56x384xf32, #tpu.memory_space<vmem>>, vector<1x16xf32>,
      %get3A_453 = vector.shape_cast %get3A_452 : vector<1x16xf32> to vector<16xf32>
      %get3A_454 = arith.index_cast %select_n3A_358 : i32 to index
      %get3A_455 = arith.constant 368 : index
      %get3A_456 = tpu.vector_load %arg6[%get3A_454, %get3A_455] {strides = array<i32>} : memref<56x384xf32, #tpu.memory_space<vmem>>, vector<1x16xf32>,
      %get3A_457 = vector.shape_cast %get3A_456 : vector<1x16xf32> to vector<16xf32>
      %scan3A_458 = arith.constant 0 : i32
      %scan3A_459 = arith.constant 0 : i32
      %scan3A_460 = arith.constant 32 : i32
      %scan3A_461 = arith.addi %scan3A_459, %scan3A_460 : i32
      %scan3A_462 = arith.constant 4 : i32
      %scan3A_463 = scf.for %scan3A_839 = %scan3A_459 to %scan3A_461 step %scan3A_462 iter_args(%scan3A_840 = %scan3A_458) -> (i32)  : i32 {
        %swap3A = arith.index_cast %scan3A_839 : i32 to index
        %swap3A_841 = arith.constant 0 : index
        %swap3A_842 = tpu.vector_load %arg9[%swap3A, %swap3A_841] {strides = array<i32>} : memref<32x384xf32, #tpu.memory_space<vmem>>, vector<1x16xf32>,
        %swap3A_843 = vector.shape_cast %swap3A_842 : vector<1x16xf32> to vector<16xf32>
        %swap3A_844 = vector.shape_cast %get3A_365 : vector<16xf32> to vector<1x16xf32>
        tpu.vector_store %arg9[%swap3A, %swap3A_841], %swap3A_844 {add = true, strides = array<i32>} : memref<32x384xf32, #tpu.memory_space<vmem>>, vector<1x16xf32>,
        %swap3A_845 = arith.index_cast %scan3A_839 : i32 to index
        %swap3A_846 = arith.constant 16 : index
        %swap3A_847 = tpu.vector_load %arg9[%swap3A_845, %swap3A_846] {strides = array<i32>} : memref<32x384xf32, #tpu.memory_space<vmem>>, vector<1x16xf32>,
        %swap3A_848 = vector.shape_cast %swap3A_847 : vector<1x16xf32> to vector<16xf32>
        %swap3A_849 = vector.shape_cast %get3A_369 : vector<16xf32> to vector<1x16xf32>
        tpu.vector_store %arg9[%swap3A_845, %swap3A_846], %swap3A_849 {add = true, strides = array<i32>} : memref<32x384xf32, #tpu.memory_space<vmem>>, vector<1x16xf32>,
        %swap3A_850 = arith.index_cast %scan3A_839 : i32 to index
        %swap3A_851 = arith.constant 32 : index
        %swap3A_852 = tpu.vector_load %arg9[%swap3A_850, %swap3A_851] {strides = array<i32>} : memref<32x384xf32, #tpu.memory_space<vmem>>, vector<1x16xf32>,
        %swap3A_853 = vector.shape_cast %swap3A_852 : vector<1x16xf32> to vector<16xf32>
        %swap3A_854 = vector.shape_cast %get3A_373 : vector<16xf32> to vector<1x16xf32>
        tpu.vector_store %arg9[%swap3A_850, %swap3A_851], %swap3A_854 {add = true, strides = array<i32>} : memref<32x384xf32, #tpu.memory_space<vmem>>, vector<1x16xf32>,
        %swap3A_855 = arith.index_cast %scan3A_839 : i32 to index
        %swap3A_856 = arith.constant 48 : index
        %swap3A_857 = tpu.vector_load %arg9[%swap3A_855, %swap3A_856] {strides = array<i32>} : memref<32x384xf32, #tpu.memory_space<vmem>>, vector<1x16xf32>,
        %swap3A_858 = vector.shape_cast %swap3A_857 : vector<1x16xf32> to vector<16xf32>
        %swap3A_859 = vector.shape_cast %get3A_377 : vector<16xf32> to vector<1x16xf32>
        tpu.vector_store %arg9[%swap3A_855, %swap3A_856], %swap3A_859 {add = true, strides = array<i32>} : memref<32x384xf32, #tpu.memory_space<vmem>>, vector<1x16xf32>,
        %swap3A_860 = arith.index_cast %scan3A_839 : i32 to index
        %swap3A_861 = arith.constant 64 : index
        %swap3A_862 = tpu.vector_load %arg9[%swap3A_860, %swap3A_861] {strides = array<i32>} : memref<32x384xf32, #tpu.memory_space<vmem>>, vector<1x16xf32>,
        %swap3A_863 = vector.shape_cast %swap3A_862 : vector<1x16xf32> to vector<16xf32>
        %swap3A_864 = vector.shape_cast %get3A_381 : vector<16xf32> to vector<1x16xf32>
        tpu.vector_store %arg9[%swap3A_860, %swap3A_861], %swap3A_864 {add = true, strides = array<i32>} : memref<32x384xf32, #tpu.memory_space<vmem>>, vector<1x16xf32>,
        %swap3A_865 = arith.index_cast %scan3A_839 : i32 to index
        %swap3A_866 = arith.constant 80 : index
        %swap3A_867 = tpu.vector_load %arg9[%swap3A_865, %swap3A_866] {strides = array<i32>} : memref<32x384xf32, #tpu.memory_space<vmem>>, vector<1x16xf32>,
        %swap3A_868 = vector.shape_cast %swap3A_867 : vector<1x16xf32> to vector<16xf32>
        %swap3A_869 = vector.shape_cast %get3A_385 : vector<16xf32> to vector<1x16xf32>
        tpu.vector_store %arg9[%swap3A_865, %swap3A_866], %swap3A_869 {add = true, strides = array<i32>} : memref<32x384xf32, #tpu.memory_space<vmem>>, vector<1x16xf32>,
        %swap3A_870 = arith.index_cast %scan3A_839 : i32 to index
        %swap3A_871 = arith.constant 96 : index
        %swap3A_872 = tpu.vector_load %arg9[%swap3A_870, %swap3A_871] {strides = array<i32>} : memref<32x384xf32, #tpu.memory_space<vmem>>, vector<1x16xf32>,
        %swap3A_873 = vector.shape_cast %swap3A_872 : vector<1x16xf32> to vector<16xf32>
        %swap3A_874 = vector.shape_cast %get3A_389 : vector<16xf32> to vector<1x16xf32>
        tpu.vector_store %arg9[%swap3A_870, %swap3A_871], %swap3A_874 {add = true, strides = array<i32>} : memref<32x384xf32, #tpu.memory_space<vmem>>, vector<1x16xf32>,
        %swap3A_875 = arith.index_cast %scan3A_839 : i32 to index
        %swap3A_876 = arith.constant 112 : index
        %swap3A_877 = tpu.vector_load %arg9[%swap3A_875, %swap3A_876] {strides = array<i32>} : memref<32x384xf32, #tpu.memory_space<vmem>>, vector<1x16xf32>,
        %swap3A_878 = vector.shape_cast %swap3A_877 : vector<1x16xf32> to vector<16xf32>
        %swap3A_879 = vector.shape_cast %get3A_393 : vector<16xf32> to vector<1x16xf32>
        tpu.vector_store %arg9[%swap3A_875, %swap3A_876], %swap3A_879 {add = true, strides = array<i32>} : memref<32x384xf32, #tpu.memory_space<vmem>>, vector<1x16xf32>,
        %swap3A_880 = arith.index_cast %scan3A_839 : i32 to index
        %swap3A_881 = arith.constant 128 : index
        %swap3A_882 = tpu.vector_load %arg9[%swap3A_880, %swap3A_881] {strides = array<i32>} : memref<32x384xf32, #tpu.memory_space<vmem>>, vector<1x16xf32>,
        %swap3A_883 = vector.shape_cast %swap3A_882 : vector<1x16xf32> to vector<16xf32>
        %swap3A_884 = vector.shape_cast %get3A_397 : vector<16xf32> to vector<1x16xf32>
        tpu.vector_store %arg9[%swap3A_880, %swap3A_881], %swap3A_884 {add = true, strides = array<i32>} : memref<32x384xf32, #tpu.memory_space<vmem>>, vector<1x16xf32>,
        %swap3A_885 = arith.index_cast %scan3A_839 : i32 to index
        %swap3A_886 = arith.constant 144 : index
        %swap3A_887 = tpu.vector_load %arg9[%swap3A_885, %swap3A_886] {strides = array<i32>} : memref<32x384xf32, #tpu.memory_space<vmem>>, vector<1x16xf32>,
        %swap3A_888 = vector.shape_cast %swap3A_887 : vector<1x16xf32> to vector<16xf32>
        %swap3A_889 = vector.shape_cast %get3A_401 : vector<16xf32> to vector<1x16xf32>
        tpu.vector_store %arg9[%swap3A_885, %swap3A_886], %swap3A_889 {add = true, strides = array<i32>} : memref<32x384xf32, #tpu.memory_space<vmem>>, vector<1x16xf32>,
        %swap3A_890 = arith.index_cast %scan3A_839 : i32 to index
        %swap3A_891 = arith.constant 160 : index
        %swap3A_892 = tpu.vector_load %arg9[%swap3A_890, %swap3A_891] {strides = array<i32>} : memref<32x384xf32, #tpu.memory_space<vmem>>, vector<1x16xf32>,
        %swap3A_893 = vector.shape_cast %swap3A_892 : vector<1x16xf32> to vector<16xf32>
        %swap3A_894 = vector.shape_cast %get3A_405 : vector<16xf32> to vector<1x16xf32>
        tpu.vector_store %arg9[%swap3A_890, %swap3A_891], %swap3A_894 {add = true, strides = array<i32>} : memref<32x384xf32, #tpu.memory_space<vmem>>, vector<1x16xf32>,
        %swap3A_895 = arith.index_cast %scan3A_839 : i32 to index
        %swap3A_896 = arith.constant 176 : index
        %swap3A_897 = tpu.vector_load %arg9[%swap3A_895, %swap3A_896] {strides = array<i32>} : memref<32x384xf32, #tpu.memory_space<vmem>>, vector<1x16xf32>,
        %swap3A_898 = vector.shape_cast %swap3A_897 : vector<1x16xf32> to vector<16xf32>
        %swap3A_899 = vector.shape_cast %get3A_409 : vector<16xf32> to vector<1x16xf32>
        tpu.vector_store %arg9[%swap3A_895, %swap3A_896], %swap3A_899 {add = true, strides = array<i32>} : memref<32x384xf32, #tpu.memory_space<vmem>>, vector<1x16xf32>,
        %swap3A_900 = arith.index_cast %scan3A_839 : i32 to index
        %swap3A_901 = arith.constant 192 : index
        %swap3A_902 = tpu.vector_load %arg9[%swap3A_900, %swap3A_901] {strides = array<i32>} : memref<32x384xf32, #tpu.memory_space<vmem>>, vector<1x16xf32>,
        %swap3A_903 = vector.shape_cast %swap3A_902 : vector<1x16xf32> to vector<16xf32>
        %swap3A_904 = vector.shape_cast %get3A_413 : vector<16xf32> to vector<1x16xf32>
        tpu.vector_store %arg9[%swap3A_900, %swap3A_901], %swap3A_904 {add = true, strides = array<i32>} : memref<32x384xf32, #tpu.memory_space<vmem>>, vector<1x16xf32>,
        %swap3A_905 = arith.index_cast %scan3A_839 : i32 to index
        %swap3A_906 = arith.constant 208 : index
        %swap3A_907 = tpu.vector_load %arg9[%swap3A_905, %swap3A_906] {strides = array<i32>} : memref<32x384xf32, #tpu.memory_space<vmem>>, vector<1x16xf32>,
        %swap3A_908 = vector.shape_cast %swap3A_907 : vector<1x16xf32> to vector<16xf32>
        %swap3A_909 = vector.shape_cast %get3A_417 : vector<16xf32> to vector<1x16xf32>
        tpu.vector_store %arg9[%swap3A_905, %swap3A_906], %swap3A_909 {add = true, strides = array<i32>} : memref<32x384xf32, #tpu.memory_space<vmem>>, vector<1x16xf32>,
        %swap3A_910 = arith.index_cast %scan3A_839 : i32 to index
        %swap3A_911 = arith.constant 224 : index
        %swap3A_912 = tpu.vector_load %arg9[%swap3A_910, %swap3A_911] {strides = array<i32>} : memref<32x384xf32, #tpu.memory_space<vmem>>, vector<1x16xf32>,
        %swap3A_913 = vector.shape_cast %swap3A_912 : vector<1x16xf32> to vector<16xf32>
        %swap3A_914 = vector.shape_cast %get3A_421 : vector<16xf32> to vector<1x16xf32>
        tpu.vector_store %arg9[%swap3A_910, %swap3A_911], %swap3A_914 {add = true, strides = array<i32>} : memref<32x384xf32, #tpu.memory_space<vmem>>, vector<1x16xf32>,
        %swap3A_915 = arith.index_cast %scan3A_839 : i32 to index
        %swap3A_916 = arith.constant 240 : index
        %swap3A_917 = tpu.vector_load %arg9[%swap3A_915, %swap3A_916] {strides = array<i32>} : memref<32x384xf32, #tpu.memory_space<vmem>>, vector<1x16xf32>,
        %swap3A_918 = vector.shape_cast %swap3A_917 : vector<1x16xf32> to vector<16xf32>
        %swap3A_919 = vector.shape_cast %get3A_425 : vector<16xf32> to vector<1x16xf32>
        tpu.vector_store %arg9[%swap3A_915, %swap3A_916], %swap3A_919 {add = true, strides = array<i32>} : memref<32x384xf32, #tpu.memory_space<vmem>>, vector<1x16xf32>,
        %swap3A_920 = arith.index_cast %scan3A_839 : i32 to index
        %swap3A_921 = arith.constant 256 : index
        %swap3A_922 = tpu.vector_load %arg9[%swap3A_920, %swap3A_921] {strides = array<i32>} : memref<32x384xf32, #tpu.memory_space<vmem>>, vector<1x16xf32>,
        %swap3A_923 = vector.shape_cast %swap3A_922 : vector<1x16xf32> to vector<16xf32>
        %swap3A_924 = vector.shape_cast %get3A_429 : vector<16xf32> to vector<1x16xf32>
        tpu.vector_store %arg9[%swap3A_920, %swap3A_921], %swap3A_924 {add = true, strides = array<i32>} : memref<32x384xf32, #tpu.memory_space<vmem>>, vector<1x16xf32>,
        %swap3A_925 = arith.index_cast %scan3A_839 : i32 to index
        %swap3A_926 = arith.constant 272 : index
        %swap3A_927 = tpu.vector_load %arg9[%swap3A_925, %swap3A_926] {strides = array<i32>} : memref<32x384xf32, #tpu.memory_space<vmem>>, vector<1x16xf32>,
        %swap3A_928 = vector.shape_cast %swap3A_927 : vector<1x16xf32> to vector<16xf32>
        %swap3A_929 = vector.shape_cast %get3A_433 : vector<16xf32> to vector<1x16xf32>
        tpu.vector_store %arg9[%swap3A_925, %swap3A_926], %swap3A_929 {add = true, strides = array<i32>} : memref<32x384xf32, #tpu.memory_space<vmem>>, vector<1x16xf32>,
        %swap3A_930 = arith.index_cast %scan3A_839 : i32 to index
        %swap3A_931 = arith.constant 288 : index
        %swap3A_932 = tpu.vector_load %arg9[%swap3A_930, %swap3A_931] {strides = array<i32>} : memref<32x384xf32, #tpu.memory_space<vmem>>, vector<1x16xf32>,
        %swap3A_933 = vector.shape_cast %swap3A_932 : vector<1x16xf32> to vector<16xf32>
        %swap3A_934 = vector.shape_cast %get3A_437 : vector<16xf32> to vector<1x16xf32>
        tpu.vector_store %arg9[%swap3A_930, %swap3A_931], %swap3A_934 {add = true, strides = array<i32>} : memref<32x384xf32, #tpu.memory_space<vmem>>, vector<1x16xf32>,
        %swap3A_935 = arith.index_cast %scan3A_839 : i32 to index
        %swap3A_936 = arith.constant 304 : index
        %swap3A_937 = tpu.vector_load %arg9[%swap3A_935, %swap3A_936] {strides = array<i32>} : memref<32x384xf32, #tpu.memory_space<vmem>>, vector<1x16xf32>,
        %swap3A_938 = vector.shape_cast %swap3A_937 : vector<1x16xf32> to vector<16xf32>
        %swap3A_939 = vector.shape_cast %get3A_441 : vector<16xf32> to vector<1x16xf32>
        tpu.vector_store %arg9[%swap3A_935, %swap3A_936], %swap3A_939 {add = true, strides = array<i32>} : memref<32x384xf32, #tpu.memory_space<vmem>>, vector<1x16xf32>,
        %swap3A_940 = arith.index_cast %scan3A_839 : i32 to index
        %swap3A_941 = arith.constant 320 : index
        %swap3A_942 = tpu.vector_load %arg9[%swap3A_940, %swap3A_941] {strides = array<i32>} : memref<32x384xf32, #tpu.memory_space<vmem>>, vector<1x16xf32>,
        %swap3A_943 = vector.shape_cast %swap3A_942 : vector<1x16xf32> to vector<16xf32>
        %swap3A_944 = vector.shape_cast %get3A_445 : vector<16xf32> to vector<1x16xf32>
        tpu.vector_store %arg9[%swap3A_940, %swap3A_941], %swap3A_944 {add = true, strides = array<i32>} : memref<32x384xf32, #tpu.memory_space<vmem>>, vector<1x16xf32>,
        %swap3A_945 = arith.index_cast %scan3A_839 : i32 to index
        %swap3A_946 = arith.constant 336 : index
        %swap3A_947 = tpu.vector_load %arg9[%swap3A_945, %swap3A_946] {strides = array<i32>} : memref<32x384xf32, #tpu.memory_space<vmem>>, vector<1x16xf32>,
        %swap3A_948 = vector.shape_cast %swap3A_947 : vector<1x16xf32> to vector<16xf32>
        %swap3A_949 = vector.shape_cast %get3A_449 : vector<16xf32> to vector<1x16xf32>
        tpu.vector_store %arg9[%swap3A_945, %swap3A_946], %swap3A_949 {add = true, strides = array<i32>} : memref<32x384xf32, #tpu.memory_space<vmem>>, vector<1x16xf32>,
        %swap3A_950 = arith.index_cast %scan3A_839 : i32 to index
        %swap3A_951 = arith.constant 352 : index
        %swap3A_952 = tpu.vector_load %arg9[%swap3A_950, %swap3A_951] {strides = array<i32>} : memref<32x384xf32, #tpu.memory_space<vmem>>, vector<1x16xf32>,
        %swap3A_953 = vector.shape_cast %swap3A_952 : vector<1x16xf32> to vector<16xf32>
        %swap3A_954 = vector.shape_cast %get3A_453 : vector<16xf32> to vector<1x16xf32>
        tpu.vector_store %arg9[%swap3A_950, %swap3A_951], %swap3A_954 {add = true, strides = array<i32>} : memref<32x384xf32, #tpu.memory_space<vmem>>, vector<1x16xf32>,
        %swap3A_955 = arith.index_cast %scan3A_839 : i32 to index
        %swap3A_956 = arith.constant 368 : index
        %swap3A_957 = tpu.vector_load %arg9[%swap3A_955, %swap3A_956] {strides = array<i32>} : memref<32x384xf32, #tpu.memory_space<vmem>>, vector<1x16xf32>,
        %swap3A_958 = vector.shape_cast %swap3A_957 : vector<1x16xf32> to vector<16xf32>
        %swap3A_959 = vector.shape_cast %get3A_457 : vector<16xf32> to vector<1x16xf32>
        tpu.vector_store %arg9[%swap3A_955, %swap3A_956], %swap3A_959 {add = true, strides = array<i32>} : memref<32x384xf32, #tpu.memory_space<vmem>>, vector<1x16xf32>,
        %scan3A_960 = arith.constant 0 : i32
        %scan3A_961 = arith.constant 1 : i32
        %scan3A_962 = arith.addi %scan3A_839, %scan3A_961 : i32
        %swap3A_963 = arith.index_cast %scan3A_962 : i32 to index
        %swap3A_964 = arith.constant 0 : index
        %swap3A_965 = tpu.vector_load %arg9[%swap3A_963, %swap3A_964] {strides = array<i32>} : memref<32x384xf32, #tpu.memory_space<vmem>>, vector<1x16xf32>,
        %swap3A_966 = vector.shape_cast %swap3A_965 : vector<1x16xf32> to vector<16xf32>
        %swap3A_967 = vector.shape_cast %get3A_365 : vector<16xf32> to vector<1x16xf32>
        tpu.vector_store %arg9[%swap3A_963, %swap3A_964], %swap3A_967 {add = true, strides = array<i32>} : memref<32x384xf32, #tpu.memory_space<vmem>>, vector<1x16xf32>,
        %swap3A_968 = arith.index_cast %scan3A_962 : i32 to index
        %swap3A_969 = arith.constant 16 : index
        %swap3A_970 = tpu.vector_load %arg9[%swap3A_968, %swap3A_969] {strides = array<i32>} : memref<32x384xf32, #tpu.memory_space<vmem>>, vector<1x16xf32>,
        %swap3A_971 = vector.shape_cast %swap3A_970 : vector<1x16xf32> to vector<16xf32>
        %swap3A_972 = vector.shape_cast %get3A_369 : vector<16xf32> to vector<1x16xf32>
        tpu.vector_store %arg9[%swap3A_968, %swap3A_969], %swap3A_972 {add = true, strides = array<i32>} : memref<32x384xf32, #tpu.memory_space<vmem>>, vector<1x16xf32>,
        %swap3A_973 = arith.index_cast %scan3A_962 : i32 to index
        %swap3A_974 = arith.constant 32 : index
        %swap3A_975 = tpu.vector_load %arg9[%swap3A_973, %swap3A_974] {strides = array<i32>} : memref<32x384xf32, #tpu.memory_space<vmem>>, vector<1x16xf32>,
        %swap3A_976 = vector.shape_cast %swap3A_975 : vector<1x16xf32> to vector<16xf32>
        %swap3A_977 = vector.shape_cast %get3A_373 : vector<16xf32> to vector<1x16xf32>
        tpu.vector_store %arg9[%swap3A_973, %swap3A_974], %swap3A_977 {add = true, strides = array<i32>} : memref<32x384xf32, #tpu.memory_space<vmem>>, vector<1x16xf32>,
        %swap3A_978 = arith.index_cast %scan3A_962 : i32 to index
        %swap3A_979 = arith.constant 48 : index
        %swap3A_980 = tpu.vector_load %arg9[%swap3A_978, %swap3A_979] {strides = array<i32>} : memref<32x384xf32, #tpu.memory_space<vmem>>, vector<1x16xf32>,
        %swap3A_981 = vector.shape_cast %swap3A_980 : vector<1x16xf32> to vector<16xf32>
        %swap3A_982 = vector.shape_cast %get3A_377 : vector<16xf32> to vector<1x16xf32>
        tpu.vector_store %arg9[%swap3A_978, %swap3A_979], %swap3A_982 {add = true, strides = array<i32>} : memref<32x384xf32, #tpu.memory_space<vmem>>, vector<1x16xf32>,
        %swap3A_983 = arith.index_cast %scan3A_962 : i32 to index
        %swap3A_984 = arith.constant 64 : index
        %swap3A_985 = tpu.vector_load %arg9[%swap3A_983, %swap3A_984] {strides = array<i32>} : memref<32x384xf32, #tpu.memory_space<vmem>>, vector<1x16xf32>,
        %swap3A_986 = vector.shape_cast %swap3A_985 : vector<1x16xf32> to vector<16xf32>
        %swap3A_987 = vector.shape_cast %get3A_381 : vector<16xf32> to vector<1x16xf32>
        tpu.vector_store %arg9[%swap3A_983, %swap3A_984], %swap3A_987 {add = true, strides = array<i32>} : memref<32x384xf32, #tpu.memory_space<vmem>>, vector<1x16xf32>,
        %swap3A_988 = arith.index_cast %scan3A_962 : i32 to index
        %swap3A_989 = arith.constant 80 : index
        %swap3A_990 = tpu.vector_load %arg9[%swap3A_988, %swap3A_989] {strides = array<i32>} : memref<32x384xf32, #tpu.memory_space<vmem>>, vector<1x16xf32>,
        %swap3A_991 = vector.shape_cast %swap3A_990 : vector<1x16xf32> to vector<16xf32>
        %swap3A_992 = vector.shape_cast %get3A_385 : vector<16xf32> to vector<1x16xf32>
        tpu.vector_store %arg9[%swap3A_988, %swap3A_989], %swap3A_992 {add = true, strides = array<i32>} : memref<32x384xf32, #tpu.memory_space<vmem>>, vector<1x16xf32>,
        %swap3A_993 = arith.index_cast %scan3A_962 : i32 to index
        %swap3A_994 = arith.constant 96 : index
        %swap3A_995 = tpu.vector_load %arg9[%swap3A_993, %swap3A_994] {strides = array<i32>} : memref<32x384xf32, #tpu.memory_space<vmem>>, vector<1x16xf32>,
        %swap3A_996 = vector.shape_cast %swap3A_995 : vector<1x16xf32> to vector<16xf32>
        %swap3A_997 = vector.shape_cast %get3A_389 : vector<16xf32> to vector<1x16xf32>
        tpu.vector_store %arg9[%swap3A_993, %swap3A_994], %swap3A_997 {add = true, strides = array<i32>} : memref<32x384xf32, #tpu.memory_space<vmem>>, vector<1x16xf32>,
        %swap3A_998 = arith.index_cast %scan3A_962 : i32 to index
        %swap3A_999 = arith.constant 112 : index
        %swap3A_1000 = tpu.vector_load %arg9[%swap3A_998, %swap3A_999] {strides = array<i32>} : memref<32x384xf32, #tpu.memory_space<vmem>>, vector<1x16xf32>,
        %swap3A_1001 = vector.shape_cast %swap3A_1000 : vector<1x16xf32> to vector<16xf32>
        %swap3A_1002 = vector.shape_cast %get3A_393 : vector<16xf32> to vector<1x16xf32>
        tpu.vector_store %arg9[%swap3A_998, %swap3A_999], %swap3A_1002 {add = true, strides = array<i32>} : memref<32x384xf32, #tpu.memory_space<vmem>>, vector<1x16xf32>,
        %swap3A_1003 = arith.index_cast %scan3A_962 : i32 to index
        %swap3A_1004 = arith.constant 128 : index
        %swap3A_1005 = tpu.vector_load %arg9[%swap3A_1003, %swap3A_1004] {strides = array<i32>} : memref<32x384xf32, #tpu.memory_space<vmem>>, vector<1x16xf32>,
        %swap3A_1006 = vector.shape_cast %swap3A_1005 : vector<1x16xf32> to vector<16xf32>
        %swap3A_1007 = vector.shape_cast %get3A_397 : vector<16xf32> to vector<1x16xf32>
        tpu.vector_store %arg9[%swap3A_1003, %swap3A_1004], %swap3A_1007 {add = true, strides = array<i32>} : memref<32x384xf32, #tpu.memory_space<vmem>>, vector<1x16xf32>,
        %swap3A_1008 = arith.index_cast %scan3A_962 : i32 to index
        %swap3A_1009 = arith.constant 144 : index
        %swap3A_1010 = tpu.vector_load %arg9[%swap3A_1008, %swap3A_1009] {strides = array<i32>} : memref<32x384xf32, #tpu.memory_space<vmem>>, vector<1x16xf32>,
        %swap3A_1011 = vector.shape_cast %swap3A_1010 : vector<1x16xf32> to vector<16xf32>
        %swap3A_1012 = vector.shape_cast %get3A_401 : vector<16xf32> to vector<1x16xf32>
        tpu.vector_store %arg9[%swap3A_1008, %swap3A_1009], %swap3A_1012 {add = true, strides = array<i32>} : memref<32x384xf32, #tpu.memory_space<vmem>>, vector<1x16xf32>,
        %swap3A_1013 = arith.index_cast %scan3A_962 : i32 to index
        %swap3A_1014 = arith.constant 160 : index
        %swap3A_1015 = tpu.vector_load %arg9[%swap3A_1013, %swap3A_1014] {strides = array<i32>} : memref<32x384xf32, #tpu.memory_space<vmem>>, vector<1x16xf32>,
        %swap3A_1016 = vector.shape_cast %swap3A_1015 : vector<1x16xf32> to vector<16xf32>
        %swap3A_1017 = vector.shape_cast %get3A_405 : vector<16xf32> to vector<1x16xf32>
        tpu.vector_store %arg9[%swap3A_1013, %swap3A_1014], %swap3A_1017 {add = true, strides = array<i32>} : memref<32x384xf32, #tpu.memory_space<vmem>>, vector<1x16xf32>,
        %swap3A_1018 = arith.index_cast %scan3A_962 : i32 to index
        %swap3A_1019 = arith.constant 176 : index
        %swap3A_1020 = tpu.vector_load %arg9[%swap3A_1018, %swap3A_1019] {strides = array<i32>} : memref<32x384xf32, #tpu.memory_space<vmem>>, vector<1x16xf32>,
        %swap3A_1021 = vector.shape_cast %swap3A_1020 : vector<1x16xf32> to vector<16xf32>
        %swap3A_1022 = vector.shape_cast %get3A_409 : vector<16xf32> to vector<1x16xf32>
        tpu.vector_store %arg9[%swap3A_1018, %swap3A_1019], %swap3A_1022 {add = true, strides = array<i32>} : memref<32x384xf32, #tpu.memory_space<vmem>>, vector<1x16xf32>,
        %swap3A_1023 = arith.index_cast %scan3A_962 : i32 to index
        %swap3A_1024 = arith.constant 192 : index
        %swap3A_1025 = tpu.vector_load %arg9[%swap3A_1023, %swap3A_1024] {strides = array<i32>} : memref<32x384xf32, #tpu.memory_space<vmem>>, vector<1x16xf32>,
        %swap3A_1026 = vector.shape_cast %swap3A_1025 : vector<1x16xf32> to vector<16xf32>
        %swap3A_1027 = vector.shape_cast %get3A_413 : vector<16xf32> to vector<1x16xf32>
        tpu.vector_store %arg9[%swap3A_1023, %swap3A_1024], %swap3A_1027 {add = true, strides = array<i32>} : memref<32x384xf32, #tpu.memory_space<vmem>>, vector<1x16xf32>,
        %swap3A_1028 = arith.index_cast %scan3A_962 : i32 to index
        %swap3A_1029 = arith.constant 208 : index
        %swap3A_1030 = tpu.vector_load %arg9[%swap3A_1028, %swap3A_1029] {strides = array<i32>} : memref<32x384xf32, #tpu.memory_space<vmem>>, vector<1x16xf32>,
        %swap3A_1031 = vector.shape_cast %swap3A_1030 : vector<1x16xf32> to vector<16xf32>
        %swap3A_1032 = vector.shape_cast %get3A_417 : vector<16xf32> to vector<1x16xf32>
        tpu.vector_store %arg9[%swap3A_1028, %swap3A_1029], %swap3A_1032 {add = true, strides = array<i32>} : memref<32x384xf32, #tpu.memory_space<vmem>>, vector<1x16xf32>,
        %swap3A_1033 = arith.index_cast %scan3A_962 : i32 to index
        %swap3A_1034 = arith.constant 224 : index
        %swap3A_1035 = tpu.vector_load %arg9[%swap3A_1033, %swap3A_1034] {strides = array<i32>} : memref<32x384xf32, #tpu.memory_space<vmem>>, vector<1x16xf32>,
        %swap3A_1036 = vector.shape_cast %swap3A_1035 : vector<1x16xf32> to vector<16xf32>
        %swap3A_1037 = vector.shape_cast %get3A_421 : vector<16xf32> to vector<1x16xf32>
        tpu.vector_store %arg9[%swap3A_1033, %swap3A_1034], %swap3A_1037 {add = true, strides = array<i32>} : memref<32x384xf32, #tpu.memory_space<vmem>>, vector<1x16xf32>,
        %swap3A_1038 = arith.index_cast %scan3A_962 : i32 to index
        %swap3A_1039 = arith.constant 240 : index
        %swap3A_1040 = tpu.vector_load %arg9[%swap3A_1038, %swap3A_1039] {strides = array<i32>} : memref<32x384xf32, #tpu.memory_space<vmem>>, vector<1x16xf32>,
        %swap3A_1041 = vector.shape_cast %swap3A_1040 : vector<1x16xf32> to vector<16xf32>
        %swap3A_1042 = vector.shape_cast %get3A_425 : vector<16xf32> to vector<1x16xf32>
        tpu.vector_store %arg9[%swap3A_1038, %swap3A_1039], %swap3A_1042 {add = true, strides = array<i32>} : memref<32x384xf32, #tpu.memory_space<vmem>>, vector<1x16xf32>,
        %swap3A_1043 = arith.index_cast %scan3A_962 : i32 to index
        %swap3A_1044 = arith.constant 256 : index
        %swap3A_1045 = tpu.vector_load %arg9[%swap3A_1043, %swap3A_1044] {strides = array<i32>} : memref<32x384xf32, #tpu.memory_space<vmem>>, vector<1x16xf32>,
        %swap3A_1046 = vector.shape_cast %swap3A_1045 : vector<1x16xf32> to vector<16xf32>
        %swap3A_1047 = vector.shape_cast %get3A_429 : vector<16xf32> to vector<1x16xf32>
        tpu.vector_store %arg9[%swap3A_1043, %swap3A_1044], %swap3A_1047 {add = true, strides = array<i32>} : memref<32x384xf32, #tpu.memory_space<vmem>>, vector<1x16xf32>,
        %swap3A_1048 = arith.index_cast %scan3A_962 : i32 to index
        %swap3A_1049 = arith.constant 272 : index
        %swap3A_1050 = tpu.vector_load %arg9[%swap3A_1048, %swap3A_1049] {strides = array<i32>} : memref<32x384xf32, #tpu.memory_space<vmem>>, vector<1x16xf32>,
        %swap3A_1051 = vector.shape_cast %swap3A_1050 : vector<1x16xf32> to vector<16xf32>
        %swap3A_1052 = vector.shape_cast %get3A_433 : vector<16xf32> to vector<1x16xf32>
        tpu.vector_store %arg9[%swap3A_1048, %swap3A_1049], %swap3A_1052 {add = true, strides = array<i32>} : memref<32x384xf32, #tpu.memory_space<vmem>>, vector<1x16xf32>,
        %swap3A_1053 = arith.index_cast %scan3A_962 : i32 to index
        %swap3A_1054 = arith.constant 288 : index
        %swap3A_1055 = tpu.vector_load %arg9[%swap3A_1053, %swap3A_1054] {strides = array<i32>} : memref<32x384xf32, #tpu.memory_space<vmem>>, vector<1x16xf32>,
        %swap3A_1056 = vector.shape_cast %swap3A_1055 : vector<1x16xf32> to vector<16xf32>
        %swap3A_1057 = vector.shape_cast %get3A_437 : vector<16xf32> to vector<1x16xf32>
        tpu.vector_store %arg9[%swap3A_1053, %swap3A_1054], %swap3A_1057 {add = true, strides = array<i32>} : memref<32x384xf32, #tpu.memory_space<vmem>>, vector<1x16xf32>,
        %swap3A_1058 = arith.index_cast %scan3A_962 : i32 to index
        %swap3A_1059 = arith.constant 304 : index
        %swap3A_1060 = tpu.vector_load %arg9[%swap3A_1058, %swap3A_1059] {strides = array<i32>} : memref<32x384xf32, #tpu.memory_space<vmem>>, vector<1x16xf32>,
        %swap3A_1061 = vector.shape_cast %swap3A_1060 : vector<1x16xf32> to vector<16xf32>
        %swap3A_1062 = vector.shape_cast %get3A_441 : vector<16xf32> to vector<1x16xf32>
        tpu.vector_store %arg9[%swap3A_1058, %swap3A_1059], %swap3A_1062 {add = true, strides = array<i32>} : memref<32x384xf32, #tpu.memory_space<vmem>>, vector<1x16xf32>,
        %swap3A_1063 = arith.index_cast %scan3A_962 : i32 to index
        %swap3A_1064 = arith.constant 320 : index
        %swap3A_1065 = tpu.vector_load %arg9[%swap3A_1063, %swap3A_1064] {strides = array<i32>} : memref<32x384xf32, #tpu.memory_space<vmem>>, vector<1x16xf32>,
        %swap3A_1066 = vector.shape_cast %swap3A_1065 : vector<1x16xf32> to vector<16xf32>
        %swap3A_1067 = vector.shape_cast %get3A_445 : vector<16xf32> to vector<1x16xf32>
        tpu.vector_store %arg9[%swap3A_1063, %swap3A_1064], %swap3A_1067 {add = true, strides = array<i32>} : memref<32x384xf32, #tpu.memory_space<vmem>>, vector<1x16xf32>,
        %swap3A_1068 = arith.index_cast %scan3A_962 : i32 to index
        %swap3A_1069 = arith.constant 336 : index
        %swap3A_1070 = tpu.vector_load %arg9[%swap3A_1068, %swap3A_1069] {strides = array<i32>} : memref<32x384xf32, #tpu.memory_space<vmem>>, vector<1x16xf32>,
        %swap3A_1071 = vector.shape_cast %swap3A_1070 : vector<1x16xf32> to vector<16xf32>
        %swap3A_1072 = vector.shape_cast %get3A_449 : vector<16xf32> to vector<1x16xf32>
        tpu.vector_store %arg9[%swap3A_1068, %swap3A_1069], %swap3A_1072 {add = true, strides = array<i32>} : memref<32x384xf32, #tpu.memory_space<vmem>>, vector<1x16xf32>,
        %swap3A_1073 = arith.index_cast %scan3A_962 : i32 to index
        %swap3A_1074 = arith.constant 352 : index
        %swap3A_1075 = tpu.vector_load %arg9[%swap3A_1073, %swap3A_1074] {strides = array<i32>} : memref<32x384xf32, #tpu.memory_space<vmem>>, vector<1x16xf32>,
        %swap3A_1076 = vector.shape_cast %swap3A_1075 : vector<1x16xf32> to vector<16xf32>
        %swap3A_1077 = vector.shape_cast %get3A_453 : vector<16xf32> to vector<1x16xf32>
        tpu.vector_store %arg9[%swap3A_1073, %swap3A_1074], %swap3A_1077 {add = true, strides = array<i32>} : memref<32x384xf32, #tpu.memory_space<vmem>>, vector<1x16xf32>,
        %swap3A_1078 = arith.index_cast %scan3A_962 : i32 to index
        %swap3A_1079 = arith.constant 368 : index
        %swap3A_1080 = tpu.vector_load %arg9[%swap3A_1078, %swap3A_1079] {strides = array<i32>} : memref<32x384xf32, #tpu.memory_space<vmem>>, vector<1x16xf32>,
        %swap3A_1081 = vector.shape_cast %swap3A_1080 : vector<1x16xf32> to vector<16xf32>
        %swap3A_1082 = vector.shape_cast %get3A_457 : vector<16xf32> to vector<1x16xf32>
        tpu.vector_store %arg9[%swap3A_1078, %swap3A_1079], %swap3A_1082 {add = true, strides = array<i32>} : memref<32x384xf32, #tpu.memory_space<vmem>>, vector<1x16xf32>,
        %scan3A_1083 = arith.constant 0 : i32
        %scan3A_1084 = arith.constant 2 : i32
        %scan3A_1085 = arith.addi %scan3A_839, %scan3A_1084 : i32
        %swap3A_1086 = arith.index_cast %scan3A_1085 : i32 to index
        %swap3A_1087 = arith.constant 0 : index
        %swap3A_1088 = tpu.vector_load %arg9[%swap3A_1086, %swap3A_1087] {strides = array<i32>} : memref<32x384xf32, #tpu.memory_space<vmem>>, vector<1x16xf32>,
        %swap3A_1089 = vector.shape_cast %swap3A_1088 : vector<1x16xf32> to vector<16xf32>
        %swap3A_1090 = vector.shape_cast %get3A_365 : vector<16xf32> to vector<1x16xf32>
        tpu.vector_store %arg9[%swap3A_1086, %swap3A_1087], %swap3A_1090 {add = true, strides = array<i32>} : memref<32x384xf32, #tpu.memory_space<vmem>>, vector<1x16xf32>,
        %swap3A_1091 = arith.index_cast %scan3A_1085 : i32 to index
        %swap3A_1092 = arith.constant 16 : index
        %swap3A_1093 = tpu.vector_load %arg9[%swap3A_1091, %swap3A_1092] {strides = array<i32>} : memref<32x384xf32, #tpu.memory_space<vmem>>, vector<1x16xf32>,
        %swap3A_1094 = vector.shape_cast %swap3A_1093 : vector<1x16xf32> to vector<16xf32>
        %swap3A_1095 = vector.shape_cast %get3A_369 : vector<16xf32> to vector<1x16xf32>
        tpu.vector_store %arg9[%swap3A_1091, %swap3A_1092], %swap3A_1095 {add = true, strides = array<i32>} : memref<32x384xf32, #tpu.memory_space<vmem>>, vector<1x16xf32>,
        %swap3A_1096 = arith.index_cast %scan3A_1085 : i32 to index
        %swap3A_1097 = arith.constant 32 : index
        %swap3A_1098 = tpu.vector_load %arg9[%swap3A_1096, %swap3A_1097] {strides = array<i32>} : memref<32x384xf32, #tpu.memory_space<vmem>>, vector<1x16xf32>,
        %swap3A_1099 = vector.shape_cast %swap3A_1098 : vector<1x16xf32> to vector<16xf32>
        %swap3A_1100 = vector.shape_cast %get3A_373 : vector<16xf32> to vector<1x16xf32>
        tpu.vector_store %arg9[%swap3A_1096, %swap3A_1097], %swap3A_1100 {add = true, strides = array<i32>} : memref<32x384xf32, #tpu.memory_space<vmem>>, vector<1x16xf32>,
        %swap3A_1101 = arith.index_cast %scan3A_1085 : i32 to index
        %swap3A_1102 = arith.constant 48 : index
        %swap3A_1103 = tpu.vector_load %arg9[%swap3A_1101, %swap3A_1102] {strides = array<i32>} : memref<32x384xf32, #tpu.memory_space<vmem>>, vector<1x16xf32>,
        %swap3A_1104 = vector.shape_cast %swap3A_1103 : vector<1x16xf32> to vector<16xf32>
        %swap3A_1105 = vector.shape_cast %get3A_377 : vector<16xf32> to vector<1x16xf32>
        tpu.vector_store %arg9[%swap3A_1101, %swap3A_1102], %swap3A_1105 {add = true, strides = array<i32>} : memref<32x384xf32, #tpu.memory_space<vmem>>, vector<1x16xf32>,
        %swap3A_1106 = arith.index_cast %scan3A_1085 : i32 to index
        %swap3A_1107 = arith.constant 64 : index
        %swap3A_1108 = tpu.vector_load %arg9[%swap3A_1106, %swap3A_1107] {strides = array<i32>} : memref<32x384xf32, #tpu.memory_space<vmem>>, vector<1x16xf32>,
        %swap3A_1109 = vector.shape_cast %swap3A_1108 : vector<1x16xf32> to vector<16xf32>
        %swap3A_1110 = vector.shape_cast %get3A_381 : vector<16xf32> to vector<1x16xf32>
        tpu.vector_store %arg9[%swap3A_1106, %swap3A_1107], %swap3A_1110 {add = true, strides = array<i32>} : memref<32x384xf32, #tpu.memory_space<vmem>>, vector<1x16xf32>,
        %swap3A_1111 = arith.index_cast %scan3A_1085 : i32 to index
        %swap3A_1112 = arith.constant 80 : index
        %swap3A_1113 = tpu.vector_load %arg9[%swap3A_1111, %swap3A_1112] {strides = array<i32>} : memref<32x384xf32, #tpu.memory_space<vmem>>, vector<1x16xf32>,
        %swap3A_1114 = vector.shape_cast %swap3A_1113 : vector<1x16xf32> to vector<16xf32>
        %swap3A_1115 = vector.shape_cast %get3A_385 : vector<16xf32> to vector<1x16xf32>
        tpu.vector_store %arg9[%swap3A_1111, %swap3A_1112], %swap3A_1115 {add = true, strides = array<i32>} : memref<32x384xf32, #tpu.memory_space<vmem>>, vector<1x16xf32>,
        %swap3A_1116 = arith.index_cast %scan3A_1085 : i32 to index
        %swap3A_1117 = arith.constant 96 : index
        %swap3A_1118 = tpu.vector_load %arg9[%swap3A_1116, %swap3A_1117] {strides = array<i32>} : memref<32x384xf32, #tpu.memory_space<vmem>>, vector<1x16xf32>,
        %swap3A_1119 = vector.shape_cast %swap3A_1118 : vector<1x16xf32> to vector<16xf32>
        %swap3A_1120 = vector.shape_cast %get3A_389 : vector<16xf32> to vector<1x16xf32>
        tpu.vector_store %arg9[%swap3A_1116, %swap3A_1117], %swap3A_1120 {add = true, strides = array<i32>} : memref<32x384xf32, #tpu.memory_space<vmem>>, vector<1x16xf32>,
        %swap3A_1121 = arith.index_cast %scan3A_1085 : i32 to index
        %swap3A_1122 = arith.constant 112 : index
        %swap3A_1123 = tpu.vector_load %arg9[%swap3A_1121, %swap3A_1122] {strides = array<i32>} : memref<32x384xf32, #tpu.memory_space<vmem>>, vector<1x16xf32>,
        %swap3A_1124 = vector.shape_cast %swap3A_1123 : vector<1x16xf32> to vector<16xf32>
        %swap3A_1125 = vector.shape_cast %get3A_393 : vector<16xf32> to vector<1x16xf32>
        tpu.vector_store %arg9[%swap3A_1121, %swap3A_1122], %swap3A_1125 {add = true, strides = array<i32>} : memref<32x384xf32, #tpu.memory_space<vmem>>, vector<1x16xf32>,
        %swap3A_1126 = arith.index_cast %scan3A_1085 : i32 to index
        %swap3A_1127 = arith.constant 128 : index
        %swap3A_1128 = tpu.vector_load %arg9[%swap3A_1126, %swap3A_1127] {strides = array<i32>} : memref<32x384xf32, #tpu.memory_space<vmem>>, vector<1x16xf32>,
        %swap3A_1129 = vector.shape_cast %swap3A_1128 : vector<1x16xf32> to vector<16xf32>
        %swap3A_1130 = vector.shape_cast %get3A_397 : vector<16xf32> to vector<1x16xf32>
        tpu.vector_store %arg9[%swap3A_1126, %swap3A_1127], %swap3A_1130 {add = true, strides = array<i32>} : memref<32x384xf32, #tpu.memory_space<vmem>>, vector<1x16xf32>,
        %swap3A_1131 = arith.index_cast %scan3A_1085 : i32 to index
        %swap3A_1132 = arith.constant 144 : index
        %swap3A_1133 = tpu.vector_load %arg9[%swap3A_1131, %swap3A_1132] {strides = array<i32>} : memref<32x384xf32, #tpu.memory_space<vmem>>, vector<1x16xf32>,
        %swap3A_1134 = vector.shape_cast %swap3A_1133 : vector<1x16xf32> to vector<16xf32>
        %swap3A_1135 = vector.shape_cast %get3A_401 : vector<16xf32> to vector<1x16xf32>
        tpu.vector_store %arg9[%swap3A_1131, %swap3A_1132], %swap3A_1135 {add = true, strides = array<i32>} : memref<32x384xf32, #tpu.memory_space<vmem>>, vector<1x16xf32>,
        %swap3A_1136 = arith.index_cast %scan3A_1085 : i32 to index
        %swap3A_1137 = arith.constant 160 : index
        %swap3A_1138 = tpu.vector_load %arg9[%swap3A_1136, %swap3A_1137] {strides = array<i32>} : memref<32x384xf32, #tpu.memory_space<vmem>>, vector<1x16xf32>,
        %swap3A_1139 = vector.shape_cast %swap3A_1138 : vector<1x16xf32> to vector<16xf32>
        %swap3A_1140 = vector.shape_cast %get3A_405 : vector<16xf32> to vector<1x16xf32>
        tpu.vector_store %arg9[%swap3A_1136, %swap3A_1137], %swap3A_1140 {add = true, strides = array<i32>} : memref<32x384xf32, #tpu.memory_space<vmem>>, vector<1x16xf32>,
        %swap3A_1141 = arith.index_cast %scan3A_1085 : i32 to index
        %swap3A_1142 = arith.constant 176 : index
        %swap3A_1143 = tpu.vector_load %arg9[%swap3A_1141, %swap3A_1142] {strides = array<i32>} : memref<32x384xf32, #tpu.memory_space<vmem>>, vector<1x16xf32>,
        %swap3A_1144 = vector.shape_cast %swap3A_1143 : vector<1x16xf32> to vector<16xf32>
        %swap3A_1145 = vector.shape_cast %get3A_409 : vector<16xf32> to vector<1x16xf32>
        tpu.vector_store %arg9[%swap3A_1141, %swap3A_1142], %swap3A_1145 {add = true, strides = array<i32>} : memref<32x384xf32, #tpu.memory_space<vmem>>, vector<1x16xf32>,
        %swap3A_1146 = arith.index_cast %scan3A_1085 : i32 to index
        %swap3A_1147 = arith.constant 192 : index
        %swap3A_1148 = tpu.vector_load %arg9[%swap3A_1146, %swap3A_1147] {strides = array<i32>} : memref<32x384xf32, #tpu.memory_space<vmem>>, vector<1x16xf32>,
        %swap3A_1149 = vector.shape_cast %swap3A_1148 : vector<1x16xf32> to vector<16xf32>
        %swap3A_1150 = vector.shape_cast %get3A_413 : vector<16xf32> to vector<1x16xf32>
        tpu.vector_store %arg9[%swap3A_1146, %swap3A_1147], %swap3A_1150 {add = true, strides = array<i32>} : memref<32x384xf32, #tpu.memory_space<vmem>>, vector<1x16xf32>,
        %swap3A_1151 = arith.index_cast %scan3A_1085 : i32 to index
        %swap3A_1152 = arith.constant 208 : index
        %swap3A_1153 = tpu.vector_load %arg9[%swap3A_1151, %swap3A_1152] {strides = array<i32>} : memref<32x384xf32, #tpu.memory_space<vmem>>, vector<1x16xf32>,
        %swap3A_1154 = vector.shape_cast %swap3A_1153 : vector<1x16xf32> to vector<16xf32>
        %swap3A_1155 = vector.shape_cast %get3A_417 : vector<16xf32> to vector<1x16xf32>
        tpu.vector_store %arg9[%swap3A_1151, %swap3A_1152], %swap3A_1155 {add = true, strides = array<i32>} : memref<32x384xf32, #tpu.memory_space<vmem>>, vector<1x16xf32>,
        %swap3A_1156 = arith.index_cast %scan3A_1085 : i32 to index
        %swap3A_1157 = arith.constant 224 : index
        %swap3A_1158 = tpu.vector_load %arg9[%swap3A_1156, %swap3A_1157] {strides = array<i32>} : memref<32x384xf32, #tpu.memory_space<vmem>>, vector<1x16xf32>,
        %swap3A_1159 = vector.shape_cast %swap3A_1158 : vector<1x16xf32> to vector<16xf32>
        %swap3A_1160 = vector.shape_cast %get3A_421 : vector<16xf32> to vector<1x16xf32>
        tpu.vector_store %arg9[%swap3A_1156, %swap3A_1157], %swap3A_1160 {add = true, strides = array<i32>} : memref<32x384xf32, #tpu.memory_space<vmem>>, vector<1x16xf32>,
        %swap3A_1161 = arith.index_cast %scan3A_1085 : i32 to index
        %swap3A_1162 = arith.constant 240 : index
        %swap3A_1163 = tpu.vector_load %arg9[%swap3A_1161, %swap3A_1162] {strides = array<i32>} : memref<32x384xf32, #tpu.memory_space<vmem>>, vector<1x16xf32>,
        %swap3A_1164 = vector.shape_cast %swap3A_1163 : vector<1x16xf32> to vector<16xf32>
        %swap3A_1165 = vector.shape_cast %get3A_425 : vector<16xf32> to vector<1x16xf32>
        tpu.vector_store %arg9[%swap3A_1161, %swap3A_1162], %swap3A_1165 {add = true, strides = array<i32>} : memref<32x384xf32, #tpu.memory_space<vmem>>, vector<1x16xf32>,
        %swap3A_1166 = arith.index_cast %scan3A_1085 : i32 to index
        %swap3A_1167 = arith.constant 256 : index
        %swap3A_1168 = tpu.vector_load %arg9[%swap3A_1166, %swap3A_1167] {strides = array<i32>} : memref<32x384xf32, #tpu.memory_space<vmem>>, vector<1x16xf32>,
        %swap3A_1169 = vector.shape_cast %swap3A_1168 : vector<1x16xf32> to vector<16xf32>
        %swap3A_1170 = vector.shape_cast %get3A_429 : vector<16xf32> to vector<1x16xf32>
        tpu.vector_store %arg9[%swap3A_1166, %swap3A_1167], %swap3A_1170 {add = true, strides = array<i32>} : memref<32x384xf32, #tpu.memory_space<vmem>>, vector<1x16xf32>,
        %swap3A_1171 = arith.index_cast %scan3A_1085 : i32 to index
        %swap3A_1172 = arith.constant 272 : index
        %swap3A_1173 = tpu.vector_load %arg9[%swap3A_1171, %swap3A_1172] {strides = array<i32>} : memref<32x384xf32, #tpu.memory_space<vmem>>, vector<1x16xf32>,
        %swap3A_1174 = vector.shape_cast %swap3A_1173 : vector<1x16xf32> to vector<16xf32>
        %swap3A_1175 = vector.shape_cast %get3A_433 : vector<16xf32> to vector<1x16xf32>
        tpu.vector_store %arg9[%swap3A_1171, %swap3A_1172], %swap3A_1175 {add = true, strides = array<i32>} : memref<32x384xf32, #tpu.memory_space<vmem>>, vector<1x16xf32>,
        %swap3A_1176 = arith.index_cast %scan3A_1085 : i32 to index
        %swap3A_1177 = arith.constant 288 : index
        %swap3A_1178 = tpu.vector_load %arg9[%swap3A_1176, %swap3A_1177] {strides = array<i32>} : memref<32x384xf32, #tpu.memory_space<vmem>>, vector<1x16xf32>,
        %swap3A_1179 = vector.shape_cast %swap3A_1178 : vector<1x16xf32> to vector<16xf32>
        %swap3A_1180 = vector.shape_cast %get3A_437 : vector<16xf32> to vector<1x16xf32>
        tpu.vector_store %arg9[%swap3A_1176, %swap3A_1177], %swap3A_1180 {add = true, strides = array<i32>} : memref<32x384xf32, #tpu.memory_space<vmem>>, vector<1x16xf32>,
        %swap3A_1181 = arith.index_cast %scan3A_1085 : i32 to index
        %swap3A_1182 = arith.constant 304 : index
        %swap3A_1183 = tpu.vector_load %arg9[%swap3A_1181, %swap3A_1182] {strides = array<i32>} : memref<32x384xf32, #tpu.memory_space<vmem>>, vector<1x16xf32>,
        %swap3A_1184 = vector.shape_cast %swap3A_1183 : vector<1x16xf32> to vector<16xf32>
        %swap3A_1185 = vector.shape_cast %get3A_441 : vector<16xf32> to vector<1x16xf32>
        tpu.vector_store %arg9[%swap3A_1181, %swap3A_1182], %swap3A_1185 {add = true, strides = array<i32>} : memref<32x384xf32, #tpu.memory_space<vmem>>, vector<1x16xf32>,
        %swap3A_1186 = arith.index_cast %scan3A_1085 : i32 to index
        %swap3A_1187 = arith.constant 320 : index
        %swap3A_1188 = tpu.vector_load %arg9[%swap3A_1186, %swap3A_1187] {strides = array<i32>} : memref<32x384xf32, #tpu.memory_space<vmem>>, vector<1x16xf32>,
        %swap3A_1189 = vector.shape_cast %swap3A_1188 : vector<1x16xf32> to vector<16xf32>
        %swap3A_1190 = vector.shape_cast %get3A_445 : vector<16xf32> to vector<1x16xf32>
        tpu.vector_store %arg9[%swap3A_1186, %swap3A_1187], %swap3A_1190 {add = true, strides = array<i32>} : memref<32x384xf32, #tpu.memory_space<vmem>>, vector<1x16xf32>,
        %swap3A_1191 = arith.index_cast %scan3A_1085 : i32 to index
        %swap3A_1192 = arith.constant 336 : index
        %swap3A_1193 = tpu.vector_load %arg9[%swap3A_1191, %swap3A_1192] {strides = array<i32>} : memref<32x384xf32, #tpu.memory_space<vmem>>, vector<1x16xf32>,
        %swap3A_1194 = vector.shape_cast %swap3A_1193 : vector<1x16xf32> to vector<16xf32>
        %swap3A_1195 = vector.shape_cast %get3A_449 : vector<16xf32> to vector<1x16xf32>
        tpu.vector_store %arg9[%swap3A_1191, %swap3A_1192], %swap3A_1195 {add = true, strides = array<i32>} : memref<32x384xf32, #tpu.memory_space<vmem>>, vector<1x16xf32>,
        %swap3A_1196 = arith.index_cast %scan3A_1085 : i32 to index
        %swap3A_1197 = arith.constant 352 : index
        %swap3A_1198 = tpu.vector_load %arg9[%swap3A_1196, %swap3A_1197] {strides = array<i32>} : memref<32x384xf32, #tpu.memory_space<vmem>>, vector<1x16xf32>,
        %swap3A_1199 = vector.shape_cast %swap3A_1198 : vector<1x16xf32> to vector<16xf32>
        %swap3A_1200 = vector.shape_cast %get3A_453 : vector<16xf32> to vector<1x16xf32>
        tpu.vector_store %arg9[%swap3A_1196, %swap3A_1197], %swap3A_1200 {add = true, strides = array<i32>} : memref<32x384xf32, #tpu.memory_space<vmem>>, vector<1x16xf32>,
        %swap3A_1201 = arith.index_cast %scan3A_1085 : i32 to index
        %swap3A_1202 = arith.constant 368 : index
        %swap3A_1203 = tpu.vector_load %arg9[%swap3A_1201, %swap3A_1202] {strides = array<i32>} : memref<32x384xf32, #tpu.memory_space<vmem>>, vector<1x16xf32>,
        %swap3A_1204 = vector.shape_cast %swap3A_1203 : vector<1x16xf32> to vector<16xf32>
        %swap3A_1205 = vector.shape_cast %get3A_457 : vector<16xf32> to vector<1x16xf32>
        tpu.vector_store %arg9[%swap3A_1201, %swap3A_1202], %swap3A_1205 {add = true, strides = array<i32>} : memref<32x384xf32, #tpu.memory_space<vmem>>, vector<1x16xf32>,
        %scan3A_1206 = arith.constant 0 : i32
        %scan3A_1207 = arith.constant 3 : i32
        %scan3A_1208 = arith.addi %scan3A_839, %scan3A_1207 : i32
        %swap3A_1209 = arith.index_cast %scan3A_1208 : i32 to index
        %swap3A_1210 = arith.constant 0 : index
        %swap3A_1211 = tpu.vector_load %arg9[%swap3A_1209, %swap3A_1210] {strides = array<i32>} : memref<32x384xf32, #tpu.memory_space<vmem>>, vector<1x16xf32>,
        %swap3A_1212 = vector.shape_cast %swap3A_1211 : vector<1x16xf32> to vector<16xf32>
        %swap3A_1213 = vector.shape_cast %get3A_365 : vector<16xf32> to vector<1x16xf32>
        tpu.vector_store %arg9[%swap3A_1209, %swap3A_1210], %swap3A_1213 {add = true, strides = array<i32>} : memref<32x384xf32, #tpu.memory_space<vmem>>, vector<1x16xf32>,
        %swap3A_1214 = arith.index_cast %scan3A_1208 : i32 to index
        %swap3A_1215 = arith.constant 16 : index
        %swap3A_1216 = tpu.vector_load %arg9[%swap3A_1214, %swap3A_1215] {strides = array<i32>} : memref<32x384xf32, #tpu.memory_space<vmem>>, vector<1x16xf32>,
        %swap3A_1217 = vector.shape_cast %swap3A_1216 : vector<1x16xf32> to vector<16xf32>
        %swap3A_1218 = vector.shape_cast %get3A_369 : vector<16xf32> to vector<1x16xf32>
        tpu.vector_store %arg9[%swap3A_1214, %swap3A_1215], %swap3A_1218 {add = true, strides = array<i32>} : memref<32x384xf32, #tpu.memory_space<vmem>>, vector<1x16xf32>,
        %swap3A_1219 = arith.index_cast %scan3A_1208 : i32 to index
        %swap3A_1220 = arith.constant 32 : index
        %swap3A_1221 = tpu.vector_load %arg9[%swap3A_1219, %swap3A_1220] {strides = array<i32>} : memref<32x384xf32, #tpu.memory_space<vmem>>, vector<1x16xf32>,
        %swap3A_1222 = vector.shape_cast %swap3A_1221 : vector<1x16xf32> to vector<16xf32>
        %swap3A_1223 = vector.shape_cast %get3A_373 : vector<16xf32> to vector<1x16xf32>
        tpu.vector_store %arg9[%swap3A_1219, %swap3A_1220], %swap3A_1223 {add = true, strides = array<i32>} : memref<32x384xf32, #tpu.memory_space<vmem>>, vector<1x16xf32>,
        %swap3A_1224 = arith.index_cast %scan3A_1208 : i32 to index
        %swap3A_1225 = arith.constant 48 : index
        %swap3A_1226 = tpu.vector_load %arg9[%swap3A_1224, %swap3A_1225] {strides = array<i32>} : memref<32x384xf32, #tpu.memory_space<vmem>>, vector<1x16xf32>,
        %swap3A_1227 = vector.shape_cast %swap3A_1226 : vector<1x16xf32> to vector<16xf32>
        %swap3A_1228 = vector.shape_cast %get3A_377 : vector<16xf32> to vector<1x16xf32>
        tpu.vector_store %arg9[%swap3A_1224, %swap3A_1225], %swap3A_1228 {add = true, strides = array<i32>} : memref<32x384xf32, #tpu.memory_space<vmem>>, vector<1x16xf32>,
        %swap3A_1229 = arith.index_cast %scan3A_1208 : i32 to index
        %swap3A_1230 = arith.constant 64 : index
        %swap3A_1231 = tpu.vector_load %arg9[%swap3A_1229, %swap3A_1230] {strides = array<i32>} : memref<32x384xf32, #tpu.memory_space<vmem>>, vector<1x16xf32>,
        %swap3A_1232 = vector.shape_cast %swap3A_1231 : vector<1x16xf32> to vector<16xf32>
        %swap3A_1233 = vector.shape_cast %get3A_381 : vector<16xf32> to vector<1x16xf32>
        tpu.vector_store %arg9[%swap3A_1229, %swap3A_1230], %swap3A_1233 {add = true, strides = array<i32>} : memref<32x384xf32, #tpu.memory_space<vmem>>, vector<1x16xf32>,
        %swap3A_1234 = arith.index_cast %scan3A_1208 : i32 to index
        %swap3A_1235 = arith.constant 80 : index
        %swap3A_1236 = tpu.vector_load %arg9[%swap3A_1234, %swap3A_1235] {strides = array<i32>} : memref<32x384xf32, #tpu.memory_space<vmem>>, vector<1x16xf32>,
        %swap3A_1237 = vector.shape_cast %swap3A_1236 : vector<1x16xf32> to vector<16xf32>
        %swap3A_1238 = vector.shape_cast %get3A_385 : vector<16xf32> to vector<1x16xf32>
        tpu.vector_store %arg9[%swap3A_1234, %swap3A_1235], %swap3A_1238 {add = true, strides = array<i32>} : memref<32x384xf32, #tpu.memory_space<vmem>>, vector<1x16xf32>,
        %swap3A_1239 = arith.index_cast %scan3A_1208 : i32 to index
        %swap3A_1240 = arith.constant 96 : index
        %swap3A_1241 = tpu.vector_load %arg9[%swap3A_1239, %swap3A_1240] {strides = array<i32>} : memref<32x384xf32, #tpu.memory_space<vmem>>, vector<1x16xf32>,
        %swap3A_1242 = vector.shape_cast %swap3A_1241 : vector<1x16xf32> to vector<16xf32>
        %swap3A_1243 = vector.shape_cast %get3A_389 : vector<16xf32> to vector<1x16xf32>
        tpu.vector_store %arg9[%swap3A_1239, %swap3A_1240], %swap3A_1243 {add = true, strides = array<i32>} : memref<32x384xf32, #tpu.memory_space<vmem>>, vector<1x16xf32>,
        %swap3A_1244 = arith.index_cast %scan3A_1208 : i32 to index
        %swap3A_1245 = arith.constant 112 : index
        %swap3A_1246 = tpu.vector_load %arg9[%swap3A_1244, %swap3A_1245] {strides = array<i32>} : memref<32x384xf32, #tpu.memory_space<vmem>>, vector<1x16xf32>,
        %swap3A_1247 = vector.shape_cast %swap3A_1246 : vector<1x16xf32> to vector<16xf32>
        %swap3A_1248 = vector.shape_cast %get3A_393 : vector<16xf32> to vector<1x16xf32>
        tpu.vector_store %arg9[%swap3A_1244, %swap3A_1245], %swap3A_1248 {add = true, strides = array<i32>} : memref<32x384xf32, #tpu.memory_space<vmem>>, vector<1x16xf32>,
        %swap3A_1249 = arith.index_cast %scan3A_1208 : i32 to index
        %swap3A_1250 = arith.constant 128 : index
        %swap3A_1251 = tpu.vector_load %arg9[%swap3A_1249, %swap3A_1250] {strides = array<i32>} : memref<32x384xf32, #tpu.memory_space<vmem>>, vector<1x16xf32>,
        %swap3A_1252 = vector.shape_cast %swap3A_1251 : vector<1x16xf32> to vector<16xf32>
        %swap3A_1253 = vector.shape_cast %get3A_397 : vector<16xf32> to vector<1x16xf32>
        tpu.vector_store %arg9[%swap3A_1249, %swap3A_1250], %swap3A_1253 {add = true, strides = array<i32>} : memref<32x384xf32, #tpu.memory_space<vmem>>, vector<1x16xf32>,
        %swap3A_1254 = arith.index_cast %scan3A_1208 : i32 to index
        %swap3A_1255 = arith.constant 144 : index
        %swap3A_1256 = tpu.vector_load %arg9[%swap3A_1254, %swap3A_1255] {strides = array<i32>} : memref<32x384xf32, #tpu.memory_space<vmem>>, vector<1x16xf32>,
        %swap3A_1257 = vector.shape_cast %swap3A_1256 : vector<1x16xf32> to vector<16xf32>
        %swap3A_1258 = vector.shape_cast %get3A_401 : vector<16xf32> to vector<1x16xf32>
        tpu.vector_store %arg9[%swap3A_1254, %swap3A_1255], %swap3A_1258 {add = true, strides = array<i32>} : memref<32x384xf32, #tpu.memory_space<vmem>>, vector<1x16xf32>,
        %swap3A_1259 = arith.index_cast %scan3A_1208 : i32 to index
        %swap3A_1260 = arith.constant 160 : index
        %swap3A_1261 = tpu.vector_load %arg9[%swap3A_1259, %swap3A_1260] {strides = array<i32>} : memref<32x384xf32, #tpu.memory_space<vmem>>, vector<1x16xf32>,
        %swap3A_1262 = vector.shape_cast %swap3A_1261 : vector<1x16xf32> to vector<16xf32>
        %swap3A_1263 = vector.shape_cast %get3A_405 : vector<16xf32> to vector<1x16xf32>
        tpu.vector_store %arg9[%swap3A_1259, %swap3A_1260], %swap3A_1263 {add = true, strides = array<i32>} : memref<32x384xf32, #tpu.memory_space<vmem>>, vector<1x16xf32>,
        %swap3A_1264 = arith.index_cast %scan3A_1208 : i32 to index
        %swap3A_1265 = arith.constant 176 : index
        %swap3A_1266 = tpu.vector_load %arg9[%swap3A_1264, %swap3A_1265] {strides = array<i32>} : memref<32x384xf32, #tpu.memory_space<vmem>>, vector<1x16xf32>,
        %swap3A_1267 = vector.shape_cast %swap3A_1266 : vector<1x16xf32> to vector<16xf32>
        %swap3A_1268 = vector.shape_cast %get3A_409 : vector<16xf32> to vector<1x16xf32>
        tpu.vector_store %arg9[%swap3A_1264, %swap3A_1265], %swap3A_1268 {add = true, strides = array<i32>} : memref<32x384xf32, #tpu.memory_space<vmem>>, vector<1x16xf32>,
        %swap3A_1269 = arith.index_cast %scan3A_1208 : i32 to index
        %swap3A_1270 = arith.constant 192 : index
        %swap3A_1271 = tpu.vector_load %arg9[%swap3A_1269, %swap3A_1270] {strides = array<i32>} : memref<32x384xf32, #tpu.memory_space<vmem>>, vector<1x16xf32>,
        %swap3A_1272 = vector.shape_cast %swap3A_1271 : vector<1x16xf32> to vector<16xf32>
        %swap3A_1273 = vector.shape_cast %get3A_413 : vector<16xf32> to vector<1x16xf32>
        tpu.vector_store %arg9[%swap3A_1269, %swap3A_1270], %swap3A_1273 {add = true, strides = array<i32>} : memref<32x384xf32, #tpu.memory_space<vmem>>, vector<1x16xf32>,
        %swap3A_1274 = arith.index_cast %scan3A_1208 : i32 to index
        %swap3A_1275 = arith.constant 208 : index
        %swap3A_1276 = tpu.vector_load %arg9[%swap3A_1274, %swap3A_1275] {strides = array<i32>} : memref<32x384xf32, #tpu.memory_space<vmem>>, vector<1x16xf32>,
        %swap3A_1277 = vector.shape_cast %swap3A_1276 : vector<1x16xf32> to vector<16xf32>
        %swap3A_1278 = vector.shape_cast %get3A_417 : vector<16xf32> to vector<1x16xf32>
        tpu.vector_store %arg9[%swap3A_1274, %swap3A_1275], %swap3A_1278 {add = true, strides = array<i32>} : memref<32x384xf32, #tpu.memory_space<vmem>>, vector<1x16xf32>,
        %swap3A_1279 = arith.index_cast %scan3A_1208 : i32 to index
        %swap3A_1280 = arith.constant 224 : index
        %swap3A_1281 = tpu.vector_load %arg9[%swap3A_1279, %swap3A_1280] {strides = array<i32>} : memref<32x384xf32, #tpu.memory_space<vmem>>, vector<1x16xf32>,
        %swap3A_1282 = vector.shape_cast %swap3A_1281 : vector<1x16xf32> to vector<16xf32>
        %swap3A_1283 = vector.shape_cast %get3A_421 : vector<16xf32> to vector<1x16xf32>
        tpu.vector_store %arg9[%swap3A_1279, %swap3A_1280], %swap3A_1283 {add = true, strides = array<i32>} : memref<32x384xf32, #tpu.memory_space<vmem>>, vector<1x16xf32>,
        %swap3A_1284 = arith.index_cast %scan3A_1208 : i32 to index
        %swap3A_1285 = arith.constant 240 : index
        %swap3A_1286 = tpu.vector_load %arg9[%swap3A_1284, %swap3A_1285] {strides = array<i32>} : memref<32x384xf32, #tpu.memory_space<vmem>>, vector<1x16xf32>,
        %swap3A_1287 = vector.shape_cast %swap3A_1286 : vector<1x16xf32> to vector<16xf32>
        %swap3A_1288 = vector.shape_cast %get3A_425 : vector<16xf32> to vector<1x16xf32>
        tpu.vector_store %arg9[%swap3A_1284, %swap3A_1285], %swap3A_1288 {add = true, strides = array<i32>} : memref<32x384xf32, #tpu.memory_space<vmem>>, vector<1x16xf32>,
        %swap3A_1289 = arith.index_cast %scan3A_1208 : i32 to index
        %swap3A_1290 = arith.constant 256 : index
        %swap3A_1291 = tpu.vector_load %arg9[%swap3A_1289, %swap3A_1290] {strides = array<i32>} : memref<32x384xf32, #tpu.memory_space<vmem>>, vector<1x16xf32>,
        %swap3A_1292 = vector.shape_cast %swap3A_1291 : vector<1x16xf32> to vector<16xf32>
        %swap3A_1293 = vector.shape_cast %get3A_429 : vector<16xf32> to vector<1x16xf32>
        tpu.vector_store %arg9[%swap3A_1289, %swap3A_1290], %swap3A_1293 {add = true, strides = array<i32>} : memref<32x384xf32, #tpu.memory_space<vmem>>, vector<1x16xf32>,
        %swap3A_1294 = arith.index_cast %scan3A_1208 : i32 to index
        %swap3A_1295 = arith.constant 272 : index
        %swap3A_1296 = tpu.vector_load %arg9[%swap3A_1294, %swap3A_1295] {strides = array<i32>} : memref<32x384xf32, #tpu.memory_space<vmem>>, vector<1x16xf32>,
        %swap3A_1297 = vector.shape_cast %swap3A_1296 : vector<1x16xf32> to vector<16xf32>
        %swap3A_1298 = vector.shape_cast %get3A_433 : vector<16xf32> to vector<1x16xf32>
        tpu.vector_store %arg9[%swap3A_1294, %swap3A_1295], %swap3A_1298 {add = true, strides = array<i32>} : memref<32x384xf32, #tpu.memory_space<vmem>>, vector<1x16xf32>,
        %swap3A_1299 = arith.index_cast %scan3A_1208 : i32 to index
        %swap3A_1300 = arith.constant 288 : index
        %swap3A_1301 = tpu.vector_load %arg9[%swap3A_1299, %swap3A_1300] {strides = array<i32>} : memref<32x384xf32, #tpu.memory_space<vmem>>, vector<1x16xf32>,
        %swap3A_1302 = vector.shape_cast %swap3A_1301 : vector<1x16xf32> to vector<16xf32>
        %swap3A_1303 = vector.shape_cast %get3A_437 : vector<16xf32> to vector<1x16xf32>
        tpu.vector_store %arg9[%swap3A_1299, %swap3A_1300], %swap3A_1303 {add = true, strides = array<i32>} : memref<32x384xf32, #tpu.memory_space<vmem>>, vector<1x16xf32>,
        %swap3A_1304 = arith.index_cast %scan3A_1208 : i32 to index
        %swap3A_1305 = arith.constant 304 : index
        %swap3A_1306 = tpu.vector_load %arg9[%swap3A_1304, %swap3A_1305] {strides = array<i32>} : memref<32x384xf32, #tpu.memory_space<vmem>>, vector<1x16xf32>,
        %swap3A_1307 = vector.shape_cast %swap3A_1306 : vector<1x16xf32> to vector<16xf32>
        %swap3A_1308 = vector.shape_cast %get3A_441 : vector<16xf32> to vector<1x16xf32>
        tpu.vector_store %arg9[%swap3A_1304, %swap3A_1305], %swap3A_1308 {add = true, strides = array<i32>} : memref<32x384xf32, #tpu.memory_space<vmem>>, vector<1x16xf32>,
        %swap3A_1309 = arith.index_cast %scan3A_1208 : i32 to index
        %swap3A_1310 = arith.constant 320 : index
        %swap3A_1311 = tpu.vector_load %arg9[%swap3A_1309, %swap3A_1310] {strides = array<i32>} : memref<32x384xf32, #tpu.memory_space<vmem>>, vector<1x16xf32>,
        %swap3A_1312 = vector.shape_cast %swap3A_1311 : vector<1x16xf32> to vector<16xf32>
        %swap3A_1313 = vector.shape_cast %get3A_445 : vector<16xf32> to vector<1x16xf32>
        tpu.vector_store %arg9[%swap3A_1309, %swap3A_1310], %swap3A_1313 {add = true, strides = array<i32>} : memref<32x384xf32, #tpu.memory_space<vmem>>, vector<1x16xf32>,
        %swap3A_1314 = arith.index_cast %scan3A_1208 : i32 to index
        %swap3A_1315 = arith.constant 336 : index
        %swap3A_1316 = tpu.vector_load %arg9[%swap3A_1314, %swap3A_1315] {strides = array<i32>} : memref<32x384xf32, #tpu.memory_space<vmem>>, vector<1x16xf32>,
        %swap3A_1317 = vector.shape_cast %swap3A_1316 : vector<1x16xf32> to vector<16xf32>
        %swap3A_1318 = vector.shape_cast %get3A_449 : vector<16xf32> to vector<1x16xf32>
        tpu.vector_store %arg9[%swap3A_1314, %swap3A_1315], %swap3A_1318 {add = true, strides = array<i32>} : memref<32x384xf32, #tpu.memory_space<vmem>>, vector<1x16xf32>,
        %swap3A_1319 = arith.index_cast %scan3A_1208 : i32 to index
        %swap3A_1320 = arith.constant 352 : index
        %swap3A_1321 = tpu.vector_load %arg9[%swap3A_1319, %swap3A_1320] {strides = array<i32>} : memref<32x384xf32, #tpu.memory_space<vmem>>, vector<1x16xf32>,
        %swap3A_1322 = vector.shape_cast %swap3A_1321 : vector<1x16xf32> to vector<16xf32>
        %swap3A_1323 = vector.shape_cast %get3A_453 : vector<16xf32> to vector<1x16xf32>
        tpu.vector_store %arg9[%swap3A_1319, %swap3A_1320], %swap3A_1323 {add = true, strides = array<i32>} : memref<32x384xf32, #tpu.memory_space<vmem>>, vector<1x16xf32>,
        %swap3A_1324 = arith.index_cast %scan3A_1208 : i32 to index
        %swap3A_1325 = arith.constant 368 : index
        %swap3A_1326 = tpu.vector_load %arg9[%swap3A_1324, %swap3A_1325] {strides = array<i32>} : memref<32x384xf32, #tpu.memory_space<vmem>>, vector<1x16xf32>,
        %swap3A_1327 = vector.shape_cast %swap3A_1326 : vector<1x16xf32> to vector<16xf32>
        %swap3A_1328 = vector.shape_cast %get3A_457 : vector<16xf32> to vector<1x16xf32>
        tpu.vector_store %arg9[%swap3A_1324, %swap3A_1325], %swap3A_1328 {add = true, strides = array<i32>} : memref<32x384xf32, #tpu.memory_space<vmem>>, vector<1x16xf32>,
        %scan3A_1329 = arith.constant 0 : i32
        scf.yield %scan3A_1329 : i32
      }
      %scan3A_464 = arith.constant 32 : i32
      %ge3A_465 = arith.constant 4 : i32
      %ge3A_466 = arith.cmpi sge, %add3A_300, %ge3A_465 : i32
      %convert_element_type3A_467 = arith.extui %ge3A_466 : i1 to i32
      %cond3A_468 = arith.constant 0 : i32
      %cond3A_469 = arith.cmpi ne, %convert_element_type3A_467, %cond3A_468 : i32
      scf.if %cond3A_469 {
        %dma_wait3A_839 = arith.constant 1 : i32
        %dma_wait3A_840 = arith.constant 0 : i32
        %dma_wait3A_841 = arith.constant 0 : i32
        %dma_wait3A_842 = tpu.memref_slice %arg4[%dma_wait3A_840, %mul3A_2, %dma_wait3A_841] : memref<50x4096x384xf32, #tpu.memory_space<hbm>> -> memref<1x32x384xf32, #tpu.memory_space<hbm>>
        %dma_wait3A_843 = tpu.memref_squeeze %dma_wait3A_842 : memref<1x32x384xf32, #tpu.memory_space<hbm>> -> memref<32x384xf32, #tpu.memory_space<hbm>>
        %dma_wait3A_844 = arith.constant 0 : i32
        %dma_wait3A_845 = arith.constant 0 : i32
        %dma_wait3A_846 = tpu.memref_slice %arg7[%arg1, %dma_wait3A_839, %dma_wait3A_844, %dma_wait3A_845] : memref<16x4x32x384xf32, #tpu.memory_space<vmem_shared>> -> memref<1x1x32x384xf32, #tpu.memory_space<vmem_shared>>
        %dma_wait3A_847 = tpu.memref_squeeze %dma_wait3A_846 : memref<1x1x32x384xf32, #tpu.memory_space<vmem_shared>> -> memref<32x384xf32, #tpu.memory_space<vmem_shared>>
        tpu.wait_dma2 semaphore(%arg21 : memref<!tpu.dma_semaphore, #tpu.memory_space<semaphore_mem>>) src(%dma_wait3A_847 : memref<32x384xf32, #tpu.memory_space<vmem_shared>>) dst(%dma_wait3A_843 : memref<32x384xf32, #tpu.memory_space<hbm>>)
      } else {
      }
      %dma_start3A_470 = arith.constant 1 : i32
      %dma_start3A_471 = arith.constant 0 : i32
      %dma_start3A_472 = arith.constant 0 : i32
      %dma_start3A_473 = tpu.memref_slice %arg7[%arg1, %dma_start3A_470, %dma_start3A_471, %dma_start3A_472] : memref<16x4x32x384xf32, #tpu.memory_space<vmem_shared>> -> memref<1x1x32x384xf32, #tpu.memory_space<vmem_shared>>
      %dma_start3A_474 = tpu.memref_squeeze %dma_start3A_473 : memref<1x1x32x384xf32, #tpu.memory_space<vmem_shared>> -> memref<32x384xf32, #tpu.memory_space<vmem_shared>>
      %dma_start3A_475 = arith.constant 0 : i32
      %dma_start3A_476 = arith.constant 0 : i32
      %dma_start3A_477 = tpu.memref_slice %arg7[%arg1, %dma_start3A_470, %dma_start3A_475, %dma_start3A_476] : memref<16x4x32x384xf32, #tpu.memory_space<vmem_shared>> -> memref<1x1x32x384xf32, #tpu.memory_space<vmem_shared>>
      %dma_start3A_478 = tpu.memref_squeeze %dma_start3A_477 : memref<1x1x32x384xf32, #tpu.memory_space<vmem_shared>> -> memref<32x384xf32, #tpu.memory_space<vmem_shared>>
      tpu.enqueue_dma source(%arg9 : memref<32x384xf32, #tpu.memory_space<vmem>>) target(%dma_start3A_478 : memref<32x384xf32, #tpu.memory_space<vmem_shared>>) target_semaphore(%arg17 : memref<!tpu.dma_semaphore, #tpu.memory_space<semaphore_mem>>)
      %add3A_479 = arith.constant 2 : i32
      %add3A_480 = arith.addi %add3A_130, %add3A_479 : i32
      %ge3A_481 = arith.constant 1 : i32
      %ge3A_482 = arith.cmpi sge, %add3A_480, %ge3A_481 : i32
      %convert_element_type3A_483 = arith.extui %ge3A_482 : i1 to i32
      %cond3A_484 = arith.constant 0 : i32
      %cond3A_485 = arith.cmpi ne, %convert_element_type3A_483, %cond3A_484 : i32
      scf.if %cond3A_485 {
        %dma_wait3A_839 = arith.constant 0 : i32
        %dma_wait3A_840 = arith.constant 0 : i32
        %dma_wait3A_841 = arith.constant 0 : i32
        %dma_wait3A_842 = tpu.memref_slice %arg7[%arg1, %dma_wait3A_839, %dma_wait3A_840, %dma_wait3A_841] : memref<16x4x32x384xf32, #tpu.memory_space<vmem_shared>> -> memref<1x1x32x384xf32, #tpu.memory_space<vmem_shared>>
        %dma_wait3A_843 = tpu.memref_squeeze %dma_wait3A_842 : memref<1x1x32x384xf32, #tpu.memory_space<vmem_shared>> -> memref<32x384xf32, #tpu.memory_space<vmem_shared>>
        %dma_wait3A_844 = arith.constant 0 : i32
        %dma_wait3A_845 = arith.constant 0 : i32
        %dma_wait3A_846 = tpu.memref_slice %arg7[%arg1, %dma_wait3A_839, %dma_wait3A_844, %dma_wait3A_845] : memref<16x4x32x384xf32, #tpu.memory_space<vmem_shared>> -> memref<1x1x32x384xf32, #tpu.memory_space<vmem_shared>>
        %dma_wait3A_847 = tpu.memref_squeeze %dma_wait3A_846 : memref<1x1x32x384xf32, #tpu.memory_space<vmem_shared>> -> memref<32x384xf32, #tpu.memory_space<vmem_shared>>
        tpu.wait_dma2 semaphore(%arg17 : memref<!tpu.dma_semaphore, #tpu.memory_space<semaphore_mem>>) src(%arg9 : memref<32x384xf32, #tpu.memory_space<vmem>>) dst(%dma_wait3A_847 : memref<32x384xf32, #tpu.memory_space<vmem_shared>>)
        %sub3A_848 = arith.constant 1 : i32
        %sub3A_849 = arith.subi %add3A_480, %sub3A_848 : i32
        %jit3A_850 = arith.constant 4 : i32
        %div3A_851 = arith.divsi %sub3A_849, %jit3A_850 : i32
        %sign3A_852 = arith.constant 0 : i32
        %sign3A_853 = arith.cmpi sgt, %sub3A_849, %sign3A_852 : i32
        %sign3A_854 = arith.extui %sign3A_853 : i1 to i32
        %sign3A_855 = arith.constant 0 : i32
        %sign3A_856 = arith.cmpi slt, %sub3A_849, %sign3A_855 : i32
        %sign3A_857 = arith.extui %sign3A_856 : i1 to i32
        %sign3A_858 = arith.subi %sign3A_854, %sign3A_857 : i32
        %sign3A_859 = arith.constant 0 : i32
        %sign3A_860 = arith.cmpi sgt, %jit3A_850, %sign3A_859 : i32
        %sign3A_861 = arith.extui %sign3A_860 : i1 to i32
        %sign3A_862 = arith.constant 0 : i32
        %sign3A_863 = arith.cmpi slt, %jit3A_850, %sign3A_862 : i32
        %sign3A_864 = arith.extui %sign3A_863 : i1 to i32
        %sign3A_865 = arith.subi %sign3A_861, %sign3A_864 : i32
        %ne3A_866 = arith.cmpi ne, %sign3A_858, %sign3A_865 : i32
        %rem3A_867 = arith.remsi %sub3A_849, %jit3A_850 : i32
        %ne3A_868 = arith.constant 0 : i32
        %ne3A_869 = arith.cmpi ne, %rem3A_867, %ne3A_868 : i32
        %and3A_870 = arith.andi %ne3A_866, %ne3A_869 : i1
        %sub3A_871 = arith.constant 1 : i32
        %sub3A_872 = arith.subi %div3A_851, %sub3A_871 : i32
        %select_n3A_873 = arith.select %and3A_870, %sub3A_872, %div3A_851 : i32
        %mul3A_874 = arith.constant 4 : i32
        %mul3A_875 = arith.muli %select_n3A_873, %mul3A_874 : i32
        %sub3A_876 = arith.subi %sub3A_849, %mul3A_875 : i32
        %mul3A_877 = arith.constant 32 : i32
        %mul3A_878 = arith.muli %sub3A_876, %mul3A_877 : i32
        %add3A_879 = arith.addi %mul3A_2, %mul3A_878 : i32
        %dma_start3A_880 = arith.constant 1 : i32
        %dma_start3A_881 = arith.constant 0 : i32
        %dma_start3A_882 = tpu.memref_slice %arg4[%select_n3A_873, %add3A_879, %dma_start3A_881] : memref<50x4096x384xf32, #tpu.memory_space<hbm>> -> memref<1x32x384xf32, #tpu.memory_space<hbm>>
        %dma_start3A_883 = tpu.memref_squeeze %dma_start3A_882 : memref<1x32x384xf32, #tpu.memory_space<hbm>> -> memref<32x384xf32, #tpu.memory_space<hbm>>
        %dma_start3A_884 = arith.constant 0 : i32
        %dma_start3A_885 = arith.constant 0 : i32
        %dma_start3A_886 = tpu.memref_slice %arg7[%arg1, %dma_start3A_880, %dma_start3A_884, %dma_start3A_885] : memref<16x4x32x384xf32, #tpu.memory_space<vmem_shared>> -> memref<1x1x32x384xf32, #tpu.memory_space<vmem_shared>>
        %dma_start3A_887 = tpu.memref_squeeze %dma_start3A_886 : memref<1x1x32x384xf32, #tpu.memory_space<vmem_shared>> -> memref<32x384xf32, #tpu.memory_space<vmem_shared>>
        tpu.enqueue_dma source(%dma_start3A_887 : memref<32x384xf32, #tpu.memory_space<vmem_shared>>) target(%dma_start3A_883 : memref<32x384xf32, #tpu.memory_space<hbm>>) target_semaphore(%arg21 : memref<!tpu.dma_semaphore, #tpu.memory_space<semaphore_mem>>)
      } else {
      }
      %add3A_486 = arith.constant 3 : i32
      %add3A_487 = arith.addi %add3A_480, %add3A_486 : i32
      %lt3A_488 = arith.constant 200 : i32
      %lt3A_489 = arith.cmpi slt, %add3A_487, %lt3A_488 : i32
      %convert_element_type3A_490 = arith.extui %lt3A_489 : i1 to i32
      %cond3A_491 = arith.constant 0 : i32
      %cond3A_492 = arith.cmpi ne, %convert_element_type3A_490, %cond3A_491 : i32
      scf.if %cond3A_492 {
        %add3A_839 = arith.constant 3 : i32
        %add3A_840 = arith.addi %add3A_480, %add3A_839 : i32
        %jit3A_841 = arith.constant 4 : i32
        %div3A_842 = arith.divsi %add3A_840, %jit3A_841 : i32
        %sign3A_843 = arith.constant 0 : i32
        %sign3A_844 = arith.cmpi sgt, %add3A_840, %sign3A_843 : i32
        %sign3A_845 = arith.extui %sign3A_844 : i1 to i32
        %sign3A_846 = arith.constant 0 : i32
        %sign3A_847 = arith.cmpi slt, %add3A_840, %sign3A_846 : i32
        %sign3A_848 = arith.extui %sign3A_847 : i1 to i32
        %sign3A_849 = arith.subi %sign3A_845, %sign3A_848 : i32
        %sign3A_850 = arith.constant 0 : i32
        %sign3A_851 = arith.cmpi sgt, %jit3A_841, %sign3A_850 : i32
        %sign3A_852 = arith.extui %sign3A_851 : i1 to i32
        %sign3A_853 = arith.constant 0 : i32
        %sign3A_854 = arith.cmpi slt, %jit3A_841, %sign3A_853 : i32
        %sign3A_855 = arith.extui %sign3A_854 : i1 to i32
        %sign3A_856 = arith.subi %sign3A_852, %sign3A_855 : i32
        %ne3A_857 = arith.cmpi ne, %sign3A_849, %sign3A_856 : i32
        %rem3A_858 = arith.remsi %add3A_840, %jit3A_841 : i32
        %ne3A_859 = arith.constant 0 : i32
        %ne3A_860 = arith.cmpi ne, %rem3A_858, %ne3A_859 : i32
        %and3A_861 = arith.andi %ne3A_857, %ne3A_860 : i1
        %sub3A_862 = arith.constant 1 : i32
        %sub3A_863 = arith.subi %div3A_842, %sub3A_862 : i32
        %select_n3A_864 = arith.select %and3A_861, %sub3A_863, %div3A_842 : i32
        %mul3A_865 = arith.constant 4 : i32
        %mul3A_866 = arith.muli %select_n3A_864, %mul3A_865 : i32
        %sub3A_867 = arith.subi %add3A_840, %mul3A_866 : i32
        %mul3A_868 = arith.constant 32 : i32
        %mul3A_869 = arith.muli %sub3A_867, %mul3A_868 : i32
        %add3A_870 = arith.constant 0 : i32
        %add3A_871 = arith.addi %mul3A_869, %add3A_870 : i32
        %get3A_872 = arith.index_cast %select_n3A_864 : i32 to index
        %get3A_873 = arith.index_cast %add3A_871 : i32 to index
        %get3A_874 = tpu.vector_load %arg5[%get3A_872, %get3A_873] {strides = array<i32>} : memref<56x128xi32, #tpu.memory_space<vmem>>, vector<1x16xi32>,
        %get3A_875 = vector.shape_cast %get3A_874 : vector<1x16xi32> to vector<16xi32>
        %dma_start3A_876 = arith.constant 0 : i32
        %dma_start3A_877 = arith.constant 0 : i32
        %dma_start3A_878 = tpu.memref_slice %arg9[%dma_start3A_876, %dma_start3A_877] : memref<32x384xf32, #tpu.memory_space<vmem>> -> memref<16x384xf32, #tpu.memory_space<vmem>>
        %dma_start3A_879 = arith.constant 0 : i32
        %dma_start3A_880 = arith.constant 0 : i32
        %dma_start3A_881 = tpu.memref_slice %arg3[%dma_start3A_879, %dma_start3A_880] : memref<100000x384xf32, #tpu.memory_space<hbm>> -> memref<100000x384xf32, #tpu.memory_space<hbm>>
        tpu.enqueue_indirect_dma source(%dma_start3A_881 : memref<100000x384xf32, #tpu.memory_space<hbm>>) target(%dma_start3A_878 : memref<16x384xf32, #tpu.memory_space<vmem>>) offsets(%get3A_875 : vector<16xi32>) semaphore(%arg13 : memref<!tpu.dma_semaphore, #tpu.memory_space<semaphore_mem>>)
        %mul3A_882 = arith.constant 32 : i32
        %mul3A_883 = arith.muli %sub3A_867, %mul3A_882 : i32
        %add3A_884 = arith.constant 16 : i32
        %add3A_885 = arith.addi %mul3A_883, %add3A_884 : i32
        %get3A_886 = arith.index_cast %select_n3A_864 : i32 to index
        %get3A_887 = arith.index_cast %add3A_885 : i32 to index
        %get3A_888 = tpu.vector_load %arg5[%get3A_886, %get3A_887] {strides = array<i32>} : memref<56x128xi32, #tpu.memory_space<vmem>>, vector<1x16xi32>,
        %get3A_889 = vector.shape_cast %get3A_888 : vector<1x16xi32> to vector<16xi32>
        %dma_start3A_890 = arith.constant 16 : i32
        %dma_start3A_891 = arith.constant 0 : i32
        %dma_start3A_892 = tpu.memref_slice %arg9[%dma_start3A_890, %dma_start3A_891] : memref<32x384xf32, #tpu.memory_space<vmem>> -> memref<16x384xf32, #tpu.memory_space<vmem>>
        %dma_start3A_893 = arith.constant 0 : i32
        %dma_start3A_894 = arith.constant 0 : i32
        %dma_start3A_895 = tpu.memref_slice %arg3[%dma_start3A_893, %dma_start3A_894] : memref<100000x384xf32, #tpu.memory_space<hbm>> -> memref<100000x384xf32, #tpu.memory_space<hbm>>
        tpu.enqueue_indirect_dma source(%dma_start3A_895 : memref<100000x384xf32, #tpu.memory_space<hbm>>) target(%dma_start3A_892 : memref<16x384xf32, #tpu.memory_space<vmem>>) offsets(%get3A_889 : vector<16xi32>) semaphore(%arg13 : memref<!tpu.dma_semaphore, #tpu.memory_space<semaphore_mem>>)
      } else {
      }
      %get3A_493 = arith.constant 0 : i32
      %get3A_494 = arith.index_cast %get3A_493 : i32 to index
      %get3A_495 = arith.constant 0 : index
      %get3A_496 = tpu.vector_load %arg5[%get3A_494, %get3A_495] {strides = array<i32>} : memref<56x128xi32, #tpu.memory_space<vmem>>, vector<1x16xi32>,
      %get3A_497 = vector.shape_cast %get3A_496 : vector<1x16xi32> to vector<16xi32>
      %dma_wait3A_498 = arith.constant 0 : i32
      %dma_wait3A_499 = arith.constant 0 : i32
      %dma_wait3A_500 = tpu.memref_slice %arg10[%dma_wait3A_498, %dma_wait3A_499] : memref<32x384xf32, #tpu.memory_space<vmem>> -> memref<16x384xf32, #tpu.memory_space<vmem>>
      %dma_wait3A_501 = arith.constant 0 : i32
      %dma_wait3A_502 = arith.constant 0 : i32
      %dma_wait3A_503 = tpu.memref_slice %arg3[%dma_wait3A_501, %dma_wait3A_502] : memref<100000x384xf32, #tpu.memory_space<hbm>> -> memref<100000x384xf32, #tpu.memory_space<hbm>>
      tpu.wait_indirect_dma semaphore(%arg14 : memref<!tpu.dma_semaphore, #tpu.memory_space<semaphore_mem>>) src(%dma_wait3A_503 : memref<100000x384xf32, #tpu.memory_space<hbm>>) dst(%dma_wait3A_500 : memref<16x384xf32, #tpu.memory_space<vmem>>)
      %get3A_504 = arith.constant 0 : i32
      %get3A_505 = arith.index_cast %get3A_504 : i32 to index
      %get3A_506 = arith.constant 16 : index
      %get3A_507 = tpu.vector_load %arg5[%get3A_505, %get3A_506] {strides = array<i32>} : memref<56x128xi32, #tpu.memory_space<vmem>>, vector<1x16xi32>,
      %get3A_508 = vector.shape_cast %get3A_507 : vector<1x16xi32> to vector<16xi32>
      %dma_wait3A_509 = arith.constant 16 : i32
      %dma_wait3A_510 = arith.constant 0 : i32
      %dma_wait3A_511 = tpu.memref_slice %arg10[%dma_wait3A_509, %dma_wait3A_510] : memref<32x384xf32, #tpu.memory_space<vmem>> -> memref<16x384xf32, #tpu.memory_space<vmem>>
      %dma_wait3A_512 = arith.constant 0 : i32
      %dma_wait3A_513 = arith.constant 0 : i32
      %dma_wait3A_514 = tpu.memref_slice %arg3[%dma_wait3A_512, %dma_wait3A_513] : memref<100000x384xf32, #tpu.memory_space<hbm>> -> memref<100000x384xf32, #tpu.memory_space<hbm>>
      tpu.wait_indirect_dma semaphore(%arg14 : memref<!tpu.dma_semaphore, #tpu.memory_space<semaphore_mem>>) src(%dma_wait3A_514 : memref<100000x384xf32, #tpu.memory_space<hbm>>) dst(%dma_wait3A_511 : memref<16x384xf32, #tpu.memory_space<vmem>>)
      %jit3A_515 = arith.constant 4 : i32
      %div3A_516 = arith.divsi %add3A_480, %jit3A_515 : i32
      %sign3A_517 = arith.constant 0 : i32
      %sign3A_518 = arith.cmpi sgt, %add3A_480, %sign3A_517 : i32
      %sign3A_519 = arith.extui %sign3A_518 : i1 to i32
      %sign3A_520 = arith.constant 0 : i32
      %sign3A_521 = arith.cmpi slt, %add3A_480, %sign3A_520 : i32
      %sign3A_522 = arith.extui %sign3A_521 : i1 to i32
      %sign3A_523 = arith.subi %sign3A_519, %sign3A_522 : i32
      %sign3A_524 = arith.constant 0 : i32
      %sign3A_525 = arith.cmpi sgt, %jit3A_515, %sign3A_524 : i32
      %sign3A_526 = arith.extui %sign3A_525 : i1 to i32
      %sign3A_527 = arith.constant 0 : i32
      %sign3A_528 = arith.cmpi slt, %jit3A_515, %sign3A_527 : i32
      %sign3A_529 = arith.extui %sign3A_528 : i1 to i32
      %sign3A_530 = arith.subi %sign3A_526, %sign3A_529 : i32
      %ne3A_531 = arith.cmpi ne, %sign3A_523, %sign3A_530 : i32
      %rem3A_532 = arith.remsi %add3A_480, %jit3A_515 : i32
      %ne3A_533 = arith.constant 0 : i32
      %ne3A_534 = arith.cmpi ne, %rem3A_532, %ne3A_533 : i32
      %and3A_535 = arith.andi %ne3A_531, %ne3A_534 : i1
      %sub3A_536 = arith.constant 1 : i32
      %sub3A_537 = arith.subi %div3A_516, %sub3A_536 : i32
      %select_n3A_538 = arith.select %and3A_535, %sub3A_537, %div3A_516 : i32
      %mul3A_539 = arith.constant 4 : i32
      %mul3A_540 = arith.muli %select_n3A_538, %mul3A_539 : i32
      %sub3A_541 = arith.subi %add3A_480, %mul3A_540 : i32
      %get3A_542 = arith.index_cast %select_n3A_538 : i32 to index
      %get3A_543 = arith.constant 0 : index
      %get3A_544 = tpu.vector_load %arg6[%get3A_542, %get3A_543] {strides = array<i32>} : memref<56x384xf32, #tpu.memory_space<vmem>>, vector<1x16xf32>,
      %get3A_545 = vector.shape_cast %get3A_544 : vector<1x16xf32> to vector<16xf32>
      %get3A_546 = arith.index_cast %select_n3A_538 : i32 to index
      %get3A_547 = arith.constant 16 : index
      %get3A_548 = tpu.vector_load %arg6[%get3A_546, %get3A_547] {strides = array<i32>} : memref<56x384xf32, #tpu.memory_space<vmem>>, vector<1x16xf32>,
      %get3A_549 = vector.shape_cast %get3A_548 : vector<1x16xf32> to vector<16xf32>
      %get3A_550 = arith.index_cast %select_n3A_538 : i32 to index
      %get3A_551 = arith.constant 32 : index
      %get3A_552 = tpu.vector_load %arg6[%get3A_550, %get3A_551] {strides = array<i32>} : memref<56x384xf32, #tpu.memory_space<vmem>>, vector<1x16xf32>,
      %get3A_553 = vector.shape_cast %get3A_552 : vector<1x16xf32> to vector<16xf32>
      %get3A_554 = arith.index_cast %select_n3A_538 : i32 to index
      %get3A_555 = arith.constant 48 : index
      %get3A_556 = tpu.vector_load %arg6[%get3A_554, %get3A_555] {strides = array<i32>} : memref<56x384xf32, #tpu.memory_space<vmem>>, vector<1x16xf32>,
      %get3A_557 = vector.shape_cast %get3A_556 : vector<1x16xf32> to vector<16xf32>
      %get3A_558 = arith.index_cast %select_n3A_538 : i32 to index
      %get3A_559 = arith.constant 64 : index
      %get3A_560 = tpu.vector_load %arg6[%get3A_558, %get3A_559] {strides = array<i32>} : memref<56x384xf32, #tpu.memory_space<vmem>>, vector<1x16xf32>,
      %get3A_561 = vector.shape_cast %get3A_560 : vector<1x16xf32> to vector<16xf32>
      %get3A_562 = arith.index_cast %select_n3A_538 : i32 to index
      %get3A_563 = arith.constant 80 : index
      %get3A_564 = tpu.vector_load %arg6[%get3A_562, %get3A_563] {strides = array<i32>} : memref<56x384xf32, #tpu.memory_space<vmem>>, vector<1x16xf32>,
      %get3A_565 = vector.shape_cast %get3A_564 : vector<1x16xf32> to vector<16xf32>
      %get3A_566 = arith.index_cast %select_n3A_538 : i32 to index
      %get3A_567 = arith.constant 96 : index
      %get3A_568 = tpu.vector_load %arg6[%get3A_566, %get3A_567] {strides = array<i32>} : memref<56x384xf32, #tpu.memory_space<vmem>>, vector<1x16xf32>,
      %get3A_569 = vector.shape_cast %get3A_568 : vector<1x16xf32> to vector<16xf32>
      %get3A_570 = arith.index_cast %select_n3A_538 : i32 to index
      %get3A_571 = arith.constant 112 : index
      %get3A_572 = tpu.vector_load %arg6[%get3A_570, %get3A_571] {strides = array<i32>} : memref<56x384xf32, #tpu.memory_space<vmem>>, vector<1x16xf32>,
      %get3A_573 = vector.shape_cast %get3A_572 : vector<1x16xf32> to vector<16xf32>
      %get3A_574 = arith.index_cast %select_n3A_538 : i32 to index
      %get3A_575 = arith.constant 128 : index
      %get3A_576 = tpu.vector_load %arg6[%get3A_574, %get3A_575] {strides = array<i32>} : memref<56x384xf32, #tpu.memory_space<vmem>>, vector<1x16xf32>,
      %get3A_577 = vector.shape_cast %get3A_576 : vector<1x16xf32> to vector<16xf32>
      %get3A_578 = arith.index_cast %select_n3A_538 : i32 to index
      %get3A_579 = arith.constant 144 : index
      %get3A_580 = tpu.vector_load %arg6[%get3A_578, %get3A_579] {strides = array<i32>} : memref<56x384xf32, #tpu.memory_space<vmem>>, vector<1x16xf32>,
      %get3A_581 = vector.shape_cast %get3A_580 : vector<1x16xf32> to vector<16xf32>
      %get3A_582 = arith.index_cast %select_n3A_538 : i32 to index
      %get3A_583 = arith.constant 160 : index
      %get3A_584 = tpu.vector_load %arg6[%get3A_582, %get3A_583] {strides = array<i32>} : memref<56x384xf32, #tpu.memory_space<vmem>>, vector<1x16xf32>,
      %get3A_585 = vector.shape_cast %get3A_584 : vector<1x16xf32> to vector<16xf32>
      %get3A_586 = arith.index_cast %select_n3A_538 : i32 to index
      %get3A_587 = arith.constant 176 : index
      %get3A_588 = tpu.vector_load %arg6[%get3A_586, %get3A_587] {strides = array<i32>} : memref<56x384xf32, #tpu.memory_space<vmem>>, vector<1x16xf32>,
      %get3A_589 = vector.shape_cast %get3A_588 : vector<1x16xf32> to vector<16xf32>
      %get3A_590 = arith.index_cast %select_n3A_538 : i32 to index
      %get3A_591 = arith.constant 192 : index
      %get3A_592 = tpu.vector_load %arg6[%get3A_590, %get3A_591] {strides = array<i32>} : memref<56x384xf32, #tpu.memory_space<vmem>>, vector<1x16xf32>,
      %get3A_593 = vector.shape_cast %get3A_592 : vector<1x16xf32> to vector<16xf32>
      %get3A_594 = arith.index_cast %select_n3A_538 : i32 to index
      %get3A_595 = arith.constant 208 : index
      %get3A_596 = tpu.vector_load %arg6[%get3A_594, %get3A_595] {strides = array<i32>} : memref<56x384xf32, #tpu.memory_space<vmem>>, vector<1x16xf32>,
      %get3A_597 = vector.shape_cast %get3A_596 : vector<1x16xf32> to vector<16xf32>
      %get3A_598 = arith.index_cast %select_n3A_538 : i32 to index
      %get3A_599 = arith.constant 224 : index
      %get3A_600 = tpu.vector_load %arg6[%get3A_598, %get3A_599] {strides = array<i32>} : memref<56x384xf32, #tpu.memory_space<vmem>>, vector<1x16xf32>,
      %get3A_601 = vector.shape_cast %get3A_600 : vector<1x16xf32> to vector<16xf32>
      %get3A_602 = arith.index_cast %select_n3A_538 : i32 to index
      %get3A_603 = arith.constant 240 : index
      %get3A_604 = tpu.vector_load %arg6[%get3A_602, %get3A_603] {strides = array<i32>} : memref<56x384xf32, #tpu.memory_space<vmem>>, vector<1x16xf32>,
      %get3A_605 = vector.shape_cast %get3A_604 : vector<1x16xf32> to vector<16xf32>
      %get3A_606 = arith.index_cast %select_n3A_538 : i32 to index
      %get3A_607 = arith.constant 256 : index
      %get3A_608 = tpu.vector_load %arg6[%get3A_606, %get3A_607] {strides = array<i32>} : memref<56x384xf32, #tpu.memory_space<vmem>>, vector<1x16xf32>,
      %get3A_609 = vector.shape_cast %get3A_608 : vector<1x16xf32> to vector<16xf32>
      %get3A_610 = arith.index_cast %select_n3A_538 : i32 to index
      %get3A_611 = arith.constant 272 : index
      %get3A_612 = tpu.vector_load %arg6[%get3A_610, %get3A_611] {strides = array<i32>} : memref<56x384xf32, #tpu.memory_space<vmem>>, vector<1x16xf32>,
      %get3A_613 = vector.shape_cast %get3A_612 : vector<1x16xf32> to vector<16xf32>
      %get3A_614 = arith.index_cast %select_n3A_538 : i32 to index
      %get3A_615 = arith.constant 288 : index
      %get3A_616 = tpu.vector_load %arg6[%get3A_614, %get3A_615] {strides = array<i32>} : memref<56x384xf32, #tpu.memory_space<vmem>>, vector<1x16xf32>,
      %get3A_617 = vector.shape_cast %get3A_616 : vector<1x16xf32> to vector<16xf32>
      %get3A_618 = arith.index_cast %select_n3A_538 : i32 to index
      %get3A_619 = arith.constant 304 : index
      %get3A_620 = tpu.vector_load %arg6[%get3A_618, %get3A_619] {strides = array<i32>} : memref<56x384xf32, #tpu.memory_space<vmem>>, vector<1x16xf32>,
      %get3A_621 = vector.shape_cast %get3A_620 : vector<1x16xf32> to vector<16xf32>
      %get3A_622 = arith.index_cast %select_n3A_538 : i32 to index
      %get3A_623 = arith.constant 320 : index
      %get3A_624 = tpu.vector_load %arg6[%get3A_622, %get3A_623] {strides = array<i32>} : memref<56x384xf32, #tpu.memory_space<vmem>>, vector<1x16xf32>,
      %get3A_625 = vector.shape_cast %get3A_624 : vector<1x16xf32> to vector<16xf32>
      %get3A_626 = arith.index_cast %select_n3A_538 : i32 to index
      %get3A_627 = arith.constant 336 : index
      %get3A_628 = tpu.vector_load %arg6[%get3A_626, %get3A_627] {strides = array<i32>} : memref<56x384xf32, #tpu.memory_space<vmem>>, vector<1x16xf32>,
      %get3A_629 = vector.shape_cast %get3A_628 : vector<1x16xf32> to vector<16xf32>
      %get3A_630 = arith.index_cast %select_n3A_538 : i32 to index
      %get3A_631 = arith.constant 352 : index
      %get3A_632 = tpu.vector_load %arg6[%get3A_630, %get3A_631] {strides = array<i32>} : memref<56x384xf32, #tpu.memory_space<vmem>>, vector<1x16xf32>,
      %get3A_633 = vector.shape_cast %get3A_632 : vector<1x16xf32> to vector<16xf32>
      %get3A_634 = arith.index_cast %select_n3A_538 : i32 to index
      %get3A_635 = arith.constant 368 : index
      %get3A_636 = tpu.vector_load %arg6[%get3A_634, %get3A_635] {strides = array<i32>} : memref<56x384xf32, #tpu.memory_space<vmem>>, vector<1x16xf32>,
      %get3A_637 = vector.shape_cast %get3A_636 : vector<1x16xf32> to vector<16xf32>
      %scan3A_638 = arith.constant 0 : i32
      %scan3A_639 = arith.constant 0 : i32
      %scan3A_640 = arith.constant 32 : i32
      %scan3A_641 = arith.addi %scan3A_639, %scan3A_640 : i32
      %scan3A_642 = arith.constant 4 : i32
      %scan3A_643 = scf.for %scan3A_839 = %scan3A_639 to %scan3A_641 step %scan3A_642 iter_args(%scan3A_840 = %scan3A_638) -> (i32)  : i32 {
        %swap3A = arith.index_cast %scan3A_839 : i32 to index
        %swap3A_841 = arith.constant 0 : index
        %swap3A_842 = tpu.vector_load %arg10[%swap3A, %swap3A_841] {strides = array<i32>} : memref<32x384xf32, #tpu.memory_space<vmem>>, vector<1x16xf32>,
        %swap3A_843 = vector.shape_cast %swap3A_842 : vector<1x16xf32> to vector<16xf32>
        %swap3A_844 = vector.shape_cast %get3A_545 : vector<16xf32> to vector<1x16xf32>
        tpu.vector_store %arg10[%swap3A, %swap3A_841], %swap3A_844 {add = true, strides = array<i32>} : memref<32x384xf32, #tpu.memory_space<vmem>>, vector<1x16xf32>,
        %swap3A_845 = arith.index_cast %scan3A_839 : i32 to index
        %swap3A_846 = arith.constant 16 : index
        %swap3A_847 = tpu.vector_load %arg10[%swap3A_845, %swap3A_846] {strides = array<i32>} : memref<32x384xf32, #tpu.memory_space<vmem>>, vector<1x16xf32>,
        %swap3A_848 = vector.shape_cast %swap3A_847 : vector<1x16xf32> to vector<16xf32>
        %swap3A_849 = vector.shape_cast %get3A_549 : vector<16xf32> to vector<1x16xf32>
        tpu.vector_store %arg10[%swap3A_845, %swap3A_846], %swap3A_849 {add = true, strides = array<i32>} : memref<32x384xf32, #tpu.memory_space<vmem>>, vector<1x16xf32>,
        %swap3A_850 = arith.index_cast %scan3A_839 : i32 to index
        %swap3A_851 = arith.constant 32 : index
        %swap3A_852 = tpu.vector_load %arg10[%swap3A_850, %swap3A_851] {strides = array<i32>} : memref<32x384xf32, #tpu.memory_space<vmem>>, vector<1x16xf32>,
        %swap3A_853 = vector.shape_cast %swap3A_852 : vector<1x16xf32> to vector<16xf32>
        %swap3A_854 = vector.shape_cast %get3A_553 : vector<16xf32> to vector<1x16xf32>
        tpu.vector_store %arg10[%swap3A_850, %swap3A_851], %swap3A_854 {add = true, strides = array<i32>} : memref<32x384xf32, #tpu.memory_space<vmem>>, vector<1x16xf32>,
        %swap3A_855 = arith.index_cast %scan3A_839 : i32 to index
        %swap3A_856 = arith.constant 48 : index
        %swap3A_857 = tpu.vector_load %arg10[%swap3A_855, %swap3A_856] {strides = array<i32>} : memref<32x384xf32, #tpu.memory_space<vmem>>, vector<1x16xf32>,
        %swap3A_858 = vector.shape_cast %swap3A_857 : vector<1x16xf32> to vector<16xf32>
        %swap3A_859 = vector.shape_cast %get3A_557 : vector<16xf32> to vector<1x16xf32>
        tpu.vector_store %arg10[%swap3A_855, %swap3A_856], %swap3A_859 {add = true, strides = array<i32>} : memref<32x384xf32, #tpu.memory_space<vmem>>, vector<1x16xf32>,
        %swap3A_860 = arith.index_cast %scan3A_839 : i32 to index
        %swap3A_861 = arith.constant 64 : index
        %swap3A_862 = tpu.vector_load %arg10[%swap3A_860, %swap3A_861] {strides = array<i32>} : memref<32x384xf32, #tpu.memory_space<vmem>>, vector<1x16xf32>,
        %swap3A_863 = vector.shape_cast %swap3A_862 : vector<1x16xf32> to vector<16xf32>
        %swap3A_864 = vector.shape_cast %get3A_561 : vector<16xf32> to vector<1x16xf32>
        tpu.vector_store %arg10[%swap3A_860, %swap3A_861], %swap3A_864 {add = true, strides = array<i32>} : memref<32x384xf32, #tpu.memory_space<vmem>>, vector<1x16xf32>,
        %swap3A_865 = arith.index_cast %scan3A_839 : i32 to index
        %swap3A_866 = arith.constant 80 : index
        %swap3A_867 = tpu.vector_load %arg10[%swap3A_865, %swap3A_866] {strides = array<i32>} : memref<32x384xf32, #tpu.memory_space<vmem>>, vector<1x16xf32>,
        %swap3A_868 = vector.shape_cast %swap3A_867 : vector<1x16xf32> to vector<16xf32>
        %swap3A_869 = vector.shape_cast %get3A_565 : vector<16xf32> to vector<1x16xf32>
        tpu.vector_store %arg10[%swap3A_865, %swap3A_866], %swap3A_869 {add = true, strides = array<i32>} : memref<32x384xf32, #tpu.memory_space<vmem>>, vector<1x16xf32>,
        %swap3A_870 = arith.index_cast %scan3A_839 : i32 to index
        %swap3A_871 = arith.constant 96 : index
        %swap3A_872 = tpu.vector_load %arg10[%swap3A_870, %swap3A_871] {strides = array<i32>} : memref<32x384xf32, #tpu.memory_space<vmem>>, vector<1x16xf32>,
        %swap3A_873 = vector.shape_cast %swap3A_872 : vector<1x16xf32> to vector<16xf32>
        %swap3A_874 = vector.shape_cast %get3A_569 : vector<16xf32> to vector<1x16xf32>
        tpu.vector_store %arg10[%swap3A_870, %swap3A_871], %swap3A_874 {add = true, strides = array<i32>} : memref<32x384xf32, #tpu.memory_space<vmem>>, vector<1x16xf32>,
        %swap3A_875 = arith.index_cast %scan3A_839 : i32 to index
        %swap3A_876 = arith.constant 112 : index
        %swap3A_877 = tpu.vector_load %arg10[%swap3A_875, %swap3A_876] {strides = array<i32>} : memref<32x384xf32, #tpu.memory_space<vmem>>, vector<1x16xf32>,
        %swap3A_878 = vector.shape_cast %swap3A_877 : vector<1x16xf32> to vector<16xf32>
        %swap3A_879 = vector.shape_cast %get3A_573 : vector<16xf32> to vector<1x16xf32>
        tpu.vector_store %arg10[%swap3A_875, %swap3A_876], %swap3A_879 {add = true, strides = array<i32>} : memref<32x384xf32, #tpu.memory_space<vmem>>, vector<1x16xf32>,
        %swap3A_880 = arith.index_cast %scan3A_839 : i32 to index
        %swap3A_881 = arith.constant 128 : index
        %swap3A_882 = tpu.vector_load %arg10[%swap3A_880, %swap3A_881] {strides = array<i32>} : memref<32x384xf32, #tpu.memory_space<vmem>>, vector<1x16xf32>,
        %swap3A_883 = vector.shape_cast %swap3A_882 : vector<1x16xf32> to vector<16xf32>
        %swap3A_884 = vector.shape_cast %get3A_577 : vector<16xf32> to vector<1x16xf32>
        tpu.vector_store %arg10[%swap3A_880, %swap3A_881], %swap3A_884 {add = true, strides = array<i32>} : memref<32x384xf32, #tpu.memory_space<vmem>>, vector<1x16xf32>,
        %swap3A_885 = arith.index_cast %scan3A_839 : i32 to index
        %swap3A_886 = arith.constant 144 : index
        %swap3A_887 = tpu.vector_load %arg10[%swap3A_885, %swap3A_886] {strides = array<i32>} : memref<32x384xf32, #tpu.memory_space<vmem>>, vector<1x16xf32>,
        %swap3A_888 = vector.shape_cast %swap3A_887 : vector<1x16xf32> to vector<16xf32>
        %swap3A_889 = vector.shape_cast %get3A_581 : vector<16xf32> to vector<1x16xf32>
        tpu.vector_store %arg10[%swap3A_885, %swap3A_886], %swap3A_889 {add = true, strides = array<i32>} : memref<32x384xf32, #tpu.memory_space<vmem>>, vector<1x16xf32>,
        %swap3A_890 = arith.index_cast %scan3A_839 : i32 to index
        %swap3A_891 = arith.constant 160 : index
        %swap3A_892 = tpu.vector_load %arg10[%swap3A_890, %swap3A_891] {strides = array<i32>} : memref<32x384xf32, #tpu.memory_space<vmem>>, vector<1x16xf32>,
        %swap3A_893 = vector.shape_cast %swap3A_892 : vector<1x16xf32> to vector<16xf32>
        %swap3A_894 = vector.shape_cast %get3A_585 : vector<16xf32> to vector<1x16xf32>
        tpu.vector_store %arg10[%swap3A_890, %swap3A_891], %swap3A_894 {add = true, strides = array<i32>} : memref<32x384xf32, #tpu.memory_space<vmem>>, vector<1x16xf32>,
        %swap3A_895 = arith.index_cast %scan3A_839 : i32 to index
        %swap3A_896 = arith.constant 176 : index
        %swap3A_897 = tpu.vector_load %arg10[%swap3A_895, %swap3A_896] {strides = array<i32>} : memref<32x384xf32, #tpu.memory_space<vmem>>, vector<1x16xf32>,
        %swap3A_898 = vector.shape_cast %swap3A_897 : vector<1x16xf32> to vector<16xf32>
        %swap3A_899 = vector.shape_cast %get3A_589 : vector<16xf32> to vector<1x16xf32>
        tpu.vector_store %arg10[%swap3A_895, %swap3A_896], %swap3A_899 {add = true, strides = array<i32>} : memref<32x384xf32, #tpu.memory_space<vmem>>, vector<1x16xf32>,
        %swap3A_900 = arith.index_cast %scan3A_839 : i32 to index
        %swap3A_901 = arith.constant 192 : index
        %swap3A_902 = tpu.vector_load %arg10[%swap3A_900, %swap3A_901] {strides = array<i32>} : memref<32x384xf32, #tpu.memory_space<vmem>>, vector<1x16xf32>,
        %swap3A_903 = vector.shape_cast %swap3A_902 : vector<1x16xf32> to vector<16xf32>
        %swap3A_904 = vector.shape_cast %get3A_593 : vector<16xf32> to vector<1x16xf32>
        tpu.vector_store %arg10[%swap3A_900, %swap3A_901], %swap3A_904 {add = true, strides = array<i32>} : memref<32x384xf32, #tpu.memory_space<vmem>>, vector<1x16xf32>,
        %swap3A_905 = arith.index_cast %scan3A_839 : i32 to index
        %swap3A_906 = arith.constant 208 : index
        %swap3A_907 = tpu.vector_load %arg10[%swap3A_905, %swap3A_906] {strides = array<i32>} : memref<32x384xf32, #tpu.memory_space<vmem>>, vector<1x16xf32>,
        %swap3A_908 = vector.shape_cast %swap3A_907 : vector<1x16xf32> to vector<16xf32>
        %swap3A_909 = vector.shape_cast %get3A_597 : vector<16xf32> to vector<1x16xf32>
        tpu.vector_store %arg10[%swap3A_905, %swap3A_906], %swap3A_909 {add = true, strides = array<i32>} : memref<32x384xf32, #tpu.memory_space<vmem>>, vector<1x16xf32>,
        %swap3A_910 = arith.index_cast %scan3A_839 : i32 to index
        %swap3A_911 = arith.constant 224 : index
        %swap3A_912 = tpu.vector_load %arg10[%swap3A_910, %swap3A_911] {strides = array<i32>} : memref<32x384xf32, #tpu.memory_space<vmem>>, vector<1x16xf32>,
        %swap3A_913 = vector.shape_cast %swap3A_912 : vector<1x16xf32> to vector<16xf32>
        %swap3A_914 = vector.shape_cast %get3A_601 : vector<16xf32> to vector<1x16xf32>
        tpu.vector_store %arg10[%swap3A_910, %swap3A_911], %swap3A_914 {add = true, strides = array<i32>} : memref<32x384xf32, #tpu.memory_space<vmem>>, vector<1x16xf32>,
        %swap3A_915 = arith.index_cast %scan3A_839 : i32 to index
        %swap3A_916 = arith.constant 240 : index
        %swap3A_917 = tpu.vector_load %arg10[%swap3A_915, %swap3A_916] {strides = array<i32>} : memref<32x384xf32, #tpu.memory_space<vmem>>, vector<1x16xf32>,
        %swap3A_918 = vector.shape_cast %swap3A_917 : vector<1x16xf32> to vector<16xf32>
        %swap3A_919 = vector.shape_cast %get3A_605 : vector<16xf32> to vector<1x16xf32>
        tpu.vector_store %arg10[%swap3A_915, %swap3A_916], %swap3A_919 {add = true, strides = array<i32>} : memref<32x384xf32, #tpu.memory_space<vmem>>, vector<1x16xf32>,
        %swap3A_920 = arith.index_cast %scan3A_839 : i32 to index
        %swap3A_921 = arith.constant 256 : index
        %swap3A_922 = tpu.vector_load %arg10[%swap3A_920, %swap3A_921] {strides = array<i32>} : memref<32x384xf32, #tpu.memory_space<vmem>>, vector<1x16xf32>,
        %swap3A_923 = vector.shape_cast %swap3A_922 : vector<1x16xf32> to vector<16xf32>
        %swap3A_924 = vector.shape_cast %get3A_609 : vector<16xf32> to vector<1x16xf32>
        tpu.vector_store %arg10[%swap3A_920, %swap3A_921], %swap3A_924 {add = true, strides = array<i32>} : memref<32x384xf32, #tpu.memory_space<vmem>>, vector<1x16xf32>,
        %swap3A_925 = arith.index_cast %scan3A_839 : i32 to index
        %swap3A_926 = arith.constant 272 : index
        %swap3A_927 = tpu.vector_load %arg10[%swap3A_925, %swap3A_926] {strides = array<i32>} : memref<32x384xf32, #tpu.memory_space<vmem>>, vector<1x16xf32>,
        %swap3A_928 = vector.shape_cast %swap3A_927 : vector<1x16xf32> to vector<16xf32>
        %swap3A_929 = vector.shape_cast %get3A_613 : vector<16xf32> to vector<1x16xf32>
        tpu.vector_store %arg10[%swap3A_925, %swap3A_926], %swap3A_929 {add = true, strides = array<i32>} : memref<32x384xf32, #tpu.memory_space<vmem>>, vector<1x16xf32>,
        %swap3A_930 = arith.index_cast %scan3A_839 : i32 to index
        %swap3A_931 = arith.constant 288 : index
        %swap3A_932 = tpu.vector_load %arg10[%swap3A_930, %swap3A_931] {strides = array<i32>} : memref<32x384xf32, #tpu.memory_space<vmem>>, vector<1x16xf32>,
        %swap3A_933 = vector.shape_cast %swap3A_932 : vector<1x16xf32> to vector<16xf32>
        %swap3A_934 = vector.shape_cast %get3A_617 : vector<16xf32> to vector<1x16xf32>
        tpu.vector_store %arg10[%swap3A_930, %swap3A_931], %swap3A_934 {add = true, strides = array<i32>} : memref<32x384xf32, #tpu.memory_space<vmem>>, vector<1x16xf32>,
        %swap3A_935 = arith.index_cast %scan3A_839 : i32 to index
        %swap3A_936 = arith.constant 304 : index
        %swap3A_937 = tpu.vector_load %arg10[%swap3A_935, %swap3A_936] {strides = array<i32>} : memref<32x384xf32, #tpu.memory_space<vmem>>, vector<1x16xf32>,
        %swap3A_938 = vector.shape_cast %swap3A_937 : vector<1x16xf32> to vector<16xf32>
        %swap3A_939 = vector.shape_cast %get3A_621 : vector<16xf32> to vector<1x16xf32>
        tpu.vector_store %arg10[%swap3A_935, %swap3A_936], %swap3A_939 {add = true, strides = array<i32>} : memref<32x384xf32, #tpu.memory_space<vmem>>, vector<1x16xf32>,
        %swap3A_940 = arith.index_cast %scan3A_839 : i32 to index
        %swap3A_941 = arith.constant 320 : index
        %swap3A_942 = tpu.vector_load %arg10[%swap3A_940, %swap3A_941] {strides = array<i32>} : memref<32x384xf32, #tpu.memory_space<vmem>>, vector<1x16xf32>,
        %swap3A_943 = vector.shape_cast %swap3A_942 : vector<1x16xf32> to vector<16xf32>
        %swap3A_944 = vector.shape_cast %get3A_625 : vector<16xf32> to vector<1x16xf32>
        tpu.vector_store %arg10[%swap3A_940, %swap3A_941], %swap3A_944 {add = true, strides = array<i32>} : memref<32x384xf32, #tpu.memory_space<vmem>>, vector<1x16xf32>,
        %swap3A_945 = arith.index_cast %scan3A_839 : i32 to index
        %swap3A_946 = arith.constant 336 : index
        %swap3A_947 = tpu.vector_load %arg10[%swap3A_945, %swap3A_946] {strides = array<i32>} : memref<32x384xf32, #tpu.memory_space<vmem>>, vector<1x16xf32>,
        %swap3A_948 = vector.shape_cast %swap3A_947 : vector<1x16xf32> to vector<16xf32>
        %swap3A_949 = vector.shape_cast %get3A_629 : vector<16xf32> to vector<1x16xf32>
        tpu.vector_store %arg10[%swap3A_945, %swap3A_946], %swap3A_949 {add = true, strides = array<i32>} : memref<32x384xf32, #tpu.memory_space<vmem>>, vector<1x16xf32>,
        %swap3A_950 = arith.index_cast %scan3A_839 : i32 to index
        %swap3A_951 = arith.constant 352 : index
        %swap3A_952 = tpu.vector_load %arg10[%swap3A_950, %swap3A_951] {strides = array<i32>} : memref<32x384xf32, #tpu.memory_space<vmem>>, vector<1x16xf32>,
        %swap3A_953 = vector.shape_cast %swap3A_952 : vector<1x16xf32> to vector<16xf32>
        %swap3A_954 = vector.shape_cast %get3A_633 : vector<16xf32> to vector<1x16xf32>
        tpu.vector_store %arg10[%swap3A_950, %swap3A_951], %swap3A_954 {add = true, strides = array<i32>} : memref<32x384xf32, #tpu.memory_space<vmem>>, vector<1x16xf32>,
        %swap3A_955 = arith.index_cast %scan3A_839 : i32 to index
        %swap3A_956 = arith.constant 368 : index
        %swap3A_957 = tpu.vector_load %arg10[%swap3A_955, %swap3A_956] {strides = array<i32>} : memref<32x384xf32, #tpu.memory_space<vmem>>, vector<1x16xf32>,
        %swap3A_958 = vector.shape_cast %swap3A_957 : vector<1x16xf32> to vector<16xf32>
        %swap3A_959 = vector.shape_cast %get3A_637 : vector<16xf32> to vector<1x16xf32>
        tpu.vector_store %arg10[%swap3A_955, %swap3A_956], %swap3A_959 {add = true, strides = array<i32>} : memref<32x384xf32, #tpu.memory_space<vmem>>, vector<1x16xf32>,
        %scan3A_960 = arith.constant 0 : i32
        %scan3A_961 = arith.constant 1 : i32
        %scan3A_962 = arith.addi %scan3A_839, %scan3A_961 : i32
        %swap3A_963 = arith.index_cast %scan3A_962 : i32 to index
        %swap3A_964 = arith.constant 0 : index
        %swap3A_965 = tpu.vector_load %arg10[%swap3A_963, %swap3A_964] {strides = array<i32>} : memref<32x384xf32, #tpu.memory_space<vmem>>, vector<1x16xf32>,
        %swap3A_966 = vector.shape_cast %swap3A_965 : vector<1x16xf32> to vector<16xf32>
        %swap3A_967 = vector.shape_cast %get3A_545 : vector<16xf32> to vector<1x16xf32>
        tpu.vector_store %arg10[%swap3A_963, %swap3A_964], %swap3A_967 {add = true, strides = array<i32>} : memref<32x384xf32, #tpu.memory_space<vmem>>, vector<1x16xf32>,
        %swap3A_968 = arith.index_cast %scan3A_962 : i32 to index
        %swap3A_969 = arith.constant 16 : index
        %swap3A_970 = tpu.vector_load %arg10[%swap3A_968, %swap3A_969] {strides = array<i32>} : memref<32x384xf32, #tpu.memory_space<vmem>>, vector<1x16xf32>,
        %swap3A_971 = vector.shape_cast %swap3A_970 : vector<1x16xf32> to vector<16xf32>
        %swap3A_972 = vector.shape_cast %get3A_549 : vector<16xf32> to vector<1x16xf32>
        tpu.vector_store %arg10[%swap3A_968, %swap3A_969], %swap3A_972 {add = true, strides = array<i32>} : memref<32x384xf32, #tpu.memory_space<vmem>>, vector<1x16xf32>,
        %swap3A_973 = arith.index_cast %scan3A_962 : i32 to index
        %swap3A_974 = arith.constant 32 : index
        %swap3A_975 = tpu.vector_load %arg10[%swap3A_973, %swap3A_974] {strides = array<i32>} : memref<32x384xf32, #tpu.memory_space<vmem>>, vector<1x16xf32>,
        %swap3A_976 = vector.shape_cast %swap3A_975 : vector<1x16xf32> to vector<16xf32>
        %swap3A_977 = vector.shape_cast %get3A_553 : vector<16xf32> to vector<1x16xf32>
        tpu.vector_store %arg10[%swap3A_973, %swap3A_974], %swap3A_977 {add = true, strides = array<i32>} : memref<32x384xf32, #tpu.memory_space<vmem>>, vector<1x16xf32>,
        %swap3A_978 = arith.index_cast %scan3A_962 : i32 to index
        %swap3A_979 = arith.constant 48 : index
        %swap3A_980 = tpu.vector_load %arg10[%swap3A_978, %swap3A_979] {strides = array<i32>} : memref<32x384xf32, #tpu.memory_space<vmem>>, vector<1x16xf32>,
        %swap3A_981 = vector.shape_cast %swap3A_980 : vector<1x16xf32> to vector<16xf32>
        %swap3A_982 = vector.shape_cast %get3A_557 : vector<16xf32> to vector<1x16xf32>
        tpu.vector_store %arg10[%swap3A_978, %swap3A_979], %swap3A_982 {add = true, strides = array<i32>} : memref<32x384xf32, #tpu.memory_space<vmem>>, vector<1x16xf32>,
        %swap3A_983 = arith.index_cast %scan3A_962 : i32 to index
        %swap3A_984 = arith.constant 64 : index
        %swap3A_985 = tpu.vector_load %arg10[%swap3A_983, %swap3A_984] {strides = array<i32>} : memref<32x384xf32, #tpu.memory_space<vmem>>, vector<1x16xf32>,
        %swap3A_986 = vector.shape_cast %swap3A_985 : vector<1x16xf32> to vector<16xf32>
        %swap3A_987 = vector.shape_cast %get3A_561 : vector<16xf32> to vector<1x16xf32>
        tpu.vector_store %arg10[%swap3A_983, %swap3A_984], %swap3A_987 {add = true, strides = array<i32>} : memref<32x384xf32, #tpu.memory_space<vmem>>, vector<1x16xf32>,
        %swap3A_988 = arith.index_cast %scan3A_962 : i32 to index
        %swap3A_989 = arith.constant 80 : index
        %swap3A_990 = tpu.vector_load %arg10[%swap3A_988, %swap3A_989] {strides = array<i32>} : memref<32x384xf32, #tpu.memory_space<vmem>>, vector<1x16xf32>,
        %swap3A_991 = vector.shape_cast %swap3A_990 : vector<1x16xf32> to vector<16xf32>
        %swap3A_992 = vector.shape_cast %get3A_565 : vector<16xf32> to vector<1x16xf32>
        tpu.vector_store %arg10[%swap3A_988, %swap3A_989], %swap3A_992 {add = true, strides = array<i32>} : memref<32x384xf32, #tpu.memory_space<vmem>>, vector<1x16xf32>,
        %swap3A_993 = arith.index_cast %scan3A_962 : i32 to index
        %swap3A_994 = arith.constant 96 : index
        %swap3A_995 = tpu.vector_load %arg10[%swap3A_993, %swap3A_994] {strides = array<i32>} : memref<32x384xf32, #tpu.memory_space<vmem>>, vector<1x16xf32>,
        %swap3A_996 = vector.shape_cast %swap3A_995 : vector<1x16xf32> to vector<16xf32>
        %swap3A_997 = vector.shape_cast %get3A_569 : vector<16xf32> to vector<1x16xf32>
        tpu.vector_store %arg10[%swap3A_993, %swap3A_994], %swap3A_997 {add = true, strides = array<i32>} : memref<32x384xf32, #tpu.memory_space<vmem>>, vector<1x16xf32>,
        %swap3A_998 = arith.index_cast %scan3A_962 : i32 to index
        %swap3A_999 = arith.constant 112 : index
        %swap3A_1000 = tpu.vector_load %arg10[%swap3A_998, %swap3A_999] {strides = array<i32>} : memref<32x384xf32, #tpu.memory_space<vmem>>, vector<1x16xf32>,
        %swap3A_1001 = vector.shape_cast %swap3A_1000 : vector<1x16xf32> to vector<16xf32>
        %swap3A_1002 = vector.shape_cast %get3A_573 : vector<16xf32> to vector<1x16xf32>
        tpu.vector_store %arg10[%swap3A_998, %swap3A_999], %swap3A_1002 {add = true, strides = array<i32>} : memref<32x384xf32, #tpu.memory_space<vmem>>, vector<1x16xf32>,
        %swap3A_1003 = arith.index_cast %scan3A_962 : i32 to index
        %swap3A_1004 = arith.constant 128 : index
        %swap3A_1005 = tpu.vector_load %arg10[%swap3A_1003, %swap3A_1004] {strides = array<i32>} : memref<32x384xf32, #tpu.memory_space<vmem>>, vector<1x16xf32>,
        %swap3A_1006 = vector.shape_cast %swap3A_1005 : vector<1x16xf32> to vector<16xf32>
        %swap3A_1007 = vector.shape_cast %get3A_577 : vector<16xf32> to vector<1x16xf32>
        tpu.vector_store %arg10[%swap3A_1003, %swap3A_1004], %swap3A_1007 {add = true, strides = array<i32>} : memref<32x384xf32, #tpu.memory_space<vmem>>, vector<1x16xf32>,
        %swap3A_1008 = arith.index_cast %scan3A_962 : i32 to index
        %swap3A_1009 = arith.constant 144 : index
        %swap3A_1010 = tpu.vector_load %arg10[%swap3A_1008, %swap3A_1009] {strides = array<i32>} : memref<32x384xf32, #tpu.memory_space<vmem>>, vector<1x16xf32>,
        %swap3A_1011 = vector.shape_cast %swap3A_1010 : vector<1x16xf32> to vector<16xf32>
        %swap3A_1012 = vector.shape_cast %get3A_581 : vector<16xf32> to vector<1x16xf32>
        tpu.vector_store %arg10[%swap3A_1008, %swap3A_1009], %swap3A_1012 {add = true, strides = array<i32>} : memref<32x384xf32, #tpu.memory_space<vmem>>, vector<1x16xf32>,
        %swap3A_1013 = arith.index_cast %scan3A_962 : i32 to index
        %swap3A_1014 = arith.constant 160 : index
        %swap3A_1015 = tpu.vector_load %arg10[%swap3A_1013, %swap3A_1014] {strides = array<i32>} : memref<32x384xf32, #tpu.memory_space<vmem>>, vector<1x16xf32>,
        %swap3A_1016 = vector.shape_cast %swap3A_1015 : vector<1x16xf32> to vector<16xf32>
        %swap3A_1017 = vector.shape_cast %get3A_585 : vector<16xf32> to vector<1x16xf32>
        tpu.vector_store %arg10[%swap3A_1013, %swap3A_1014], %swap3A_1017 {add = true, strides = array<i32>} : memref<32x384xf32, #tpu.memory_space<vmem>>, vector<1x16xf32>,
        %swap3A_1018 = arith.index_cast %scan3A_962 : i32 to index
        %swap3A_1019 = arith.constant 176 : index
        %swap3A_1020 = tpu.vector_load %arg10[%swap3A_1018, %swap3A_1019] {strides = array<i32>} : memref<32x384xf32, #tpu.memory_space<vmem>>, vector<1x16xf32>,
        %swap3A_1021 = vector.shape_cast %swap3A_1020 : vector<1x16xf32> to vector<16xf32>
        %swap3A_1022 = vector.shape_cast %get3A_589 : vector<16xf32> to vector<1x16xf32>
        tpu.vector_store %arg10[%swap3A_1018, %swap3A_1019], %swap3A_1022 {add = true, strides = array<i32>} : memref<32x384xf32, #tpu.memory_space<vmem>>, vector<1x16xf32>,
        %swap3A_1023 = arith.index_cast %scan3A_962 : i32 to index
        %swap3A_1024 = arith.constant 192 : index
        %swap3A_1025 = tpu.vector_load %arg10[%swap3A_1023, %swap3A_1024] {strides = array<i32>} : memref<32x384xf32, #tpu.memory_space<vmem>>, vector<1x16xf32>,
        %swap3A_1026 = vector.shape_cast %swap3A_1025 : vector<1x16xf32> to vector<16xf32>
        %swap3A_1027 = vector.shape_cast %get3A_593 : vector<16xf32> to vector<1x16xf32>
        tpu.vector_store %arg10[%swap3A_1023, %swap3A_1024], %swap3A_1027 {add = true, strides = array<i32>} : memref<32x384xf32, #tpu.memory_space<vmem>>, vector<1x16xf32>,
        %swap3A_1028 = arith.index_cast %scan3A_962 : i32 to index
        %swap3A_1029 = arith.constant 208 : index
        %swap3A_1030 = tpu.vector_load %arg10[%swap3A_1028, %swap3A_1029] {strides = array<i32>} : memref<32x384xf32, #tpu.memory_space<vmem>>, vector<1x16xf32>,
        %swap3A_1031 = vector.shape_cast %swap3A_1030 : vector<1x16xf32> to vector<16xf32>
        %swap3A_1032 = vector.shape_cast %get3A_597 : vector<16xf32> to vector<1x16xf32>
        tpu.vector_store %arg10[%swap3A_1028, %swap3A_1029], %swap3A_1032 {add = true, strides = array<i32>} : memref<32x384xf32, #tpu.memory_space<vmem>>, vector<1x16xf32>,
        %swap3A_1033 = arith.index_cast %scan3A_962 : i32 to index
        %swap3A_1034 = arith.constant 224 : index
        %swap3A_1035 = tpu.vector_load %arg10[%swap3A_1033, %swap3A_1034] {strides = array<i32>} : memref<32x384xf32, #tpu.memory_space<vmem>>, vector<1x16xf32>,
        %swap3A_1036 = vector.shape_cast %swap3A_1035 : vector<1x16xf32> to vector<16xf32>
        %swap3A_1037 = vector.shape_cast %get3A_601 : vector<16xf32> to vector<1x16xf32>
        tpu.vector_store %arg10[%swap3A_1033, %swap3A_1034], %swap3A_1037 {add = true, strides = array<i32>} : memref<32x384xf32, #tpu.memory_space<vmem>>, vector<1x16xf32>,
        %swap3A_1038 = arith.index_cast %scan3A_962 : i32 to index
        %swap3A_1039 = arith.constant 240 : index
        %swap3A_1040 = tpu.vector_load %arg10[%swap3A_1038, %swap3A_1039] {strides = array<i32>} : memref<32x384xf32, #tpu.memory_space<vmem>>, vector<1x16xf32>,
        %swap3A_1041 = vector.shape_cast %swap3A_1040 : vector<1x16xf32> to vector<16xf32>
        %swap3A_1042 = vector.shape_cast %get3A_605 : vector<16xf32> to vector<1x16xf32>
        tpu.vector_store %arg10[%swap3A_1038, %swap3A_1039], %swap3A_1042 {add = true, strides = array<i32>} : memref<32x384xf32, #tpu.memory_space<vmem>>, vector<1x16xf32>,
        %swap3A_1043 = arith.index_cast %scan3A_962 : i32 to index
        %swap3A_1044 = arith.constant 256 : index
        %swap3A_1045 = tpu.vector_load %arg10[%swap3A_1043, %swap3A_1044] {strides = array<i32>} : memref<32x384xf32, #tpu.memory_space<vmem>>, vector<1x16xf32>,
        %swap3A_1046 = vector.shape_cast %swap3A_1045 : vector<1x16xf32> to vector<16xf32>
        %swap3A_1047 = vector.shape_cast %get3A_609 : vector<16xf32> to vector<1x16xf32>
        tpu.vector_store %arg10[%swap3A_1043, %swap3A_1044], %swap3A_1047 {add = true, strides = array<i32>} : memref<32x384xf32, #tpu.memory_space<vmem>>, vector<1x16xf32>,
        %swap3A_1048 = arith.index_cast %scan3A_962 : i32 to index
        %swap3A_1049 = arith.constant 272 : index
        %swap3A_1050 = tpu.vector_load %arg10[%swap3A_1048, %swap3A_1049] {strides = array<i32>} : memref<32x384xf32, #tpu.memory_space<vmem>>, vector<1x16xf32>,
        %swap3A_1051 = vector.shape_cast %swap3A_1050 : vector<1x16xf32> to vector<16xf32>
        %swap3A_1052 = vector.shape_cast %get3A_613 : vector<16xf32> to vector<1x16xf32>
        tpu.vector_store %arg10[%swap3A_1048, %swap3A_1049], %swap3A_1052 {add = true, strides = array<i32>} : memref<32x384xf32, #tpu.memory_space<vmem>>, vector<1x16xf32>,
        %swap3A_1053 = arith.index_cast %scan3A_962 : i32 to index
        %swap3A_1054 = arith.constant 288 : index
        %swap3A_1055 = tpu.vector_load %arg10[%swap3A_1053, %swap3A_1054] {strides = array<i32>} : memref<32x384xf32, #tpu.memory_space<vmem>>, vector<1x16xf32>,
        %swap3A_1056 = vector.shape_cast %swap3A_1055 : vector<1x16xf32> to vector<16xf32>
        %swap3A_1057 = vector.shape_cast %get3A_617 : vector<16xf32> to vector<1x16xf32>
        tpu.vector_store %arg10[%swap3A_1053, %swap3A_1054], %swap3A_1057 {add = true, strides = array<i32>} : memref<32x384xf32, #tpu.memory_space<vmem>>, vector<1x16xf32>,
        %swap3A_1058 = arith.index_cast %scan3A_962 : i32 to index
        %swap3A_1059 = arith.constant 304 : index
        %swap3A_1060 = tpu.vector_load %arg10[%swap3A_1058, %swap3A_1059] {strides = array<i32>} : memref<32x384xf32, #tpu.memory_space<vmem>>, vector<1x16xf32>,
        %swap3A_1061 = vector.shape_cast %swap3A_1060 : vector<1x16xf32> to vector<16xf32>
        %swap3A_1062 = vector.shape_cast %get3A_621 : vector<16xf32> to vector<1x16xf32>
        tpu.vector_store %arg10[%swap3A_1058, %swap3A_1059], %swap3A_1062 {add = true, strides = array<i32>} : memref<32x384xf32, #tpu.memory_space<vmem>>, vector<1x16xf32>,
        %swap3A_1063 = arith.index_cast %scan3A_962 : i32 to index
        %swap3A_1064 = arith.constant 320 : index
        %swap3A_1065 = tpu.vector_load %arg10[%swap3A_1063, %swap3A_1064] {strides = array<i32>} : memref<32x384xf32, #tpu.memory_space<vmem>>, vector<1x16xf32>,
        %swap3A_1066 = vector.shape_cast %swap3A_1065 : vector<1x16xf32> to vector<16xf32>
        %swap3A_1067 = vector.shape_cast %get3A_625 : vector<16xf32> to vector<1x16xf32>
        tpu.vector_store %arg10[%swap3A_1063, %swap3A_1064], %swap3A_1067 {add = true, strides = array<i32>} : memref<32x384xf32, #tpu.memory_space<vmem>>, vector<1x16xf32>,
        %swap3A_1068 = arith.index_cast %scan3A_962 : i32 to index
        %swap3A_1069 = arith.constant 336 : index
        %swap3A_1070 = tpu.vector_load %arg10[%swap3A_1068, %swap3A_1069] {strides = array<i32>} : memref<32x384xf32, #tpu.memory_space<vmem>>, vector<1x16xf32>,
        %swap3A_1071 = vector.shape_cast %swap3A_1070 : vector<1x16xf32> to vector<16xf32>
        %swap3A_1072 = vector.shape_cast %get3A_629 : vector<16xf32> to vector<1x16xf32>
        tpu.vector_store %arg10[%swap3A_1068, %swap3A_1069], %swap3A_1072 {add = true, strides = array<i32>} : memref<32x384xf32, #tpu.memory_space<vmem>>, vector<1x16xf32>,
        %swap3A_1073 = arith.index_cast %scan3A_962 : i32 to index
        %swap3A_1074 = arith.constant 352 : index
        %swap3A_1075 = tpu.vector_load %arg10[%swap3A_1073, %swap3A_1074] {strides = array<i32>} : memref<32x384xf32, #tpu.memory_space<vmem>>, vector<1x16xf32>,
        %swap3A_1076 = vector.shape_cast %swap3A_1075 : vector<1x16xf32> to vector<16xf32>
        %swap3A_1077 = vector.shape_cast %get3A_633 : vector<16xf32> to vector<1x16xf32>
        tpu.vector_store %arg10[%swap3A_1073, %swap3A_1074], %swap3A_1077 {add = true, strides = array<i32>} : memref<32x384xf32, #tpu.memory_space<vmem>>, vector<1x16xf32>,
        %swap3A_1078 = arith.index_cast %scan3A_962 : i32 to index
        %swap3A_1079 = arith.constant 368 : index
        %swap3A_1080 = tpu.vector_load %arg10[%swap3A_1078, %swap3A_1079] {strides = array<i32>} : memref<32x384xf32, #tpu.memory_space<vmem>>, vector<1x16xf32>,
        %swap3A_1081 = vector.shape_cast %swap3A_1080 : vector<1x16xf32> to vector<16xf32>
        %swap3A_1082 = vector.shape_cast %get3A_637 : vector<16xf32> to vector<1x16xf32>
        tpu.vector_store %arg10[%swap3A_1078, %swap3A_1079], %swap3A_1082 {add = true, strides = array<i32>} : memref<32x384xf32, #tpu.memory_space<vmem>>, vector<1x16xf32>,
        %scan3A_1083 = arith.constant 0 : i32
        %scan3A_1084 = arith.constant 2 : i32
        %scan3A_1085 = arith.addi %scan3A_839, %scan3A_1084 : i32
        %swap3A_1086 = arith.index_cast %scan3A_1085 : i32 to index
        %swap3A_1087 = arith.constant 0 : index
        %swap3A_1088 = tpu.vector_load %arg10[%swap3A_1086, %swap3A_1087] {strides = array<i32>} : memref<32x384xf32, #tpu.memory_space<vmem>>, vector<1x16xf32>,
        %swap3A_1089 = vector.shape_cast %swap3A_1088 : vector<1x16xf32> to vector<16xf32>
        %swap3A_1090 = vector.shape_cast %get3A_545 : vector<16xf32> to vector<1x16xf32>
        tpu.vector_store %arg10[%swap3A_1086, %swap3A_1087], %swap3A_1090 {add = true, strides = array<i32>} : memref<32x384xf32, #tpu.memory_space<vmem>>, vector<1x16xf32>,
        %swap3A_1091 = arith.index_cast %scan3A_1085 : i32 to index
        %swap3A_1092 = arith.constant 16 : index
        %swap3A_1093 = tpu.vector_load %arg10[%swap3A_1091, %swap3A_1092] {strides = array<i32>} : memref<32x384xf32, #tpu.memory_space<vmem>>, vector<1x16xf32>,
        %swap3A_1094 = vector.shape_cast %swap3A_1093 : vector<1x16xf32> to vector<16xf32>
        %swap3A_1095 = vector.shape_cast %get3A_549 : vector<16xf32> to vector<1x16xf32>
        tpu.vector_store %arg10[%swap3A_1091, %swap3A_1092], %swap3A_1095 {add = true, strides = array<i32>} : memref<32x384xf32, #tpu.memory_space<vmem>>, vector<1x16xf32>,
        %swap3A_1096 = arith.index_cast %scan3A_1085 : i32 to index
        %swap3A_1097 = arith.constant 32 : index
        %swap3A_1098 = tpu.vector_load %arg10[%swap3A_1096, %swap3A_1097] {strides = array<i32>} : memref<32x384xf32, #tpu.memory_space<vmem>>, vector<1x16xf32>,
        %swap3A_1099 = vector.shape_cast %swap3A_1098 : vector<1x16xf32> to vector<16xf32>
        %swap3A_1100 = vector.shape_cast %get3A_553 : vector<16xf32> to vector<1x16xf32>
        tpu.vector_store %arg10[%swap3A_1096, %swap3A_1097], %swap3A_1100 {add = true, strides = array<i32>} : memref<32x384xf32, #tpu.memory_space<vmem>>, vector<1x16xf32>,
        %swap3A_1101 = arith.index_cast %scan3A_1085 : i32 to index
        %swap3A_1102 = arith.constant 48 : index
        %swap3A_1103 = tpu.vector_load %arg10[%swap3A_1101, %swap3A_1102] {strides = array<i32>} : memref<32x384xf32, #tpu.memory_space<vmem>>, vector<1x16xf32>,
        %swap3A_1104 = vector.shape_cast %swap3A_1103 : vector<1x16xf32> to vector<16xf32>
        %swap3A_1105 = vector.shape_cast %get3A_557 : vector<16xf32> to vector<1x16xf32>
        tpu.vector_store %arg10[%swap3A_1101, %swap3A_1102], %swap3A_1105 {add = true, strides = array<i32>} : memref<32x384xf32, #tpu.memory_space<vmem>>, vector<1x16xf32>,
        %swap3A_1106 = arith.index_cast %scan3A_1085 : i32 to index
        %swap3A_1107 = arith.constant 64 : index
        %swap3A_1108 = tpu.vector_load %arg10[%swap3A_1106, %swap3A_1107] {strides = array<i32>} : memref<32x384xf32, #tpu.memory_space<vmem>>, vector<1x16xf32>,
        %swap3A_1109 = vector.shape_cast %swap3A_1108 : vector<1x16xf32> to vector<16xf32>
        %swap3A_1110 = vector.shape_cast %get3A_561 : vector<16xf32> to vector<1x16xf32>
        tpu.vector_store %arg10[%swap3A_1106, %swap3A_1107], %swap3A_1110 {add = true, strides = array<i32>} : memref<32x384xf32, #tpu.memory_space<vmem>>, vector<1x16xf32>,
        %swap3A_1111 = arith.index_cast %scan3A_1085 : i32 to index
        %swap3A_1112 = arith.constant 80 : index
        %swap3A_1113 = tpu.vector_load %arg10[%swap3A_1111, %swap3A_1112] {strides = array<i32>} : memref<32x384xf32, #tpu.memory_space<vmem>>, vector<1x16xf32>,
        %swap3A_1114 = vector.shape_cast %swap3A_1113 : vector<1x16xf32> to vector<16xf32>
        %swap3A_1115 = vector.shape_cast %get3A_565 : vector<16xf32> to vector<1x16xf32>
        tpu.vector_store %arg10[%swap3A_1111, %swap3A_1112], %swap3A_1115 {add = true, strides = array<i32>} : memref<32x384xf32, #tpu.memory_space<vmem>>, vector<1x16xf32>,
        %swap3A_1116 = arith.index_cast %scan3A_1085 : i32 to index
        %swap3A_1117 = arith.constant 96 : index
        %swap3A_1118 = tpu.vector_load %arg10[%swap3A_1116, %swap3A_1117] {strides = array<i32>} : memref<32x384xf32, #tpu.memory_space<vmem>>, vector<1x16xf32>,
        %swap3A_1119 = vector.shape_cast %swap3A_1118 : vector<1x16xf32> to vector<16xf32>
        %swap3A_1120 = vector.shape_cast %get3A_569 : vector<16xf32> to vector<1x16xf32>
        tpu.vector_store %arg10[%swap3A_1116, %swap3A_1117], %swap3A_1120 {add = true, strides = array<i32>} : memref<32x384xf32, #tpu.memory_space<vmem>>, vector<1x16xf32>,
        %swap3A_1121 = arith.index_cast %scan3A_1085 : i32 to index
        %swap3A_1122 = arith.constant 112 : index
        %swap3A_1123 = tpu.vector_load %arg10[%swap3A_1121, %swap3A_1122] {strides = array<i32>} : memref<32x384xf32, #tpu.memory_space<vmem>>, vector<1x16xf32>,
        %swap3A_1124 = vector.shape_cast %swap3A_1123 : vector<1x16xf32> to vector<16xf32>
        %swap3A_1125 = vector.shape_cast %get3A_573 : vector<16xf32> to vector<1x16xf32>
        tpu.vector_store %arg10[%swap3A_1121, %swap3A_1122], %swap3A_1125 {add = true, strides = array<i32>} : memref<32x384xf32, #tpu.memory_space<vmem>>, vector<1x16xf32>,
        %swap3A_1126 = arith.index_cast %scan3A_1085 : i32 to index
        %swap3A_1127 = arith.constant 128 : index
        %swap3A_1128 = tpu.vector_load %arg10[%swap3A_1126, %swap3A_1127] {strides = array<i32>} : memref<32x384xf32, #tpu.memory_space<vmem>>, vector<1x16xf32>,
        %swap3A_1129 = vector.shape_cast %swap3A_1128 : vector<1x16xf32> to vector<16xf32>
        %swap3A_1130 = vector.shape_cast %get3A_577 : vector<16xf32> to vector<1x16xf32>
        tpu.vector_store %arg10[%swap3A_1126, %swap3A_1127], %swap3A_1130 {add = true, strides = array<i32>} : memref<32x384xf32, #tpu.memory_space<vmem>>, vector<1x16xf32>,
        %swap3A_1131 = arith.index_cast %scan3A_1085 : i32 to index
        %swap3A_1132 = arith.constant 144 : index
        %swap3A_1133 = tpu.vector_load %arg10[%swap3A_1131, %swap3A_1132] {strides = array<i32>} : memref<32x384xf32, #tpu.memory_space<vmem>>, vector<1x16xf32>,
        %swap3A_1134 = vector.shape_cast %swap3A_1133 : vector<1x16xf32> to vector<16xf32>
        %swap3A_1135 = vector.shape_cast %get3A_581 : vector<16xf32> to vector<1x16xf32>
        tpu.vector_store %arg10[%swap3A_1131, %swap3A_1132], %swap3A_1135 {add = true, strides = array<i32>} : memref<32x384xf32, #tpu.memory_space<vmem>>, vector<1x16xf32>,
        %swap3A_1136 = arith.index_cast %scan3A_1085 : i32 to index
        %swap3A_1137 = arith.constant 160 : index
        %swap3A_1138 = tpu.vector_load %arg10[%swap3A_1136, %swap3A_1137] {strides = array<i32>} : memref<32x384xf32, #tpu.memory_space<vmem>>, vector<1x16xf32>,
        %swap3A_1139 = vector.shape_cast %swap3A_1138 : vector<1x16xf32> to vector<16xf32>
        %swap3A_1140 = vector.shape_cast %get3A_585 : vector<16xf32> to vector<1x16xf32>
        tpu.vector_store %arg10[%swap3A_1136, %swap3A_1137], %swap3A_1140 {add = true, strides = array<i32>} : memref<32x384xf32, #tpu.memory_space<vmem>>, vector<1x16xf32>,
        %swap3A_1141 = arith.index_cast %scan3A_1085 : i32 to index
        %swap3A_1142 = arith.constant 176 : index
        %swap3A_1143 = tpu.vector_load %arg10[%swap3A_1141, %swap3A_1142] {strides = array<i32>} : memref<32x384xf32, #tpu.memory_space<vmem>>, vector<1x16xf32>,
        %swap3A_1144 = vector.shape_cast %swap3A_1143 : vector<1x16xf32> to vector<16xf32>
        %swap3A_1145 = vector.shape_cast %get3A_589 : vector<16xf32> to vector<1x16xf32>
        tpu.vector_store %arg10[%swap3A_1141, %swap3A_1142], %swap3A_1145 {add = true, strides = array<i32>} : memref<32x384xf32, #tpu.memory_space<vmem>>, vector<1x16xf32>,
        %swap3A_1146 = arith.index_cast %scan3A_1085 : i32 to index
        %swap3A_1147 = arith.constant 192 : index
        %swap3A_1148 = tpu.vector_load %arg10[%swap3A_1146, %swap3A_1147] {strides = array<i32>} : memref<32x384xf32, #tpu.memory_space<vmem>>, vector<1x16xf32>,
        %swap3A_1149 = vector.shape_cast %swap3A_1148 : vector<1x16xf32> to vector<16xf32>
        %swap3A_1150 = vector.shape_cast %get3A_593 : vector<16xf32> to vector<1x16xf32>
        tpu.vector_store %arg10[%swap3A_1146, %swap3A_1147], %swap3A_1150 {add = true, strides = array<i32>} : memref<32x384xf32, #tpu.memory_space<vmem>>, vector<1x16xf32>,
        %swap3A_1151 = arith.index_cast %scan3A_1085 : i32 to index
        %swap3A_1152 = arith.constant 208 : index
        %swap3A_1153 = tpu.vector_load %arg10[%swap3A_1151, %swap3A_1152] {strides = array<i32>} : memref<32x384xf32, #tpu.memory_space<vmem>>, vector<1x16xf32>,
        %swap3A_1154 = vector.shape_cast %swap3A_1153 : vector<1x16xf32> to vector<16xf32>
        %swap3A_1155 = vector.shape_cast %get3A_597 : vector<16xf32> to vector<1x16xf32>
        tpu.vector_store %arg10[%swap3A_1151, %swap3A_1152], %swap3A_1155 {add = true, strides = array<i32>} : memref<32x384xf32, #tpu.memory_space<vmem>>, vector<1x16xf32>,
        %swap3A_1156 = arith.index_cast %scan3A_1085 : i32 to index
        %swap3A_1157 = arith.constant 224 : index
        %swap3A_1158 = tpu.vector_load %arg10[%swap3A_1156, %swap3A_1157] {strides = array<i32>} : memref<32x384xf32, #tpu.memory_space<vmem>>, vector<1x16xf32>,
        %swap3A_1159 = vector.shape_cast %swap3A_1158 : vector<1x16xf32> to vector<16xf32>
        %swap3A_1160 = vector.shape_cast %get3A_601 : vector<16xf32> to vector<1x16xf32>
        tpu.vector_store %arg10[%swap3A_1156, %swap3A_1157], %swap3A_1160 {add = true, strides = array<i32>} : memref<32x384xf32, #tpu.memory_space<vmem>>, vector<1x16xf32>,
        %swap3A_1161 = arith.index_cast %scan3A_1085 : i32 to index
        %swap3A_1162 = arith.constant 240 : index
        %swap3A_1163 = tpu.vector_load %arg10[%swap3A_1161, %swap3A_1162] {strides = array<i32>} : memref<32x384xf32, #tpu.memory_space<vmem>>, vector<1x16xf32>,
        %swap3A_1164 = vector.shape_cast %swap3A_1163 : vector<1x16xf32> to vector<16xf32>
        %swap3A_1165 = vector.shape_cast %get3A_605 : vector<16xf32> to vector<1x16xf32>
        tpu.vector_store %arg10[%swap3A_1161, %swap3A_1162], %swap3A_1165 {add = true, strides = array<i32>} : memref<32x384xf32, #tpu.memory_space<vmem>>, vector<1x16xf32>,
        %swap3A_1166 = arith.index_cast %scan3A_1085 : i32 to index
        %swap3A_1167 = arith.constant 256 : index
        %swap3A_1168 = tpu.vector_load %arg10[%swap3A_1166, %swap3A_1167] {strides = array<i32>} : memref<32x384xf32, #tpu.memory_space<vmem>>, vector<1x16xf32>,
        %swap3A_1169 = vector.shape_cast %swap3A_1168 : vector<1x16xf32> to vector<16xf32>
        %swap3A_1170 = vector.shape_cast %get3A_609 : vector<16xf32> to vector<1x16xf32>
        tpu.vector_store %arg10[%swap3A_1166, %swap3A_1167], %swap3A_1170 {add = true, strides = array<i32>} : memref<32x384xf32, #tpu.memory_space<vmem>>, vector<1x16xf32>,
        %swap3A_1171 = arith.index_cast %scan3A_1085 : i32 to index
        %swap3A_1172 = arith.constant 272 : index
        %swap3A_1173 = tpu.vector_load %arg10[%swap3A_1171, %swap3A_1172] {strides = array<i32>} : memref<32x384xf32, #tpu.memory_space<vmem>>, vector<1x16xf32>,
        %swap3A_1174 = vector.shape_cast %swap3A_1173 : vector<1x16xf32> to vector<16xf32>
        %swap3A_1175 = vector.shape_cast %get3A_613 : vector<16xf32> to vector<1x16xf32>
        tpu.vector_store %arg10[%swap3A_1171, %swap3A_1172], %swap3A_1175 {add = true, strides = array<i32>} : memref<32x384xf32, #tpu.memory_space<vmem>>, vector<1x16xf32>,
        %swap3A_1176 = arith.index_cast %scan3A_1085 : i32 to index
        %swap3A_1177 = arith.constant 288 : index
        %swap3A_1178 = tpu.vector_load %arg10[%swap3A_1176, %swap3A_1177] {strides = array<i32>} : memref<32x384xf32, #tpu.memory_space<vmem>>, vector<1x16xf32>,
        %swap3A_1179 = vector.shape_cast %swap3A_1178 : vector<1x16xf32> to vector<16xf32>
        %swap3A_1180 = vector.shape_cast %get3A_617 : vector<16xf32> to vector<1x16xf32>
        tpu.vector_store %arg10[%swap3A_1176, %swap3A_1177], %swap3A_1180 {add = true, strides = array<i32>} : memref<32x384xf32, #tpu.memory_space<vmem>>, vector<1x16xf32>,
        %swap3A_1181 = arith.index_cast %scan3A_1085 : i32 to index
        %swap3A_1182 = arith.constant 304 : index
        %swap3A_1183 = tpu.vector_load %arg10[%swap3A_1181, %swap3A_1182] {strides = array<i32>} : memref<32x384xf32, #tpu.memory_space<vmem>>, vector<1x16xf32>,
        %swap3A_1184 = vector.shape_cast %swap3A_1183 : vector<1x16xf32> to vector<16xf32>
        %swap3A_1185 = vector.shape_cast %get3A_621 : vector<16xf32> to vector<1x16xf32>
        tpu.vector_store %arg10[%swap3A_1181, %swap3A_1182], %swap3A_1185 {add = true, strides = array<i32>} : memref<32x384xf32, #tpu.memory_space<vmem>>, vector<1x16xf32>,
        %swap3A_1186 = arith.index_cast %scan3A_1085 : i32 to index
        %swap3A_1187 = arith.constant 320 : index
        %swap3A_1188 = tpu.vector_load %arg10[%swap3A_1186, %swap3A_1187] {strides = array<i32>} : memref<32x384xf32, #tpu.memory_space<vmem>>, vector<1x16xf32>,
        %swap3A_1189 = vector.shape_cast %swap3A_1188 : vector<1x16xf32> to vector<16xf32>
        %swap3A_1190 = vector.shape_cast %get3A_625 : vector<16xf32> to vector<1x16xf32>
        tpu.vector_store %arg10[%swap3A_1186, %swap3A_1187], %swap3A_1190 {add = true, strides = array<i32>} : memref<32x384xf32, #tpu.memory_space<vmem>>, vector<1x16xf32>,
        %swap3A_1191 = arith.index_cast %scan3A_1085 : i32 to index
        %swap3A_1192 = arith.constant 336 : index
        %swap3A_1193 = tpu.vector_load %arg10[%swap3A_1191, %swap3A_1192] {strides = array<i32>} : memref<32x384xf32, #tpu.memory_space<vmem>>, vector<1x16xf32>,
        %swap3A_1194 = vector.shape_cast %swap3A_1193 : vector<1x16xf32> to vector<16xf32>
        %swap3A_1195 = vector.shape_cast %get3A_629 : vector<16xf32> to vector<1x16xf32>
        tpu.vector_store %arg10[%swap3A_1191, %swap3A_1192], %swap3A_1195 {add = true, strides = array<i32>} : memref<32x384xf32, #tpu.memory_space<vmem>>, vector<1x16xf32>,
        %swap3A_1196 = arith.index_cast %scan3A_1085 : i32 to index
        %swap3A_1197 = arith.constant 352 : index
        %swap3A_1198 = tpu.vector_load %arg10[%swap3A_1196, %swap3A_1197] {strides = array<i32>} : memref<32x384xf32, #tpu.memory_space<vmem>>, vector<1x16xf32>,
        %swap3A_1199 = vector.shape_cast %swap3A_1198 : vector<1x16xf32> to vector<16xf32>
        %swap3A_1200 = vector.shape_cast %get3A_633 : vector<16xf32> to vector<1x16xf32>
        tpu.vector_store %arg10[%swap3A_1196, %swap3A_1197], %swap3A_1200 {add = true, strides = array<i32>} : memref<32x384xf32, #tpu.memory_space<vmem>>, vector<1x16xf32>,
        %swap3A_1201 = arith.index_cast %scan3A_1085 : i32 to index
        %swap3A_1202 = arith.constant 368 : index
        %swap3A_1203 = tpu.vector_load %arg10[%swap3A_1201, %swap3A_1202] {strides = array<i32>} : memref<32x384xf32, #tpu.memory_space<vmem>>, vector<1x16xf32>,
        %swap3A_1204 = vector.shape_cast %swap3A_1203 : vector<1x16xf32> to vector<16xf32>
        %swap3A_1205 = vector.shape_cast %get3A_637 : vector<16xf32> to vector<1x16xf32>
        tpu.vector_store %arg10[%swap3A_1201, %swap3A_1202], %swap3A_1205 {add = true, strides = array<i32>} : memref<32x384xf32, #tpu.memory_space<vmem>>, vector<1x16xf32>,
        %scan3A_1206 = arith.constant 0 : i32
        %scan3A_1207 = arith.constant 3 : i32
        %scan3A_1208 = arith.addi %scan3A_839, %scan3A_1207 : i32
        %swap3A_1209 = arith.index_cast %scan3A_1208 : i32 to index
        %swap3A_1210 = arith.constant 0 : index
        %swap3A_1211 = tpu.vector_load %arg10[%swap3A_1209, %swap3A_1210] {strides = array<i32>} : memref<32x384xf32, #tpu.memory_space<vmem>>, vector<1x16xf32>,
        %swap3A_1212 = vector.shape_cast %swap3A_1211 : vector<1x16xf32> to vector<16xf32>
        %swap3A_1213 = vector.shape_cast %get3A_545 : vector<16xf32> to vector<1x16xf32>
        tpu.vector_store %arg10[%swap3A_1209, %swap3A_1210], %swap3A_1213 {add = true, strides = array<i32>} : memref<32x384xf32, #tpu.memory_space<vmem>>, vector<1x16xf32>,
        %swap3A_1214 = arith.index_cast %scan3A_1208 : i32 to index
        %swap3A_1215 = arith.constant 16 : index
        %swap3A_1216 = tpu.vector_load %arg10[%swap3A_1214, %swap3A_1215] {strides = array<i32>} : memref<32x384xf32, #tpu.memory_space<vmem>>, vector<1x16xf32>,
        %swap3A_1217 = vector.shape_cast %swap3A_1216 : vector<1x16xf32> to vector<16xf32>
        %swap3A_1218 = vector.shape_cast %get3A_549 : vector<16xf32> to vector<1x16xf32>
        tpu.vector_store %arg10[%swap3A_1214, %swap3A_1215], %swap3A_1218 {add = true, strides = array<i32>} : memref<32x384xf32, #tpu.memory_space<vmem>>, vector<1x16xf32>,
        %swap3A_1219 = arith.index_cast %scan3A_1208 : i32 to index
        %swap3A_1220 = arith.constant 32 : index
        %swap3A_1221 = tpu.vector_load %arg10[%swap3A_1219, %swap3A_1220] {strides = array<i32>} : memref<32x384xf32, #tpu.memory_space<vmem>>, vector<1x16xf32>,
        %swap3A_1222 = vector.shape_cast %swap3A_1221 : vector<1x16xf32> to vector<16xf32>
        %swap3A_1223 = vector.shape_cast %get3A_553 : vector<16xf32> to vector<1x16xf32>
        tpu.vector_store %arg10[%swap3A_1219, %swap3A_1220], %swap3A_1223 {add = true, strides = array<i32>} : memref<32x384xf32, #tpu.memory_space<vmem>>, vector<1x16xf32>,
        %swap3A_1224 = arith.index_cast %scan3A_1208 : i32 to index
        %swap3A_1225 = arith.constant 48 : index
        %swap3A_1226 = tpu.vector_load %arg10[%swap3A_1224, %swap3A_1225] {strides = array<i32>} : memref<32x384xf32, #tpu.memory_space<vmem>>, vector<1x16xf32>,
        %swap3A_1227 = vector.shape_cast %swap3A_1226 : vector<1x16xf32> to vector<16xf32>
        %swap3A_1228 = vector.shape_cast %get3A_557 : vector<16xf32> to vector<1x16xf32>
        tpu.vector_store %arg10[%swap3A_1224, %swap3A_1225], %swap3A_1228 {add = true, strides = array<i32>} : memref<32x384xf32, #tpu.memory_space<vmem>>, vector<1x16xf32>,
        %swap3A_1229 = arith.index_cast %scan3A_1208 : i32 to index
        %swap3A_1230 = arith.constant 64 : index
        %swap3A_1231 = tpu.vector_load %arg10[%swap3A_1229, %swap3A_1230] {strides = array<i32>} : memref<32x384xf32, #tpu.memory_space<vmem>>, vector<1x16xf32>,
        %swap3A_1232 = vector.shape_cast %swap3A_1231 : vector<1x16xf32> to vector<16xf32>
        %swap3A_1233 = vector.shape_cast %get3A_561 : vector<16xf32> to vector<1x16xf32>
        tpu.vector_store %arg10[%swap3A_1229, %swap3A_1230], %swap3A_1233 {add = true, strides = array<i32>} : memref<32x384xf32, #tpu.memory_space<vmem>>, vector<1x16xf32>,
        %swap3A_1234 = arith.index_cast %scan3A_1208 : i32 to index
        %swap3A_1235 = arith.constant 80 : index
        %swap3A_1236 = tpu.vector_load %arg10[%swap3A_1234, %swap3A_1235] {strides = array<i32>} : memref<32x384xf32, #tpu.memory_space<vmem>>, vector<1x16xf32>,
        %swap3A_1237 = vector.shape_cast %swap3A_1236 : vector<1x16xf32> to vector<16xf32>
        %swap3A_1238 = vector.shape_cast %get3A_565 : vector<16xf32> to vector<1x16xf32>
        tpu.vector_store %arg10[%swap3A_1234, %swap3A_1235], %swap3A_1238 {add = true, strides = array<i32>} : memref<32x384xf32, #tpu.memory_space<vmem>>, vector<1x16xf32>,
        %swap3A_1239 = arith.index_cast %scan3A_1208 : i32 to index
        %swap3A_1240 = arith.constant 96 : index
        %swap3A_1241 = tpu.vector_load %arg10[%swap3A_1239, %swap3A_1240] {strides = array<i32>} : memref<32x384xf32, #tpu.memory_space<vmem>>, vector<1x16xf32>,
        %swap3A_1242 = vector.shape_cast %swap3A_1241 : vector<1x16xf32> to vector<16xf32>
        %swap3A_1243 = vector.shape_cast %get3A_569 : vector<16xf32> to vector<1x16xf32>
        tpu.vector_store %arg10[%swap3A_1239, %swap3A_1240], %swap3A_1243 {add = true, strides = array<i32>} : memref<32x384xf32, #tpu.memory_space<vmem>>, vector<1x16xf32>,
        %swap3A_1244 = arith.index_cast %scan3A_1208 : i32 to index
        %swap3A_1245 = arith.constant 112 : index
        %swap3A_1246 = tpu.vector_load %arg10[%swap3A_1244, %swap3A_1245] {strides = array<i32>} : memref<32x384xf32, #tpu.memory_space<vmem>>, vector<1x16xf32>,
        %swap3A_1247 = vector.shape_cast %swap3A_1246 : vector<1x16xf32> to vector<16xf32>
        %swap3A_1248 = vector.shape_cast %get3A_573 : vector<16xf32> to vector<1x16xf32>
        tpu.vector_store %arg10[%swap3A_1244, %swap3A_1245], %swap3A_1248 {add = true, strides = array<i32>} : memref<32x384xf32, #tpu.memory_space<vmem>>, vector<1x16xf32>,
        %swap3A_1249 = arith.index_cast %scan3A_1208 : i32 to index
        %swap3A_1250 = arith.constant 128 : index
        %swap3A_1251 = tpu.vector_load %arg10[%swap3A_1249, %swap3A_1250] {strides = array<i32>} : memref<32x384xf32, #tpu.memory_space<vmem>>, vector<1x16xf32>,
        %swap3A_1252 = vector.shape_cast %swap3A_1251 : vector<1x16xf32> to vector<16xf32>
        %swap3A_1253 = vector.shape_cast %get3A_577 : vector<16xf32> to vector<1x16xf32>
        tpu.vector_store %arg10[%swap3A_1249, %swap3A_1250], %swap3A_1253 {add = true, strides = array<i32>} : memref<32x384xf32, #tpu.memory_space<vmem>>, vector<1x16xf32>,
        %swap3A_1254 = arith.index_cast %scan3A_1208 : i32 to index
        %swap3A_1255 = arith.constant 144 : index
        %swap3A_1256 = tpu.vector_load %arg10[%swap3A_1254, %swap3A_1255] {strides = array<i32>} : memref<32x384xf32, #tpu.memory_space<vmem>>, vector<1x16xf32>,
        %swap3A_1257 = vector.shape_cast %swap3A_1256 : vector<1x16xf32> to vector<16xf32>
        %swap3A_1258 = vector.shape_cast %get3A_581 : vector<16xf32> to vector<1x16xf32>
        tpu.vector_store %arg10[%swap3A_1254, %swap3A_1255], %swap3A_1258 {add = true, strides = array<i32>} : memref<32x384xf32, #tpu.memory_space<vmem>>, vector<1x16xf32>,
        %swap3A_1259 = arith.index_cast %scan3A_1208 : i32 to index
        %swap3A_1260 = arith.constant 160 : index
        %swap3A_1261 = tpu.vector_load %arg10[%swap3A_1259, %swap3A_1260] {strides = array<i32>} : memref<32x384xf32, #tpu.memory_space<vmem>>, vector<1x16xf32>,
        %swap3A_1262 = vector.shape_cast %swap3A_1261 : vector<1x16xf32> to vector<16xf32>
        %swap3A_1263 = vector.shape_cast %get3A_585 : vector<16xf32> to vector<1x16xf32>
        tpu.vector_store %arg10[%swap3A_1259, %swap3A_1260], %swap3A_1263 {add = true, strides = array<i32>} : memref<32x384xf32, #tpu.memory_space<vmem>>, vector<1x16xf32>,
        %swap3A_1264 = arith.index_cast %scan3A_1208 : i32 to index
        %swap3A_1265 = arith.constant 176 : index
        %swap3A_1266 = tpu.vector_load %arg10[%swap3A_1264, %swap3A_1265] {strides = array<i32>} : memref<32x384xf32, #tpu.memory_space<vmem>>, vector<1x16xf32>,
        %swap3A_1267 = vector.shape_cast %swap3A_1266 : vector<1x16xf32> to vector<16xf32>
        %swap3A_1268 = vector.shape_cast %get3A_589 : vector<16xf32> to vector<1x16xf32>
        tpu.vector_store %arg10[%swap3A_1264, %swap3A_1265], %swap3A_1268 {add = true, strides = array<i32>} : memref<32x384xf32, #tpu.memory_space<vmem>>, vector<1x16xf32>,
        %swap3A_1269 = arith.index_cast %scan3A_1208 : i32 to index
        %swap3A_1270 = arith.constant 192 : index
        %swap3A_1271 = tpu.vector_load %arg10[%swap3A_1269, %swap3A_1270] {strides = array<i32>} : memref<32x384xf32, #tpu.memory_space<vmem>>, vector<1x16xf32>,
        %swap3A_1272 = vector.shape_cast %swap3A_1271 : vector<1x16xf32> to vector<16xf32>
        %swap3A_1273 = vector.shape_cast %get3A_593 : vector<16xf32> to vector<1x16xf32>
        tpu.vector_store %arg10[%swap3A_1269, %swap3A_1270], %swap3A_1273 {add = true, strides = array<i32>} : memref<32x384xf32, #tpu.memory_space<vmem>>, vector<1x16xf32>,
        %swap3A_1274 = arith.index_cast %scan3A_1208 : i32 to index
        %swap3A_1275 = arith.constant 208 : index
        %swap3A_1276 = tpu.vector_load %arg10[%swap3A_1274, %swap3A_1275] {strides = array<i32>} : memref<32x384xf32, #tpu.memory_space<vmem>>, vector<1x16xf32>,
        %swap3A_1277 = vector.shape_cast %swap3A_1276 : vector<1x16xf32> to vector<16xf32>
        %swap3A_1278 = vector.shape_cast %get3A_597 : vector<16xf32> to vector<1x16xf32>
        tpu.vector_store %arg10[%swap3A_1274, %swap3A_1275], %swap3A_1278 {add = true, strides = array<i32>} : memref<32x384xf32, #tpu.memory_space<vmem>>, vector<1x16xf32>,
        %swap3A_1279 = arith.index_cast %scan3A_1208 : i32 to index
        %swap3A_1280 = arith.constant 224 : index
        %swap3A_1281 = tpu.vector_load %arg10[%swap3A_1279, %swap3A_1280] {strides = array<i32>} : memref<32x384xf32, #tpu.memory_space<vmem>>, vector<1x16xf32>,
        %swap3A_1282 = vector.shape_cast %swap3A_1281 : vector<1x16xf32> to vector<16xf32>
        %swap3A_1283 = vector.shape_cast %get3A_601 : vector<16xf32> to vector<1x16xf32>
        tpu.vector_store %arg10[%swap3A_1279, %swap3A_1280], %swap3A_1283 {add = true, strides = array<i32>} : memref<32x384xf32, #tpu.memory_space<vmem>>, vector<1x16xf32>,
        %swap3A_1284 = arith.index_cast %scan3A_1208 : i32 to index
        %swap3A_1285 = arith.constant 240 : index
        %swap3A_1286 = tpu.vector_load %arg10[%swap3A_1284, %swap3A_1285] {strides = array<i32>} : memref<32x384xf32, #tpu.memory_space<vmem>>, vector<1x16xf32>,
        %swap3A_1287 = vector.shape_cast %swap3A_1286 : vector<1x16xf32> to vector<16xf32>
        %swap3A_1288 = vector.shape_cast %get3A_605 : vector<16xf32> to vector<1x16xf32>
        tpu.vector_store %arg10[%swap3A_1284, %swap3A_1285], %swap3A_1288 {add = true, strides = array<i32>} : memref<32x384xf32, #tpu.memory_space<vmem>>, vector<1x16xf32>,
        %swap3A_1289 = arith.index_cast %scan3A_1208 : i32 to index
        %swap3A_1290 = arith.constant 256 : index
        %swap3A_1291 = tpu.vector_load %arg10[%swap3A_1289, %swap3A_1290] {strides = array<i32>} : memref<32x384xf32, #tpu.memory_space<vmem>>, vector<1x16xf32>,
        %swap3A_1292 = vector.shape_cast %swap3A_1291 : vector<1x16xf32> to vector<16xf32>
        %swap3A_1293 = vector.shape_cast %get3A_609 : vector<16xf32> to vector<1x16xf32>
        tpu.vector_store %arg10[%swap3A_1289, %swap3A_1290], %swap3A_1293 {add = true, strides = array<i32>} : memref<32x384xf32, #tpu.memory_space<vmem>>, vector<1x16xf32>,
        %swap3A_1294 = arith.index_cast %scan3A_1208 : i32 to index
        %swap3A_1295 = arith.constant 272 : index
        %swap3A_1296 = tpu.vector_load %arg10[%swap3A_1294, %swap3A_1295] {strides = array<i32>} : memref<32x384xf32, #tpu.memory_space<vmem>>, vector<1x16xf32>,
        %swap3A_1297 = vector.shape_cast %swap3A_1296 : vector<1x16xf32> to vector<16xf32>
        %swap3A_1298 = vector.shape_cast %get3A_613 : vector<16xf32> to vector<1x16xf32>
        tpu.vector_store %arg10[%swap3A_1294, %swap3A_1295], %swap3A_1298 {add = true, strides = array<i32>} : memref<32x384xf32, #tpu.memory_space<vmem>>, vector<1x16xf32>,
        %swap3A_1299 = arith.index_cast %scan3A_1208 : i32 to index
        %swap3A_1300 = arith.constant 288 : index
        %swap3A_1301 = tpu.vector_load %arg10[%swap3A_1299, %swap3A_1300] {strides = array<i32>} : memref<32x384xf32, #tpu.memory_space<vmem>>, vector<1x16xf32>,
        %swap3A_1302 = vector.shape_cast %swap3A_1301 : vector<1x16xf32> to vector<16xf32>
        %swap3A_1303 = vector.shape_cast %get3A_617 : vector<16xf32> to vector<1x16xf32>
        tpu.vector_store %arg10[%swap3A_1299, %swap3A_1300], %swap3A_1303 {add = true, strides = array<i32>} : memref<32x384xf32, #tpu.memory_space<vmem>>, vector<1x16xf32>,
        %swap3A_1304 = arith.index_cast %scan3A_1208 : i32 to index
        %swap3A_1305 = arith.constant 304 : index
        %swap3A_1306 = tpu.vector_load %arg10[%swap3A_1304, %swap3A_1305] {strides = array<i32>} : memref<32x384xf32, #tpu.memory_space<vmem>>, vector<1x16xf32>,
        %swap3A_1307 = vector.shape_cast %swap3A_1306 : vector<1x16xf32> to vector<16xf32>
        %swap3A_1308 = vector.shape_cast %get3A_621 : vector<16xf32> to vector<1x16xf32>
        tpu.vector_store %arg10[%swap3A_1304, %swap3A_1305], %swap3A_1308 {add = true, strides = array<i32>} : memref<32x384xf32, #tpu.memory_space<vmem>>, vector<1x16xf32>,
        %swap3A_1309 = arith.index_cast %scan3A_1208 : i32 to index
        %swap3A_1310 = arith.constant 320 : index
        %swap3A_1311 = tpu.vector_load %arg10[%swap3A_1309, %swap3A_1310] {strides = array<i32>} : memref<32x384xf32, #tpu.memory_space<vmem>>, vector<1x16xf32>,
        %swap3A_1312 = vector.shape_cast %swap3A_1311 : vector<1x16xf32> to vector<16xf32>
        %swap3A_1313 = vector.shape_cast %get3A_625 : vector<16xf32> to vector<1x16xf32>
        tpu.vector_store %arg10[%swap3A_1309, %swap3A_1310], %swap3A_1313 {add = true, strides = array<i32>} : memref<32x384xf32, #tpu.memory_space<vmem>>, vector<1x16xf32>,
        %swap3A_1314 = arith.index_cast %scan3A_1208 : i32 to index
        %swap3A_1315 = arith.constant 336 : index
        %swap3A_1316 = tpu.vector_load %arg10[%swap3A_1314, %swap3A_1315] {strides = array<i32>} : memref<32x384xf32, #tpu.memory_space<vmem>>, vector<1x16xf32>,
        %swap3A_1317 = vector.shape_cast %swap3A_1316 : vector<1x16xf32> to vector<16xf32>
        %swap3A_1318 = vector.shape_cast %get3A_629 : vector<16xf32> to vector<1x16xf32>
        tpu.vector_store %arg10[%swap3A_1314, %swap3A_1315], %swap3A_1318 {add = true, strides = array<i32>} : memref<32x384xf32, #tpu.memory_space<vmem>>, vector<1x16xf32>,
        %swap3A_1319 = arith.index_cast %scan3A_1208 : i32 to index
        %swap3A_1320 = arith.constant 352 : index
        %swap3A_1321 = tpu.vector_load %arg10[%swap3A_1319, %swap3A_1320] {strides = array<i32>} : memref<32x384xf32, #tpu.memory_space<vmem>>, vector<1x16xf32>,
        %swap3A_1322 = vector.shape_cast %swap3A_1321 : vector<1x16xf32> to vector<16xf32>
        %swap3A_1323 = vector.shape_cast %get3A_633 : vector<16xf32> to vector<1x16xf32>
        tpu.vector_store %arg10[%swap3A_1319, %swap3A_1320], %swap3A_1323 {add = true, strides = array<i32>} : memref<32x384xf32, #tpu.memory_space<vmem>>, vector<1x16xf32>,
        %swap3A_1324 = arith.index_cast %scan3A_1208 : i32 to index
        %swap3A_1325 = arith.constant 368 : index
        %swap3A_1326 = tpu.vector_load %arg10[%swap3A_1324, %swap3A_1325] {strides = array<i32>} : memref<32x384xf32, #tpu.memory_space<vmem>>, vector<1x16xf32>,
        %swap3A_1327 = vector.shape_cast %swap3A_1326 : vector<1x16xf32> to vector<16xf32>
        %swap3A_1328 = vector.shape_cast %get3A_637 : vector<16xf32> to vector<1x16xf32>
        tpu.vector_store %arg10[%swap3A_1324, %swap3A_1325], %swap3A_1328 {add = true, strides = array<i32>} : memref<32x384xf32, #tpu.memory_space<vmem>>, vector<1x16xf32>,
        %scan3A_1329 = arith.constant 0 : i32
        scf.yield %scan3A_1329 : i32
      }
      %scan3A_644 = arith.constant 32 : i32
      %ge3A_645 = arith.constant 4 : i32
      %ge3A_646 = arith.cmpi sge, %add3A_480, %ge3A_645 : i32
      %convert_element_type3A_647 = arith.extui %ge3A_646 : i1 to i32
      %cond3A_648 = arith.constant 0 : i32
      %cond3A_649 = arith.cmpi ne, %convert_element_type3A_647, %cond3A_648 : i32
      scf.if %cond3A_649 {
        %dma_wait3A_839 = arith.constant 2 : i32
        %dma_wait3A_840 = arith.constant 0 : i32
        %dma_wait3A_841 = arith.constant 0 : i32
        %dma_wait3A_842 = tpu.memref_slice %arg4[%dma_wait3A_840, %mul3A_2, %dma_wait3A_841] : memref<50x4096x384xf32, #tpu.memory_space<hbm>> -> memref<1x32x384xf32, #tpu.memory_space<hbm>>
        %dma_wait3A_843 = tpu.memref_squeeze %dma_wait3A_842 : memref<1x32x384xf32, #tpu.memory_space<hbm>> -> memref<32x384xf32, #tpu.memory_space<hbm>>
        %dma_wait3A_844 = arith.constant 0 : i32
        %dma_wait3A_845 = arith.constant 0 : i32
        %dma_wait3A_846 = tpu.memref_slice %arg7[%arg1, %dma_wait3A_839, %dma_wait3A_844, %dma_wait3A_845] : memref<16x4x32x384xf32, #tpu.memory_space<vmem_shared>> -> memref<1x1x32x384xf32, #tpu.memory_space<vmem_shared>>
        %dma_wait3A_847 = tpu.memref_squeeze %dma_wait3A_846 : memref<1x1x32x384xf32, #tpu.memory_space<vmem_shared>> -> memref<32x384xf32, #tpu.memory_space<vmem_shared>>
        tpu.wait_dma2 semaphore(%arg22 : memref<!tpu.dma_semaphore, #tpu.memory_space<semaphore_mem>>) src(%dma_wait3A_847 : memref<32x384xf32, #tpu.memory_space<vmem_shared>>) dst(%dma_wait3A_843 : memref<32x384xf32, #tpu.memory_space<hbm>>)
      } else {
      }
      %dma_start3A_650 = arith.constant 2 : i32
      %dma_start3A_651 = arith.constant 0 : i32
      %dma_start3A_652 = arith.constant 0 : i32
      %dma_start3A_653 = tpu.memref_slice %arg7[%arg1, %dma_start3A_650, %dma_start3A_651, %dma_start3A_652] : memref<16x4x32x384xf32, #tpu.memory_space<vmem_shared>> -> memref<1x1x32x384xf32, #tpu.memory_space<vmem_shared>>
      %dma_start3A_654 = tpu.memref_squeeze %dma_start3A_653 : memref<1x1x32x384xf32, #tpu.memory_space<vmem_shared>> -> memref<32x384xf32, #tpu.memory_space<vmem_shared>>
      %dma_start3A_655 = arith.constant 0 : i32
      %dma_start3A_656 = arith.constant 0 : i32
      %dma_start3A_657 = tpu.memref_slice %arg7[%arg1, %dma_start3A_650, %dma_start3A_655, %dma_start3A_656] : memref<16x4x32x384xf32, #tpu.memory_space<vmem_shared>> -> memref<1x1x32x384xf32, #tpu.memory_space<vmem_shared>>
      %dma_start3A_658 = tpu.memref_squeeze %dma_start3A_657 : memref<1x1x32x384xf32, #tpu.memory_space<vmem_shared>> -> memref<32x384xf32, #tpu.memory_space<vmem_shared>>
      tpu.enqueue_dma source(%arg10 : memref<32x384xf32, #tpu.memory_space<vmem>>) target(%dma_start3A_658 : memref<32x384xf32, #tpu.memory_space<vmem_shared>>) target_semaphore(%arg18 : memref<!tpu.dma_semaphore, #tpu.memory_space<semaphore_mem>>)
      %add3A_659 = arith.constant 3 : i32
      %add3A_660 = arith.addi %add3A_130, %add3A_659 : i32
      %ge3A_661 = arith.constant 1 : i32
      %ge3A_662 = arith.cmpi sge, %add3A_660, %ge3A_661 : i32
      %convert_element_type3A_663 = arith.extui %ge3A_662 : i1 to i32
      %cond3A_664 = arith.constant 0 : i32
      %cond3A_665 = arith.cmpi ne, %convert_element_type3A_663, %cond3A_664 : i32
      scf.if %cond3A_665 {
        %dma_wait3A_839 = arith.constant 0 : i32
        %dma_wait3A_840 = arith.constant 0 : i32
        %dma_wait3A_841 = arith.constant 0 : i32
        %dma_wait3A_842 = tpu.memref_slice %arg7[%arg1, %dma_wait3A_839, %dma_wait3A_840, %dma_wait3A_841] : memref<16x4x32x384xf32, #tpu.memory_space<vmem_shared>> -> memref<1x1x32x384xf32, #tpu.memory_space<vmem_shared>>
        %dma_wait3A_843 = tpu.memref_squeeze %dma_wait3A_842 : memref<1x1x32x384xf32, #tpu.memory_space<vmem_shared>> -> memref<32x384xf32, #tpu.memory_space<vmem_shared>>
        %dma_wait3A_844 = arith.constant 0 : i32
        %dma_wait3A_845 = arith.constant 0 : i32
        %dma_wait3A_846 = tpu.memref_slice %arg7[%arg1, %dma_wait3A_839, %dma_wait3A_844, %dma_wait3A_845] : memref<16x4x32x384xf32, #tpu.memory_space<vmem_shared>> -> memref<1x1x32x384xf32, #tpu.memory_space<vmem_shared>>
        %dma_wait3A_847 = tpu.memref_squeeze %dma_wait3A_846 : memref<1x1x32x384xf32, #tpu.memory_space<vmem_shared>> -> memref<32x384xf32, #tpu.memory_space<vmem_shared>>
        tpu.wait_dma2 semaphore(%arg18 : memref<!tpu.dma_semaphore, #tpu.memory_space<semaphore_mem>>) src(%arg10 : memref<32x384xf32, #tpu.memory_space<vmem>>) dst(%dma_wait3A_847 : memref<32x384xf32, #tpu.memory_space<vmem_shared>>)
        %sub3A_848 = arith.constant 1 : i32
        %sub3A_849 = arith.subi %add3A_660, %sub3A_848 : i32
        %jit3A_850 = arith.constant 4 : i32
        %div3A_851 = arith.divsi %sub3A_849, %jit3A_850 : i32
        %sign3A_852 = arith.constant 0 : i32
        %sign3A_853 = arith.cmpi sgt, %sub3A_849, %sign3A_852 : i32
        %sign3A_854 = arith.extui %sign3A_853 : i1 to i32
        %sign3A_855 = arith.constant 0 : i32
        %sign3A_856 = arith.cmpi slt, %sub3A_849, %sign3A_855 : i32
        %sign3A_857 = arith.extui %sign3A_856 : i1 to i32
        %sign3A_858 = arith.subi %sign3A_854, %sign3A_857 : i32
        %sign3A_859 = arith.constant 0 : i32
        %sign3A_860 = arith.cmpi sgt, %jit3A_850, %sign3A_859 : i32
        %sign3A_861 = arith.extui %sign3A_860 : i1 to i32
        %sign3A_862 = arith.constant 0 : i32
        %sign3A_863 = arith.cmpi slt, %jit3A_850, %sign3A_862 : i32
        %sign3A_864 = arith.extui %sign3A_863 : i1 to i32
        %sign3A_865 = arith.subi %sign3A_861, %sign3A_864 : i32
        %ne3A_866 = arith.cmpi ne, %sign3A_858, %sign3A_865 : i32
        %rem3A_867 = arith.remsi %sub3A_849, %jit3A_850 : i32
        %ne3A_868 = arith.constant 0 : i32
        %ne3A_869 = arith.cmpi ne, %rem3A_867, %ne3A_868 : i32
        %and3A_870 = arith.andi %ne3A_866, %ne3A_869 : i1
        %sub3A_871 = arith.constant 1 : i32
        %sub3A_872 = arith.subi %div3A_851, %sub3A_871 : i32
        %select_n3A_873 = arith.select %and3A_870, %sub3A_872, %div3A_851 : i32
        %mul3A_874 = arith.constant 4 : i32
        %mul3A_875 = arith.muli %select_n3A_873, %mul3A_874 : i32
        %sub3A_876 = arith.subi %sub3A_849, %mul3A_875 : i32
        %mul3A_877 = arith.constant 32 : i32
        %mul3A_878 = arith.muli %sub3A_876, %mul3A_877 : i32
        %add3A_879 = arith.addi %mul3A_2, %mul3A_878 : i32
        %dma_start3A_880 = arith.constant 2 : i32
        %dma_start3A_881 = arith.constant 0 : i32
        %dma_start3A_882 = tpu.memref_slice %arg4[%select_n3A_873, %add3A_879, %dma_start3A_881] : memref<50x4096x384xf32, #tpu.memory_space<hbm>> -> memref<1x32x384xf32, #tpu.memory_space<hbm>>
        %dma_start3A_883 = tpu.memref_squeeze %dma_start3A_882 : memref<1x32x384xf32, #tpu.memory_space<hbm>> -> memref<32x384xf32, #tpu.memory_space<hbm>>
        %dma_start3A_884 = arith.constant 0 : i32
        %dma_start3A_885 = arith.constant 0 : i32
        %dma_start3A_886 = tpu.memref_slice %arg7[%arg1, %dma_start3A_880, %dma_start3A_884, %dma_start3A_885] : memref<16x4x32x384xf32, #tpu.memory_space<vmem_shared>> -> memref<1x1x32x384xf32, #tpu.memory_space<vmem_shared>>
        %dma_start3A_887 = tpu.memref_squeeze %dma_start3A_886 : memref<1x1x32x384xf32, #tpu.memory_space<vmem_shared>> -> memref<32x384xf32, #tpu.memory_space<vmem_shared>>
        tpu.enqueue_dma source(%dma_start3A_887 : memref<32x384xf32, #tpu.memory_space<vmem_shared>>) target(%dma_start3A_883 : memref<32x384xf32, #tpu.memory_space<hbm>>) target_semaphore(%arg22 : memref<!tpu.dma_semaphore, #tpu.memory_space<semaphore_mem>>)
      } else {
      }
      %add3A_666 = arith.constant 3 : i32
      %add3A_667 = arith.addi %add3A_660, %add3A_666 : i32
      %lt3A_668 = arith.constant 200 : i32
      %lt3A_669 = arith.cmpi slt, %add3A_667, %lt3A_668 : i32
      %convert_element_type3A_670 = arith.extui %lt3A_669 : i1 to i32
      %cond3A_671 = arith.constant 0 : i32
      %cond3A_672 = arith.cmpi ne, %convert_element_type3A_670, %cond3A_671 : i32
      scf.if %cond3A_672 {
        %add3A_839 = arith.constant 3 : i32
        %add3A_840 = arith.addi %add3A_660, %add3A_839 : i32
        %jit3A_841 = arith.constant 4 : i32
        %div3A_842 = arith.divsi %add3A_840, %jit3A_841 : i32
        %sign3A_843 = arith.constant 0 : i32
        %sign3A_844 = arith.cmpi sgt, %add3A_840, %sign3A_843 : i32
        %sign3A_845 = arith.extui %sign3A_844 : i1 to i32
        %sign3A_846 = arith.constant 0 : i32
        %sign3A_847 = arith.cmpi slt, %add3A_840, %sign3A_846 : i32
        %sign3A_848 = arith.extui %sign3A_847 : i1 to i32
        %sign3A_849 = arith.subi %sign3A_845, %sign3A_848 : i32
        %sign3A_850 = arith.constant 0 : i32
        %sign3A_851 = arith.cmpi sgt, %jit3A_841, %sign3A_850 : i32
        %sign3A_852 = arith.extui %sign3A_851 : i1 to i32
        %sign3A_853 = arith.constant 0 : i32
        %sign3A_854 = arith.cmpi slt, %jit3A_841, %sign3A_853 : i32
        %sign3A_855 = arith.extui %sign3A_854 : i1 to i32
        %sign3A_856 = arith.subi %sign3A_852, %sign3A_855 : i32
        %ne3A_857 = arith.cmpi ne, %sign3A_849, %sign3A_856 : i32
        %rem3A_858 = arith.remsi %add3A_840, %jit3A_841 : i32
        %ne3A_859 = arith.constant 0 : i32
        %ne3A_860 = arith.cmpi ne, %rem3A_858, %ne3A_859 : i32
        %and3A_861 = arith.andi %ne3A_857, %ne3A_860 : i1
        %sub3A_862 = arith.constant 1 : i32
        %sub3A_863 = arith.subi %div3A_842, %sub3A_862 : i32
        %select_n3A_864 = arith.select %and3A_861, %sub3A_863, %div3A_842 : i32
        %mul3A_865 = arith.constant 4 : i32
        %mul3A_866 = arith.muli %select_n3A_864, %mul3A_865 : i32
        %sub3A_867 = arith.subi %add3A_840, %mul3A_866 : i32
        %mul3A_868 = arith.constant 32 : i32
        %mul3A_869 = arith.muli %sub3A_867, %mul3A_868 : i32
        %add3A_870 = arith.constant 0 : i32
        %add3A_871 = arith.addi %mul3A_869, %add3A_870 : i32
        %get3A_872 = arith.index_cast %select_n3A_864 : i32 to index
        %get3A_873 = arith.index_cast %add3A_871 : i32 to index
        %get3A_874 = tpu.vector_load %arg5[%get3A_872, %get3A_873] {strides = array<i32>} : memref<56x128xi32, #tpu.memory_space<vmem>>, vector<1x16xi32>,
        %get3A_875 = vector.shape_cast %get3A_874 : vector<1x16xi32> to vector<16xi32>
        %dma_start3A_876 = arith.constant 0 : i32
        %dma_start3A_877 = arith.constant 0 : i32
        %dma_start3A_878 = tpu.memref_slice %arg10[%dma_start3A_876, %dma_start3A_877] : memref<32x384xf32, #tpu.memory_space<vmem>> -> memref<16x384xf32, #tpu.memory_space<vmem>>
        %dma_start3A_879 = arith.constant 0 : i32
        %dma_start3A_880 = arith.constant 0 : i32
        %dma_start3A_881 = tpu.memref_slice %arg3[%dma_start3A_879, %dma_start3A_880] : memref<100000x384xf32, #tpu.memory_space<hbm>> -> memref<100000x384xf32, #tpu.memory_space<hbm>>
        tpu.enqueue_indirect_dma source(%dma_start3A_881 : memref<100000x384xf32, #tpu.memory_space<hbm>>) target(%dma_start3A_878 : memref<16x384xf32, #tpu.memory_space<vmem>>) offsets(%get3A_875 : vector<16xi32>) semaphore(%arg14 : memref<!tpu.dma_semaphore, #tpu.memory_space<semaphore_mem>>)
        %mul3A_882 = arith.constant 32 : i32
        %mul3A_883 = arith.muli %sub3A_867, %mul3A_882 : i32
        %add3A_884 = arith.constant 16 : i32
        %add3A_885 = arith.addi %mul3A_883, %add3A_884 : i32
        %get3A_886 = arith.index_cast %select_n3A_864 : i32 to index
        %get3A_887 = arith.index_cast %add3A_885 : i32 to index
        %get3A_888 = tpu.vector_load %arg5[%get3A_886, %get3A_887] {strides = array<i32>} : memref<56x128xi32, #tpu.memory_space<vmem>>, vector<1x16xi32>,
        %get3A_889 = vector.shape_cast %get3A_888 : vector<1x16xi32> to vector<16xi32>
        %dma_start3A_890 = arith.constant 16 : i32
        %dma_start3A_891 = arith.constant 0 : i32
        %dma_start3A_892 = tpu.memref_slice %arg10[%dma_start3A_890, %dma_start3A_891] : memref<32x384xf32, #tpu.memory_space<vmem>> -> memref<16x384xf32, #tpu.memory_space<vmem>>
        %dma_start3A_893 = arith.constant 0 : i32
        %dma_start3A_894 = arith.constant 0 : i32
        %dma_start3A_895 = tpu.memref_slice %arg3[%dma_start3A_893, %dma_start3A_894] : memref<100000x384xf32, #tpu.memory_space<hbm>> -> memref<100000x384xf32, #tpu.memory_space<hbm>>
        tpu.enqueue_indirect_dma source(%dma_start3A_895 : memref<100000x384xf32, #tpu.memory_space<hbm>>) target(%dma_start3A_892 : memref<16x384xf32, #tpu.memory_space<vmem>>) offsets(%get3A_889 : vector<16xi32>) semaphore(%arg14 : memref<!tpu.dma_semaphore, #tpu.memory_space<semaphore_mem>>)
      } else {
      }
      %get3A_673 = arith.constant 0 : i32
      %get3A_674 = arith.index_cast %get3A_673 : i32 to index
      %get3A_675 = arith.constant 0 : index
      %get3A_676 = tpu.vector_load %arg5[%get3A_674, %get3A_675] {strides = array<i32>} : memref<56x128xi32, #tpu.memory_space<vmem>>, vector<1x16xi32>,
      %get3A_677 = vector.shape_cast %get3A_676 : vector<1x16xi32> to vector<16xi32>
      %dma_wait3A_678 = arith.constant 0 : i32
      %dma_wait3A_679 = arith.constant 0 : i32
      %dma_wait3A_680 = tpu.memref_slice %arg11[%dma_wait3A_678, %dma_wait3A_679] : memref<32x384xf32, #tpu.memory_space<vmem>> -> memref<16x384xf32, #tpu.memory_space<vmem>>
      %dma_wait3A_681 = arith.constant 0 : i32
      %dma_wait3A_682 = arith.constant 0 : i32
      %dma_wait3A_683 = tpu.memref_slice %arg3[%dma_wait3A_681, %dma_wait3A_682] : memref<100000x384xf32, #tpu.memory_space<hbm>> -> memref<100000x384xf32, #tpu.memory_space<hbm>>
      tpu.wait_indirect_dma semaphore(%arg15 : memref<!tpu.dma_semaphore, #tpu.memory_space<semaphore_mem>>) src(%dma_wait3A_683 : memref<100000x384xf32, #tpu.memory_space<hbm>>) dst(%dma_wait3A_680 : memref<16x384xf32, #tpu.memory_space<vmem>>)
      %get3A_684 = arith.constant 0 : i32
      %get3A_685 = arith.index_cast %get3A_684 : i32 to index
      %get3A_686 = arith.constant 16 : index
      %get3A_687 = tpu.vector_load %arg5[%get3A_685, %get3A_686] {strides = array<i32>} : memref<56x128xi32, #tpu.memory_space<vmem>>, vector<1x16xi32>,
      %get3A_688 = vector.shape_cast %get3A_687 : vector<1x16xi32> to vector<16xi32>
      %dma_wait3A_689 = arith.constant 16 : i32
      %dma_wait3A_690 = arith.constant 0 : i32
      %dma_wait3A_691 = tpu.memref_slice %arg11[%dma_wait3A_689, %dma_wait3A_690] : memref<32x384xf32, #tpu.memory_space<vmem>> -> memref<16x384xf32, #tpu.memory_space<vmem>>
      %dma_wait3A_692 = arith.constant 0 : i32
      %dma_wait3A_693 = arith.constant 0 : i32
      %dma_wait3A_694 = tpu.memref_slice %arg3[%dma_wait3A_692, %dma_wait3A_693] : memref<100000x384xf32, #tpu.memory_space<hbm>> -> memref<100000x384xf32, #tpu.memory_space<hbm>>
      tpu.wait_indirect_dma semaphore(%arg15 : memref<!tpu.dma_semaphore, #tpu.memory_space<semaphore_mem>>) src(%dma_wait3A_694 : memref<100000x384xf32, #tpu.memory_space<hbm>>) dst(%dma_wait3A_691 : memref<16x384xf32, #tpu.memory_space<vmem>>)
      %jit3A_695 = arith.constant 4 : i32
      %div3A_696 = arith.divsi %add3A_660, %jit3A_695 : i32
      %sign3A_697 = arith.constant 0 : i32
      %sign3A_698 = arith.cmpi sgt, %add3A_660, %sign3A_697 : i32
      %sign3A_699 = arith.extui %sign3A_698 : i1 to i32
      %sign3A_700 = arith.constant 0 : i32
      %sign3A_701 = arith.cmpi slt, %add3A_660, %sign3A_700 : i32
      %sign3A_702 = arith.extui %sign3A_701 : i1 to i32
      %sign3A_703 = arith.subi %sign3A_699, %sign3A_702 : i32
      %sign3A_704 = arith.constant 0 : i32
      %sign3A_705 = arith.cmpi sgt, %jit3A_695, %sign3A_704 : i32
      %sign3A_706 = arith.extui %sign3A_705 : i1 to i32
      %sign3A_707 = arith.constant 0 : i32
      %sign3A_708 = arith.cmpi slt, %jit3A_695, %sign3A_707 : i32
      %sign3A_709 = arith.extui %sign3A_708 : i1 to i32
      %sign3A_710 = arith.subi %sign3A_706, %sign3A_709 : i32
      %ne3A_711 = arith.cmpi ne, %sign3A_703, %sign3A_710 : i32
      %rem3A_712 = arith.remsi %add3A_660, %jit3A_695 : i32
      %ne3A_713 = arith.constant 0 : i32
      %ne3A_714 = arith.cmpi ne, %rem3A_712, %ne3A_713 : i32
      %and3A_715 = arith.andi %ne3A_711, %ne3A_714 : i1
      %sub3A_716 = arith.constant 1 : i32
      %sub3A_717 = arith.subi %div3A_696, %sub3A_716 : i32
      %select_n3A_718 = arith.select %and3A_715, %sub3A_717, %div3A_696 : i32
      %mul3A_719 = arith.constant 4 : i32
      %mul3A_720 = arith.muli %select_n3A_718, %mul3A_719 : i32
      %sub3A_721 = arith.subi %add3A_660, %mul3A_720 : i32
      %get3A_722 = arith.index_cast %select_n3A_718 : i32 to index
      %get3A_723 = arith.constant 0 : index
      %get3A_724 = tpu.vector_load %arg6[%get3A_722, %get3A_723] {strides = array<i32>} : memref<56x384xf32, #tpu.memory_space<vmem>>, vector<1x16xf32>,
      %get3A_725 = vector.shape_cast %get3A_724 : vector<1x16xf32> to vector<16xf32>
      %get3A_726 = arith.index_cast %select_n3A_718 : i32 to index
      %get3A_727 = arith.constant 16 : index
      %get3A_728 = tpu.vector_load %arg6[%get3A_726, %get3A_727] {strides = array<i32>} : memref<56x384xf32, #tpu.memory_space<vmem>>, vector<1x16xf32>,
      %get3A_729 = vector.shape_cast %get3A_728 : vector<1x16xf32> to vector<16xf32>
      %get3A_730 = arith.index_cast %select_n3A_718 : i32 to index
      %get3A_731 = arith.constant 32 : index
      %get3A_732 = tpu.vector_load %arg6[%get3A_730, %get3A_731] {strides = array<i32>} : memref<56x384xf32, #tpu.memory_space<vmem>>, vector<1x16xf32>,
      %get3A_733 = vector.shape_cast %get3A_732 : vector<1x16xf32> to vector<16xf32>
      %get3A_734 = arith.index_cast %select_n3A_718 : i32 to index
      %get3A_735 = arith.constant 48 : index
      %get3A_736 = tpu.vector_load %arg6[%get3A_734, %get3A_735] {strides = array<i32>} : memref<56x384xf32, #tpu.memory_space<vmem>>, vector<1x16xf32>,
      %get3A_737 = vector.shape_cast %get3A_736 : vector<1x16xf32> to vector<16xf32>
      %get3A_738 = arith.index_cast %select_n3A_718 : i32 to index
      %get3A_739 = arith.constant 64 : index
      %get3A_740 = tpu.vector_load %arg6[%get3A_738, %get3A_739] {strides = array<i32>} : memref<56x384xf32, #tpu.memory_space<vmem>>, vector<1x16xf32>,
      %get3A_741 = vector.shape_cast %get3A_740 : vector<1x16xf32> to vector<16xf32>
      %get3A_742 = arith.index_cast %select_n3A_718 : i32 to index
      %get3A_743 = arith.constant 80 : index
      %get3A_744 = tpu.vector_load %arg6[%get3A_742, %get3A_743] {strides = array<i32>} : memref<56x384xf32, #tpu.memory_space<vmem>>, vector<1x16xf32>,
      %get3A_745 = vector.shape_cast %get3A_744 : vector<1x16xf32> to vector<16xf32>
      %get3A_746 = arith.index_cast %select_n3A_718 : i32 to index
      %get3A_747 = arith.constant 96 : index
      %get3A_748 = tpu.vector_load %arg6[%get3A_746, %get3A_747] {strides = array<i32>} : memref<56x384xf32, #tpu.memory_space<vmem>>, vector<1x16xf32>,
      %get3A_749 = vector.shape_cast %get3A_748 : vector<1x16xf32> to vector<16xf32>
      %get3A_750 = arith.index_cast %select_n3A_718 : i32 to index
      %get3A_751 = arith.constant 112 : index
      %get3A_752 = tpu.vector_load %arg6[%get3A_750, %get3A_751] {strides = array<i32>} : memref<56x384xf32, #tpu.memory_space<vmem>>, vector<1x16xf32>,
      %get3A_753 = vector.shape_cast %get3A_752 : vector<1x16xf32> to vector<16xf32>
      %get3A_754 = arith.index_cast %select_n3A_718 : i32 to index
      %get3A_755 = arith.constant 128 : index
      %get3A_756 = tpu.vector_load %arg6[%get3A_754, %get3A_755] {strides = array<i32>} : memref<56x384xf32, #tpu.memory_space<vmem>>, vector<1x16xf32>,
      %get3A_757 = vector.shape_cast %get3A_756 : vector<1x16xf32> to vector<16xf32>
      %get3A_758 = arith.index_cast %select_n3A_718 : i32 to index
      %get3A_759 = arith.constant 144 : index
      %get3A_760 = tpu.vector_load %arg6[%get3A_758, %get3A_759] {strides = array<i32>} : memref<56x384xf32, #tpu.memory_space<vmem>>, vector<1x16xf32>,
      %get3A_761 = vector.shape_cast %get3A_760 : vector<1x16xf32> to vector<16xf32>
      %get3A_762 = arith.index_cast %select_n3A_718 : i32 to index
      %get3A_763 = arith.constant 160 : index
      %get3A_764 = tpu.vector_load %arg6[%get3A_762, %get3A_763] {strides = array<i32>} : memref<56x384xf32, #tpu.memory_space<vmem>>, vector<1x16xf32>,
      %get3A_765 = vector.shape_cast %get3A_764 : vector<1x16xf32> to vector<16xf32>
      %get3A_766 = arith.index_cast %select_n3A_718 : i32 to index
      %get3A_767 = arith.constant 176 : index
      %get3A_768 = tpu.vector_load %arg6[%get3A_766, %get3A_767] {strides = array<i32>} : memref<56x384xf32, #tpu.memory_space<vmem>>, vector<1x16xf32>,
      %get3A_769 = vector.shape_cast %get3A_768 : vector<1x16xf32> to vector<16xf32>
      %get3A_770 = arith.index_cast %select_n3A_718 : i32 to index
      %get3A_771 = arith.constant 192 : index
      %get3A_772 = tpu.vector_load %arg6[%get3A_770, %get3A_771] {strides = array<i32>} : memref<56x384xf32, #tpu.memory_space<vmem>>, vector<1x16xf32>,
      %get3A_773 = vector.shape_cast %get3A_772 : vector<1x16xf32> to vector<16xf32>
      %get3A_774 = arith.index_cast %select_n3A_718 : i32 to index
      %get3A_775 = arith.constant 208 : index
      %get3A_776 = tpu.vector_load %arg6[%get3A_774, %get3A_775] {strides = array<i32>} : memref<56x384xf32, #tpu.memory_space<vmem>>, vector<1x16xf32>,
      %get3A_777 = vector.shape_cast %get3A_776 : vector<1x16xf32> to vector<16xf32>
      %get3A_778 = arith.index_cast %select_n3A_718 : i32 to index
      %get3A_779 = arith.constant 224 : index
      %get3A_780 = tpu.vector_load %arg6[%get3A_778, %get3A_779] {strides = array<i32>} : memref<56x384xf32, #tpu.memory_space<vmem>>, vector<1x16xf32>,
      %get3A_781 = vector.shape_cast %get3A_780 : vector<1x16xf32> to vector<16xf32>
      %get3A_782 = arith.index_cast %select_n3A_718 : i32 to index
      %get3A_783 = arith.constant 240 : index
      %get3A_784 = tpu.vector_load %arg6[%get3A_782, %get3A_783] {strides = array<i32>} : memref<56x384xf32, #tpu.memory_space<vmem>>, vector<1x16xf32>,
      %get3A_785 = vector.shape_cast %get3A_784 : vector<1x16xf32> to vector<16xf32>
      %get3A_786 = arith.index_cast %select_n3A_718 : i32 to index
      %get3A_787 = arith.constant 256 : index
      %get3A_788 = tpu.vector_load %arg6[%get3A_786, %get3A_787] {strides = array<i32>} : memref<56x384xf32, #tpu.memory_space<vmem>>, vector<1x16xf32>,
      %get3A_789 = vector.shape_cast %get3A_788 : vector<1x16xf32> to vector<16xf32>
      %get3A_790 = arith.index_cast %select_n3A_718 : i32 to index
      %get3A_791 = arith.constant 272 : index
      %get3A_792 = tpu.vector_load %arg6[%get3A_790, %get3A_791] {strides = array<i32>} : memref<56x384xf32, #tpu.memory_space<vmem>>, vector<1x16xf32>,
      %get3A_793 = vector.shape_cast %get3A_792 : vector<1x16xf32> to vector<16xf32>
      %get3A_794 = arith.index_cast %select_n3A_718 : i32 to index
      %get3A_795 = arith.constant 288 : index
      %get3A_796 = tpu.vector_load %arg6[%get3A_794, %get3A_795] {strides = array<i32>} : memref<56x384xf32, #tpu.memory_space<vmem>>, vector<1x16xf32>,
      %get3A_797 = vector.shape_cast %get3A_796 : vector<1x16xf32> to vector<16xf32>
      %get3A_798 = arith.index_cast %select_n3A_718 : i32 to index
      %get3A_799 = arith.constant 304 : index
      %get3A_800 = tpu.vector_load %arg6[%get3A_798, %get3A_799] {strides = array<i32>} : memref<56x384xf32, #tpu.memory_space<vmem>>, vector<1x16xf32>,
      %get3A_801 = vector.shape_cast %get3A_800 : vector<1x16xf32> to vector<16xf32>
      %get3A_802 = arith.index_cast %select_n3A_718 : i32 to index
      %get3A_803 = arith.constant 320 : index
      %get3A_804 = tpu.vector_load %arg6[%get3A_802, %get3A_803] {strides = array<i32>} : memref<56x384xf32, #tpu.memory_space<vmem>>, vector<1x16xf32>,
      %get3A_805 = vector.shape_cast %get3A_804 : vector<1x16xf32> to vector<16xf32>
      %get3A_806 = arith.index_cast %select_n3A_718 : i32 to index
      %get3A_807 = arith.constant 336 : index
      %get3A_808 = tpu.vector_load %arg6[%get3A_806, %get3A_807] {strides = array<i32>} : memref<56x384xf32, #tpu.memory_space<vmem>>, vector<1x16xf32>,
      %get3A_809 = vector.shape_cast %get3A_808 : vector<1x16xf32> to vector<16xf32>
      %get3A_810 = arith.index_cast %select_n3A_718 : i32 to index
      %get3A_811 = arith.constant 352 : index
      %get3A_812 = tpu.vector_load %arg6[%get3A_810, %get3A_811] {strides = array<i32>} : memref<56x384xf32, #tpu.memory_space<vmem>>, vector<1x16xf32>,
      %get3A_813 = vector.shape_cast %get3A_812 : vector<1x16xf32> to vector<16xf32>
      %get3A_814 = arith.index_cast %select_n3A_718 : i32 to index
      %get3A_815 = arith.constant 368 : index
      %get3A_816 = tpu.vector_load %arg6[%get3A_814, %get3A_815] {strides = array<i32>} : memref<56x384xf32, #tpu.memory_space<vmem>>, vector<1x16xf32>,
      %get3A_817 = vector.shape_cast %get3A_816 : vector<1x16xf32> to vector<16xf32>
      %scan3A_818 = arith.constant 0 : i32
      %scan3A_819 = arith.constant 0 : i32
      %scan3A_820 = arith.constant 32 : i32
      %scan3A_821 = arith.addi %scan3A_819, %scan3A_820 : i32
      %scan3A_822 = arith.constant 4 : i32
      %scan3A_823 = scf.for %scan3A_839 = %scan3A_819 to %scan3A_821 step %scan3A_822 iter_args(%scan3A_840 = %scan3A_818) -> (i32)  : i32 {
        %swap3A = arith.index_cast %scan3A_839 : i32 to index
        %swap3A_841 = arith.constant 0 : index
        %swap3A_842 = tpu.vector_load %arg11[%swap3A, %swap3A_841] {strides = array<i32>} : memref<32x384xf32, #tpu.memory_space<vmem>>, vector<1x16xf32>,
        %swap3A_843 = vector.shape_cast %swap3A_842 : vector<1x16xf32> to vector<16xf32>
        %swap3A_844 = vector.shape_cast %get3A_725 : vector<16xf32> to vector<1x16xf32>
        tpu.vector_store %arg11[%swap3A, %swap3A_841], %swap3A_844 {add = true, strides = array<i32>} : memref<32x384xf32, #tpu.memory_space<vmem>>, vector<1x16xf32>,
        %swap3A_845 = arith.index_cast %scan3A_839 : i32 to index
        %swap3A_846 = arith.constant 16 : index
        %swap3A_847 = tpu.vector_load %arg11[%swap3A_845, %swap3A_846] {strides = array<i32>} : memref<32x384xf32, #tpu.memory_space<vmem>>, vector<1x16xf32>,
        %swap3A_848 = vector.shape_cast %swap3A_847 : vector<1x16xf32> to vector<16xf32>
        %swap3A_849 = vector.shape_cast %get3A_729 : vector<16xf32> to vector<1x16xf32>
        tpu.vector_store %arg11[%swap3A_845, %swap3A_846], %swap3A_849 {add = true, strides = array<i32>} : memref<32x384xf32, #tpu.memory_space<vmem>>, vector<1x16xf32>,
        %swap3A_850 = arith.index_cast %scan3A_839 : i32 to index
        %swap3A_851 = arith.constant 32 : index
        %swap3A_852 = tpu.vector_load %arg11[%swap3A_850, %swap3A_851] {strides = array<i32>} : memref<32x384xf32, #tpu.memory_space<vmem>>, vector<1x16xf32>,
        %swap3A_853 = vector.shape_cast %swap3A_852 : vector<1x16xf32> to vector<16xf32>
        %swap3A_854 = vector.shape_cast %get3A_733 : vector<16xf32> to vector<1x16xf32>
        tpu.vector_store %arg11[%swap3A_850, %swap3A_851], %swap3A_854 {add = true, strides = array<i32>} : memref<32x384xf32, #tpu.memory_space<vmem>>, vector<1x16xf32>,
        %swap3A_855 = arith.index_cast %scan3A_839 : i32 to index
        %swap3A_856 = arith.constant 48 : index
        %swap3A_857 = tpu.vector_load %arg11[%swap3A_855, %swap3A_856] {strides = array<i32>} : memref<32x384xf32, #tpu.memory_space<vmem>>, vector<1x16xf32>,
        %swap3A_858 = vector.shape_cast %swap3A_857 : vector<1x16xf32> to vector<16xf32>
        %swap3A_859 = vector.shape_cast %get3A_737 : vector<16xf32> to vector<1x16xf32>
        tpu.vector_store %arg11[%swap3A_855, %swap3A_856], %swap3A_859 {add = true, strides = array<i32>} : memref<32x384xf32, #tpu.memory_space<vmem>>, vector<1x16xf32>,
        %swap3A_860 = arith.index_cast %scan3A_839 : i32 to index
        %swap3A_861 = arith.constant 64 : index
        %swap3A_862 = tpu.vector_load %arg11[%swap3A_860, %swap3A_861] {strides = array<i32>} : memref<32x384xf32, #tpu.memory_space<vmem>>, vector<1x16xf32>,
        %swap3A_863 = vector.shape_cast %swap3A_862 : vector<1x16xf32> to vector<16xf32>
        %swap3A_864 = vector.shape_cast %get3A_741 : vector<16xf32> to vector<1x16xf32>
        tpu.vector_store %arg11[%swap3A_860, %swap3A_861], %swap3A_864 {add = true, strides = array<i32>} : memref<32x384xf32, #tpu.memory_space<vmem>>, vector<1x16xf32>,
        %swap3A_865 = arith.index_cast %scan3A_839 : i32 to index
        %swap3A_866 = arith.constant 80 : index
        %swap3A_867 = tpu.vector_load %arg11[%swap3A_865, %swap3A_866] {strides = array<i32>} : memref<32x384xf32, #tpu.memory_space<vmem>>, vector<1x16xf32>,
        %swap3A_868 = vector.shape_cast %swap3A_867 : vector<1x16xf32> to vector<16xf32>
        %swap3A_869 = vector.shape_cast %get3A_745 : vector<16xf32> to vector<1x16xf32>
        tpu.vector_store %arg11[%swap3A_865, %swap3A_866], %swap3A_869 {add = true, strides = array<i32>} : memref<32x384xf32, #tpu.memory_space<vmem>>, vector<1x16xf32>,
        %swap3A_870 = arith.index_cast %scan3A_839 : i32 to index
        %swap3A_871 = arith.constant 96 : index
        %swap3A_872 = tpu.vector_load %arg11[%swap3A_870, %swap3A_871] {strides = array<i32>} : memref<32x384xf32, #tpu.memory_space<vmem>>, vector<1x16xf32>,
        %swap3A_873 = vector.shape_cast %swap3A_872 : vector<1x16xf32> to vector<16xf32>
        %swap3A_874 = vector.shape_cast %get3A_749 : vector<16xf32> to vector<1x16xf32>
        tpu.vector_store %arg11[%swap3A_870, %swap3A_871], %swap3A_874 {add = true, strides = array<i32>} : memref<32x384xf32, #tpu.memory_space<vmem>>, vector<1x16xf32>,
        %swap3A_875 = arith.index_cast %scan3A_839 : i32 to index
        %swap3A_876 = arith.constant 112 : index
        %swap3A_877 = tpu.vector_load %arg11[%swap3A_875, %swap3A_876] {strides = array<i32>} : memref<32x384xf32, #tpu.memory_space<vmem>>, vector<1x16xf32>,
        %swap3A_878 = vector.shape_cast %swap3A_877 : vector<1x16xf32> to vector<16xf32>
        %swap3A_879 = vector.shape_cast %get3A_753 : vector<16xf32> to vector<1x16xf32>
        tpu.vector_store %arg11[%swap3A_875, %swap3A_876], %swap3A_879 {add = true, strides = array<i32>} : memref<32x384xf32, #tpu.memory_space<vmem>>, vector<1x16xf32>,
        %swap3A_880 = arith.index_cast %scan3A_839 : i32 to index
        %swap3A_881 = arith.constant 128 : index
        %swap3A_882 = tpu.vector_load %arg11[%swap3A_880, %swap3A_881] {strides = array<i32>} : memref<32x384xf32, #tpu.memory_space<vmem>>, vector<1x16xf32>,
        %swap3A_883 = vector.shape_cast %swap3A_882 : vector<1x16xf32> to vector<16xf32>
        %swap3A_884 = vector.shape_cast %get3A_757 : vector<16xf32> to vector<1x16xf32>
        tpu.vector_store %arg11[%swap3A_880, %swap3A_881], %swap3A_884 {add = true, strides = array<i32>} : memref<32x384xf32, #tpu.memory_space<vmem>>, vector<1x16xf32>,
        %swap3A_885 = arith.index_cast %scan3A_839 : i32 to index
        %swap3A_886 = arith.constant 144 : index
        %swap3A_887 = tpu.vector_load %arg11[%swap3A_885, %swap3A_886] {strides = array<i32>} : memref<32x384xf32, #tpu.memory_space<vmem>>, vector<1x16xf32>,
        %swap3A_888 = vector.shape_cast %swap3A_887 : vector<1x16xf32> to vector<16xf32>
        %swap3A_889 = vector.shape_cast %get3A_761 : vector<16xf32> to vector<1x16xf32>
        tpu.vector_store %arg11[%swap3A_885, %swap3A_886], %swap3A_889 {add = true, strides = array<i32>} : memref<32x384xf32, #tpu.memory_space<vmem>>, vector<1x16xf32>,
        %swap3A_890 = arith.index_cast %scan3A_839 : i32 to index
        %swap3A_891 = arith.constant 160 : index
        %swap3A_892 = tpu.vector_load %arg11[%swap3A_890, %swap3A_891] {strides = array<i32>} : memref<32x384xf32, #tpu.memory_space<vmem>>, vector<1x16xf32>,
        %swap3A_893 = vector.shape_cast %swap3A_892 : vector<1x16xf32> to vector<16xf32>
        %swap3A_894 = vector.shape_cast %get3A_765 : vector<16xf32> to vector<1x16xf32>
        tpu.vector_store %arg11[%swap3A_890, %swap3A_891], %swap3A_894 {add = true, strides = array<i32>} : memref<32x384xf32, #tpu.memory_space<vmem>>, vector<1x16xf32>,
        %swap3A_895 = arith.index_cast %scan3A_839 : i32 to index
        %swap3A_896 = arith.constant 176 : index
        %swap3A_897 = tpu.vector_load %arg11[%swap3A_895, %swap3A_896] {strides = array<i32>} : memref<32x384xf32, #tpu.memory_space<vmem>>, vector<1x16xf32>,
        %swap3A_898 = vector.shape_cast %swap3A_897 : vector<1x16xf32> to vector<16xf32>
        %swap3A_899 = vector.shape_cast %get3A_769 : vector<16xf32> to vector<1x16xf32>
        tpu.vector_store %arg11[%swap3A_895, %swap3A_896], %swap3A_899 {add = true, strides = array<i32>} : memref<32x384xf32, #tpu.memory_space<vmem>>, vector<1x16xf32>,
        %swap3A_900 = arith.index_cast %scan3A_839 : i32 to index
        %swap3A_901 = arith.constant 192 : index
        %swap3A_902 = tpu.vector_load %arg11[%swap3A_900, %swap3A_901] {strides = array<i32>} : memref<32x384xf32, #tpu.memory_space<vmem>>, vector<1x16xf32>,
        %swap3A_903 = vector.shape_cast %swap3A_902 : vector<1x16xf32> to vector<16xf32>
        %swap3A_904 = vector.shape_cast %get3A_773 : vector<16xf32> to vector<1x16xf32>
        tpu.vector_store %arg11[%swap3A_900, %swap3A_901], %swap3A_904 {add = true, strides = array<i32>} : memref<32x384xf32, #tpu.memory_space<vmem>>, vector<1x16xf32>,
        %swap3A_905 = arith.index_cast %scan3A_839 : i32 to index
        %swap3A_906 = arith.constant 208 : index
        %swap3A_907 = tpu.vector_load %arg11[%swap3A_905, %swap3A_906] {strides = array<i32>} : memref<32x384xf32, #tpu.memory_space<vmem>>, vector<1x16xf32>,
        %swap3A_908 = vector.shape_cast %swap3A_907 : vector<1x16xf32> to vector<16xf32>
        %swap3A_909 = vector.shape_cast %get3A_777 : vector<16xf32> to vector<1x16xf32>
        tpu.vector_store %arg11[%swap3A_905, %swap3A_906], %swap3A_909 {add = true, strides = array<i32>} : memref<32x384xf32, #tpu.memory_space<vmem>>, vector<1x16xf32>,
        %swap3A_910 = arith.index_cast %scan3A_839 : i32 to index
        %swap3A_911 = arith.constant 224 : index
        %swap3A_912 = tpu.vector_load %arg11[%swap3A_910, %swap3A_911] {strides = array<i32>} : memref<32x384xf32, #tpu.memory_space<vmem>>, vector<1x16xf32>,
        %swap3A_913 = vector.shape_cast %swap3A_912 : vector<1x16xf32> to vector<16xf32>
        %swap3A_914 = vector.shape_cast %get3A_781 : vector<16xf32> to vector<1x16xf32>
        tpu.vector_store %arg11[%swap3A_910, %swap3A_911], %swap3A_914 {add = true, strides = array<i32>} : memref<32x384xf32, #tpu.memory_space<vmem>>, vector<1x16xf32>,
        %swap3A_915 = arith.index_cast %scan3A_839 : i32 to index
        %swap3A_916 = arith.constant 240 : index
        %swap3A_917 = tpu.vector_load %arg11[%swap3A_915, %swap3A_916] {strides = array<i32>} : memref<32x384xf32, #tpu.memory_space<vmem>>, vector<1x16xf32>,
        %swap3A_918 = vector.shape_cast %swap3A_917 : vector<1x16xf32> to vector<16xf32>
        %swap3A_919 = vector.shape_cast %get3A_785 : vector<16xf32> to vector<1x16xf32>
        tpu.vector_store %arg11[%swap3A_915, %swap3A_916], %swap3A_919 {add = true, strides = array<i32>} : memref<32x384xf32, #tpu.memory_space<vmem>>, vector<1x16xf32>,
        %swap3A_920 = arith.index_cast %scan3A_839 : i32 to index
        %swap3A_921 = arith.constant 256 : index
        %swap3A_922 = tpu.vector_load %arg11[%swap3A_920, %swap3A_921] {strides = array<i32>} : memref<32x384xf32, #tpu.memory_space<vmem>>, vector<1x16xf32>,
        %swap3A_923 = vector.shape_cast %swap3A_922 : vector<1x16xf32> to vector<16xf32>
        %swap3A_924 = vector.shape_cast %get3A_789 : vector<16xf32> to vector<1x16xf32>
        tpu.vector_store %arg11[%swap3A_920, %swap3A_921], %swap3A_924 {add = true, strides = array<i32>} : memref<32x384xf32, #tpu.memory_space<vmem>>, vector<1x16xf32>,
        %swap3A_925 = arith.index_cast %scan3A_839 : i32 to index
        %swap3A_926 = arith.constant 272 : index
        %swap3A_927 = tpu.vector_load %arg11[%swap3A_925, %swap3A_926] {strides = array<i32>} : memref<32x384xf32, #tpu.memory_space<vmem>>, vector<1x16xf32>,
        %swap3A_928 = vector.shape_cast %swap3A_927 : vector<1x16xf32> to vector<16xf32>
        %swap3A_929 = vector.shape_cast %get3A_793 : vector<16xf32> to vector<1x16xf32>
        tpu.vector_store %arg11[%swap3A_925, %swap3A_926], %swap3A_929 {add = true, strides = array<i32>} : memref<32x384xf32, #tpu.memory_space<vmem>>, vector<1x16xf32>,
        %swap3A_930 = arith.index_cast %scan3A_839 : i32 to index
        %swap3A_931 = arith.constant 288 : index
        %swap3A_932 = tpu.vector_load %arg11[%swap3A_930, %swap3A_931] {strides = array<i32>} : memref<32x384xf32, #tpu.memory_space<vmem>>, vector<1x16xf32>,
        %swap3A_933 = vector.shape_cast %swap3A_932 : vector<1x16xf32> to vector<16xf32>
        %swap3A_934 = vector.shape_cast %get3A_797 : vector<16xf32> to vector<1x16xf32>
        tpu.vector_store %arg11[%swap3A_930, %swap3A_931], %swap3A_934 {add = true, strides = array<i32>} : memref<32x384xf32, #tpu.memory_space<vmem>>, vector<1x16xf32>,
        %swap3A_935 = arith.index_cast %scan3A_839 : i32 to index
        %swap3A_936 = arith.constant 304 : index
        %swap3A_937 = tpu.vector_load %arg11[%swap3A_935, %swap3A_936] {strides = array<i32>} : memref<32x384xf32, #tpu.memory_space<vmem>>, vector<1x16xf32>,
        %swap3A_938 = vector.shape_cast %swap3A_937 : vector<1x16xf32> to vector<16xf32>
        %swap3A_939 = vector.shape_cast %get3A_801 : vector<16xf32> to vector<1x16xf32>
        tpu.vector_store %arg11[%swap3A_935, %swap3A_936], %swap3A_939 {add = true, strides = array<i32>} : memref<32x384xf32, #tpu.memory_space<vmem>>, vector<1x16xf32>,
        %swap3A_940 = arith.index_cast %scan3A_839 : i32 to index
        %swap3A_941 = arith.constant 320 : index
        %swap3A_942 = tpu.vector_load %arg11[%swap3A_940, %swap3A_941] {strides = array<i32>} : memref<32x384xf32, #tpu.memory_space<vmem>>, vector<1x16xf32>,
        %swap3A_943 = vector.shape_cast %swap3A_942 : vector<1x16xf32> to vector<16xf32>
        %swap3A_944 = vector.shape_cast %get3A_805 : vector<16xf32> to vector<1x16xf32>
        tpu.vector_store %arg11[%swap3A_940, %swap3A_941], %swap3A_944 {add = true, strides = array<i32>} : memref<32x384xf32, #tpu.memory_space<vmem>>, vector<1x16xf32>,
        %swap3A_945 = arith.index_cast %scan3A_839 : i32 to index
        %swap3A_946 = arith.constant 336 : index
        %swap3A_947 = tpu.vector_load %arg11[%swap3A_945, %swap3A_946] {strides = array<i32>} : memref<32x384xf32, #tpu.memory_space<vmem>>, vector<1x16xf32>,
        %swap3A_948 = vector.shape_cast %swap3A_947 : vector<1x16xf32> to vector<16xf32>
        %swap3A_949 = vector.shape_cast %get3A_809 : vector<16xf32> to vector<1x16xf32>
        tpu.vector_store %arg11[%swap3A_945, %swap3A_946], %swap3A_949 {add = true, strides = array<i32>} : memref<32x384xf32, #tpu.memory_space<vmem>>, vector<1x16xf32>,
        %swap3A_950 = arith.index_cast %scan3A_839 : i32 to index
        %swap3A_951 = arith.constant 352 : index
        %swap3A_952 = tpu.vector_load %arg11[%swap3A_950, %swap3A_951] {strides = array<i32>} : memref<32x384xf32, #tpu.memory_space<vmem>>, vector<1x16xf32>,
        %swap3A_953 = vector.shape_cast %swap3A_952 : vector<1x16xf32> to vector<16xf32>
        %swap3A_954 = vector.shape_cast %get3A_813 : vector<16xf32> to vector<1x16xf32>
        tpu.vector_store %arg11[%swap3A_950, %swap3A_951], %swap3A_954 {add = true, strides = array<i32>} : memref<32x384xf32, #tpu.memory_space<vmem>>, vector<1x16xf32>,
        %swap3A_955 = arith.index_cast %scan3A_839 : i32 to index
        %swap3A_956 = arith.constant 368 : index
        %swap3A_957 = tpu.vector_load %arg11[%swap3A_955, %swap3A_956] {strides = array<i32>} : memref<32x384xf32, #tpu.memory_space<vmem>>, vector<1x16xf32>,
        %swap3A_958 = vector.shape_cast %swap3A_957 : vector<1x16xf32> to vector<16xf32>
        %swap3A_959 = vector.shape_cast %get3A_817 : vector<16xf32> to vector<1x16xf32>
        tpu.vector_store %arg11[%swap3A_955, %swap3A_956], %swap3A_959 {add = true, strides = array<i32>} : memref<32x384xf32, #tpu.memory_space<vmem>>, vector<1x16xf32>,
        %scan3A_960 = arith.constant 0 : i32
        %scan3A_961 = arith.constant 1 : i32
        %scan3A_962 = arith.addi %scan3A_839, %scan3A_961 : i32
        %swap3A_963 = arith.index_cast %scan3A_962 : i32 to index
        %swap3A_964 = arith.constant 0 : index
        %swap3A_965 = tpu.vector_load %arg11[%swap3A_963, %swap3A_964] {strides = array<i32>} : memref<32x384xf32, #tpu.memory_space<vmem>>, vector<1x16xf32>,
        %swap3A_966 = vector.shape_cast %swap3A_965 : vector<1x16xf32> to vector<16xf32>
        %swap3A_967 = vector.shape_cast %get3A_725 : vector<16xf32> to vector<1x16xf32>
        tpu.vector_store %arg11[%swap3A_963, %swap3A_964], %swap3A_967 {add = true, strides = array<i32>} : memref<32x384xf32, #tpu.memory_space<vmem>>, vector<1x16xf32>,
        %swap3A_968 = arith.index_cast %scan3A_962 : i32 to index
        %swap3A_969 = arith.constant 16 : index
        %swap3A_970 = tpu.vector_load %arg11[%swap3A_968, %swap3A_969] {strides = array<i32>} : memref<32x384xf32, #tpu.memory_space<vmem>>, vector<1x16xf32>,
        %swap3A_971 = vector.shape_cast %swap3A_970 : vector<1x16xf32> to vector<16xf32>
        %swap3A_972 = vector.shape_cast %get3A_729 : vector<16xf32> to vector<1x16xf32>
        tpu.vector_store %arg11[%swap3A_968, %swap3A_969], %swap3A_972 {add = true, strides = array<i32>} : memref<32x384xf32, #tpu.memory_space<vmem>>, vector<1x16xf32>,
        %swap3A_973 = arith.index_cast %scan3A_962 : i32 to index
        %swap3A_974 = arith.constant 32 : index
        %swap3A_975 = tpu.vector_load %arg11[%swap3A_973, %swap3A_974] {strides = array<i32>} : memref<32x384xf32, #tpu.memory_space<vmem>>, vector<1x16xf32>,
        %swap3A_976 = vector.shape_cast %swap3A_975 : vector<1x16xf32> to vector<16xf32>
        %swap3A_977 = vector.shape_cast %get3A_733 : vector<16xf32> to vector<1x16xf32>
        tpu.vector_store %arg11[%swap3A_973, %swap3A_974], %swap3A_977 {add = true, strides = array<i32>} : memref<32x384xf32, #tpu.memory_space<vmem>>, vector<1x16xf32>,
        %swap3A_978 = arith.index_cast %scan3A_962 : i32 to index
        %swap3A_979 = arith.constant 48 : index
        %swap3A_980 = tpu.vector_load %arg11[%swap3A_978, %swap3A_979] {strides = array<i32>} : memref<32x384xf32, #tpu.memory_space<vmem>>, vector<1x16xf32>,
        %swap3A_981 = vector.shape_cast %swap3A_980 : vector<1x16xf32> to vector<16xf32>
        %swap3A_982 = vector.shape_cast %get3A_737 : vector<16xf32> to vector<1x16xf32>
        tpu.vector_store %arg11[%swap3A_978, %swap3A_979], %swap3A_982 {add = true, strides = array<i32>} : memref<32x384xf32, #tpu.memory_space<vmem>>, vector<1x16xf32>,
        %swap3A_983 = arith.index_cast %scan3A_962 : i32 to index
        %swap3A_984 = arith.constant 64 : index
        %swap3A_985 = tpu.vector_load %arg11[%swap3A_983, %swap3A_984] {strides = array<i32>} : memref<32x384xf32, #tpu.memory_space<vmem>>, vector<1x16xf32>,
        %swap3A_986 = vector.shape_cast %swap3A_985 : vector<1x16xf32> to vector<16xf32>
        %swap3A_987 = vector.shape_cast %get3A_741 : vector<16xf32> to vector<1x16xf32>
        tpu.vector_store %arg11[%swap3A_983, %swap3A_984], %swap3A_987 {add = true, strides = array<i32>} : memref<32x384xf32, #tpu.memory_space<vmem>>, vector<1x16xf32>,
        %swap3A_988 = arith.index_cast %scan3A_962 : i32 to index
        %swap3A_989 = arith.constant 80 : index
        %swap3A_990 = tpu.vector_load %arg11[%swap3A_988, %swap3A_989] {strides = array<i32>} : memref<32x384xf32, #tpu.memory_space<vmem>>, vector<1x16xf32>,
        %swap3A_991 = vector.shape_cast %swap3A_990 : vector<1x16xf32> to vector<16xf32>
        %swap3A_992 = vector.shape_cast %get3A_745 : vector<16xf32> to vector<1x16xf32>
        tpu.vector_store %arg11[%swap3A_988, %swap3A_989], %swap3A_992 {add = true, strides = array<i32>} : memref<32x384xf32, #tpu.memory_space<vmem>>, vector<1x16xf32>,
        %swap3A_993 = arith.index_cast %scan3A_962 : i32 to index
        %swap3A_994 = arith.constant 96 : index
        %swap3A_995 = tpu.vector_load %arg11[%swap3A_993, %swap3A_994] {strides = array<i32>} : memref<32x384xf32, #tpu.memory_space<vmem>>, vector<1x16xf32>,
        %swap3A_996 = vector.shape_cast %swap3A_995 : vector<1x16xf32> to vector<16xf32>
        %swap3A_997 = vector.shape_cast %get3A_749 : vector<16xf32> to vector<1x16xf32>
        tpu.vector_store %arg11[%swap3A_993, %swap3A_994], %swap3A_997 {add = true, strides = array<i32>} : memref<32x384xf32, #tpu.memory_space<vmem>>, vector<1x16xf32>,
        %swap3A_998 = arith.index_cast %scan3A_962 : i32 to index
        %swap3A_999 = arith.constant 112 : index
        %swap3A_1000 = tpu.vector_load %arg11[%swap3A_998, %swap3A_999] {strides = array<i32>} : memref<32x384xf32, #tpu.memory_space<vmem>>, vector<1x16xf32>,
        %swap3A_1001 = vector.shape_cast %swap3A_1000 : vector<1x16xf32> to vector<16xf32>
        %swap3A_1002 = vector.shape_cast %get3A_753 : vector<16xf32> to vector<1x16xf32>
        tpu.vector_store %arg11[%swap3A_998, %swap3A_999], %swap3A_1002 {add = true, strides = array<i32>} : memref<32x384xf32, #tpu.memory_space<vmem>>, vector<1x16xf32>,
        %swap3A_1003 = arith.index_cast %scan3A_962 : i32 to index
        %swap3A_1004 = arith.constant 128 : index
        %swap3A_1005 = tpu.vector_load %arg11[%swap3A_1003, %swap3A_1004] {strides = array<i32>} : memref<32x384xf32, #tpu.memory_space<vmem>>, vector<1x16xf32>,
        %swap3A_1006 = vector.shape_cast %swap3A_1005 : vector<1x16xf32> to vector<16xf32>
        %swap3A_1007 = vector.shape_cast %get3A_757 : vector<16xf32> to vector<1x16xf32>
        tpu.vector_store %arg11[%swap3A_1003, %swap3A_1004], %swap3A_1007 {add = true, strides = array<i32>} : memref<32x384xf32, #tpu.memory_space<vmem>>, vector<1x16xf32>,
        %swap3A_1008 = arith.index_cast %scan3A_962 : i32 to index
        %swap3A_1009 = arith.constant 144 : index
        %swap3A_1010 = tpu.vector_load %arg11[%swap3A_1008, %swap3A_1009] {strides = array<i32>} : memref<32x384xf32, #tpu.memory_space<vmem>>, vector<1x16xf32>,
        %swap3A_1011 = vector.shape_cast %swap3A_1010 : vector<1x16xf32> to vector<16xf32>
        %swap3A_1012 = vector.shape_cast %get3A_761 : vector<16xf32> to vector<1x16xf32>
        tpu.vector_store %arg11[%swap3A_1008, %swap3A_1009], %swap3A_1012 {add = true, strides = array<i32>} : memref<32x384xf32, #tpu.memory_space<vmem>>, vector<1x16xf32>,
        %swap3A_1013 = arith.index_cast %scan3A_962 : i32 to index
        %swap3A_1014 = arith.constant 160 : index
        %swap3A_1015 = tpu.vector_load %arg11[%swap3A_1013, %swap3A_1014] {strides = array<i32>} : memref<32x384xf32, #tpu.memory_space<vmem>>, vector<1x16xf32>,
        %swap3A_1016 = vector.shape_cast %swap3A_1015 : vector<1x16xf32> to vector<16xf32>
        %swap3A_1017 = vector.shape_cast %get3A_765 : vector<16xf32> to vector<1x16xf32>
        tpu.vector_store %arg11[%swap3A_1013, %swap3A_1014], %swap3A_1017 {add = true, strides = array<i32>} : memref<32x384xf32, #tpu.memory_space<vmem>>, vector<1x16xf32>,
        %swap3A_1018 = arith.index_cast %scan3A_962 : i32 to index
        %swap3A_1019 = arith.constant 176 : index
        %swap3A_1020 = tpu.vector_load %arg11[%swap3A_1018, %swap3A_1019] {strides = array<i32>} : memref<32x384xf32, #tpu.memory_space<vmem>>, vector<1x16xf32>,
        %swap3A_1021 = vector.shape_cast %swap3A_1020 : vector<1x16xf32> to vector<16xf32>
        %swap3A_1022 = vector.shape_cast %get3A_769 : vector<16xf32> to vector<1x16xf32>
        tpu.vector_store %arg11[%swap3A_1018, %swap3A_1019], %swap3A_1022 {add = true, strides = array<i32>} : memref<32x384xf32, #tpu.memory_space<vmem>>, vector<1x16xf32>,
        %swap3A_1023 = arith.index_cast %scan3A_962 : i32 to index
        %swap3A_1024 = arith.constant 192 : index
        %swap3A_1025 = tpu.vector_load %arg11[%swap3A_1023, %swap3A_1024] {strides = array<i32>} : memref<32x384xf32, #tpu.memory_space<vmem>>, vector<1x16xf32>,
        %swap3A_1026 = vector.shape_cast %swap3A_1025 : vector<1x16xf32> to vector<16xf32>
        %swap3A_1027 = vector.shape_cast %get3A_773 : vector<16xf32> to vector<1x16xf32>
        tpu.vector_store %arg11[%swap3A_1023, %swap3A_1024], %swap3A_1027 {add = true, strides = array<i32>} : memref<32x384xf32, #tpu.memory_space<vmem>>, vector<1x16xf32>,
        %swap3A_1028 = arith.index_cast %scan3A_962 : i32 to index
        %swap3A_1029 = arith.constant 208 : index
        %swap3A_1030 = tpu.vector_load %arg11[%swap3A_1028, %swap3A_1029] {strides = array<i32>} : memref<32x384xf32, #tpu.memory_space<vmem>>, vector<1x16xf32>,
        %swap3A_1031 = vector.shape_cast %swap3A_1030 : vector<1x16xf32> to vector<16xf32>
        %swap3A_1032 = vector.shape_cast %get3A_777 : vector<16xf32> to vector<1x16xf32>
        tpu.vector_store %arg11[%swap3A_1028, %swap3A_1029], %swap3A_1032 {add = true, strides = array<i32>} : memref<32x384xf32, #tpu.memory_space<vmem>>, vector<1x16xf32>,
        %swap3A_1033 = arith.index_cast %scan3A_962 : i32 to index
        %swap3A_1034 = arith.constant 224 : index
        %swap3A_1035 = tpu.vector_load %arg11[%swap3A_1033, %swap3A_1034] {strides = array<i32>} : memref<32x384xf32, #tpu.memory_space<vmem>>, vector<1x16xf32>,
        %swap3A_1036 = vector.shape_cast %swap3A_1035 : vector<1x16xf32> to vector<16xf32>
        %swap3A_1037 = vector.shape_cast %get3A_781 : vector<16xf32> to vector<1x16xf32>
        tpu.vector_store %arg11[%swap3A_1033, %swap3A_1034], %swap3A_1037 {add = true, strides = array<i32>} : memref<32x384xf32, #tpu.memory_space<vmem>>, vector<1x16xf32>,
        %swap3A_1038 = arith.index_cast %scan3A_962 : i32 to index
        %swap3A_1039 = arith.constant 240 : index
        %swap3A_1040 = tpu.vector_load %arg11[%swap3A_1038, %swap3A_1039] {strides = array<i32>} : memref<32x384xf32, #tpu.memory_space<vmem>>, vector<1x16xf32>,
        %swap3A_1041 = vector.shape_cast %swap3A_1040 : vector<1x16xf32> to vector<16xf32>
        %swap3A_1042 = vector.shape_cast %get3A_785 : vector<16xf32> to vector<1x16xf32>
        tpu.vector_store %arg11[%swap3A_1038, %swap3A_1039], %swap3A_1042 {add = true, strides = array<i32>} : memref<32x384xf32, #tpu.memory_space<vmem>>, vector<1x16xf32>,
        %swap3A_1043 = arith.index_cast %scan3A_962 : i32 to index
        %swap3A_1044 = arith.constant 256 : index
        %swap3A_1045 = tpu.vector_load %arg11[%swap3A_1043, %swap3A_1044] {strides = array<i32>} : memref<32x384xf32, #tpu.memory_space<vmem>>, vector<1x16xf32>,
        %swap3A_1046 = vector.shape_cast %swap3A_1045 : vector<1x16xf32> to vector<16xf32>
        %swap3A_1047 = vector.shape_cast %get3A_789 : vector<16xf32> to vector<1x16xf32>
        tpu.vector_store %arg11[%swap3A_1043, %swap3A_1044], %swap3A_1047 {add = true, strides = array<i32>} : memref<32x384xf32, #tpu.memory_space<vmem>>, vector<1x16xf32>,
        %swap3A_1048 = arith.index_cast %scan3A_962 : i32 to index
        %swap3A_1049 = arith.constant 272 : index
        %swap3A_1050 = tpu.vector_load %arg11[%swap3A_1048, %swap3A_1049] {strides = array<i32>} : memref<32x384xf32, #tpu.memory_space<vmem>>, vector<1x16xf32>,
        %swap3A_1051 = vector.shape_cast %swap3A_1050 : vector<1x16xf32> to vector<16xf32>
        %swap3A_1052 = vector.shape_cast %get3A_793 : vector<16xf32> to vector<1x16xf32>
        tpu.vector_store %arg11[%swap3A_1048, %swap3A_1049], %swap3A_1052 {add = true, strides = array<i32>} : memref<32x384xf32, #tpu.memory_space<vmem>>, vector<1x16xf32>,
        %swap3A_1053 = arith.index_cast %scan3A_962 : i32 to index
        %swap3A_1054 = arith.constant 288 : index
        %swap3A_1055 = tpu.vector_load %arg11[%swap3A_1053, %swap3A_1054] {strides = array<i32>} : memref<32x384xf32, #tpu.memory_space<vmem>>, vector<1x16xf32>,
        %swap3A_1056 = vector.shape_cast %swap3A_1055 : vector<1x16xf32> to vector<16xf32>
        %swap3A_1057 = vector.shape_cast %get3A_797 : vector<16xf32> to vector<1x16xf32>
        tpu.vector_store %arg11[%swap3A_1053, %swap3A_1054], %swap3A_1057 {add = true, strides = array<i32>} : memref<32x384xf32, #tpu.memory_space<vmem>>, vector<1x16xf32>,
        %swap3A_1058 = arith.index_cast %scan3A_962 : i32 to index
        %swap3A_1059 = arith.constant 304 : index
        %swap3A_1060 = tpu.vector_load %arg11[%swap3A_1058, %swap3A_1059] {strides = array<i32>} : memref<32x384xf32, #tpu.memory_space<vmem>>, vector<1x16xf32>,
        %swap3A_1061 = vector.shape_cast %swap3A_1060 : vector<1x16xf32> to vector<16xf32>
        %swap3A_1062 = vector.shape_cast %get3A_801 : vector<16xf32> to vector<1x16xf32>
        tpu.vector_store %arg11[%swap3A_1058, %swap3A_1059], %swap3A_1062 {add = true, strides = array<i32>} : memref<32x384xf32, #tpu.memory_space<vmem>>, vector<1x16xf32>,
        %swap3A_1063 = arith.index_cast %scan3A_962 : i32 to index
        %swap3A_1064 = arith.constant 320 : index
        %swap3A_1065 = tpu.vector_load %arg11[%swap3A_1063, %swap3A_1064] {strides = array<i32>} : memref<32x384xf32, #tpu.memory_space<vmem>>, vector<1x16xf32>,
        %swap3A_1066 = vector.shape_cast %swap3A_1065 : vector<1x16xf32> to vector<16xf32>
        %swap3A_1067 = vector.shape_cast %get3A_805 : vector<16xf32> to vector<1x16xf32>
        tpu.vector_store %arg11[%swap3A_1063, %swap3A_1064], %swap3A_1067 {add = true, strides = array<i32>} : memref<32x384xf32, #tpu.memory_space<vmem>>, vector<1x16xf32>,
        %swap3A_1068 = arith.index_cast %scan3A_962 : i32 to index
        %swap3A_1069 = arith.constant 336 : index
        %swap3A_1070 = tpu.vector_load %arg11[%swap3A_1068, %swap3A_1069] {strides = array<i32>} : memref<32x384xf32, #tpu.memory_space<vmem>>, vector<1x16xf32>,
        %swap3A_1071 = vector.shape_cast %swap3A_1070 : vector<1x16xf32> to vector<16xf32>
        %swap3A_1072 = vector.shape_cast %get3A_809 : vector<16xf32> to vector<1x16xf32>
        tpu.vector_store %arg11[%swap3A_1068, %swap3A_1069], %swap3A_1072 {add = true, strides = array<i32>} : memref<32x384xf32, #tpu.memory_space<vmem>>, vector<1x16xf32>,
        %swap3A_1073 = arith.index_cast %scan3A_962 : i32 to index
        %swap3A_1074 = arith.constant 352 : index
        %swap3A_1075 = tpu.vector_load %arg11[%swap3A_1073, %swap3A_1074] {strides = array<i32>} : memref<32x384xf32, #tpu.memory_space<vmem>>, vector<1x16xf32>,
        %swap3A_1076 = vector.shape_cast %swap3A_1075 : vector<1x16xf32> to vector<16xf32>
        %swap3A_1077 = vector.shape_cast %get3A_813 : vector<16xf32> to vector<1x16xf32>
        tpu.vector_store %arg11[%swap3A_1073, %swap3A_1074], %swap3A_1077 {add = true, strides = array<i32>} : memref<32x384xf32, #tpu.memory_space<vmem>>, vector<1x16xf32>,
        %swap3A_1078 = arith.index_cast %scan3A_962 : i32 to index
        %swap3A_1079 = arith.constant 368 : index
        %swap3A_1080 = tpu.vector_load %arg11[%swap3A_1078, %swap3A_1079] {strides = array<i32>} : memref<32x384xf32, #tpu.memory_space<vmem>>, vector<1x16xf32>,
        %swap3A_1081 = vector.shape_cast %swap3A_1080 : vector<1x16xf32> to vector<16xf32>
        %swap3A_1082 = vector.shape_cast %get3A_817 : vector<16xf32> to vector<1x16xf32>
        tpu.vector_store %arg11[%swap3A_1078, %swap3A_1079], %swap3A_1082 {add = true, strides = array<i32>} : memref<32x384xf32, #tpu.memory_space<vmem>>, vector<1x16xf32>,
        %scan3A_1083 = arith.constant 0 : i32
        %scan3A_1084 = arith.constant 2 : i32
        %scan3A_1085 = arith.addi %scan3A_839, %scan3A_1084 : i32
        %swap3A_1086 = arith.index_cast %scan3A_1085 : i32 to index
        %swap3A_1087 = arith.constant 0 : index
        %swap3A_1088 = tpu.vector_load %arg11[%swap3A_1086, %swap3A_1087] {strides = array<i32>} : memref<32x384xf32, #tpu.memory_space<vmem>>, vector<1x16xf32>,
        %swap3A_1089 = vector.shape_cast %swap3A_1088 : vector<1x16xf32> to vector<16xf32>
        %swap3A_1090 = vector.shape_cast %get3A_725 : vector<16xf32> to vector<1x16xf32>
        tpu.vector_store %arg11[%swap3A_1086, %swap3A_1087], %swap3A_1090 {add = true, strides = array<i32>} : memref<32x384xf32, #tpu.memory_space<vmem>>, vector<1x16xf32>,
        %swap3A_1091 = arith.index_cast %scan3A_1085 : i32 to index
        %swap3A_1092 = arith.constant 16 : index
        %swap3A_1093 = tpu.vector_load %arg11[%swap3A_1091, %swap3A_1092] {strides = array<i32>} : memref<32x384xf32, #tpu.memory_space<vmem>>, vector<1x16xf32>,
        %swap3A_1094 = vector.shape_cast %swap3A_1093 : vector<1x16xf32> to vector<16xf32>
        %swap3A_1095 = vector.shape_cast %get3A_729 : vector<16xf32> to vector<1x16xf32>
        tpu.vector_store %arg11[%swap3A_1091, %swap3A_1092], %swap3A_1095 {add = true, strides = array<i32>} : memref<32x384xf32, #tpu.memory_space<vmem>>, vector<1x16xf32>,
        %swap3A_1096 = arith.index_cast %scan3A_1085 : i32 to index
        %swap3A_1097 = arith.constant 32 : index
        %swap3A_1098 = tpu.vector_load %arg11[%swap3A_1096, %swap3A_1097] {strides = array<i32>} : memref<32x384xf32, #tpu.memory_space<vmem>>, vector<1x16xf32>,
        %swap3A_1099 = vector.shape_cast %swap3A_1098 : vector<1x16xf32> to vector<16xf32>
        %swap3A_1100 = vector.shape_cast %get3A_733 : vector<16xf32> to vector<1x16xf32>
        tpu.vector_store %arg11[%swap3A_1096, %swap3A_1097], %swap3A_1100 {add = true, strides = array<i32>} : memref<32x384xf32, #tpu.memory_space<vmem>>, vector<1x16xf32>,
        %swap3A_1101 = arith.index_cast %scan3A_1085 : i32 to index
        %swap3A_1102 = arith.constant 48 : index
        %swap3A_1103 = tpu.vector_load %arg11[%swap3A_1101, %swap3A_1102] {strides = array<i32>} : memref<32x384xf32, #tpu.memory_space<vmem>>, vector<1x16xf32>,
        %swap3A_1104 = vector.shape_cast %swap3A_1103 : vector<1x16xf32> to vector<16xf32>
        %swap3A_1105 = vector.shape_cast %get3A_737 : vector<16xf32> to vector<1x16xf32>
        tpu.vector_store %arg11[%swap3A_1101, %swap3A_1102], %swap3A_1105 {add = true, strides = array<i32>} : memref<32x384xf32, #tpu.memory_space<vmem>>, vector<1x16xf32>,
        %swap3A_1106 = arith.index_cast %scan3A_1085 : i32 to index
        %swap3A_1107 = arith.constant 64 : index
        %swap3A_1108 = tpu.vector_load %arg11[%swap3A_1106, %swap3A_1107] {strides = array<i32>} : memref<32x384xf32, #tpu.memory_space<vmem>>, vector<1x16xf32>,
        %swap3A_1109 = vector.shape_cast %swap3A_1108 : vector<1x16xf32> to vector<16xf32>
        %swap3A_1110 = vector.shape_cast %get3A_741 : vector<16xf32> to vector<1x16xf32>
        tpu.vector_store %arg11[%swap3A_1106, %swap3A_1107], %swap3A_1110 {add = true, strides = array<i32>} : memref<32x384xf32, #tpu.memory_space<vmem>>, vector<1x16xf32>,
        %swap3A_1111 = arith.index_cast %scan3A_1085 : i32 to index
        %swap3A_1112 = arith.constant 80 : index
        %swap3A_1113 = tpu.vector_load %arg11[%swap3A_1111, %swap3A_1112] {strides = array<i32>} : memref<32x384xf32, #tpu.memory_space<vmem>>, vector<1x16xf32>,
        %swap3A_1114 = vector.shape_cast %swap3A_1113 : vector<1x16xf32> to vector<16xf32>
        %swap3A_1115 = vector.shape_cast %get3A_745 : vector<16xf32> to vector<1x16xf32>
        tpu.vector_store %arg11[%swap3A_1111, %swap3A_1112], %swap3A_1115 {add = true, strides = array<i32>} : memref<32x384xf32, #tpu.memory_space<vmem>>, vector<1x16xf32>,
        %swap3A_1116 = arith.index_cast %scan3A_1085 : i32 to index
        %swap3A_1117 = arith.constant 96 : index
        %swap3A_1118 = tpu.vector_load %arg11[%swap3A_1116, %swap3A_1117] {strides = array<i32>} : memref<32x384xf32, #tpu.memory_space<vmem>>, vector<1x16xf32>,
        %swap3A_1119 = vector.shape_cast %swap3A_1118 : vector<1x16xf32> to vector<16xf32>
        %swap3A_1120 = vector.shape_cast %get3A_749 : vector<16xf32> to vector<1x16xf32>
        tpu.vector_store %arg11[%swap3A_1116, %swap3A_1117], %swap3A_1120 {add = true, strides = array<i32>} : memref<32x384xf32, #tpu.memory_space<vmem>>, vector<1x16xf32>,
        %swap3A_1121 = arith.index_cast %scan3A_1085 : i32 to index
        %swap3A_1122 = arith.constant 112 : index
        %swap3A_1123 = tpu.vector_load %arg11[%swap3A_1121, %swap3A_1122] {strides = array<i32>} : memref<32x384xf32, #tpu.memory_space<vmem>>, vector<1x16xf32>,
        %swap3A_1124 = vector.shape_cast %swap3A_1123 : vector<1x16xf32> to vector<16xf32>
        %swap3A_1125 = vector.shape_cast %get3A_753 : vector<16xf32> to vector<1x16xf32>
        tpu.vector_store %arg11[%swap3A_1121, %swap3A_1122], %swap3A_1125 {add = true, strides = array<i32>} : memref<32x384xf32, #tpu.memory_space<vmem>>, vector<1x16xf32>,
        %swap3A_1126 = arith.index_cast %scan3A_1085 : i32 to index
        %swap3A_1127 = arith.constant 128 : index
        %swap3A_1128 = tpu.vector_load %arg11[%swap3A_1126, %swap3A_1127] {strides = array<i32>} : memref<32x384xf32, #tpu.memory_space<vmem>>, vector<1x16xf32>,
        %swap3A_1129 = vector.shape_cast %swap3A_1128 : vector<1x16xf32> to vector<16xf32>
        %swap3A_1130 = vector.shape_cast %get3A_757 : vector<16xf32> to vector<1x16xf32>
        tpu.vector_store %arg11[%swap3A_1126, %swap3A_1127], %swap3A_1130 {add = true, strides = array<i32>} : memref<32x384xf32, #tpu.memory_space<vmem>>, vector<1x16xf32>,
        %swap3A_1131 = arith.index_cast %scan3A_1085 : i32 to index
        %swap3A_1132 = arith.constant 144 : index
        %swap3A_1133 = tpu.vector_load %arg11[%swap3A_1131, %swap3A_1132] {strides = array<i32>} : memref<32x384xf32, #tpu.memory_space<vmem>>, vector<1x16xf32>,
        %swap3A_1134 = vector.shape_cast %swap3A_1133 : vector<1x16xf32> to vector<16xf32>
        %swap3A_1135 = vector.shape_cast %get3A_761 : vector<16xf32> to vector<1x16xf32>
        tpu.vector_store %arg11[%swap3A_1131, %swap3A_1132], %swap3A_1135 {add = true, strides = array<i32>} : memref<32x384xf32, #tpu.memory_space<vmem>>, vector<1x16xf32>,
        %swap3A_1136 = arith.index_cast %scan3A_1085 : i32 to index
        %swap3A_1137 = arith.constant 160 : index
        %swap3A_1138 = tpu.vector_load %arg11[%swap3A_1136, %swap3A_1137] {strides = array<i32>} : memref<32x384xf32, #tpu.memory_space<vmem>>, vector<1x16xf32>,
        %swap3A_1139 = vector.shape_cast %swap3A_1138 : vector<1x16xf32> to vector<16xf32>
        %swap3A_1140 = vector.shape_cast %get3A_765 : vector<16xf32> to vector<1x16xf32>
        tpu.vector_store %arg11[%swap3A_1136, %swap3A_1137], %swap3A_1140 {add = true, strides = array<i32>} : memref<32x384xf32, #tpu.memory_space<vmem>>, vector<1x16xf32>,
        %swap3A_1141 = arith.index_cast %scan3A_1085 : i32 to index
        %swap3A_1142 = arith.constant 176 : index
        %swap3A_1143 = tpu.vector_load %arg11[%swap3A_1141, %swap3A_1142] {strides = array<i32>} : memref<32x384xf32, #tpu.memory_space<vmem>>, vector<1x16xf32>,
        %swap3A_1144 = vector.shape_cast %swap3A_1143 : vector<1x16xf32> to vector<16xf32>
        %swap3A_1145 = vector.shape_cast %get3A_769 : vector<16xf32> to vector<1x16xf32>
        tpu.vector_store %arg11[%swap3A_1141, %swap3A_1142], %swap3A_1145 {add = true, strides = array<i32>} : memref<32x384xf32, #tpu.memory_space<vmem>>, vector<1x16xf32>,
        %swap3A_1146 = arith.index_cast %scan3A_1085 : i32 to index
        %swap3A_1147 = arith.constant 192 : index
        %swap3A_1148 = tpu.vector_load %arg11[%swap3A_1146, %swap3A_1147] {strides = array<i32>} : memref<32x384xf32, #tpu.memory_space<vmem>>, vector<1x16xf32>,
        %swap3A_1149 = vector.shape_cast %swap3A_1148 : vector<1x16xf32> to vector<16xf32>
        %swap3A_1150 = vector.shape_cast %get3A_773 : vector<16xf32> to vector<1x16xf32>
        tpu.vector_store %arg11[%swap3A_1146, %swap3A_1147], %swap3A_1150 {add = true, strides = array<i32>} : memref<32x384xf32, #tpu.memory_space<vmem>>, vector<1x16xf32>,
        %swap3A_1151 = arith.index_cast %scan3A_1085 : i32 to index
        %swap3A_1152 = arith.constant 208 : index
        %swap3A_1153 = tpu.vector_load %arg11[%swap3A_1151, %swap3A_1152] {strides = array<i32>} : memref<32x384xf32, #tpu.memory_space<vmem>>, vector<1x16xf32>,
        %swap3A_1154 = vector.shape_cast %swap3A_1153 : vector<1x16xf32> to vector<16xf32>
        %swap3A_1155 = vector.shape_cast %get3A_777 : vector<16xf32> to vector<1x16xf32>
        tpu.vector_store %arg11[%swap3A_1151, %swap3A_1152], %swap3A_1155 {add = true, strides = array<i32>} : memref<32x384xf32, #tpu.memory_space<vmem>>, vector<1x16xf32>,
        %swap3A_1156 = arith.index_cast %scan3A_1085 : i32 to index
        %swap3A_1157 = arith.constant 224 : index
        %swap3A_1158 = tpu.vector_load %arg11[%swap3A_1156, %swap3A_1157] {strides = array<i32>} : memref<32x384xf32, #tpu.memory_space<vmem>>, vector<1x16xf32>,
        %swap3A_1159 = vector.shape_cast %swap3A_1158 : vector<1x16xf32> to vector<16xf32>
        %swap3A_1160 = vector.shape_cast %get3A_781 : vector<16xf32> to vector<1x16xf32>
        tpu.vector_store %arg11[%swap3A_1156, %swap3A_1157], %swap3A_1160 {add = true, strides = array<i32>} : memref<32x384xf32, #tpu.memory_space<vmem>>, vector<1x16xf32>,
        %swap3A_1161 = arith.index_cast %scan3A_1085 : i32 to index
        %swap3A_1162 = arith.constant 240 : index
        %swap3A_1163 = tpu.vector_load %arg11[%swap3A_1161, %swap3A_1162] {strides = array<i32>} : memref<32x384xf32, #tpu.memory_space<vmem>>, vector<1x16xf32>,
        %swap3A_1164 = vector.shape_cast %swap3A_1163 : vector<1x16xf32> to vector<16xf32>
        %swap3A_1165 = vector.shape_cast %get3A_785 : vector<16xf32> to vector<1x16xf32>
        tpu.vector_store %arg11[%swap3A_1161, %swap3A_1162], %swap3A_1165 {add = true, strides = array<i32>} : memref<32x384xf32, #tpu.memory_space<vmem>>, vector<1x16xf32>,
        %swap3A_1166 = arith.index_cast %scan3A_1085 : i32 to index
        %swap3A_1167 = arith.constant 256 : index
        %swap3A_1168 = tpu.vector_load %arg11[%swap3A_1166, %swap3A_1167] {strides = array<i32>} : memref<32x384xf32, #tpu.memory_space<vmem>>, vector<1x16xf32>,
        %swap3A_1169 = vector.shape_cast %swap3A_1168 : vector<1x16xf32> to vector<16xf32>
        %swap3A_1170 = vector.shape_cast %get3A_789 : vector<16xf32> to vector<1x16xf32>
        tpu.vector_store %arg11[%swap3A_1166, %swap3A_1167], %swap3A_1170 {add = true, strides = array<i32>} : memref<32x384xf32, #tpu.memory_space<vmem>>, vector<1x16xf32>,
        %swap3A_1171 = arith.index_cast %scan3A_1085 : i32 to index
        %swap3A_1172 = arith.constant 272 : index
        %swap3A_1173 = tpu.vector_load %arg11[%swap3A_1171, %swap3A_1172] {strides = array<i32>} : memref<32x384xf32, #tpu.memory_space<vmem>>, vector<1x16xf32>,
        %swap3A_1174 = vector.shape_cast %swap3A_1173 : vector<1x16xf32> to vector<16xf32>
        %swap3A_1175 = vector.shape_cast %get3A_793 : vector<16xf32> to vector<1x16xf32>
        tpu.vector_store %arg11[%swap3A_1171, %swap3A_1172], %swap3A_1175 {add = true, strides = array<i32>} : memref<32x384xf32, #tpu.memory_space<vmem>>, vector<1x16xf32>,
        %swap3A_1176 = arith.index_cast %scan3A_1085 : i32 to index
        %swap3A_1177 = arith.constant 288 : index
        %swap3A_1178 = tpu.vector_load %arg11[%swap3A_1176, %swap3A_1177] {strides = array<i32>} : memref<32x384xf32, #tpu.memory_space<vmem>>, vector<1x16xf32>,
        %swap3A_1179 = vector.shape_cast %swap3A_1178 : vector<1x16xf32> to vector<16xf32>
        %swap3A_1180 = vector.shape_cast %get3A_797 : vector<16xf32> to vector<1x16xf32>
        tpu.vector_store %arg11[%swap3A_1176, %swap3A_1177], %swap3A_1180 {add = true, strides = array<i32>} : memref<32x384xf32, #tpu.memory_space<vmem>>, vector<1x16xf32>,
        %swap3A_1181 = arith.index_cast %scan3A_1085 : i32 to index
        %swap3A_1182 = arith.constant 304 : index
        %swap3A_1183 = tpu.vector_load %arg11[%swap3A_1181, %swap3A_1182] {strides = array<i32>} : memref<32x384xf32, #tpu.memory_space<vmem>>, vector<1x16xf32>,
        %swap3A_1184 = vector.shape_cast %swap3A_1183 : vector<1x16xf32> to vector<16xf32>
        %swap3A_1185 = vector.shape_cast %get3A_801 : vector<16xf32> to vector<1x16xf32>
        tpu.vector_store %arg11[%swap3A_1181, %swap3A_1182], %swap3A_1185 {add = true, strides = array<i32>} : memref<32x384xf32, #tpu.memory_space<vmem>>, vector<1x16xf32>,
        %swap3A_1186 = arith.index_cast %scan3A_1085 : i32 to index
        %swap3A_1187 = arith.constant 320 : index
        %swap3A_1188 = tpu.vector_load %arg11[%swap3A_1186, %swap3A_1187] {strides = array<i32>} : memref<32x384xf32, #tpu.memory_space<vmem>>, vector<1x16xf32>,
        %swap3A_1189 = vector.shape_cast %swap3A_1188 : vector<1x16xf32> to vector<16xf32>
        %swap3A_1190 = vector.shape_cast %get3A_805 : vector<16xf32> to vector<1x16xf32>
        tpu.vector_store %arg11[%swap3A_1186, %swap3A_1187], %swap3A_1190 {add = true, strides = array<i32>} : memref<32x384xf32, #tpu.memory_space<vmem>>, vector<1x16xf32>,
        %swap3A_1191 = arith.index_cast %scan3A_1085 : i32 to index
        %swap3A_1192 = arith.constant 336 : index
        %swap3A_1193 = tpu.vector_load %arg11[%swap3A_1191, %swap3A_1192] {strides = array<i32>} : memref<32x384xf32, #tpu.memory_space<vmem>>, vector<1x16xf32>,
        %swap3A_1194 = vector.shape_cast %swap3A_1193 : vector<1x16xf32> to vector<16xf32>
        %swap3A_1195 = vector.shape_cast %get3A_809 : vector<16xf32> to vector<1x16xf32>
        tpu.vector_store %arg11[%swap3A_1191, %swap3A_1192], %swap3A_1195 {add = true, strides = array<i32>} : memref<32x384xf32, #tpu.memory_space<vmem>>, vector<1x16xf32>,
        %swap3A_1196 = arith.index_cast %scan3A_1085 : i32 to index
        %swap3A_1197 = arith.constant 352 : index
        %swap3A_1198 = tpu.vector_load %arg11[%swap3A_1196, %swap3A_1197] {strides = array<i32>} : memref<32x384xf32, #tpu.memory_space<vmem>>, vector<1x16xf32>,
        %swap3A_1199 = vector.shape_cast %swap3A_1198 : vector<1x16xf32> to vector<16xf32>
        %swap3A_1200 = vector.shape_cast %get3A_813 : vector<16xf32> to vector<1x16xf32>
        tpu.vector_store %arg11[%swap3A_1196, %swap3A_1197], %swap3A_1200 {add = true, strides = array<i32>} : memref<32x384xf32, #tpu.memory_space<vmem>>, vector<1x16xf32>,
        %swap3A_1201 = arith.index_cast %scan3A_1085 : i32 to index
        %swap3A_1202 = arith.constant 368 : index
        %swap3A_1203 = tpu.vector_load %arg11[%swap3A_1201, %swap3A_1202] {strides = array<i32>} : memref<32x384xf32, #tpu.memory_space<vmem>>, vector<1x16xf32>,
        %swap3A_1204 = vector.shape_cast %swap3A_1203 : vector<1x16xf32> to vector<16xf32>
        %swap3A_1205 = vector.shape_cast %get3A_817 : vector<16xf32> to vector<1x16xf32>
        tpu.vector_store %arg11[%swap3A_1201, %swap3A_1202], %swap3A_1205 {add = true, strides = array<i32>} : memref<32x384xf32, #tpu.memory_space<vmem>>, vector<1x16xf32>,
        %scan3A_1206 = arith.constant 0 : i32
        %scan3A_1207 = arith.constant 3 : i32
        %scan3A_1208 = arith.addi %scan3A_839, %scan3A_1207 : i32
        %swap3A_1209 = arith.index_cast %scan3A_1208 : i32 to index
        %swap3A_1210 = arith.constant 0 : index
        %swap3A_1211 = tpu.vector_load %arg11[%swap3A_1209, %swap3A_1210] {strides = array<i32>} : memref<32x384xf32, #tpu.memory_space<vmem>>, vector<1x16xf32>,
        %swap3A_1212 = vector.shape_cast %swap3A_1211 : vector<1x16xf32> to vector<16xf32>
        %swap3A_1213 = vector.shape_cast %get3A_725 : vector<16xf32> to vector<1x16xf32>
        tpu.vector_store %arg11[%swap3A_1209, %swap3A_1210], %swap3A_1213 {add = true, strides = array<i32>} : memref<32x384xf32, #tpu.memory_space<vmem>>, vector<1x16xf32>,
        %swap3A_1214 = arith.index_cast %scan3A_1208 : i32 to index
        %swap3A_1215 = arith.constant 16 : index
        %swap3A_1216 = tpu.vector_load %arg11[%swap3A_1214, %swap3A_1215] {strides = array<i32>} : memref<32x384xf32, #tpu.memory_space<vmem>>, vector<1x16xf32>,
        %swap3A_1217 = vector.shape_cast %swap3A_1216 : vector<1x16xf32> to vector<16xf32>
        %swap3A_1218 = vector.shape_cast %get3A_729 : vector<16xf32> to vector<1x16xf32>
        tpu.vector_store %arg11[%swap3A_1214, %swap3A_1215], %swap3A_1218 {add = true, strides = array<i32>} : memref<32x384xf32, #tpu.memory_space<vmem>>, vector<1x16xf32>,
        %swap3A_1219 = arith.index_cast %scan3A_1208 : i32 to index
        %swap3A_1220 = arith.constant 32 : index
        %swap3A_1221 = tpu.vector_load %arg11[%swap3A_1219, %swap3A_1220] {strides = array<i32>} : memref<32x384xf32, #tpu.memory_space<vmem>>, vector<1x16xf32>,
        %swap3A_1222 = vector.shape_cast %swap3A_1221 : vector<1x16xf32> to vector<16xf32>
        %swap3A_1223 = vector.shape_cast %get3A_733 : vector<16xf32> to vector<1x16xf32>
        tpu.vector_store %arg11[%swap3A_1219, %swap3A_1220], %swap3A_1223 {add = true, strides = array<i32>} : memref<32x384xf32, #tpu.memory_space<vmem>>, vector<1x16xf32>,
        %swap3A_1224 = arith.index_cast %scan3A_1208 : i32 to index
        %swap3A_1225 = arith.constant 48 : index
        %swap3A_1226 = tpu.vector_load %arg11[%swap3A_1224, %swap3A_1225] {strides = array<i32>} : memref<32x384xf32, #tpu.memory_space<vmem>>, vector<1x16xf32>,
        %swap3A_1227 = vector.shape_cast %swap3A_1226 : vector<1x16xf32> to vector<16xf32>
        %swap3A_1228 = vector.shape_cast %get3A_737 : vector<16xf32> to vector<1x16xf32>
        tpu.vector_store %arg11[%swap3A_1224, %swap3A_1225], %swap3A_1228 {add = true, strides = array<i32>} : memref<32x384xf32, #tpu.memory_space<vmem>>, vector<1x16xf32>,
        %swap3A_1229 = arith.index_cast %scan3A_1208 : i32 to index
        %swap3A_1230 = arith.constant 64 : index
        %swap3A_1231 = tpu.vector_load %arg11[%swap3A_1229, %swap3A_1230] {strides = array<i32>} : memref<32x384xf32, #tpu.memory_space<vmem>>, vector<1x16xf32>,
        %swap3A_1232 = vector.shape_cast %swap3A_1231 : vector<1x16xf32> to vector<16xf32>
        %swap3A_1233 = vector.shape_cast %get3A_741 : vector<16xf32> to vector<1x16xf32>
        tpu.vector_store %arg11[%swap3A_1229, %swap3A_1230], %swap3A_1233 {add = true, strides = array<i32>} : memref<32x384xf32, #tpu.memory_space<vmem>>, vector<1x16xf32>,
        %swap3A_1234 = arith.index_cast %scan3A_1208 : i32 to index
        %swap3A_1235 = arith.constant 80 : index
        %swap3A_1236 = tpu.vector_load %arg11[%swap3A_1234, %swap3A_1235] {strides = array<i32>} : memref<32x384xf32, #tpu.memory_space<vmem>>, vector<1x16xf32>,
        %swap3A_1237 = vector.shape_cast %swap3A_1236 : vector<1x16xf32> to vector<16xf32>
        %swap3A_1238 = vector.shape_cast %get3A_745 : vector<16xf32> to vector<1x16xf32>
        tpu.vector_store %arg11[%swap3A_1234, %swap3A_1235], %swap3A_1238 {add = true, strides = array<i32>} : memref<32x384xf32, #tpu.memory_space<vmem>>, vector<1x16xf32>,
        %swap3A_1239 = arith.index_cast %scan3A_1208 : i32 to index
        %swap3A_1240 = arith.constant 96 : index
        %swap3A_1241 = tpu.vector_load %arg11[%swap3A_1239, %swap3A_1240] {strides = array<i32>} : memref<32x384xf32, #tpu.memory_space<vmem>>, vector<1x16xf32>,
        %swap3A_1242 = vector.shape_cast %swap3A_1241 : vector<1x16xf32> to vector<16xf32>
        %swap3A_1243 = vector.shape_cast %get3A_749 : vector<16xf32> to vector<1x16xf32>
        tpu.vector_store %arg11[%swap3A_1239, %swap3A_1240], %swap3A_1243 {add = true, strides = array<i32>} : memref<32x384xf32, #tpu.memory_space<vmem>>, vector<1x16xf32>,
        %swap3A_1244 = arith.index_cast %scan3A_1208 : i32 to index
        %swap3A_1245 = arith.constant 112 : index
        %swap3A_1246 = tpu.vector_load %arg11[%swap3A_1244, %swap3A_1245] {strides = array<i32>} : memref<32x384xf32, #tpu.memory_space<vmem>>, vector<1x16xf32>,
        %swap3A_1247 = vector.shape_cast %swap3A_1246 : vector<1x16xf32> to vector<16xf32>
        %swap3A_1248 = vector.shape_cast %get3A_753 : vector<16xf32> to vector<1x16xf32>
        tpu.vector_store %arg11[%swap3A_1244, %swap3A_1245], %swap3A_1248 {add = true, strides = array<i32>} : memref<32x384xf32, #tpu.memory_space<vmem>>, vector<1x16xf32>,
        %swap3A_1249 = arith.index_cast %scan3A_1208 : i32 to index
        %swap3A_1250 = arith.constant 128 : index
        %swap3A_1251 = tpu.vector_load %arg11[%swap3A_1249, %swap3A_1250] {strides = array<i32>} : memref<32x384xf32, #tpu.memory_space<vmem>>, vector<1x16xf32>,
        %swap3A_1252 = vector.shape_cast %swap3A_1251 : vector<1x16xf32> to vector<16xf32>
        %swap3A_1253 = vector.shape_cast %get3A_757 : vector<16xf32> to vector<1x16xf32>
        tpu.vector_store %arg11[%swap3A_1249, %swap3A_1250], %swap3A_1253 {add = true, strides = array<i32>} : memref<32x384xf32, #tpu.memory_space<vmem>>, vector<1x16xf32>,
        %swap3A_1254 = arith.index_cast %scan3A_1208 : i32 to index
        %swap3A_1255 = arith.constant 144 : index
        %swap3A_1256 = tpu.vector_load %arg11[%swap3A_1254, %swap3A_1255] {strides = array<i32>} : memref<32x384xf32, #tpu.memory_space<vmem>>, vector<1x16xf32>,
        %swap3A_1257 = vector.shape_cast %swap3A_1256 : vector<1x16xf32> to vector<16xf32>
        %swap3A_1258 = vector.shape_cast %get3A_761 : vector<16xf32> to vector<1x16xf32>
        tpu.vector_store %arg11[%swap3A_1254, %swap3A_1255], %swap3A_1258 {add = true, strides = array<i32>} : memref<32x384xf32, #tpu.memory_space<vmem>>, vector<1x16xf32>,
        %swap3A_1259 = arith.index_cast %scan3A_1208 : i32 to index
        %swap3A_1260 = arith.constant 160 : index
        %swap3A_1261 = tpu.vector_load %arg11[%swap3A_1259, %swap3A_1260] {strides = array<i32>} : memref<32x384xf32, #tpu.memory_space<vmem>>, vector<1x16xf32>,
        %swap3A_1262 = vector.shape_cast %swap3A_1261 : vector<1x16xf32> to vector<16xf32>
        %swap3A_1263 = vector.shape_cast %get3A_765 : vector<16xf32> to vector<1x16xf32>
        tpu.vector_store %arg11[%swap3A_1259, %swap3A_1260], %swap3A_1263 {add = true, strides = array<i32>} : memref<32x384xf32, #tpu.memory_space<vmem>>, vector<1x16xf32>,
        %swap3A_1264 = arith.index_cast %scan3A_1208 : i32 to index
        %swap3A_1265 = arith.constant 176 : index
        %swap3A_1266 = tpu.vector_load %arg11[%swap3A_1264, %swap3A_1265] {strides = array<i32>} : memref<32x384xf32, #tpu.memory_space<vmem>>, vector<1x16xf32>,
        %swap3A_1267 = vector.shape_cast %swap3A_1266 : vector<1x16xf32> to vector<16xf32>
        %swap3A_1268 = vector.shape_cast %get3A_769 : vector<16xf32> to vector<1x16xf32>
        tpu.vector_store %arg11[%swap3A_1264, %swap3A_1265], %swap3A_1268 {add = true, strides = array<i32>} : memref<32x384xf32, #tpu.memory_space<vmem>>, vector<1x16xf32>,
        %swap3A_1269 = arith.index_cast %scan3A_1208 : i32 to index
        %swap3A_1270 = arith.constant 192 : index
        %swap3A_1271 = tpu.vector_load %arg11[%swap3A_1269, %swap3A_1270] {strides = array<i32>} : memref<32x384xf32, #tpu.memory_space<vmem>>, vector<1x16xf32>,
        %swap3A_1272 = vector.shape_cast %swap3A_1271 : vector<1x16xf32> to vector<16xf32>
        %swap3A_1273 = vector.shape_cast %get3A_773 : vector<16xf32> to vector<1x16xf32>
        tpu.vector_store %arg11[%swap3A_1269, %swap3A_1270], %swap3A_1273 {add = true, strides = array<i32>} : memref<32x384xf32, #tpu.memory_space<vmem>>, vector<1x16xf32>,
        %swap3A_1274 = arith.index_cast %scan3A_1208 : i32 to index
        %swap3A_1275 = arith.constant 208 : index
        %swap3A_1276 = tpu.vector_load %arg11[%swap3A_1274, %swap3A_1275] {strides = array<i32>} : memref<32x384xf32, #tpu.memory_space<vmem>>, vector<1x16xf32>,
        %swap3A_1277 = vector.shape_cast %swap3A_1276 : vector<1x16xf32> to vector<16xf32>
        %swap3A_1278 = vector.shape_cast %get3A_777 : vector<16xf32> to vector<1x16xf32>
        tpu.vector_store %arg11[%swap3A_1274, %swap3A_1275], %swap3A_1278 {add = true, strides = array<i32>} : memref<32x384xf32, #tpu.memory_space<vmem>>, vector<1x16xf32>,
        %swap3A_1279 = arith.index_cast %scan3A_1208 : i32 to index
        %swap3A_1280 = arith.constant 224 : index
        %swap3A_1281 = tpu.vector_load %arg11[%swap3A_1279, %swap3A_1280] {strides = array<i32>} : memref<32x384xf32, #tpu.memory_space<vmem>>, vector<1x16xf32>,
        %swap3A_1282 = vector.shape_cast %swap3A_1281 : vector<1x16xf32> to vector<16xf32>
        %swap3A_1283 = vector.shape_cast %get3A_781 : vector<16xf32> to vector<1x16xf32>
        tpu.vector_store %arg11[%swap3A_1279, %swap3A_1280], %swap3A_1283 {add = true, strides = array<i32>} : memref<32x384xf32, #tpu.memory_space<vmem>>, vector<1x16xf32>,
        %swap3A_1284 = arith.index_cast %scan3A_1208 : i32 to index
        %swap3A_1285 = arith.constant 240 : index
        %swap3A_1286 = tpu.vector_load %arg11[%swap3A_1284, %swap3A_1285] {strides = array<i32>} : memref<32x384xf32, #tpu.memory_space<vmem>>, vector<1x16xf32>,
        %swap3A_1287 = vector.shape_cast %swap3A_1286 : vector<1x16xf32> to vector<16xf32>
        %swap3A_1288 = vector.shape_cast %get3A_785 : vector<16xf32> to vector<1x16xf32>
        tpu.vector_store %arg11[%swap3A_1284, %swap3A_1285], %swap3A_1288 {add = true, strides = array<i32>} : memref<32x384xf32, #tpu.memory_space<vmem>>, vector<1x16xf32>,
        %swap3A_1289 = arith.index_cast %scan3A_1208 : i32 to index
        %swap3A_1290 = arith.constant 256 : index
        %swap3A_1291 = tpu.vector_load %arg11[%swap3A_1289, %swap3A_1290] {strides = array<i32>} : memref<32x384xf32, #tpu.memory_space<vmem>>, vector<1x16xf32>,
        %swap3A_1292 = vector.shape_cast %swap3A_1291 : vector<1x16xf32> to vector<16xf32>
        %swap3A_1293 = vector.shape_cast %get3A_789 : vector<16xf32> to vector<1x16xf32>
        tpu.vector_store %arg11[%swap3A_1289, %swap3A_1290], %swap3A_1293 {add = true, strides = array<i32>} : memref<32x384xf32, #tpu.memory_space<vmem>>, vector<1x16xf32>,
        %swap3A_1294 = arith.index_cast %scan3A_1208 : i32 to index
        %swap3A_1295 = arith.constant 272 : index
        %swap3A_1296 = tpu.vector_load %arg11[%swap3A_1294, %swap3A_1295] {strides = array<i32>} : memref<32x384xf32, #tpu.memory_space<vmem>>, vector<1x16xf32>,
        %swap3A_1297 = vector.shape_cast %swap3A_1296 : vector<1x16xf32> to vector<16xf32>
        %swap3A_1298 = vector.shape_cast %get3A_793 : vector<16xf32> to vector<1x16xf32>
        tpu.vector_store %arg11[%swap3A_1294, %swap3A_1295], %swap3A_1298 {add = true, strides = array<i32>} : memref<32x384xf32, #tpu.memory_space<vmem>>, vector<1x16xf32>,
        %swap3A_1299 = arith.index_cast %scan3A_1208 : i32 to index
        %swap3A_1300 = arith.constant 288 : index
        %swap3A_1301 = tpu.vector_load %arg11[%swap3A_1299, %swap3A_1300] {strides = array<i32>} : memref<32x384xf32, #tpu.memory_space<vmem>>, vector<1x16xf32>,
        %swap3A_1302 = vector.shape_cast %swap3A_1301 : vector<1x16xf32> to vector<16xf32>
        %swap3A_1303 = vector.shape_cast %get3A_797 : vector<16xf32> to vector<1x16xf32>
        tpu.vector_store %arg11[%swap3A_1299, %swap3A_1300], %swap3A_1303 {add = true, strides = array<i32>} : memref<32x384xf32, #tpu.memory_space<vmem>>, vector<1x16xf32>,
        %swap3A_1304 = arith.index_cast %scan3A_1208 : i32 to index
        %swap3A_1305 = arith.constant 304 : index
        %swap3A_1306 = tpu.vector_load %arg11[%swap3A_1304, %swap3A_1305] {strides = array<i32>} : memref<32x384xf32, #tpu.memory_space<vmem>>, vector<1x16xf32>,
        %swap3A_1307 = vector.shape_cast %swap3A_1306 : vector<1x16xf32> to vector<16xf32>
        %swap3A_1308 = vector.shape_cast %get3A_801 : vector<16xf32> to vector<1x16xf32>
        tpu.vector_store %arg11[%swap3A_1304, %swap3A_1305], %swap3A_1308 {add = true, strides = array<i32>} : memref<32x384xf32, #tpu.memory_space<vmem>>, vector<1x16xf32>,
        %swap3A_1309 = arith.index_cast %scan3A_1208 : i32 to index
        %swap3A_1310 = arith.constant 320 : index
        %swap3A_1311 = tpu.vector_load %arg11[%swap3A_1309, %swap3A_1310] {strides = array<i32>} : memref<32x384xf32, #tpu.memory_space<vmem>>, vector<1x16xf32>,
        %swap3A_1312 = vector.shape_cast %swap3A_1311 : vector<1x16xf32> to vector<16xf32>
        %swap3A_1313 = vector.shape_cast %get3A_805 : vector<16xf32> to vector<1x16xf32>
        tpu.vector_store %arg11[%swap3A_1309, %swap3A_1310], %swap3A_1313 {add = true, strides = array<i32>} : memref<32x384xf32, #tpu.memory_space<vmem>>, vector<1x16xf32>,
        %swap3A_1314 = arith.index_cast %scan3A_1208 : i32 to index
        %swap3A_1315 = arith.constant 336 : index
        %swap3A_1316 = tpu.vector_load %arg11[%swap3A_1314, %swap3A_1315] {strides = array<i32>} : memref<32x384xf32, #tpu.memory_space<vmem>>, vector<1x16xf32>,
        %swap3A_1317 = vector.shape_cast %swap3A_1316 : vector<1x16xf32> to vector<16xf32>
        %swap3A_1318 = vector.shape_cast %get3A_809 : vector<16xf32> to vector<1x16xf32>
        tpu.vector_store %arg11[%swap3A_1314, %swap3A_1315], %swap3A_1318 {add = true, strides = array<i32>} : memref<32x384xf32, #tpu.memory_space<vmem>>, vector<1x16xf32>,
        %swap3A_1319 = arith.index_cast %scan3A_1208 : i32 to index
        %swap3A_1320 = arith.constant 352 : index
        %swap3A_1321 = tpu.vector_load %arg11[%swap3A_1319, %swap3A_1320] {strides = array<i32>} : memref<32x384xf32, #tpu.memory_space<vmem>>, vector<1x16xf32>,
        %swap3A_1322 = vector.shape_cast %swap3A_1321 : vector<1x16xf32> to vector<16xf32>
        %swap3A_1323 = vector.shape_cast %get3A_813 : vector<16xf32> to vector<1x16xf32>
        tpu.vector_store %arg11[%swap3A_1319, %swap3A_1320], %swap3A_1323 {add = true, strides = array<i32>} : memref<32x384xf32, #tpu.memory_space<vmem>>, vector<1x16xf32>,
        %swap3A_1324 = arith.index_cast %scan3A_1208 : i32 to index
        %swap3A_1325 = arith.constant 368 : index
        %swap3A_1326 = tpu.vector_load %arg11[%swap3A_1324, %swap3A_1325] {strides = array<i32>} : memref<32x384xf32, #tpu.memory_space<vmem>>, vector<1x16xf32>,
        %swap3A_1327 = vector.shape_cast %swap3A_1326 : vector<1x16xf32> to vector<16xf32>
        %swap3A_1328 = vector.shape_cast %get3A_817 : vector<16xf32> to vector<1x16xf32>
        tpu.vector_store %arg11[%swap3A_1324, %swap3A_1325], %swap3A_1328 {add = true, strides = array<i32>} : memref<32x384xf32, #tpu.memory_space<vmem>>, vector<1x16xf32>,
        %scan3A_1329 = arith.constant 0 : i32
        scf.yield %scan3A_1329 : i32
      }
      %scan3A_824 = arith.constant 32 : i32
      %ge3A_825 = arith.constant 4 : i32
      %ge3A_826 = arith.cmpi sge, %add3A_660, %ge3A_825 : i32
      %convert_element_type3A_827 = arith.extui %ge3A_826 : i1 to i32
      %cond3A_828 = arith.constant 0 : i32
      %cond3A_829 = arith.cmpi ne, %convert_element_type3A_827, %cond3A_828 : i32
      scf.if %cond3A_829 {
        %dma_wait3A_839 = arith.constant 3 : i32
        %dma_wait3A_840 = arith.constant 0 : i32
        %dma_wait3A_841 = arith.constant 0 : i32
        %dma_wait3A_842 = tpu.memref_slice %arg4[%dma_wait3A_840, %mul3A_2, %dma_wait3A_841] : memref<50x4096x384xf32, #tpu.memory_space<hbm>> -> memref<1x32x384xf32, #tpu.memory_space<hbm>>
        %dma_wait3A_843 = tpu.memref_squeeze %dma_wait3A_842 : memref<1x32x384xf32, #tpu.memory_space<hbm>> -> memref<32x384xf32, #tpu.memory_space<hbm>>
        %dma_wait3A_844 = arith.constant 0 : i32
        %dma_wait3A_845 = arith.constant 0 : i32
        %dma_wait3A_846 = tpu.memref_slice %arg7[%arg1, %dma_wait3A_839, %dma_wait3A_844, %dma_wait3A_845] : memref<16x4x32x384xf32, #tpu.memory_space<vmem_shared>> -> memref<1x1x32x384xf32, #tpu.memory_space<vmem_shared>>
        %dma_wait3A_847 = tpu.memref_squeeze %dma_wait3A_846 : memref<1x1x32x384xf32, #tpu.memory_space<vmem_shared>> -> memref<32x384xf32, #tpu.memory_space<vmem_shared>>
        tpu.wait_dma2 semaphore(%arg23 : memref<!tpu.dma_semaphore, #tpu.memory_space<semaphore_mem>>) src(%dma_wait3A_847 : memref<32x384xf32, #tpu.memory_space<vmem_shared>>) dst(%dma_wait3A_843 : memref<32x384xf32, #tpu.memory_space<hbm>>)
      } else {
      }
      %dma_start3A_830 = arith.constant 3 : i32
      %dma_start3A_831 = arith.constant 0 : i32
      %dma_start3A_832 = arith.constant 0 : i32
      %dma_start3A_833 = tpu.memref_slice %arg7[%arg1, %dma_start3A_830, %dma_start3A_831, %dma_start3A_832] : memref<16x4x32x384xf32, #tpu.memory_space<vmem_shared>> -> memref<1x1x32x384xf32, #tpu.memory_space<vmem_shared>>
      %dma_start3A_834 = tpu.memref_squeeze %dma_start3A_833 : memref<1x1x32x384xf32, #tpu.memory_space<vmem_shared>> -> memref<32x384xf32, #tpu.memory_space<vmem_shared>>
      %dma_start3A_835 = arith.constant 0 : i32
      %dma_start3A_836 = arith.constant 0 : i32
      %dma_start3A_837 = tpu.memref_slice %arg7[%arg1, %dma_start3A_830, %dma_start3A_835, %dma_start3A_836] : memref<16x4x32x384xf32, #tpu.memory_space<vmem_shared>> -> memref<1x1x32x384xf32, #tpu.memory_space<vmem_shared>>
      %dma_start3A_838 = tpu.memref_squeeze %dma_start3A_837 : memref<1x1x32x384xf32, #tpu.memory_space<vmem_shared>> -> memref<32x384xf32, #tpu.memory_space<vmem_shared>>
      tpu.enqueue_dma source(%arg11 : memref<32x384xf32, #tpu.memory_space<vmem>>) target(%dma_start3A_838 : memref<32x384xf32, #tpu.memory_space<vmem_shared>>) target_semaphore(%arg19 : memref<!tpu.dma_semaphore, #tpu.memory_space<semaphore_mem>>)
    }
    %scan3A_70 = arith.constant 50 : i32
    %dma_wait3A = arith.constant 0 : i32
    %dma_wait3A_71 = arith.constant 0 : i32
    %dma_wait3A_72 = arith.constant 0 : i32
    %dma_wait3A_73 = tpu.memref_slice %arg7[%arg1, %dma_wait3A, %dma_wait3A_71, %dma_wait3A_72] : memref<16x4x32x384xf32, #tpu.memory_space<vmem_shared>> -> memref<1x1x32x384xf32, #tpu.memory_space<vmem_shared>>
    %dma_wait3A_74 = tpu.memref_squeeze %dma_wait3A_73 : memref<1x1x32x384xf32, #tpu.memory_space<vmem_shared>> -> memref<32x384xf32, #tpu.memory_space<vmem_shared>>
    %dma_wait3A_75 = arith.constant 0 : i32
    %dma_wait3A_76 = arith.constant 0 : i32
    %dma_wait3A_77 = tpu.memref_slice %arg7[%arg1, %dma_wait3A, %dma_wait3A_75, %dma_wait3A_76] : memref<16x4x32x384xf32, #tpu.memory_space<vmem_shared>> -> memref<1x1x32x384xf32, #tpu.memory_space<vmem_shared>>
    %dma_wait3A_78 = tpu.memref_squeeze %dma_wait3A_77 : memref<1x1x32x384xf32, #tpu.memory_space<vmem_shared>> -> memref<32x384xf32, #tpu.memory_space<vmem_shared>>
    tpu.wait_dma2 semaphore(%arg19 : memref<!tpu.dma_semaphore, #tpu.memory_space<semaphore_mem>>) src(%arg11 : memref<32x384xf32, #tpu.memory_space<vmem>>) dst(%dma_wait3A_78 : memref<32x384xf32, #tpu.memory_space<vmem_shared>>)
    %add3A_79 = arith.constant 96 : i32
    %add3A_80 = arith.addi %mul3A_2, %add3A_79 : i32
    %dma_start3A_81 = arith.constant 3 : i32
    %dma_start3A_82 = arith.constant 49 : i32
    %dma_start3A_83 = arith.constant 0 : i32
    %dma_start3A_84 = tpu.memref_slice %arg4[%dma_start3A_82, %add3A_80, %dma_start3A_83] : memref<50x4096x384xf32, #tpu.memory_space<hbm>> -> memref<1x32x384xf32, #tpu.memory_space<hbm>>
    %dma_start3A_85 = tpu.memref_squeeze %dma_start3A_84 : memref<1x32x384xf32, #tpu.memory_space<hbm>> -> memref<32x384xf32, #tpu.memory_space<hbm>>
    %dma_start3A_86 = arith.constant 0 : i32
    %dma_start3A_87 = arith.constant 0 : i32
    %dma_start3A_88 = tpu.memref_slice %arg7[%arg1, %dma_start3A_81, %dma_start3A_86, %dma_start3A_87] : memref<16x4x32x384xf32, #tpu.memory_space<vmem_shared>> -> memref<1x1x32x384xf32, #tpu.memory_space<vmem_shared>>
    %dma_start3A_89 = tpu.memref_squeeze %dma_start3A_88 : memref<1x1x32x384xf32, #tpu.memory_space<vmem_shared>> -> memref<32x384xf32, #tpu.memory_space<vmem_shared>>
    tpu.enqueue_dma source(%dma_start3A_89 : memref<32x384xf32, #tpu.memory_space<vmem_shared>>) target(%dma_start3A_85 : memref<32x384xf32, #tpu.memory_space<hbm>>) target_semaphore(%arg23 : memref<!tpu.dma_semaphore, #tpu.memory_space<semaphore_mem>>)
    %dma_wait3A_90 = arith.constant 0 : i32
    %dma_wait3A_91 = arith.constant 0 : i32
    %dma_wait3A_92 = arith.constant 0 : i32
    %dma_wait3A_93 = tpu.memref_slice %arg4[%dma_wait3A_91, %mul3A_2, %dma_wait3A_92] : memref<50x4096x384xf32, #tpu.memory_space<hbm>> -> memref<1x32x384xf32, #tpu.memory_space<hbm>>
    %dma_wait3A_94 = tpu.memref_squeeze %dma_wait3A_93 : memref<1x32x384xf32, #tpu.memory_space<hbm>> -> memref<32x384xf32, #tpu.memory_space<hbm>>
    %dma_wait3A_95 = arith.constant 0 : i32
    %dma_wait3A_96 = arith.constant 0 : i32
    %dma_wait3A_97 = tpu.memref_slice %arg7[%arg1, %dma_wait3A_90, %dma_wait3A_95, %dma_wait3A_96] : memref<16x4x32x384xf32, #tpu.memory_space<vmem_shared>> -> memref<1x1x32x384xf32, #tpu.memory_space<vmem_shared>>
    %dma_wait3A_98 = tpu.memref_squeeze %dma_wait3A_97 : memref<1x1x32x384xf32, #tpu.memory_space<vmem_shared>> -> memref<32x384xf32, #tpu.memory_space<vmem_shared>>
    tpu.wait_dma2 semaphore(%arg20 : memref<!tpu.dma_semaphore, #tpu.memory_space<semaphore_mem>>) src(%dma_wait3A_98 : memref<32x384xf32, #tpu.memory_space<vmem_shared>>) dst(%dma_wait3A_94 : memref<32x384xf32, #tpu.memory_space<hbm>>)
    %dma_wait3A_99 = arith.constant 1 : i32
    %dma_wait3A_100 = arith.constant 0 : i32
    %dma_wait3A_101 = arith.constant 0 : i32
    %dma_wait3A_102 = tpu.memref_slice %arg4[%dma_wait3A_100, %mul3A_2, %dma_wait3A_101] : memref<50x4096x384xf32, #tpu.memory_space<hbm>> -> memref<1x32x384xf32, #tpu.memory_space<hbm>>
    %dma_wait3A_103 = tpu.memref_squeeze %dma_wait3A_102 : memref<1x32x384xf32, #tpu.memory_space<hbm>> -> memref<32x384xf32, #tpu.memory_space<hbm>>
    %dma_wait3A_104 = arith.constant 0 : i32
    %dma_wait3A_105 = arith.constant 0 : i32
    %dma_wait3A_106 = tpu.memref_slice %arg7[%arg1, %dma_wait3A_99, %dma_wait3A_104, %dma_wait3A_105] : memref<16x4x32x384xf32, #tpu.memory_space<vmem_shared>> -> memref<1x1x32x384xf32, #tpu.memory_space<vmem_shared>>
    %dma_wait3A_107 = tpu.memref_squeeze %dma_wait3A_106 : memref<1x1x32x384xf32, #tpu.memory_space<vmem_shared>> -> memref<32x384xf32, #tpu.memory_space<vmem_shared>>
    tpu.wait_dma2 semaphore(%arg21 : memref<!tpu.dma_semaphore, #tpu.memory_space<semaphore_mem>>) src(%dma_wait3A_107 : memref<32x384xf32, #tpu.memory_space<vmem_shared>>) dst(%dma_wait3A_103 : memref<32x384xf32, #tpu.memory_space<hbm>>)
    %dma_wait3A_108 = arith.constant 2 : i32
    %dma_wait3A_109 = arith.constant 0 : i32
    %dma_wait3A_110 = arith.constant 0 : i32
    %dma_wait3A_111 = tpu.memref_slice %arg4[%dma_wait3A_109, %mul3A_2, %dma_wait3A_110] : memref<50x4096x384xf32, #tpu.memory_space<hbm>> -> memref<1x32x384xf32, #tpu.memory_space<hbm>>
    %dma_wait3A_112 = tpu.memref_squeeze %dma_wait3A_111 : memref<1x32x384xf32, #tpu.memory_space<hbm>> -> memref<32x384xf32, #tpu.memory_space<hbm>>
    %dma_wait3A_113 = arith.constant 0 : i32
    %dma_wait3A_114 = arith.constant 0 : i32
    %dma_wait3A_115 = tpu.memref_slice %arg7[%arg1, %dma_wait3A_108, %dma_wait3A_113, %dma_wait3A_114] : memref<16x4x32x384xf32, #tpu.memory_space<vmem_shared>> -> memref<1x1x32x384xf32, #tpu.memory_space<vmem_shared>>
    %dma_wait3A_116 = tpu.memref_squeeze %dma_wait3A_115 : memref<1x1x32x384xf32, #tpu.memory_space<vmem_shared>> -> memref<32x384xf32, #tpu.memory_space<vmem_shared>>
    tpu.wait_dma2 semaphore(%arg22 : memref<!tpu.dma_semaphore, #tpu.memory_space<semaphore_mem>>) src(%dma_wait3A_116 : memref<32x384xf32, #tpu.memory_space<vmem_shared>>) dst(%dma_wait3A_112 : memref<32x384xf32, #tpu.memory_space<hbm>>)
    %dma_wait3A_117 = arith.constant 3 : i32
    %dma_wait3A_118 = arith.constant 0 : i32
    %dma_wait3A_119 = arith.constant 0 : i32
    %dma_wait3A_120 = tpu.memref_slice %arg4[%dma_wait3A_118, %mul3A_2, %dma_wait3A_119] : memref<50x4096x384xf32, #tpu.memory_space<hbm>> -> memref<1x32x384xf32, #tpu.memory_space<hbm>>
    %dma_wait3A_121 = tpu.memref_squeeze %dma_wait3A_120 : memref<1x32x384xf32, #tpu.memory_space<hbm>> -> memref<32x384xf32, #tpu.memory_space<hbm>>
    %dma_wait3A_122 = arith.constant 0 : i32
    %dma_wait3A_123 = arith.constant 0 : i32
    %dma_wait3A_124 = tpu.memref_slice %arg7[%arg1, %dma_wait3A_117, %dma_wait3A_122, %dma_wait3A_123] : memref<16x4x32x384xf32, #tpu.memory_space<vmem_shared>> -> memref<1x1x32x384xf32, #tpu.memory_space<vmem_shared>>
    %dma_wait3A_125 = tpu.memref_squeeze %dma_wait3A_124 : memref<1x1x32x384xf32, #tpu.memory_space<vmem_shared>> -> memref<32x384xf32, #tpu.memory_space<vmem_shared>>
    tpu.wait_dma2 semaphore(%arg23 : memref<!tpu.dma_semaphore, #tpu.memory_space<semaphore_mem>>) src(%dma_wait3A_125 : memref<32x384xf32, #tpu.memory_space<vmem_shared>>) dst(%dma_wait3A_121 : memref<32x384xf32, #tpu.memory_space<hbm>>)
    return
  }
}

</mosaic_0001>

<sc_bundles>
// kernel: kernel.3.cloned.1.call-start
scs
__scs_entry_jumppad:
0x0: {  	(pc) =	sbr.rel $0x88, $3  }
0x1: {  	(tag) =	ssettag $0x0;
	lr =	simm.s32 $0x1  }
0x2: {  	[smem:$0x3F9F] =	sst lr;
	_ =	strace $0xD0000000  }
0x3: {  	_ = 	snop  }
0x4: {  	_ = 	snop  }
0x5: {  	_ = 	snop  }
0x6: {  	_ = 	snop  }
0x7: {  	_ = 	snop  }
__scs_overlays_trampoline_lowered:
0x8: {  	[smem:$0x3FAE] =	sst s0  }
0x9: {  	[smem:$0x3FAF] =	sst s1  }
0xa: {  	[smem:$0x3FB0] =	sst s2  }
0xb: {  	[smem:$0x3FB1] =	sst s3  }
0xc: {  	[smem:$0x3FB2] =	sst s4  }
0xd: {  	[smem:$0x3FB3] =	sst s5  }
0xe: {  	[smem:$0x3FB4] =	sst s6  }
0xf: {  	[smem:$0x3FB5] =	sst s7  }
0x10: {  	[smem:$0x3FB6] =	sst s8  }
0x11: {  	[smem:$0x3FB7] =	sst s9;
	s0 =	simm.s32 @!p0 $0x0  }
0x12: {  	s1 =	sld [smem:$0x3F9D];
	s0 =	simm.s32 @p0 $0x1  }
0x13: {  	[smem:$0x3FB8] =	sst s0;
	s0 =	simm.s32 @!p1 $0x0  }
0x14: {  	s2 =	sld [smem:$0x3F9C];
	s0 =	simm.s32 @p1 $0x1  }
0x15: {  	[smem:$0x3FB9] =	sst s0;
	s0 =	simm.s32 @!p2 $0x0  }
0x16: {  	s3 =	sld [smem:$0x3FDB];
	s0 =	simm.s32 @p2 $0x1  }
0x17: {  	s4 =	simm.s32 $0x1BF5;
	[smem:$0x3FBB] =	sst s0  }
0x18: {  	s0 =	sld [smem:$0x3F9E];
	_ =	swait.ge [sflag:s4], $0x0  }
0x19: {  	s7 =	sld [smem:$0x3F9F]  }
0x1a: {  	s8 =	sadd.s32 $0xFFFFE003, lr  }
0x1b: {  	s9 =	sadd.s32 $0xFFFFFEF7, lr;
	s5 =	simm.s32 $0xFFFFFFFF;
	p2 =	slt.u32 s8, $0xFFFFF086  }
0x1c: {  	p1 =	slt.u32 s9, $0xF7A;
	s5 =	simm.s32 @!p2 $0x0  }
0x1d: {  	s5 =	simm.s32 @p1 $0x1;
	p0 =	seq.s32 s7, s2  }
0x1e: {  	s7 =	smul.u32 @!p0 $0xF7A, s2;
	p2 =	seq.s32 @!p0 s5, $0x0  }
0x1f: {  	s9 =	smul.u32 $0xF7A, s1;
	s8 =	simm.s32 @!p0 $0x1BF5;
	p2 =	por !p2, p0  }
0x20: {  	[sflag:s8] =	ssyncset.s32 @!p0 $0xFFFFF086;
	s6 =	sadd.s32 @!p0 s3, s7;
	s7 =	simm.s32 @!p0 $0x108  }
0x21: {  	s3 =	sadd.s32 s3, s9;
	s6 =	sadd.s32 @!p0 $0x88, s6;
	s7 =	simm.s32 @p2 $0x1082  }
0x22: {  	[simem:s7], [sflag:s8] =	dma.local @!p0 [hbm:s6], $0xF7A  }
0x23: {  	s9 =	sor.u32 $0xD0000000, s2;
	s6 =	simm.s32 $0x108;
	_ =	swait.ge @!p0 [sflag:s8], $0x0  }
0x24: {  	s3 =	sadd.s32 $0x88, s3;
	s6 =	simm.s32 @!p1 $0x1082;
	[sflag:s4] =	ssyncset.s32 $0xFFFFF086  }
0x25: {  	[simem:s6], [sflag:s4] =	dma.local [hbm:s3], $0xF7A  }
0x26: {  	[smem:$0x3F9F] =	sst s1;
	(tag) =	ssettag s2;
	_ =	strace s9  }
0x27: {  	s1 =	sld [smem:$0x3FAF]  }
0x28: {  	s2 =	sld [smem:$0x3FB0]  }
0x29: {  	s4 =	sld [smem:$0x3FB2]  }
0x2a: {  	p0 =	seq.s32 s5, $0x0;
	s5 =	sld [smem:$0x3FB3]  }
0x2b: {  	s6 =	sld [smem:$0x3FB4]  }
0x2c: {  	s7 =	sld [smem:$0x3FB5]  }
0x2d: {  	s3 =	simm.s32 $0x108;
	s8 =	sld [smem:$0x3FB6]  }
0x2e: {  	s3 =	simm.s32 @!p0 $0x1082;
	s9 =	sld [smem:$0x3FB7]  }
0x2f: {  	lr =	sadd.s32 s0, s3;
	s0 =	sld [smem:$0x3FAE]  }
0x30: {  	s3 =	sld [smem:$0x3FB1]  }
0x31: {  	[smem:$0x3FBA] =	sst s10  }
0x32: {  	s10 =	sld [smem:$0x3FB8];
	_ =	sdelay $0x3  }
0x33: {  	p0 =	seq.s32 s10, $0x1;
	s10 =	sld [smem:$0x3FBA];
	_ =	sdelay $0x3  }
0x34: {  	[smem:$0x3FBA] =	sst s10  }
0x35: {  	s10 =	sld [smem:$0x3FB9];
	_ =	sdelay $0x3  }
0x36: {  	p1 =	seq.s32 s10, $0x1;
	s10 =	sld [smem:$0x3FBA];
	_ =	sdelay $0x3  }
0x37: {  	[smem:$0x3FBA] =	sst s10  }
0x38: {  	s10 =	sld [smem:$0x3FBB]  }
0x39: {  	_ = 	snop;
	(pc) =	sbr.ind lr, $3  }
0x3a: {  	_ = 	snop  }
0x3b: {  	_ = 	snop  }
0x3c: {  	p2 =	seq.s32 s10, $0x1;
	s10 =	sld [smem:$0x3FBA]  }
0x3d: {  	_ =	shalt  }
0x3e: {  	_ =	shalt  }
0x3f: {  	_ =	shalt  }
0x40: {  	_ =	shalt  }
0x41: {  	_ =	shalt  }
0x42: {  	_ =	shalt  }
0x43: {  	_ =	shalt  }
0x44: {  	_ =	shalt  }
0x45: {  	_ =	shalt  }
0x46: {  	_ =	shalt  }
0x47: {  	_ =	shalt  }
0x48: {  	_ =	shalt  }
0x49: {  	_ =	shalt  }
0x4a: {  	_ =	shalt  }
0x4b: {  	_ =	shalt  }
0x4c: {  	_ =	shalt  }
0x4d: {  	_ =	shalt  }
0x4e: {  	_ =	shalt  }
0x4f: {  	_ =	shalt  }
0x50: {  	_ =	shalt  }
0x51: {  	_ =	shalt  }
0x52: {  	_ =	shalt  }
0x53: {  	_ =	shalt  }
0x54: {  	_ =	shalt  }
0x55: {  	_ =	shalt  }
0x56: {  	_ =	shalt  }
0x57: {  	_ =	shalt  }
0x58: {  	_ =	shalt  }
0x59: {  	_ =	shalt  }
0x5a: {  	_ =	shalt  }
0x5b: {  	_ =	shalt  }
0x5c: {  	_ =	shalt  }
0x5d: {  	_ =	shalt  }
0x5e: {  	_ =	shalt  }
0x5f: {  	_ =	shalt  }
0x60: {  	_ =	shalt  }
0x61: {  	_ =	shalt  }
0x62: {  	_ =	shalt  }
0x63: {  	_ =	shalt  }
0x64: {  	_ =	shalt  }
0x65: {  	_ =	shalt  }
0x66: {  	_ =	shalt  }
0x67: {  	_ =	shalt  }
0x68: {  	_ =	shalt  }
0x69: {  	_ =	shalt  }
0x6a: {  	_ =	shalt  }
0x6b: {  	_ =	shalt  }
0x6c: {  	_ =	shalt  }
0x6d: {  	_ =	shalt  }
0x6e: {  	_ =	shalt  }
0x6f: {  	_ =	shalt  }
0x70: {  	_ =	shalt  }
0x71: {  	_ =	shalt  }
0x72: {  	_ =	shalt  }
0x73: {  	_ =	shalt  }
0x74: {  	_ =	shalt  }
0x75: {  	_ =	shalt  }
0x76: {  	_ =	shalt  }
0x77: {  	_ =	shalt  }
0x78: {  	_ =	shalt  }
0x79: {  	_ =	shalt  }
0x7a: {  	_ =	shalt  }
0x7b: {  	_ =	shalt  }
0x7c: {  	_ =	shalt  }
0x7d: {  	_ =	shalt  }
0x7e: {  	_ =	shalt  }
0x7f: {  	_ =	shalt  }
0x80: {  	_ =	shalt  }
0x81: {  	_ =	shalt  }
0x82: {  	_ =	shalt  }
0x83: {  	_ =	shalt  }
0x84: {  	_ =	shalt  }
0x85: {  	_ =	shalt  }
0x86: {  	_ =	shalt  }
0x87: {  	_ =	shalt  }
.Lfunc_end0:
.L_simem_size_0:
called_computation_lowered:
.L_overlay_start_0:
0x88: {  	s2 =	sld [smem:$0x3FD9]  }
0x89: {  	s3 =	sld [smem:$0x3FFE];
	_ =	sdelay $0x1  }
0x8a: {  	s1 =	srdreg.scid  }
0x8b: {  	s0 =	sand.u32 $0x1, s1  }
0x8c: {  	s17 =	sshll.u32 s0, $0xA;
	s2 =	sadd.s32 s3, s2  }
0x8d: {  	s2 =	sadd.s32 s2, s17  }
0x8e: {  	[smem:$0x3FC6] =	sst s2  }
0x8f: {  	_ = 	snop  }
0x90: {  	s2 =	sld [smem:$0x3FC8]  }
0x91: {  	s18 =	sld [smem:$0x3FD0];
	(tm) =	ssettm $0x1  }
0x92: {  	s4 =	sld [smem:$0x3FFB];
	_ =	sdelay $0x3  }
0x93: {  	_ =	strace s4  }
0x94: {  	s4 =	sld [smem:$0x3FFC];
	_ =	sdelay $0x3  }
0x95: {  	_ =	strace s4  }
0x96: {  	s4 =	sld [smem:$0x3FFD];
	_ =	sdelay $0x3  }
0x97: {  	_ =	strace s4  }
0x98: {  	_ =	strace $0x8FFFFFFF  }
0x99: {  	s19 =	sld [smem:$0x3FDB];
	_ =	sdelay $0x1  }
0x9a: {  	s5 =	simm.s32 $_scs_section_size  }
0x9b: {  	s6 =	simm.s32 $_size__tile_overlayer_lowered;
	s7 =	simm.s32 $_tile_overlayer_lowered  }
0x9c: {  	s22 =	simm.s32 $0x1BFF;
	s21 =	sshll.u32 s7, $0x1;
	s4 =	sadd.s32 s5, s19  }
0x9d: {  	s8 =	simm.s32 $0x0;
	s20 =	sshll.u32 s6, $0x1;
	s6 =	sadd.s32 s21, s4  }
0x9e: {  	[timem:s8], [sflag:s22] =	dma.local [hbm:s6], s20  }
0x9f: {  	_ =	swait.ge [sflag:s22], s20  }
0xa0: {  	s5 =	ssub.s32 $0x0, s20;
	[sflag:s22] =	ssyncset.done $0x0  }
0xa1: {  	[sflag:s22] =	ssyncadd.s32 s5;
	_ =	sdelay $0x1  }
0xa2: {  	s23 =	simm.s32 $0x1B8B  }
0xa3: {  	_ =	swait.ge [sflag:s23], $0x1  }
0xa4: {  	[sflag:s23] =	ssyncset.done $0x0  }
0xa5: {  	s25 =	simm.s32 $0x1B8E;
	s24 =	sld [smem:$0x3FFE];
	[sflag:s23] =	ssyncadd.s32 $0xFFFFFFFF  }
0xa6: {  	s26 =	simm.s32 $execute0_lowered;
	[smem:$0x3FD2] =	sst s25  }
0xa7: {  	s6 =	sshll.u32 s26, $0x1;
	_ =	strace $0x80000046;
	[dreg:$0x1] =	wrdreg $0xFFFFFFFF  }
0xa8: {  	s28 =	simm.s32 $_size_execute0_lowered;
	s4 =	sadd.s32 s4, s6;
	[dreg:$0x0] =	wrdreg $0x0  }
0xa9: {  	s6 =	sshll.u32 s28, $0x1;
	[dreg:$0x2] =	wrdreg s4  }
0xaa: {  	[dreg:$0x3] =	wrdreg s6  }
0xab: {  	[dreg:$0x4] =	wrdreg $0xC0  }
0xac: {  	_ =	task [dreg:s8], $0x5FFFF  }
0xad: {  	[dreg:$0x1] =	wrdreg $0xFFFFFFFF  }
0xae: {  	[dreg:$0x0] =	wrdreg $0x60  }
0xaf: {  	[dreg:$0x2] =	wrdreg s24  }
0xb0: {  	[dreg:$0x3] =	wrdreg s2  }
0xb1: {  	[dreg:$0x4] =	wrdreg s18  }
0xb2: {  	[dreg:$0x5] =	wrdreg $0x70000  }
0xb3: {  	[dreg:$0x6] =	wrdreg $0x9  }
0xb4: {  	_ =	task.clear_ibuf [dreg:s8], $0x7FFFF;
	_ =	strace $0x90000046  }
0xb5: {  	s29 =	simm.s32 $0x9;
	_ =	strace $0x80000048  }
0xb6: {  	_ =	swait.ge [sflag:s29], $0x1  }
0xb7: {  	[sflag:s29] =	ssyncadd.s32 $0xFFFFFFFF  }
0xb8: {  	_ =	strace $0x90000048  }
0xb9: {  	_ =	sfence  }
0xba: {  	s30 =	sld [smem:$0x0];
	_ =	sdelay $0x2  }
0xbb: {  	s31 =	sshll.u32 s1, $0xD;
	s1 =	sshrl.u32 s1, $0x2  }
0xbc: {  	s3 =	sand.u32 $0x4000, s31;
	s1 =	sadd.s32 s1, s30  }
0xbd: {  	s0 =	sor.u32 s3, s0;
	s1 =	sshll.u32 s1, $0x11  }
0xbe: {  	s0 =	sor.u32 s1, s0  }
0xbf: {  	s0 =	sadd.s32 $0x8F2B, s0  }
0xc0: {  	[sflag:s0] =	ssyncadd.remote.s32 $0x1  }
0xc1: {  	_ =	sfence.sel $0xFFFF  }
0xc2: {  	[dreg:$0x0] =	wrdreg $0xFFFFFFFF;
	(pc) =	sbr.abs _section_cstart, $3  }
0xc3: {  	[dreg:$0x1] =	wrdreg $0xFFFFFFFF  }
0xc4: {  	_ =	task.clear_ibuf [dreg:s8], $0x2FFFF;
	_ =	strace $0x9FFFFFFF  }
0xc5: {  	(tm) =	ssettm $0x7FFFFFFF  }
tec
execute0_lowered:
.L_overlay_start_1:
0x0: {  	(tag) =	ssettag $0x1  }
0x1: {  	s0 =	rddreg [dreg:$0x0]  }
0x2: {  	s1 =	rddreg [dreg:$0x1]  }
0x3: {  	s31 =	rddreg [dreg:$0x2]  }
0x4: {  	s2 =	rddreg [dreg:$0x3]  }
0x5: {  	s3 =	srdreg.scid;
	s10 =	stileid.u32;
	s6 =	simm.s32 $0x0  }
0x6: {  	s3 =	sand.u32 $0x1, s3;
	[smem:$0x7FF] =	sst s6;
	s22 =	smul.u32 $0x30000, s10  }
0x7: {  	s4 =	sshll.u32 s10, $0x8;
	s5 =	sshll.u32 s3, $0x7;
	_ =	strace $0x80000047  }
0x8: {  	s3 =	ssub.s32 $0x2, s3;
	s21 =	sor.u32 s5, s4;
	s4 =	sshrl.u32 s22, $0x2  }
0x9: {  	s0 =	sadd.s32 s21, s0;
	[dreg:$0x5] =	wrdreg s21;
	s2 =	sadd.s32 s4, s2  }
0xa: {  	s23 =	sshrl.u32 s3, $0x1;
	s0 =	sadd.s32 $0x400, s0;
	[dreg:$0x6] =	wrdreg s2  }
0xb: {  	s3 =	ssub.s32 s3, s23;
	s25 =	sadd.s32 $0x3000, s2;
	[dreg:$0x8] =	wrdreg s0  }
0xc: {  	s5 =	sadd.s32 $0x9000, s2;
	s2 =	sadd.s32 $0x6000, s2;
	[dreg:$0xa] =	wrdreg s25  }
0xd: {  	s7 =	sshrl.u32 s21, $0x3;
	s30 =	smax.u32 s3, $0x1;
	[dreg:$0xc] =	wrdreg s2  }
0xe: {  	s24 =	smul.u32 $0xC00, s7;
	[dreg:$0xf] =	wrdreg s30  }
0xf: {  	s15 =	simm.s32 $0x3;
	s19 =	simm.s32 $0x4;
	[dreg:$0x9] =	wrdreg s5  }
0x10: {  	s26 =	sor.u32 $0x3000, s24;
	s28 =	sshrl.u32 s24, $0x3;
	[dreg:$0x7] =	wrdreg s24  }
0x11: {  	v2 =	vlaneseq.u32;
	s29 =	sadd.s32 $0x6000, s24;
	[dreg:$0xb] =	wrdreg s26;
	s0 =	sadd.s32 s31, s28  }
0x12: {  	vm0 =	vmmov $0xffff;
	vm1 =	vmmov $0xff;
	s9 =	sadd.s32 $0x100, s1;
	v1 =	vshrl.u32 v2, $0x3;
	[dreg:$0xd] =	wrdreg s29;
	s0 =	sadd.s32 $0x931200, s0  }
0x13: {  	s6 =	simm.s32 $0x1C000;
	v0 =	vand.u32 $0x7, v2;
	v2 =	vor.u32 $0x8, v2;
	v1 =	vmul.u32 $0x8, v1;
	s3 =	simm.s32 $0x0;
	[dreg:$0xe] =	wrdreg s0  }
.LBB2_1:
0x14: {  	s0 =	simm.s32 $0x0  }
0x15: {  	s2 =	rddreg [dreg:$0x8];
	s24 =	simm.s32 $0x400;
	s4 =	simm.s32 $0x8000  }
0x16: {  	[tilespmem:s0], [sflag:$0xD] =	stream.strided.gather [hbm4b:s2+s24], $0x1C00, s4, s24, $0x38;
	[tilespmem:$0x1F000] =	vst v63  }
0x17: {  	[dreg:$0x10] =	wrdreg s3;
	s2 =	simm.s32 $0xD  }
0x18: {  	_ =	swait.ge [sflag:s2], $0x1C00  }
0x19: {  	[sflag:s2] =	ssyncset.done $0x0  }
0x1a: {  	[sflag:s2] =	ssyncadd.s32 $0xFFFFE400  }
0x1b: {  	v3 =	vld [tilespmem:$0x0];
	_ =	sdelay $0x4  }
0x1c: {  	v4 =	vshrl.u32 v3, $0x3  }
0x1d: {  	v4 =	vmul.u32 $0x18, v4  }
0x1e: {  	v3 =	vand.u32 $0x7, v3  }
0x1f: {  	v3 =	vor.u32 v3, v4  }
0x20: {  	v4 =	vperm.xlane v3, v0;
	_ =	sdelay $0x1  }
0x21: {  	v4 =	vadd.s32 v1, v4;
	_ =	sdelay $0x1  }
0x22: {  	v3 =	vperm.xlane v3, v2;
	_ =	sdelay $0x1  }
0x23: {  	s25 =	simm.s32 $0x13000;
	v3 =	vadd.s32 v1, v3  }
0x24: {  	[tilespmem:s25], [sflag:$0x1] =	stream.indirect_vreg.gather [hbm4b:s1+s0], $0x80, v4, vm0, $0xb8;
	[tilespmem:$0x1F000] =	vst v63  }
0x25: {  	s26 =	simm.s32 $0x13800  }
0x26: {  	[tilespmem:s26], [sflag:$0x1] =	stream.indirect_vreg.gather [hbm4b:s9+s0], $0x80, v4, vm1, $0xb8;
	[tilespmem:$0x1F000] =	vst v63  }
0x27: {  	s28 =	simm.s32 $0x13C00  }
0x28: {  	[tilespmem:s28], [sflag:$0x1] =	stream.indirect_vreg.gather [hbm4b:s1+s0], $0x80, v3, vm0, $0xb8;
	[tilespmem:$0x1F000] =	vst v63  }
0x29: {  	s29 =	simm.s32 $0x14400  }
0x2a: {  	[tilespmem:s29], [sflag:$0x1] =	stream.indirect_vreg.gather [hbm4b:s9+s0], $0x80, v3, vm1, $0xb8;
	[tilespmem:$0x1F000] =	vst v63  }
0x2b: {  	v3 =	vld [tilespmem:$0x10];
	_ =	sdelay $0x4  }
0x2c: {  	v59 =	vshrl.u32 v3, $0x3  }
0x2d: {  	v4 =	vmul.u32 $0x18, v59  }
0x2e: {  	v3 =	vand.u32 $0x7, v3  }
0x2f: {  	v3 =	vor.u32 v3, v4  }
0x30: {  	v4 =	vperm.xlane v3, v0;
	_ =	sdelay $0x1  }
0x31: {  	v4 =	vadd.s32 v1, v4;
	_ =	sdelay $0x1  }
0x32: {  	v3 =	vperm.xlane v3, v2;
	_ =	sdelay $0x1  }
0x33: {  	s30 =	simm.s32 $0x14800;
	v3 =	vadd.s32 v1, v3  }
0x34: {  	[tilespmem:s30], [sflag:$0x1] =	stream.indirect_vreg.gather [hbm4b:s1+s0], $0x80, v4, vm0, $0xb8;
	[tilespmem:$0x1F000] =	vst v63  }
0x35: {  	s4 =	simm.s32 $0x15000  }
0x36: {  	[tilespmem:s4], [sflag:$0x1] =	stream.indirect_vreg.gather [hbm4b:s9+s0], $0x80, v4, vm1, $0xb8;
	[tilespmem:$0x1F000] =	vst v63  }
0x37: {  	s7 =	simm.s32 $0x15400  }
0x38: {  	[tilespmem:s7], [sflag:$0x1] =	stream.indirect_vreg.gather [hbm4b:s1+s0], $0x80, v3, vm0, $0xb8;
	[tilespmem:$0x1F000] =	vst v63  }
0x39: {  	s8 =	simm.s32 $0x15C00  }
0x3a: {  	[tilespmem:s8], [sflag:$0x1] =	stream.indirect_vreg.gather [hbm4b:s9+s0], $0x80, v3, vm1, $0xb8;
	[tilespmem:$0x1F000] =	vst v63  }
0x3b: {  	v3 =	vld [tilespmem:$0x20];
	_ =	sdelay $0x4  }
0x3c: {  	v60 =	vshrl.u32 v3, $0x3  }
0x3d: {  	v4 =	vmul.u32 $0x18, v60  }
0x3e: {  	v3 =	vand.u32 $0x7, v3  }
0x3f: {  	v3 =	vor.u32 v3, v4  }
0x40: {  	v4 =	vperm.xlane v3, v0;
	_ =	sdelay $0x1  }
0x41: {  	v4 =	vadd.s32 v1, v4;
	_ =	sdelay $0x1  }
0x42: {  	v3 =	vperm.xlane v3, v2;
	_ =	sdelay $0x1  }
0x43: {  	s11 =	simm.s32 $0x16000;
	v3 =	vadd.s32 v1, v3  }
0x44: {  	[tilespmem:s11], [sflag:$0x2] =	stream.indirect_vreg.gather [hbm4b:s1+s0], $0x80, v4, vm0, $0xb8;
	[tilespmem:$0x1F000] =	vst v63  }
0x45: {  	s12 =	simm.s32 $0x16800  }
0x46: {  	[tilespmem:s12], [sflag:$0x2] =	stream.indirect_vreg.gather [hbm4b:s9+s0], $0x80, v4, vm1, $0xb8;
	[tilespmem:$0x1F000] =	vst v63  }
0x47: {  	s13 =	simm.s32 $0x16C00  }
0x48: {  	[tilespmem:s13], [sflag:$0x2] =	stream.indirect_vreg.gather [hbm4b:s1+s0], $0x80, v3, vm0, $0xb8;
	[tilespmem:$0x1F000] =	vst v63  }
0x49: {  	s14 =	simm.s32 $0x17400  }
0x4a: {  	[tilespmem:s14], [sflag:$0x2] =	stream.indirect_vreg.gather [hbm4b:s9+s0], $0x80, v3, vm1, $0xb8;
	[tilespmem:$0x1F000] =	vst v63  }
0x4b: {  	v3 =	vld [tilespmem:$0x30];
	_ =	sdelay $0x4  }
0x4c: {  	v61 =	vshrl.u32 v3, $0x3  }
0x4d: {  	v4 =	vmul.u32 $0x18, v61  }
0x4e: {  	v3 =	vand.u32 $0x7, v3  }
0x4f: {  	v3 =	vor.u32 v3, v4  }
0x50: {  	v4 =	vperm.xlane v3, v0;
	_ =	sdelay $0x1  }
0x51: {  	v4 =	vadd.s32 v1, v4;
	_ =	sdelay $0x1  }
0x52: {  	v3 =	vperm.xlane v3, v2;
	_ =	sdelay $0x1  }
0x53: {  	s16 =	simm.s32 $0x17800;
	v3 =	vadd.s32 v1, v3  }
0x54: {  	[tilespmem:s16], [sflag:$0x2] =	stream.indirect_vreg.gather [hbm4b:s1+s0], $0x80, v4, vm0, $0xb8;
	[tilespmem:$0x1F000] =	vst v63  }
0x55: {  	s17 =	simm.s32 $0x18000  }
0x56: {  	[tilespmem:s17], [sflag:$0x2] =	stream.indirect_vreg.gather [hbm4b:s9+s0], $0x80, v4, vm1, $0xb8;
	[tilespmem:$0x1F000] =	vst v63  }
0x57: {  	s18 =	simm.s32 $0x18400  }
0x58: {  	[tilespmem:s18], [sflag:$0x2] =	stream.indirect_vreg.gather [hbm4b:s1+s0], $0x80, v3, vm0, $0xb8;
	[tilespmem:$0x1F000] =	vst v63  }
0x59: {  	s20 =	simm.s32 $0x18C00  }
0x5a: {  	[tilespmem:s20], [sflag:$0x2] =	stream.indirect_vreg.gather [hbm4b:s9+s0], $0x80, v3, vm1, $0xb8;
	[tilespmem:$0x1F000] =	vst v63  }
0x5b: {  	v3 =	vld [tilespmem:$0x40];
	_ =	sdelay $0x4  }
0x5c: {  	v62 =	vshrl.u32 v3, $0x3  }
0x5d: {  	v4 =	vmul.u32 $0x18, v62  }
0x5e: {  	v3 =	vand.u32 $0x7, v3  }
0x5f: {  	v3 =	vor.u32 v3, v4  }
0x60: {  	v4 =	vperm.xlane v3, v0;
	_ =	sdelay $0x1  }
0x61: {  	v4 =	vadd.s32 v1, v4;
	_ =	sdelay $0x1  }
0x62: {  	v3 =	vperm.xlane v3, v2;
	_ =	sdelay $0x1  }
0x63: {  	s21 =	simm.s32 $0x19000;
	v3 =	vadd.s32 v1, v3  }
0x64: {  	[tilespmem:s21], [sflag:$0x3] =	stream.indirect_vreg.gather [hbm4b:s1+s0], $0x80, v4, vm0, $0xb8;
	[tilespmem:$0x1F000] =	vst v63  }
0x65: {  	s22 =	simm.s32 $0x19800  }
0x66: {  	[tilespmem:s22], [sflag:$0x3] =	stream.indirect_vreg.gather [hbm4b:s9+s0], $0x80, v4, vm1, $0xb8;
	[tilespmem:$0x1F000] =	vst v63  }
0x67: {  	s23 =	simm.s32 $0x19C00  }
0x68: {  	[tilespmem:s23], [sflag:$0x3] =	stream.indirect_vreg.gather [hbm4b:s1+s0], $0x80, v3, vm0, $0xb8;
	[tilespmem:$0x1F000] =	vst v63  }
0x69: {  	s24 =	simm.s32 $0x1A400  }
0x6a: {  	[tilespmem:s24], [sflag:$0x3] =	stream.indirect_vreg.gather [hbm4b:s9+s0], $0x80, v3, vm1, $0xb8;
	[tilespmem:$0x1F000] =	vst v63  }
0x6b: {  	v3 =	vld [tilespmem:$0x50];
	_ =	sdelay $0x4  }
0x6c: {  	v63 =	vshrl.u32 v3, $0x3  }
0x6d: {  	v4 =	vmul.u32 $0x18, v63  }
0x6e: {  	v3 =	vand.u32 $0x7, v3  }
0x6f: {  	v3 =	vor.u32 v3, v4  }
0x70: {  	v4 =	vperm.xlane v3, v0;
	_ =	sdelay $0x1  }
0x71: {  	v4 =	vadd.s32 v1, v4;
	_ =	sdelay $0x1  }
0x72: {  	v3 =	vperm.xlane v3, v2;
	_ =	sdelay $0x1  }
0x73: {  	s25 =	simm.s32 $0x1A800;
	v3 =	vadd.s32 v1, v3  }
0x74: {  	[tilespmem:s25], [sflag:$0x3] =	stream.indirect_vreg.gather [hbm4b:s1+s0], $0x80, v4, vm0, $0xb8;
	[tilespmem:$0x1F000] =	vst v63  }
0x75: {  	s26 =	simm.s32 $0x1B000  }
0x76: {  	[tilespmem:s26], [sflag:$0x3] =	stream.indirect_vreg.gather [hbm4b:s9+s0], $0x80, v4, vm1, $0xb8;
	[tilespmem:$0x1F000] =	vst v63  }
0x77: {  	s28 =	simm.s32 $0x1B400  }
0x78: {  	[tilespmem:s28], [sflag:$0x3] =	stream.indirect_vreg.gather [hbm4b:s1+s0], $0x80, v3, vm0, $0xb8;
	[tilespmem:$0x1F000] =	vst v63  }
0x79: {  	s29 =	simm.s32 $0x1BC00  }
0x7a: {  	[tilespmem:s29], [sflag:$0x3] =	stream.indirect_vreg.gather [hbm4b:s9+s0], $0x80, v3, vm1, $0xb8;
	[tilespmem:$0x1F000] =	vst v63  }
0x7b: {  	s30 =	simm.s32 $0x1C00  }
0x7c: {  	[tilespmem:s30], [sflag:$0xD] =	stream.linear.gather [hbm4b:s1+s0], $0x5400, $0x38;
	[tilespmem:$0x1F000] =	vst v63  }
0x7d: {  	_ =	swait.ge [sflag:s2], $0x5400  }
0x7e: {  	[sflag:s2] =	ssyncset.done $0x0  }
0x7f: {  	s4 =	simm.s32 $0x0;
	[sflag:s2] =	ssyncadd.s32 $0xFFFFAC00  }
.LBB2_2:
0x80: {  	p0 =	seq.s32 s4, $0x0  }
0x81: {  	s0 =	sshll.u32 @!p0 s4, $0x2  }
0x82: {  	s0 =	sadd.s32 @!p0 $0xFFFFFFFF, s0  }
0x83: {  	s3 =	rddreg [dreg:$0x5];
	s2 =	sshrl.u32 @!p0 s0, $0x2;
	s0 =	sshll.u32 @!p0 s0, $0x5  }
0x84: {  	s0 =	sadd.s32 @!p0 s3, s0;
	s3 =	sshll.u32 @!p0 s2, $0x7  }
0x85: {  	s0 =	ssub.s32 @!p0 s0, s3  }
0x86: {  	s2 =	smul.u32 @!p0 $0x180000, s2;
	s0 =	sshrl.u32 @!p0 s0, $0x3  }
0x87: {  	s3 =	simm.s32 @!p0 $0x8;
	s0 =	smul.u32 @!p0 $0xC00, s0  }
0x88: {  	_ =	swait.ge @!p0 [sflag:s3], $0x3000  }
0x89: {  	s30 =	sshll.u32 s4, $0x7;
	[sflag:s3] =	ssyncset.done @!p0 $0x0;
	s0 =	sadd.s32 @!p0 s2, s0  }
0x8a: {  	[sflag:s3] =	ssyncadd.s32 @!p0 $0xFFFFD000;
	s2 =	sshll.u32 @!p0 s10, $0x6;
	s0 =	sshrl.u32 @!p0 s0, $0x3  }
0x8b: {  	s3 =	sshrl.u32 @!p0 s5, $0x3;
	s2 =	sor.u32 @!p0 $0x1C0C, s2;
	s0 =	sadd.s32 @!p0 s31, s0  }
0x8c: {  	[hbm:s0], [sflag:s2] =	dma.local @!p0 [spmem:s3], $0x600  }
0x8d: {  	v3 =	vld [tilespmem:s30+$0x60];
	_ =	sdelay $0x4  }
0x8e: {  	v4 =	vshrl.u32 v3, $0x3  }
0x8f: {  	v4 =	vmul.u32 $0x18, v4  }
0x90: {  	v3 =	vand.u32 $0x7, v3  }
0x91: {  	v3 =	vor.u32 v3, v4  }
0x92: {  	v4 =	vperm.xlane v3, v0;
	_ =	sdelay $0x1  }
0x93: {  	v4 =	vadd.s32 v1, v4;
	_ =	sdelay $0x1  }
0x94: {  	v3 =	vperm.xlane v3, v2;
	_ =	sdelay $0x1  }
0x95: {  	s22 =	simm.s32 $0x0;
	v3 =	vadd.s32 v1, v3  }
0x96: {  	[tilespmem:s6], [sflag:$0x4] =	stream.indirect_vreg.gather [hbm4b:s1+s22], $0x80, v4, vm0, $0xb8;
	[tilespmem:$0x1F000] =	vst v63  }
0x97: {  	s11 =	simm.s32 $0x1C800  }
0x98: {  	[tilespmem:s11], [sflag:$0x4] =	stream.indirect_vreg.gather [hbm4b:s9+s22], $0x80, v4, vm1, $0xb8;
	[tilespmem:$0x1F000] =	vst v63  }
0x99: {  	s12 =	simm.s32 $0x1CC00  }
0x9a: {  	[tilespmem:s12], [sflag:$0x4] =	stream.indirect_vreg.gather [hbm4b:s1+s22], $0x80, v3, vm0, $0xb8;
	[tilespmem:$0x1F000] =	vst v63  }
0x9b: {  	s13 =	simm.s32 $0x1D400  }
0x9c: {  	[tilespmem:s13], [sflag:$0x4] =	stream.indirect_vreg.gather [hbm4b:s9+s22], $0x80, v3, vm1, $0xb8;
	[tilespmem:$0x1F000] =	vst v63  }
0x9d: {  	v3 =	vld [tilespmem:s30+$0x70];
	_ =	sdelay $0x4  }
0x9e: {  	v4 =	vshrl.u32 v3, $0x3  }
0x9f: {  	v4 =	vmul.u32 $0x18, v4  }
0xa0: {  	v3 =	vand.u32 $0x7, v3  }
0xa1: {  	v3 =	vor.u32 v3, v4  }
0xa2: {  	v4 =	vperm.xlane v3, v0;
	_ =	sdelay $0x1  }
0xa3: {  	v4 =	vadd.s32 v1, v4;
	_ =	sdelay $0x1  }
0xa4: {  	v3 =	vperm.xlane v3, v2;
	_ =	sdelay $0x1  }
0xa5: {  	s14 =	simm.s32 $0x1D800;
	v3 =	vadd.s32 v1, v3  }
0xa6: {  	[tilespmem:s14], [sflag:$0x4] =	stream.indirect_vreg.gather [hbm4b:s1+s22], $0x80, v4, vm0, $0xb8;
	[tilespmem:$0x1F000] =	vst v63  }
0xa7: {  	s16 =	simm.s32 $0x1E000  }
0xa8: {  	[tilespmem:s16], [sflag:$0x4] =	stream.indirect_vreg.gather [hbm4b:s9+s22], $0x80, v4, vm1, $0xb8;
	[tilespmem:$0x1F000] =	vst v63  }
0xa9: {  	s17 =	simm.s32 $0x1E400  }
0xaa: {  	[tilespmem:s17], [sflag:$0x4] =	stream.indirect_vreg.gather [hbm4b:s1+s22], $0x80, v3, vm0, $0xb8;
	[tilespmem:$0x1F000] =	vst v63  }
0xab: {  	s18 =	simm.s32 $0x1EC00;
	s20 =	simm.s32 $0x1  }
0xac: {  	[tilespmem:s18], [sflag:$0x4] =	stream.indirect_vreg.gather [hbm4b:s9+s22], $0x80, v3, vm1, $0xb8;
	[tilespmem:$0x1F000] =	vst v63  }
0xad: {  	_ =	swait.ge [sflag:s20], $0x1800  }
0xae: {  	s21 =	sshrl.u32 s4, $0x3;
	[sflag:s20] =	ssyncset.done $0x0  }
0xaf: {  	s0 =	smul.u32 $0x3000, s21;
	[sflag:s20] =	ssyncadd.s32 $0xFFFFE800  }
0xb0: {  	_ =	swait.ge [sflag:s20], $0x1800  }
0xb1: {  	s23 =	sand.u32 $0x380, s30;
	s0 =	sshra.s32 s0, $0x2;
	[sflag:s20] =	ssyncset.done $0x0  }
0xb2: {  	s21 =	sor.u32 s23, s0;
	[sflag:s20] =	ssyncadd.s32 $0xFFFFE800  }
0xb3: {  	v3 =	vld [tilespmem:s21+$0x1C00]  }
0xb4: {  	v4 =	vld [tilespmem:s21+$0x1C10]  }
0xb5: {  	v5 =	vld [tilespmem:s21+$0x1C20]  }
0xb6: {  	v6 =	vld [tilespmem:s21+$0x1C30]  }
0xb7: {  	v7 =	vld [tilespmem:s21+$0x1C40]  }
0xb8: {  	v8 =	vld [tilespmem:s21+$0x1C50]  }
0xb9: {  	v9 =	vld [tilespmem:s21+$0x1C60]  }
0xba: {  	v10 =	vld [tilespmem:s21+$0x1C70]  }
0xbb: {  	v11 =	vld [tilespmem:s21+$0x2000]  }
0xbc: {  	v12 =	vld [tilespmem:s21+$0x2010]  }
0xbd: {  	v13 =	vld [tilespmem:s21+$0x2020]  }
0xbe: {  	v14 =	vld [tilespmem:s21+$0x2030]  }
0xbf: {  	v15 =	vld [tilespmem:s21+$0x2040]  }
0xc0: {  	v16 =	vld [tilespmem:s21+$0x2050]  }
0xc1: {  	v18 =	vld [tilespmem:s21+$0x2060]  }
0xc2: {  	v20 =	vld [tilespmem:s21+$0x2070]  }
0xc3: {  	v26 =	vld [tilespmem:s21+$0x2400]  }
0xc4: {  	v21 =	vld [tilespmem:s21+$0x2410]  }
0xc5: {  	s24 =	simm.s32 $0x0;
	v22 =	vld [tilespmem:s21+$0x2420]  }
0xc6: {  	s0 =	smul.u32 $0x3000, s24;
	v23 =	vld [tilespmem:s21+$0x2430]  }
0xc7: {  	v24 =	vld [tilespmem:s21+$0x2440]  }
0xc8: {  	s0 =	sshra.s32 s0, $0x2;
	v19 =	vld [tilespmem:s21+$0x2450]  }
0xc9: {  	s7 =	sadd.s32 $0x13000, s0;
	s12 =	sand.u32 $0x200, s22;
	v17 =	vld [tilespmem:s21+$0x2460]  }
0xca: {  	s25 =	sor.u32 s12, s7;
	v25 =	vld [tilespmem:s21+$0x2470]  }
0xcb: {  	s26 =	sor.u32 $0x10, s25;
	[tilespmem:s25+$0x0] =	vst.add.f32.msk $0xffff, v3  }
0xcc: {  	s29 =	sor.u32 $0x20, s25;
	[tilespmem:s26+$0x0] =	vst.add.f32.msk $0xffff, v4  }
0xcd: {  	s5 =	sor.u32 $0x30, s25;
	[tilespmem:s29+$0x0] =	vst.add.f32.msk $0xffff, v5  }
0xce: {  	s6 =	sor.u32 $0x40, s25;
	[tilespmem:s5+$0x0] =	vst.add.f32.msk $0xffff, v6  }
0xcf: {  	s8 =	sor.u32 $0x50, s25;
	[tilespmem:s6+$0x0] =	vst.add.f32.msk $0xffff, v7  }
0xd0: {  	s11 =	sor.u32 $0x60, s25;
	[tilespmem:s8+$0x0] =	vst.add.f32.msk $0xffff, v8  }
0xd1: {  	s2 =	sor.u32 $0x70, s25;
	s5 =	sadd.s32 $0x13400, s0;
	[tilespmem:s11+$0x0] =	vst.add.f32.msk $0xffff, v9  }
0xd2: {  	s13 =	sor.u32 s12, s5;
	[tilespmem:s2+$0x0] =	vst.add.f32.msk $0xffff, v10  }
0xd3: {  	s14 =	sor.u32 $0x10, s13;
	[tilespmem:s13+$0x0] =	vst.add.f32.msk $0xffff, v11  }
0xd4: {  	s16 =	sor.u32 $0x20, s13;
	[tilespmem:s14+$0x0] =	vst.add.f32.msk $0xffff, v12  }
0xd5: {  	s17 =	sor.u32 $0x30, s13;
	[tilespmem:s16+$0x0] =	vst.add.f32.msk $0xffff, v13  }
0xd6: {  	s18 =	sor.u32 $0x40, s13;
	[tilespmem:s17+$0x0] =	vst.add.f32.msk $0xffff, v14  }
0xd7: {  	s20 =	sor.u32 $0x50, s13;
	[tilespmem:s18+$0x0] =	vst.add.f32.msk $0xffff, v15  }
0xd8: {  	s8 =	sor.u32 $0x60, s13;
	[tilespmem:s20+$0x0] =	vst.add.f32.msk $0xffff, v16  }
0xd9: {  	s23 =	sor.u32 $0x70, s13;
	s2 =	sadd.s32 $0x13800, s0;
	[tilespmem:s8+$0x0] =	vst.add.f32.msk $0xffff, v18  }
0xda: {  	s24 =	sor.u32 s12, s2;
	[tilespmem:s23+$0x0] =	vst.add.f32.msk $0xffff, v20  }
0xdb: {  	s25 =	sor.u32 $0x10, s24;
	[tilespmem:s24+$0x0] =	vst.add.f32.msk $0xffff, v26  }
0xdc: {  	s26 =	sor.u32 $0x20, s24;
	[tilespmem:s25+$0x0] =	vst.add.f32.msk $0xffff, v21  }
0xdd: {  	s29 =	sor.u32 $0x30, s24;
	[tilespmem:s26+$0x0] =	vst.add.f32.msk $0xffff, v22  }
0xde: {  	s6 =	sor.u32 $0x40, s24;
	[tilespmem:s29+$0x0] =	vst.add.f32.msk $0xffff, v23  }
0xdf: {  	s8 =	sor.u32 $0x50, s24;
	[tilespmem:s6+$0x0] =	vst.add.f32.msk $0xffff, v24  }
0xe0: {  	s11 =	sor.u32 $0x60, s24;
	[tilespmem:s8+$0x0] =	vst.add.f32.msk $0xffff, v19  }
0xe1: {  	s13 =	sor.u32 $0x70, s24;
	s8 =	sor.u32 $0x80, s12;
	[tilespmem:s11+$0x0] =	vst.add.f32.msk $0xffff, v17  }
0xe2: {  	s14 =	sor.u32 s8, s7;
	[tilespmem:s13+$0x0] =	vst.add.f32.msk $0xffff, v25  }
0xe3: {  	s16 =	sor.u32 $0x10, s14;
	[tilespmem:s14+$0x0] =	vst.add.f32.msk $0xffff, v3  }
0xe4: {  	s17 =	sor.u32 $0x20, s14;
	[tilespmem:s16+$0x0] =	vst.add.f32.msk $0xffff, v4  }
0xe5: {  	s18 =	sor.u32 $0x30, s14;
	[tilespmem:s17+$0x0] =	vst.add.f32.msk $0xffff, v5  }
0xe6: {  	s20 =	sor.u32 $0x40, s14;
	[tilespmem:s18+$0x0] =	vst.add.f32.msk $0xffff, v6  }
0xe7: {  	s23 =	sor.u32 $0x50, s14;
	[tilespmem:s20+$0x0] =	vst.add.f32.msk $0xffff, v7  }
0xe8: {  	s24 =	sor.u32 $0x60, s14;
	[tilespmem:s23+$0x0] =	vst.add.f32.msk $0xffff, v8  }
0xe9: {  	s25 =	sor.u32 $0x70, s14;
	[tilespmem:s24+$0x0] =	vst.add.f32.msk $0xffff, v9  }
0xea: {  	s26 =	sor.u32 s8, s5;
	[tilespmem:s25+$0x0] =	vst.add.f32.msk $0xffff, v10  }
0xeb: {  	s29 =	sor.u32 $0x10, s26;
	[tilespmem:s26+$0x0] =	vst.add.f32.msk $0xffff, v11  }
0xec: {  	s6 =	sor.u32 $0x20, s26;
	[tilespmem:s29+$0x0] =	vst.add.f32.msk $0xffff, v12  }
0xed: {  	s11 =	sor.u32 $0x30, s26;
	[tilespmem:s6+$0x0] =	vst.add.f32.msk $0xffff, v13  }
0xee: {  	s13 =	sor.u32 $0x40, s26;
	[tilespmem:s11+$0x0] =	vst.add.f32.msk $0xffff, v14  }
0xef: {  	s14 =	sor.u32 $0x50, s26;
	[tilespmem:s13+$0x0] =	vst.add.f32.msk $0xffff, v15  }
0xf0: {  	s16 =	sor.u32 $0x60, s26;
	[tilespmem:s14+$0x0] =	vst.add.f32.msk $0xffff, v16  }
0xf1: {  	s17 =	sor.u32 $0x70, s26;
	[tilespmem:s16+$0x0] =	vst.add.f32.msk $0xffff, v18  }
0xf2: {  	s18 =	sor.u32 s8, s2;
	[tilespmem:s17+$0x0] =	vst.add.f32.msk $0xffff, v20  }
0xf3: {  	s20 =	sor.u32 $0x10, s18;
	[tilespmem:s18+$0x0] =	vst.add.f32.msk $0xffff, v26  }
0xf4: {  	s23 =	sor.u32 $0x20, s18;
	[tilespmem:s20+$0x0] =	vst.add.f32.msk $0xffff, v21  }
0xf5: {  	s24 =	sor.u32 $0x30, s18;
	[tilespmem:s23+$0x0] =	vst.add.f32.msk $0xffff, v22  }
0xf6: {  	s25 =	sor.u32 $0x40, s18;
	[tilespmem:s24+$0x0] =	vst.add.f32.msk $0xffff, v23  }
0xf7: {  	s26 =	sor.u32 $0x50, s18;
	[tilespmem:s25+$0x0] =	vst.add.f32.msk $0xffff, v24  }
0xf8: {  	s29 =	sor.u32 $0x60, s18;
	[tilespmem:s26+$0x0] =	vst.add.f32.msk $0xffff, v19  }
0xf9: {  	s8 =	sor.u32 $0x100, s12;
	s3 =	sor.u32 $0x70, s18;
	[tilespmem:s29+$0x0] =	vst.add.f32.msk $0xffff, v17  }
0xfa: {  	s6 =	sor.u32 s8, s7;
	[tilespmem:s3+$0x0] =	vst.add.f32.msk $0xffff, v25  }
0xfb: {  	s11 =	sor.u32 $0x10, s6;
	[tilespmem:s6+$0x0] =	vst.add.f32.msk $0xffff, v3  }
0xfc: {  	s13 =	sor.u32 $0x20, s6;
	[tilespmem:s11+$0x0] =	vst.add.f32.msk $0xffff, v4  }
0xfd: {  	s14 =	sor.u32 $0x30, s6;
	[tilespmem:s13+$0x0] =	vst.add.f32.msk $0xffff, v5  }
0xfe: {  	s16 =	sor.u32 $0x40, s6;
	[tilespmem:s14+$0x0] =	vst.add.f32.msk $0xffff, v6  }
0xff: {  	s17 =	sor.u32 $0x50, s6;
	[tilespmem:s16+$0x0] =	vst.add.f32.msk $0xffff, v7  }
0x100: {  	s18 =	sor.u32 $0x60, s6;
	[tilespmem:s17+$0x0] =	vst.add.f32.msk $0xffff, v8  }
0x101: {  	s20 =	sor.u32 $0x70, s6;
	[tilespmem:s18+$0x0] =	vst.add.f32.msk $0xffff, v9  }
0x102: {  	s23 =	sor.u32 s8, s5;
	[tilespmem:s20+$0x0] =	vst.add.f32.msk $0xffff, v10  }
0x103: {  	s24 =	sor.u32 $0x10, s23;
	[tilespmem:s23+$0x0] =	vst.add.f32.msk $0xffff, v11  }
0x104: {  	s25 =	sor.u32 $0x20, s23;
	[tilespmem:s24+$0x0] =	vst.add.f32.msk $0xffff, v12  }
0x105: {  	s26 =	sor.u32 $0x30, s23;
	[tilespmem:s25+$0x0] =	vst.add.f32.msk $0xffff, v13  }
0x106: {  	s29 =	sor.u32 $0x40, s23;
	[tilespmem:s26+$0x0] =	vst.add.f32.msk $0xffff, v14  }
0x107: {  	s6 =	sor.u32 $0x50, s23;
	[tilespmem:s29+$0x0] =	vst.add.f32.msk $0xffff, v15  }
0x108: {  	s11 =	sor.u32 $0x60, s23;
	[tilespmem:s6+$0x0] =	vst.add.f32.msk $0xffff, v16  }
0x109: {  	s13 =	sor.u32 $0x70, s23;
	[tilespmem:s11+$0x0] =	vst.add.f32.msk $0xffff, v18  }
0x10a: {  	s14 =	sor.u32 s8, s2;
	[tilespmem:s13+$0x0] =	vst.add.f32.msk $0xffff, v20  }
0x10b: {  	s16 =	sor.u32 $0x10, s14;
	[tilespmem:s14+$0x0] =	vst.add.f32.msk $0xffff, v26  }
0x10c: {  	s17 =	sor.u32 $0x20, s14;
	[tilespmem:s16+$0x0] =	vst.add.f32.msk $0xffff, v21  }
0x10d: {  	s18 =	sor.u32 $0x30, s14;
	[tilespmem:s17+$0x0] =	vst.add.f32.msk $0xffff, v22  }
0x10e: {  	s20 =	sor.u32 $0x40, s14;
	[tilespmem:s18+$0x0] =	vst.add.f32.msk $0xffff, v23  }
0x10f: {  	s23 =	sor.u32 $0x50, s14;
	[tilespmem:s20+$0x0] =	vst.add.f32.msk $0xffff, v24  }
0x110: {  	s24 =	sor.u32 $0x60, s14;
	[tilespmem:s23+$0x0] =	vst.add.f32.msk $0xffff, v19  }
0x111: {  	s8 =	sor.u32 $0x180, s12;
	s25 =	sor.u32 $0x70, s14;
	[tilespmem:s24+$0x0] =	vst.add.f32.msk $0xffff, v17  }
0x112: {  	s26 =	sor.u32 s8, s7;
	[tilespmem:s25+$0x0] =	vst.add.f32.msk $0xffff, v25  }
0x113: {  	s29 =	sor.u32 $0x10, s26;
	[tilespmem:s26+$0x0] =	vst.add.f32.msk $0xffff, v3  }
0x114: {  	s6 =	sor.u32 $0x20, s26;
	[tilespmem:s29+$0x0] =	vst.add.f32.msk $0xffff, v4  }
0x115: {  	s7 =	sor.u32 $0x30, s26;
	[tilespmem:s6+$0x0] =	vst.add.f32.msk $0xffff, v5  }
0x116: {  	s11 =	sor.u32 $0x40, s26;
	[tilespmem:s7+$0x0] =	vst.add.f32.msk $0xffff, v6  }
0x117: {  	s12 =	sor.u32 $0x50, s26;
	[tilespmem:s11+$0x0] =	vst.add.f32.msk $0xffff, v7  }
0x118: {  	s13 =	sor.u32 $0x60, s26;
	[tilespmem:s12+$0x0] =	vst.add.f32.msk $0xffff, v8  }
0x119: {  	s14 =	sor.u32 $0x70, s26;
	[tilespmem:s13+$0x0] =	vst.add.f32.msk $0xffff, v9  }
0x11a: {  	s16 =	sor.u32 s8, s5;
	[tilespmem:s14+$0x0] =	vst.add.f32.msk $0xffff, v10  }
0x11b: {  	s17 =	sor.u32 $0x10, s16;
	[tilespmem:s16+$0x0] =	vst.add.f32.msk $0xffff, v11  }
0x11c: {  	s18 =	sor.u32 $0x20, s16;
	[tilespmem:s17+$0x0] =	vst.add.f32.msk $0xffff, v12  }
0x11d: {  	s20 =	sor.u32 $0x30, s16;
	[tilespmem:s18+$0x0] =	vst.add.f32.msk $0xffff, v13  }
0x11e: {  	s23 =	sor.u32 $0x40, s16;
	[tilespmem:s20+$0x0] =	vst.add.f32.msk $0xffff, v14  }
0x11f: {  	s24 =	sor.u32 $0x50, s16;
	[tilespmem:s23+$0x0] =	vst.add.f32.msk $0xffff, v15  }
0x120: {  	s25 =	sor.u32 $0x60, s16;
	[tilespmem:s24+$0x0] =	vst.add.f32.msk $0xffff, v16  }
0x121: {  	s28 =	sor.u32 s8, s2;
	s29 =	sor.u32 $0x70, s16;
	[tilespmem:s25+$0x0] =	vst.add.f32.msk $0xffff, v18  }
0x122: {  	s0 =	sor.u32 $0x10, s28;
	s26 =	sadd.s32 $0x1C00, s21;
	s20 =	simm.s32 $0x0;
	[tilespmem:s29+$0x0] =	vst.add.f32.msk $0xffff, v20  }
0x123: {  	s23 =	sor.u32 $0x20, s28;
	s24 =	sadd.s32 $0x2400, s21;
	s25 =	sadd.s32 $0x2000, s21;
	[tilespmem:s28+$0x0] =	vst.add.f32.msk $0xffff, v26  }
.LBB2_3:
0x124: {  	s20 =	sadd.s32 $0x4, s20;
	[tilespmem:s0+$0x0] =	vst.add.f32.msk $0xffff, v21  }
0x125: {  	s2 =	sor.u32 $0x30, s28;
	s0 =	sshrl.u32 s20, $0x3;
	p1 =	slt.u32 s20, $0x1C;
	[tilespmem:s23+$0x0] =	vst.add.f32.msk $0xffff, v22  }
0x126: {  	s0 =	smul.u32 $0x3000, s0;
	[tilespmem:s2+$0x0] =	vst.add.f32.msk $0xffff, v23;
	s2 =	sor.u32 $0x40, s28  }
0x127: {  	s22 =	sadd.s32 $0x200, s22;
	[tilespmem:s2+$0x0] =	vst.add.f32.msk $0xffff, v24;
	s2 =	sor.u32 $0x50, s28  }
0x128: {  	s3 =	sor.u32 $0x70, s28;
	s0 =	sshra.s32 s0, $0x2;
	[tilespmem:s2+$0x0] =	vst.add.f32.msk $0xffff, v19;
	s2 =	sor.u32 $0x60, s28  }
0x129: {  	s5 =	sand.u32 $0x200, s22;
	s23 =	sadd.s32 $0x13000, s0;
	s28 =	sadd.s32 $0x13400, s0;
	[tilespmem:s2+$0x0] =	vst.add.f32.msk $0xffff, v17  }
0x12a: {  	s11 =	sadd.s32 $0x13800, s0;
	s29 =	sor.u32 s5, s23;
	s6 =	sor.u32 s5, s28;
	[tilespmem:s3+$0x0] =	vst.add.f32.msk $0xffff, v25  }
0x12b: {  	s2 =	sor.u32 $0x80, s5;
	s16 =	sor.u32 s5, s11;
	[tilespmem:s29+$0x0] =	vst.add.f32.msk $0xffff, v3;
	s0 =	sor.u32 $0x10, s29  }
0x12c: {  	s8 =	sor.u32 s2, s23;
	s3 =	sor.u32 $0x20, s29;
	[tilespmem:s0+$0x0] =	vst.add.f32.msk $0xffff, v4;
	s0 =	sor.u32 s2, s28  }
0x12d: {  	s18 =	sor.u32 s2, s11;
	s2 =	sor.u32 $0x100, s5;
	[tilespmem:s3+$0x0] =	vst.add.f32.msk $0xffff, v5;
	s3 =	sor.u32 $0x30, s29  }
0x12e: {  	s14 =	sor.u32 s2, s23;
	s7 =	sor.u32 s2, s28;
	[tilespmem:s3+$0x0] =	vst.add.f32.msk $0xffff, v6;
	s3 =	sor.u32 $0x40, s29  }
0x12f: {  	s13 =	sor.u32 $0x180, s5;
	s12 =	sor.u32 s2, s11;
	[tilespmem:s3+$0x0] =	vst.add.f32.msk $0xffff, v7;
	s3 =	sor.u32 $0x50, s29  }
0x130: {  	s5 =	sor.u32 s13, s23;
	s2 =	sor.u32 s13, s28;
	[tilespmem:s3+$0x0] =	vst.add.f32.msk $0xffff, v8;
	s3 =	sor.u32 $0x60, s29  }
0x131: {  	s28 =	sor.u32 s13, s11;
	[tilespmem:s3+$0x0] =	vst.add.f32.msk $0xffff, v9;
	s3 =	sor.u32 $0x70, s29  }
0x132: {  	s23 =	sor.u32 $0x20, s28;
	[tilespmem:s3+$0x0] =	vst.add.f32.msk $0xffff, v10  }
0x133: {  	s3 =	sor.u32 $0x10, s6;
	[tilespmem:s6+$0x0] =	vst.add.f32.msk $0xffff, v11  }
0x134: {  	[tilespmem:s3+$0x0] =	vst.add.f32.msk $0xffff, v12;
	s3 =	sor.u32 $0x20, s6  }
0x135: {  	[tilespmem:s3+$0x0] =	vst.add.f32.msk $0xffff, v13;
	s3 =	sor.u32 $0x30, s6  }
0x136: {  	[tilespmem:s3+$0x0] =	vst.add.f32.msk $0xffff, v14;
	s3 =	sor.u32 $0x40, s6  }
0x137: {  	[tilespmem:s3+$0x0] =	vst.add.f32.msk $0xffff, v15;
	s3 =	sor.u32 $0x50, s6  }
0x138: {  	[tilespmem:s3+$0x0] =	vst.add.f32.msk $0xffff, v16;
	s3 =	sor.u32 $0x60, s6  }
0x139: {  	[tilespmem:s3+$0x0] =	vst.add.f32.msk $0xffff, v18;
	s3 =	sor.u32 $0x70, s6  }
0x13a: {  	[tilespmem:s3+$0x0] =	vst.add.f32.msk $0xffff, v20  }
0x13b: {  	s3 =	sor.u32 $0x10, s16;
	[tilespmem:s16+$0x0] =	vst.add.f32.msk $0xffff, v26  }
0x13c: {  	[tilespmem:s3+$0x0] =	vst.add.f32.msk $0xffff, v21;
	s3 =	sor.u32 $0x20, s16  }
0x13d: {  	[tilespmem:s3+$0x0] =	vst.add.f32.msk $0xffff, v22;
	s3 =	sor.u32 $0x30, s16  }
0x13e: {  	[tilespmem:s3+$0x0] =	vst.add.f32.msk $0xffff, v23;
	s3 =	sor.u32 $0x40, s16  }
0x13f: {  	[tilespmem:s3+$0x0] =	vst.add.f32.msk $0xffff, v24;
	s3 =	sor.u32 $0x50, s16  }
0x140: {  	[tilespmem:s3+$0x0] =	vst.add.f32.msk $0xffff, v19;
	s3 =	sor.u32 $0x60, s16  }
0x141: {  	[tilespmem:s3+$0x0] =	vst.add.f32.msk $0xffff, v17;
	s3 =	sor.u32 $0x70, s16  }
0x142: {  	[tilespmem:s3+$0x0] =	vst.add.f32.msk $0xffff, v25  }
0x143: {  	s3 =	sor.u32 $0x10, s8;
	[tilespmem:s8+$0x0] =	vst.add.f32.msk $0xffff, v3  }
0x144: {  	[tilespmem:s3+$0x0] =	vst.add.f32.msk $0xffff, v4;
	s3 =	sor.u32 $0x20, s8  }
0x145: {  	[tilespmem:s3+$0x0] =	vst.add.f32.msk $0xffff, v5;
	s3 =	sor.u32 $0x30, s8  }
0x146: {  	[tilespmem:s3+$0x0] =	vst.add.f32.msk $0xffff, v6;
	s3 =	sor.u32 $0x40, s8  }
0x147: {  	[tilespmem:s3+$0x0] =	vst.add.f32.msk $0xffff, v7;
	s3 =	sor.u32 $0x50, s8  }
0x148: {  	[tilespmem:s3+$0x0] =	vst.add.f32.msk $0xffff, v8;
	s3 =	sor.u32 $0x60, s8  }
0x149: {  	[tilespmem:s3+$0x0] =	vst.add.f32.msk $0xffff, v9;
	s3 =	sor.u32 $0x70, s8  }
0x14a: {  	[tilespmem:s3+$0x0] =	vst.add.f32.msk $0xffff, v10  }
0x14b: {  	s3 =	sor.u32 $0x10, s0;
	[tilespmem:s0+$0x0] =	vst.add.f32.msk $0xffff, v11  }
0x14c: {  	[tilespmem:s3+$0x0] =	vst.add.f32.msk $0xffff, v12;
	s3 =	sor.u32 $0x20, s0  }
0x14d: {  	[tilespmem:s3+$0x0] =	vst.add.f32.msk $0xffff, v13;
	s3 =	sor.u32 $0x30, s0  }
0x14e: {  	[tilespmem:s3+$0x0] =	vst.add.f32.msk $0xffff, v14;
	s3 =	sor.u32 $0x40, s0  }
0x14f: {  	[tilespmem:s3+$0x0] =	vst.add.f32.msk $0xffff, v15;
	s3 =	sor.u32 $0x50, s0  }
0x150: {  	[tilespmem:s3+$0x0] =	vst.add.f32.msk $0xffff, v16;
	s3 =	sor.u32 $0x60, s0  }
0x151: {  	s0 =	sor.u32 $0x70, s0;
	[tilespmem:s3+$0x0] =	vst.add.f32.msk $0xffff, v18  }
0x152: {  	[tilespmem:s0+$0x0] =	vst.add.f32.msk $0xffff, v20  }
0x153: {  	s0 =	sor.u32 $0x10, s18;
	[tilespmem:s18+$0x0] =	vst.add.f32.msk $0xffff, v26  }
0x154: {  	[tilespmem:s0+$0x0] =	vst.add.f32.msk $0xffff, v21;
	s0 =	sor.u32 $0x20, s18  }
0x155: {  	[tilespmem:s0+$0x0] =	vst.add.f32.msk $0xffff, v22;
	s0 =	sor.u32 $0x30, s18  }
0x156: {  	[tilespmem:s0+$0x0] =	vst.add.f32.msk $0xffff, v23;
	s0 =	sor.u32 $0x40, s18  }
0x157: {  	[tilespmem:s0+$0x0] =	vst.add.f32.msk $0xffff, v24;
	s0 =	sor.u32 $0x50, s18  }
0x158: {  	[tilespmem:s0+$0x0] =	vst.add.f32.msk $0xffff, v19;
	s0 =	sor.u32 $0x60, s18  }
0x159: {  	[tilespmem:s0+$0x0] =	vst.add.f32.msk $0xffff, v17;
	s0 =	sor.u32 $0x70, s18  }
0x15a: {  	[tilespmem:s0+$0x0] =	vst.add.f32.msk $0xffff, v25  }
0x15b: {  	s0 =	sor.u32 $0x10, s14;
	[tilespmem:s14+$0x0] =	vst.add.f32.msk $0xffff, v3  }
0x15c: {  	[tilespmem:s0+$0x0] =	vst.add.f32.msk $0xffff, v4;
	s0 =	sor.u32 $0x20, s14  }
0x15d: {  	[tilespmem:s0+$0x0] =	vst.add.f32.msk $0xffff, v5;
	s0 =	sor.u32 $0x30, s14  }
0x15e: {  	[tilespmem:s0+$0x0] =	vst.add.f32.msk $0xffff, v6;
	s0 =	sor.u32 $0x40, s14  }
0x15f: {  	[tilespmem:s0+$0x0] =	vst.add.f32.msk $0xffff, v7;
	s0 =	sor.u32 $0x50, s14  }
0x160: {  	[tilespmem:s0+$0x0] =	vst.add.f32.msk $0xffff, v8;
	s0 =	sor.u32 $0x60, s14  }
0x161: {  	[tilespmem:s0+$0x0] =	vst.add.f32.msk $0xffff, v9;
	s0 =	sor.u32 $0x70, s14  }
0x162: {  	[tilespmem:s0+$0x0] =	vst.add.f32.msk $0xffff, v10  }
0x163: {  	s0 =	sor.u32 $0x10, s7;
	[tilespmem:s7+$0x0] =	vst.add.f32.msk $0xffff, v11  }
0x164: {  	[tilespmem:s0+$0x0] =	vst.add.f32.msk $0xffff, v12;
	s0 =	sor.u32 $0x20, s7  }
0x165: {  	[tilespmem:s0+$0x0] =	vst.add.f32.msk $0xffff, v13;
	s0 =	sor.u32 $0x30, s7  }
0x166: {  	[tilespmem:s0+$0x0] =	vst.add.f32.msk $0xffff, v14;
	s0 =	sor.u32 $0x40, s7  }
0x167: {  	[tilespmem:s0+$0x0] =	vst.add.f32.msk $0xffff, v15;
	s0 =	sor.u32 $0x50, s7  }
0x168: {  	[tilespmem:s0+$0x0] =	vst.add.f32.msk $0xffff, v16;
	s0 =	sor.u32 $0x60, s7  }
0x169: {  	[tilespmem:s0+$0x0] =	vst.add.f32.msk $0xffff, v18;
	s0 =	sor.u32 $0x70, s7  }
0x16a: {  	[tilespmem:s0+$0x0] =	vst.add.f32.msk $0xffff, v20  }
0x16b: {  	s0 =	sor.u32 $0x10, s12;
	[tilespmem:s12+$0x0] =	vst.add.f32.msk $0xffff, v26  }
0x16c: {  	[tilespmem:s0+$0x0] =	vst.add.f32.msk $0xffff, v21;
	s0 =	sor.u32 $0x20, s12  }
0x16d: {  	[tilespmem:s0+$0x0] =	vst.add.f32.msk $0xffff, v22;
	s0 =	sor.u32 $0x30, s12  }
0x16e: {  	[tilespmem:s0+$0x0] =	vst.add.f32.msk $0xffff, v23;
	s0 =	sor.u32 $0x40, s12  }
0x16f: {  	[tilespmem:s0+$0x0] =	vst.add.f32.msk $0xffff, v24;
	s0 =	sor.u32 $0x50, s12  }
0x170: {  	[tilespmem:s0+$0x0] =	vst.add.f32.msk $0xffff, v19;
	s0 =	sor.u32 $0x60, s12  }
0x171: {  	[tilespmem:s0+$0x0] =	vst.add.f32.msk $0xffff, v17;
	s0 =	sor.u32 $0x70, s12  }
0x172: {  	[tilespmem:s0+$0x0] =	vst.add.f32.msk $0xffff, v25  }
0x173: {  	s0 =	sor.u32 $0x10, s5;
	[tilespmem:s5+$0x0] =	vst.add.f32.msk $0xffff, v3  }
0x174: {  	[tilespmem:s0+$0x0] =	vst.add.f32.msk $0xffff, v4;
	s0 =	sor.u32 $0x20, s5  }
0x175: {  	[tilespmem:s0+$0x0] =	vst.add.f32.msk $0xffff, v5;
	s0 =	sor.u32 $0x30, s5  }
0x176: {  	[tilespmem:s0+$0x0] =	vst.add.f32.msk $0xffff, v6;
	s0 =	sor.u32 $0x40, s5  }
0x177: {  	[tilespmem:s0+$0x0] =	vst.add.f32.msk $0xffff, v7;
	s0 =	sor.u32 $0x50, s5  }
0x178: {  	[tilespmem:s0+$0x0] =	vst.add.f32.msk $0xffff, v8;
	s0 =	sor.u32 $0x60, s5  }
0x179: {  	[tilespmem:s0+$0x0] =	vst.add.f32.msk $0xffff, v9;
	s0 =	sor.u32 $0x70, s5  }
0x17a: {  	[tilespmem:s0+$0x0] =	vst.add.f32.msk $0xffff, v10  }
0x17b: {  	s0 =	sor.u32 $0x10, s2;
	[tilespmem:s2+$0x0] =	vst.add.f32.msk $0xffff, v11  }
0x17c: {  	[tilespmem:s0+$0x0] =	vst.add.f32.msk $0xffff, v12;
	s0 =	sor.u32 $0x20, s2  }
0x17d: {  	[tilespmem:s0+$0x0] =	vst.add.f32.msk $0xffff, v13;
	s0 =	sor.u32 $0x30, s2  }
0x17e: {  	[tilespmem:s0+$0x0] =	vst.add.f32.msk $0xffff, v14;
	s0 =	sor.u32 $0x40, s2  }
.Ltmp0:
0x17f: {  	[tilespmem:s0+$0x0] =	vst.add.f32.msk $0xffff, v15;
	s0 =	sor.u32 $0x50, s2;
	(pc) =	sbr.rel @p1 .LBB2_3-.Ltmp0, $4  }
0x180: {  	[tilespmem:s0+$0x0] =	vst.add.f32.msk $0xffff, v16;
	s0 =	sor.u32 $0x60, s2  }
0x181: {  	[tilespmem:s0+$0x0] =	vst.add.f32.msk $0xffff, v18;
	s0 =	sor.u32 $0x70, s2  }
0x182: {  	[tilespmem:s0+$0x0] =	vst.add.f32.msk $0xffff, v20  }
0x183: {  	s0 =	sor.u32 $0x10, s28;
	[tilespmem:s28+$0x0] =	vst.add.f32.msk $0xffff, v26  }
0x184: {  	[tilespmem:s0+$0x0] =	vst.add.f32.msk $0xffff, v21  }
0x185: {  	s2 =	sor.u32 $0x30, s28;
	[tilespmem:s23+$0x0] =	vst.add.f32.msk $0xffff, v22  }
0x186: {  	s3 =	sor.u32 $0x40, s28;
	[tilespmem:s2+$0x0] =	vst.add.f32.msk $0xffff, v23  }
0x187: {  	s5 =	sor.u32 $0x50, s28;
	[tilespmem:s3+$0x0] =	vst.add.f32.msk $0xffff, v24  }
0x188: {  	s6 =	sor.u32 $0x60, s28;
	[tilespmem:s5+$0x0] =	vst.add.f32.msk $0xffff, v19  }
0x189: {  	s2 =	sor.u32 $0x70, s28;
	[tilespmem:s6+$0x0] =	vst.add.f32.msk $0xffff, v17  }
0x18a: {  	s0 =	simm.s32 @!p0 $0x9;
	[tilespmem:s2+$0x0] =	vst.add.f32.msk $0xffff, v25  }
0x18b: {  	_ =	swait.ge @!p0 [sflag:s0], $0x600  }
0x18c: {  	s7 =	simm.s32 $0x13000;
	[sflag:s0] =	ssyncset.done @!p0 $0x0  }
0x18d: {  	s8 =	simm.s32 $0x5;
	s3 =	rddreg [dreg:$0x6];
	[sflag:s0] =	ssyncadd.s32 @!p0 $0xFFFFFA00  }
0x18e: {  	[spmem:s3] =	stream.linear.scatter [tilespmem:s7], [sflag:$0x5], $0x3000, $0x38;
	[tilespmem:$0x1F000] =	vst v63  }
0x18f: {  	s28 =	smul.u32 $0x180000, s4;
	_ =	swait.ge [sflag:s8], $0x3000  }
0x190: {  	s11 =	rddreg [dreg:$0x7]  }
0x191: {  	s22 =	sshll.u32 s10, $0x6;
	p1 =	seq.s32 s4, $0x31;
	s0 =	sadd.s32 s11, s28  }
0x192: {  	s12 =	sor.u32 $0x1C09, s22;
	[sflag:s8] =	ssyncset.done $0x0;
	s0 =	sshrl.u32 s0, $0x3  }
0x193: {  	s3 =	sshrl.u32 s3, $0x3;
	[sflag:s8] =	ssyncadd.s32 $0xFFFFD000;
	s0 =	sadd.s32 s31, s0  }
0x194: {  	[hbm:s0], [sflag:s12] =	dma.local [spmem:s3], $0x600  }
0x195: {  	v3 =	vld @!p1 [tilespmem:s30+$0x80];
	_ =	sdelay $0x4  }
0x196: {  	v4 =	vshrl.u32 @!p1 v3, $0x3  }
0x197: {  	v4 =	vmul.u32 @!p1 $0x18, v4  }
0x198: {  	v5 =	vlaneseq.u32 @!p1;
	v3 =	vand.u32 @!p1 $0x7, v3  }
0x199: {  	v6 =	vshrl.u32 @!p1 v5, $0x3;
	v3 =	vor.u32 @!p1 v3, v4;
	v4 =	vand.u32 @!p1 $0x7, v5  }
0x19a: {  	v6 =	vmul.u32 @!p1 $0x8, v6;
	v7 =	vperm.xlane @!p1 v3, v4;
	_ =	sdelay $0x1  }
0x19b: {  	v7 =	vadd.s32 @!p1 v6, v7  }
0x19c: {  	v5 =	vor.u32 @!p1 $0x8, v5  }
0x19d: {  	v3 =	vperm.xlane @!p1 v3, v5;
	_ =	sdelay $0x1  }
0x19e: {  	vm2 =	vmmov @!p1 $0xffff;
	s2 =	simm.s32 @!p1 $0x13000;
	s0 =	simm.s32 @!p1 $0x0;
	v3 =	vadd.s32 @!p1 v6, v3  }
0x19f: {  	[tilespmem:s2], [sflag:$0x1] =	stream.indirect_vreg.gather @!p1 [hbm4b:s1+s0], $0x80, v7, vm2, $0xb8;
	[tilespmem:$0x1F000] =	vst v63  }
0x1a0: {  	vm3 =	vmmov @!p1 $0xff;
	s2 =	simm.s32 @!p1 $0x13800  }
0x1a1: {  	[tilespmem:s2], [sflag:$0x1] =	stream.indirect_vreg.gather @!p1 [hbm4b:s9+s0], $0x80, v7, vm3, $0xb8;
	[tilespmem:$0x1F000] =	vst v63  }
0x1a2: {  	s2 =	simm.s32 @!p1 $0x13C00  }
0x1a3: {  	[tilespmem:s2], [sflag:$0x1] =	stream.indirect_vreg.gather @!p1 [hbm4b:s1+s0], $0x80, v3, vm2, $0xb8;
	[tilespmem:$0x1F000] =	vst v63  }
0x1a4: {  	s2 =	simm.s32 @!p1 $0x14400  }
0x1a5: {  	[tilespmem:s2], [sflag:$0x1] =	stream.indirect_vreg.gather @!p1 [hbm4b:s9+s0], $0x80, v3, vm3, $0xb8;
	[tilespmem:$0x1F000] =	vst v63  }
0x1a6: {  	v3 =	vld @!p1 [tilespmem:s30+$0x90];
	_ =	sdelay $0x4  }
0x1a7: {  	v7 =	vshrl.u32 @!p1 v3, $0x3  }
0x1a8: {  	v7 =	vmul.u32 @!p1 $0x18, v7  }
0x1a9: {  	v3 =	vand.u32 @!p1 $0x7, v3  }
0x1aa: {  	v3 =	vor.u32 @!p1 v3, v7  }
0x1ab: {  	v4 =	vperm.xlane @!p1 v3, v4;
	_ =	sdelay $0x1  }
0x1ac: {  	v4 =	vadd.s32 @!p1 v6, v4;
	_ =	sdelay $0x1  }
0x1ad: {  	v3 =	vperm.xlane @!p1 v3, v5;
	_ =	sdelay $0x1  }
0x1ae: {  	s2 =	simm.s32 @!p1 $0x14800;
	v3 =	vadd.s32 @!p1 v6, v3  }
0x1af: {  	[tilespmem:s2], [sflag:$0x1] =	stream.indirect_vreg.gather @!p1 [hbm4b:s1+s0], $0x80, v4, vm2, $0xb8;
	[tilespmem:$0x1F000] =	vst v63  }
0x1b0: {  	s2 =	simm.s32 @!p1 $0x15000  }
0x1b1: {  	[tilespmem:s2], [sflag:$0x1] =	stream.indirect_vreg.gather @!p1 [hbm4b:s9+s0], $0x80, v4, vm3, $0xb8;
	[tilespmem:$0x1F000] =	vst v63  }
0x1b2: {  	s2 =	simm.s32 @!p1 $0x15400  }
0x1b3: {  	[tilespmem:s2], [sflag:$0x1] =	stream.indirect_vreg.gather @!p1 [hbm4b:s1+s0], $0x80, v3, vm2, $0xb8;
	[tilespmem:$0x1F000] =	vst v63  }
0x1b4: {  	s13 =	simm.s32 $0x2;
	s2 =	simm.s32 @!p1 $0x15C00  }
0x1b5: {  	[tilespmem:s2], [sflag:$0x1] =	stream.indirect_vreg.gather @!p1 [hbm4b:s9+s0], $0x80, v3, vm3, $0xb8;
	[tilespmem:$0x1F000] =	vst v63  }
0x1b6: {  	_ =	swait.ge [sflag:s13], $0x1800  }
0x1b7: {  	[sflag:s13] =	ssyncset.done $0x0  }
0x1b8: {  	[sflag:s13] =	ssyncadd.s32 $0xFFFFE800  }
0x1b9: {  	_ =	swait.ge [sflag:s13], $0x1800  }
0x1ba: {  	[sflag:s13] =	ssyncset.done $0x0  }
0x1bb: {  	[sflag:s13] =	ssyncadd.s32 $0xFFFFE800  }
0x1bc: {  	v3 =	vld [tilespmem:s21+$0x1C00]  }
0x1bd: {  	v4 =	vld [tilespmem:s26+$0x10]  }
0x1be: {  	v5 =	vld [tilespmem:s26+$0x20]  }
0x1bf: {  	v6 =	vld [tilespmem:s26+$0x30]  }
0x1c0: {  	v7 =	vld [tilespmem:s26+$0x40]  }
0x1c1: {  	v8 =	vld [tilespmem:s26+$0x50]  }
0x1c2: {  	v9 =	vld [tilespmem:s26+$0x60]  }
0x1c3: {  	v10 =	vld [tilespmem:s26+$0x70]  }
0x1c4: {  	v11 =	vld [tilespmem:s21+$0x2000]  }
0x1c5: {  	v12 =	vld [tilespmem:s25+$0x10]  }
0x1c6: {  	v13 =	vld [tilespmem:s25+$0x20]  }
0x1c7: {  	v14 =	vld [tilespmem:s25+$0x30]  }
0x1c8: {  	v15 =	vld [tilespmem:s25+$0x40]  }
0x1c9: {  	v16 =	vld [tilespmem:s25+$0x50]  }
0x1ca: {  	v17 =	vld [tilespmem:s25+$0x60]  }
0x1cb: {  	v20 =	vld [tilespmem:s25+$0x70]  }
0x1cc: {  	v25 =	vld [tilespmem:s21+$0x2400]  }
0x1cd: {  	v21 =	vld [tilespmem:s24+$0x10]  }
0x1ce: {  	s14 =	simm.s32 $0x0;
	v22 =	vld [tilespmem:s24+$0x20]  }
0x1cf: {  	s0 =	smul.u32 $0x3000, s14;
	v23 =	vld [tilespmem:s24+$0x30]  }
0x1d0: {  	v24 =	vld [tilespmem:s24+$0x40]  }
0x1d1: {  	s20 =	simm.s32 $0x0;
	s0 =	sshra.s32 s0, $0x2;
	v18 =	vld [tilespmem:s24+$0x50]  }
0x1d2: {  	s12 =	sand.u32 $0x200, s20;
	s5 =	sadd.s32 $0x16000, s0;
	v19 =	vld [tilespmem:s24+$0x60]  }
0x1d3: {  	s16 =	sor.u32 s12, s5;
	v26 =	vld [tilespmem:s24+$0x70]  }
0x1d4: {  	s18 =	sor.u32 $0x10, s16;
	[tilespmem:s16+$0x0] =	vst.add.f32.msk $0xffff, v3  }
0x1d5: {  	s23 =	sor.u32 $0x20, s16;
	[tilespmem:s18+$0x0] =	vst.add.f32.msk $0xffff, v4  }
0x1d6: {  	s17 =	smov.u32 s31;
	s31 =	sor.u32 $0x30, s16;
	[tilespmem:s23+$0x0] =	vst.add.f32.msk $0xffff, v5  }
0x1d7: {  	s6 =	sor.u32 $0x40, s16;
	[tilespmem:s31+$0x0] =	vst.add.f32.msk $0xffff, v6  }
0x1d8: {  	s7 =	sor.u32 $0x50, s16;
	[tilespmem:s6+$0x0] =	vst.add.f32.msk $0xffff, v7  }
0x1d9: {  	s6 =	sor.u32 $0x60, s16;
	[tilespmem:s7+$0x0] =	vst.add.f32.msk $0xffff, v8  }
0x1da: {  	s2 =	sadd.s32 $0x16400, s0;
	s3 =	sor.u32 $0x70, s16;
	[tilespmem:s6+$0x0] =	vst.add.f32.msk $0xffff, v9  }
0x1db: {  	s8 =	sor.u32 s12, s2;
	[tilespmem:s3+$0x0] =	vst.add.f32.msk $0xffff, v10  }
0x1dc: {  	s10 =	sor.u32 $0x10, s8;
	[tilespmem:s8+$0x0] =	vst.add.f32.msk $0xffff, v11  }
0x1dd: {  	s11 =	sor.u32 $0x20, s8;
	[tilespmem:s10+$0x0] =	vst.add.f32.msk $0xffff, v12  }
0x1de: {  	s13 =	sor.u32 $0x30, s8;
	[tilespmem:s11+$0x0] =	vst.add.f32.msk $0xffff, v13  }
0x1df: {  	s14 =	sor.u32 $0x40, s8;
	[tilespmem:s13+$0x0] =	vst.add.f32.msk $0xffff, v14  }
0x1e0: {  	s16 =	sor.u32 $0x50, s8;
	[tilespmem:s14+$0x0] =	vst.add.f32.msk $0xffff, v15  }
0x1e1: {  	s18 =	sor.u32 $0x60, s8;
	[tilespmem:s16+$0x0] =	vst.add.f32.msk $0xffff, v16  }
0x1e2: {  	s23 =	sor.u32 $0x70, s8;
	s7 =	sadd.s32 $0x16800, s0;
	[tilespmem:s18+$0x0] =	vst.add.f32.msk $0xffff, v17  }
0x1e3: {  	s31 =	sor.u32 s12, s7;
	[tilespmem:s23+$0x0] =	vst.add.f32.msk $0xffff, v20  }
0x1e4: {  	s8 =	sor.u32 $0x10, s31;
	[tilespmem:s31+$0x0] =	vst.add.f32.msk $0xffff, v25  }
0x1e5: {  	s10 =	sor.u32 $0x20, s31;
	[tilespmem:s8+$0x0] =	vst.add.f32.msk $0xffff, v21  }
0x1e6: {  	s11 =	sor.u32 $0x30, s31;
	[tilespmem:s10+$0x0] =	vst.add.f32.msk $0xffff, v22  }
0x1e7: {  	s13 =	sor.u32 $0x40, s31;
	[tilespmem:s11+$0x0] =	vst.add.f32.msk $0xffff, v23  }
0x1e8: {  	s14 =	sor.u32 $0x50, s31;
	[tilespmem:s13+$0x0] =	vst.add.f32.msk $0xffff, v24  }
0x1e9: {  	s16 =	sor.u32 $0x60, s31;
	[tilespmem:s14+$0x0] =	vst.add.f32.msk $0xffff, v18  }
0x1ea: {  	s6 =	sor.u32 $0x80, s12;
	s18 =	sor.u32 $0x70, s31;
	[tilespmem:s16+$0x0] =	vst.add.f32.msk $0xffff, v19  }
0x1eb: {  	s23 =	sor.u32 s6, s5;
	[tilespmem:s18+$0x0] =	vst.add.f32.msk $0xffff, v26  }
0x1ec: {  	s31 =	sor.u32 $0x10, s23;
	[tilespmem:s23+$0x0] =	vst.add.f32.msk $0xffff, v3  }
0x1ed: {  	s8 =	sor.u32 $0x20, s23;
	[tilespmem:s31+$0x0] =	vst.add.f32.msk $0xffff, v4  }
0x1ee: {  	s10 =	sor.u32 $0x30, s23;
	[tilespmem:s8+$0x0] =	vst.add.f32.msk $0xffff, v5  }
0x1ef: {  	s11 =	sor.u32 $0x40, s23;
	[tilespmem:s10+$0x0] =	vst.add.f32.msk $0xffff, v6  }
0x1f0: {  	s13 =	sor.u32 $0x50, s23;
	[tilespmem:s11+$0x0] =	vst.add.f32.msk $0xffff, v7  }
0x1f1: {  	s14 =	sor.u32 $0x60, s23;
	[tilespmem:s13+$0x0] =	vst.add.f32.msk $0xffff, v8  }
0x1f2: {  	s16 =	sor.u32 $0x70, s23;
	[tilespmem:s14+$0x0] =	vst.add.f32.msk $0xffff, v9  }
0x1f3: {  	s18 =	sor.u32 s6, s2;
	[tilespmem:s16+$0x0] =	vst.add.f32.msk $0xffff, v10  }
0x1f4: {  	s23 =	sor.u32 $0x10, s18;
	[tilespmem:s18+$0x0] =	vst.add.f32.msk $0xffff, v11  }
0x1f5: {  	s31 =	sor.u32 $0x20, s18;
	[tilespmem:s23+$0x0] =	vst.add.f32.msk $0xffff, v12  }
0x1f6: {  	s8 =	sor.u32 $0x30, s18;
	[tilespmem:s31+$0x0] =	vst.add.f32.msk $0xffff, v13  }
0x1f7: {  	s10 =	sor.u32 $0x40, s18;
	[tilespmem:s8+$0x0] =	vst.add.f32.msk $0xffff, v14  }
0x1f8: {  	s11 =	sor.u32 $0x50, s18;
	[tilespmem:s10+$0x0] =	vst.add.f32.msk $0xffff, v15  }
0x1f9: {  	s13 =	sor.u32 $0x60, s18;
	[tilespmem:s11+$0x0] =	vst.add.f32.msk $0xffff, v16  }
0x1fa: {  	s14 =	sor.u32 $0x70, s18;
	[tilespmem:s13+$0x0] =	vst.add.f32.msk $0xffff, v17  }
0x1fb: {  	s16 =	sor.u32 s6, s7;
	[tilespmem:s14+$0x0] =	vst.add.f32.msk $0xffff, v20  }
0x1fc: {  	s18 =	sor.u32 $0x10, s16;
	[tilespmem:s16+$0x0] =	vst.add.f32.msk $0xffff, v25  }
0x1fd: {  	s23 =	sor.u32 $0x20, s16;
	[tilespmem:s18+$0x0] =	vst.add.f32.msk $0xffff, v21  }
0x1fe: {  	s31 =	sor.u32 $0x30, s16;
	[tilespmem:s23+$0x0] =	vst.add.f32.msk $0xffff, v22  }
0x1ff: {  	s6 =	sor.u32 $0x40, s16;
	[tilespmem:s31+$0x0] =	vst.add.f32.msk $0xffff, v23  }
0x200: {  	s8 =	sor.u32 $0x50, s16;
	[tilespmem:s6+$0x0] =	vst.add.f32.msk $0xffff, v24  }
0x201: {  	s10 =	sor.u32 $0x60, s16;
	[tilespmem:s8+$0x0] =	vst.add.f32.msk $0xffff, v18  }
0x202: {  	s11 =	sor.u32 $0x70, s16;
	s6 =	sor.u32 $0x100, s12;
	[tilespmem:s10+$0x0] =	vst.add.f32.msk $0xffff, v19  }
0x203: {  	s13 =	sor.u32 s6, s5;
	[tilespmem:s11+$0x0] =	vst.add.f32.msk $0xffff, v26  }
0x204: {  	s14 =	sor.u32 $0x10, s13;
	[tilespmem:s13+$0x0] =	vst.add.f32.msk $0xffff, v3  }
0x205: {  	s16 =	sor.u32 $0x20, s13;
	[tilespmem:s14+$0x0] =	vst.add.f32.msk $0xffff, v4  }
0x206: {  	s18 =	sor.u32 $0x30, s13;
	[tilespmem:s16+$0x0] =	vst.add.f32.msk $0xffff, v5  }
0x207: {  	s23 =	sor.u32 $0x40, s13;
	[tilespmem:s18+$0x0] =	vst.add.f32.msk $0xffff, v6  }
0x208: {  	s31 =	sor.u32 $0x50, s13;
	[tilespmem:s23+$0x0] =	vst.add.f32.msk $0xffff, v7  }
0x209: {  	s8 =	sor.u32 $0x60, s13;
	[tilespmem:s31+$0x0] =	vst.add.f32.msk $0xffff, v8  }
0x20a: {  	s10 =	sor.u32 $0x70, s13;
	[tilespmem:s8+$0x0] =	vst.add.f32.msk $0xffff, v9  }
0x20b: {  	s11 =	sor.u32 s6, s2;
	[tilespmem:s10+$0x0] =	vst.add.f32.msk $0xffff, v10  }
0x20c: {  	s13 =	sor.u32 $0x10, s11;
	[tilespmem:s11+$0x0] =	vst.add.f32.msk $0xffff, v11  }
0x20d: {  	s14 =	sor.u32 $0x20, s11;
	[tilespmem:s13+$0x0] =	vst.add.f32.msk $0xffff, v12  }
0x20e: {  	s16 =	sor.u32 $0x30, s11;
	[tilespmem:s14+$0x0] =	vst.add.f32.msk $0xffff, v13  }
0x20f: {  	s18 =	sor.u32 $0x40, s11;
	[tilespmem:s16+$0x0] =	vst.add.f32.msk $0xffff, v14  }
0x210: {  	s23 =	sor.u32 $0x50, s11;
	[tilespmem:s18+$0x0] =	vst.add.f32.msk $0xffff, v15  }
0x211: {  	s31 =	sor.u32 $0x60, s11;
	[tilespmem:s23+$0x0] =	vst.add.f32.msk $0xffff, v16  }
0x212: {  	s3 =	sor.u32 $0x70, s11;
	[tilespmem:s31+$0x0] =	vst.add.f32.msk $0xffff, v17  }
0x213: {  	s8 =	sor.u32 s6, s7;
	[tilespmem:s3+$0x0] =	vst.add.f32.msk $0xffff, v20  }
0x214: {  	s10 =	sor.u32 $0x10, s8;
	[tilespmem:s8+$0x0] =	vst.add.f32.msk $0xffff, v25  }
0x215: {  	s11 =	sor.u32 $0x20, s8;
	[tilespmem:s10+$0x0] =	vst.add.f32.msk $0xffff, v21  }
0x216: {  	s13 =	sor.u32 $0x30, s8;
	[tilespmem:s11+$0x0] =	vst.add.f32.msk $0xffff, v22  }
0x217: {  	s14 =	sor.u32 $0x40, s8;
	[tilespmem:s13+$0x0] =	vst.add.f32.msk $0xffff, v23  }
0x218: {  	s16 =	sor.u32 $0x50, s8;
	[tilespmem:s14+$0x0] =	vst.add.f32.msk $0xffff, v24  }
0x219: {  	s18 =	sor.u32 $0x60, s8;
	[tilespmem:s16+$0x0] =	vst.add.f32.msk $0xffff, v18  }
0x21a: {  	s0 =	sor.u32 $0x180, s12;
	s3 =	sor.u32 $0x70, s8;
	[tilespmem:s18+$0x0] =	vst.add.f32.msk $0xffff, v19  }
0x21b: {  	s5 =	sor.u32 s0, s5;
	[tilespmem:s3+$0x0] =	vst.add.f32.msk $0xffff, v26  }
0x21c: {  	s23 =	sor.u32 $0x10, s5;
	[tilespmem:s5+$0x0] =	vst.add.f32.msk $0xffff, v3  }
0x21d: {  	s31 =	sor.u32 $0x20, s5;
	[tilespmem:s23+$0x0] =	vst.add.f32.msk $0xffff, v4  }
0x21e: {  	s6 =	sor.u32 $0x30, s5;
	[tilespmem:s31+$0x0] =	vst.add.f32.msk $0xffff, v5  }
0x21f: {  	s8 =	sor.u32 $0x40, s5;
	[tilespmem:s6+$0x0] =	vst.add.f32.msk $0xffff, v6  }
0x220: {  	s10 =	sor.u32 $0x50, s5;
	[tilespmem:s8+$0x0] =	vst.add.f32.msk $0xffff, v7  }
0x221: {  	s11 =	sor.u32 $0x60, s5;
	[tilespmem:s10+$0x0] =	vst.add.f32.msk $0xffff, v8  }
0x222: {  	s12 =	sor.u32 $0x70, s5;
	[tilespmem:s11+$0x0] =	vst.add.f32.msk $0xffff, v9  }
0x223: {  	s2 =	sor.u32 s0, s2;
	[tilespmem:s12+$0x0] =	vst.add.f32.msk $0xffff, v10  }
0x224: {  	s13 =	sor.u32 $0x10, s2;
	[tilespmem:s2+$0x0] =	vst.add.f32.msk $0xffff, v11  }
0x225: {  	s14 =	sor.u32 $0x20, s2;
	[tilespmem:s13+$0x0] =	vst.add.f32.msk $0xffff, v12  }
0x226: {  	s16 =	sor.u32 $0x30, s2;
	[tilespmem:s14+$0x0] =	vst.add.f32.msk $0xffff, v13  }
0x227: {  	s18 =	sor.u32 $0x40, s2;
	[tilespmem:s16+$0x0] =	vst.add.f32.msk $0xffff, v14  }
0x228: {  	s23 =	sor.u32 $0x50, s2;
	[tilespmem:s18+$0x0] =	vst.add.f32.msk $0xffff, v15  }
0x229: {  	s31 =	sor.u32 $0x60, s2;
	[tilespmem:s23+$0x0] =	vst.add.f32.msk $0xffff, v16  }
0x22a: {  	s2 =	sor.u32 $0x70, s2;
	[tilespmem:s31+$0x0] =	vst.add.f32.msk $0xffff, v17  }
0x22b: {  	s23 =	sor.u32 s0, s7;
	[tilespmem:s2+$0x0] =	vst.add.f32.msk $0xffff, v20  }
0x22c: {  	s29 =	simm.s32 $0x0;
	s0 =	sor.u32 $0x10, s23;
	s2 =	sor.u32 $0x20, s23;
	[tilespmem:s23+$0x0] =	vst.add.f32.msk $0xffff, v25  }
.LBB2_5:
0x22d: {  	s29 =	sadd.s32 $0x4, s29;
	[tilespmem:s0+$0x0] =	vst.add.f32.msk $0xffff, v21  }
0x22e: {  	s0 =	sshrl.u32 s29, $0x3;
	p2 =	slt.u32 s29, $0x1C;
	[tilespmem:s2+$0x0] =	vst.add.f32.msk $0xffff, v22;
	s2 =	sor.u32 $0x30, s23  }
0x22f: {  	s0 =	smul.u32 $0x3000, s0;
	[tilespmem:s2+$0x0] =	vst.add.f32.msk $0xffff, v23;
	s2 =	sor.u32 $0x40, s23  }
0x230: {  	s20 =	sadd.s32 $0x200, s20;
	[tilespmem:s2+$0x0] =	vst.add.f32.msk $0xffff, v24;
	s2 =	sor.u32 $0x50, s23  }
0x231: {  	s3 =	sor.u32 $0x70, s23;
	s0 =	sshra.s32 s0, $0x2;
	[tilespmem:s2+$0x0] =	vst.add.f32.msk $0xffff, v18;
	s2 =	sor.u32 $0x60, s23  }
0x232: {  	s5 =	sand.u32 $0x200, s20;
	s6 =	sadd.s32 $0x16000, s0;
	s11 =	sadd.s32 $0x16400, s0;
	[tilespmem:s2+$0x0] =	vst.add.f32.msk $0xffff, v19  }
0x233: {  	s23 =	sadd.s32 $0x16800, s0;
	s2 =	sor.u32 s5, s6;
	s13 =	sor.u32 s5, s11;
	[tilespmem:s3+$0x0] =	vst.add.f32.msk $0xffff, v26  }
0x234: {  	s7 =	sor.u32 $0x80, s5;
	s3 =	sor.u32 s5, s23;
	[tilespmem:s2+$0x0] =	vst.add.f32.msk $0xffff, v3;
	s0 =	sor.u32 $0x10, s2  }
0x235: {  	s16 =	sor.u32 s7, s6;
	s8 =	sor.u32 s7, s11;
	[tilespmem:s0+$0x0] =	vst.add.f32.msk $0xffff, v4;
	s0 =	sor.u32 $0x20, s2  }
0x236: {  	s12 =	sor.u32 $0x30, s2;
	[tilespmem:s0+$0x0] =	vst.add.f32.msk $0xffff, v5;
	s0 =	sor.u32 s7, s23;
	s7 =	sor.u32 $0x100, s5  }
0x237: {  	[tilespmem:s12+$0x0] =	vst.add.f32.msk $0xffff, v6;
	s12 =	sor.u32 $0x40, s2;
	s18 =	sor.u32 s7, s6;
	s14 =	sor.u32 s7, s11  }
0x238: {  	s10 =	sor.u32 $0x180, s5;
	s7 =	sor.u32 s7, s23;
	[tilespmem:s12+$0x0] =	vst.add.f32.msk $0xffff, v7;
	s12 =	sor.u32 $0x50, s2  }
0x239: {  	s31 =	sor.u32 $0x60, s2;
	s5 =	sor.u32 s10, s11;
	[tilespmem:s12+$0x0] =	vst.add.f32.msk $0xffff, v8;
	s12 =	sor.u32 s10, s6  }
0x23a: {  	s23 =	sor.u32 s10, s23;
	s2 =	sor.u32 $0x70, s2;
	[tilespmem:s31+$0x0] =	vst.add.f32.msk $0xffff, v9  }
0x23b: {  	[tilespmem:s2+$0x0] =	vst.add.f32.msk $0xffff, v10;
	s2 =	sor.u32 $0x20, s23  }
0x23c: {  	s6 =	sor.u32 $0x10, s13;
	[tilespmem:s13+$0x0] =	vst.add.f32.msk $0xffff, v11  }
0x23d: {  	[tilespmem:s6+$0x0] =	vst.add.f32.msk $0xffff, v12;
	s6 =	sor.u32 $0x20, s13  }
0x23e: {  	[tilespmem:s6+$0x0] =	vst.add.f32.msk $0xffff, v13;
	s6 =	sor.u32 $0x30, s13  }
0x23f: {  	[tilespmem:s6+$0x0] =	vst.add.f32.msk $0xffff, v14;
	s6 =	sor.u32 $0x40, s13  }
0x240: {  	[tilespmem:s6+$0x0] =	vst.add.f32.msk $0xffff, v15;
	s6 =	sor.u32 $0x50, s13  }
0x241: {  	[tilespmem:s6+$0x0] =	vst.add.f32.msk $0xffff, v16;
	s6 =	sor.u32 $0x60, s13  }
0x242: {  	[tilespmem:s6+$0x0] =	vst.add.f32.msk $0xffff, v17;
	s6 =	sor.u32 $0x70, s13  }
0x243: {  	[tilespmem:s6+$0x0] =	vst.add.f32.msk $0xffff, v20  }
0x244: {  	s6 =	sor.u32 $0x10, s3;
	[tilespmem:s3+$0x0] =	vst.add.f32.msk $0xffff, v25  }
0x245: {  	[tilespmem:s6+$0x0] =	vst.add.f32.msk $0xffff, v21;
	s6 =	sor.u32 $0x20, s3  }
0x246: {  	[tilespmem:s6+$0x0] =	vst.add.f32.msk $0xffff, v22;
	s6 =	sor.u32 $0x30, s3  }
0x247: {  	[tilespmem:s6+$0x0] =	vst.add.f32.msk $0xffff, v23;
	s6 =	sor.u32 $0x40, s3  }
0x248: {  	[tilespmem:s6+$0x0] =	vst.add.f32.msk $0xffff, v24;
	s6 =	sor.u32 $0x50, s3  }
0x249: {  	[tilespmem:s6+$0x0] =	vst.add.f32.msk $0xffff, v18;
	s6 =	sor.u32 $0x60, s3  }
0x24a: {  	s3 =	sor.u32 $0x70, s3;
	[tilespmem:s6+$0x0] =	vst.add.f32.msk $0xffff, v19  }
0x24b: {  	[tilespmem:s3+$0x0] =	vst.add.f32.msk $0xffff, v26  }
0x24c: {  	s3 =	sor.u32 $0x10, s16;
	[tilespmem:s16+$0x0] =	vst.add.f32.msk $0xffff, v3  }
0x24d: {  	[tilespmem:s3+$0x0] =	vst.add.f32.msk $0xffff, v4;
	s3 =	sor.u32 $0x20, s16  }
0x24e: {  	[tilespmem:s3+$0x0] =	vst.add.f32.msk $0xffff, v5;
	s3 =	sor.u32 $0x30, s16  }
0x24f: {  	[tilespmem:s3+$0x0] =	vst.add.f32.msk $0xffff, v6;
	s3 =	sor.u32 $0x40, s16  }
0x250: {  	[tilespmem:s3+$0x0] =	vst.add.f32.msk $0xffff, v7;
	s3 =	sor.u32 $0x50, s16  }
0x251: {  	[tilespmem:s3+$0x0] =	vst.add.f32.msk $0xffff, v8;
	s3 =	sor.u32 $0x60, s16  }
0x252: {  	[tilespmem:s3+$0x0] =	vst.add.f32.msk $0xffff, v9;
	s3 =	sor.u32 $0x70, s16  }
0x253: {  	[tilespmem:s3+$0x0] =	vst.add.f32.msk $0xffff, v10  }
0x254: {  	s3 =	sor.u32 $0x10, s8;
	[tilespmem:s8+$0x0] =	vst.add.f32.msk $0xffff, v11  }
0x255: {  	[tilespmem:s3+$0x0] =	vst.add.f32.msk $0xffff, v12;
	s3 =	sor.u32 $0x20, s8  }
0x256: {  	[tilespmem:s3+$0x0] =	vst.add.f32.msk $0xffff, v13;
	s3 =	sor.u32 $0x30, s8  }
0x257: {  	[tilespmem:s3+$0x0] =	vst.add.f32.msk $0xffff, v14;
	s3 =	sor.u32 $0x40, s8  }
0x258: {  	[tilespmem:s3+$0x0] =	vst.add.f32.msk $0xffff, v15;
	s3 =	sor.u32 $0x50, s8  }
0x259: {  	[tilespmem:s3+$0x0] =	vst.add.f32.msk $0xffff, v16;
	s3 =	sor.u32 $0x60, s8  }
0x25a: {  	[tilespmem:s3+$0x0] =	vst.add.f32.msk $0xffff, v17;
	s3 =	sor.u32 $0x70, s8  }
0x25b: {  	[tilespmem:s3+$0x0] =	vst.add.f32.msk $0xffff, v20  }
0x25c: {  	s3 =	sor.u32 $0x10, s0;
	[tilespmem:s0+$0x0] =	vst.add.f32.msk $0xffff, v25  }
0x25d: {  	[tilespmem:s3+$0x0] =	vst.add.f32.msk $0xffff, v21;
	s3 =	sor.u32 $0x20, s0  }
0x25e: {  	[tilespmem:s3+$0x0] =	vst.add.f32.msk $0xffff, v22;
	s3 =	sor.u32 $0x30, s0  }
0x25f: {  	[tilespmem:s3+$0x0] =	vst.add.f32.msk $0xffff, v23;
	s3 =	sor.u32 $0x40, s0  }
0x260: {  	[tilespmem:s3+$0x0] =	vst.add.f32.msk $0xffff, v24;
	s3 =	sor.u32 $0x50, s0  }
0x261: {  	[tilespmem:s3+$0x0] =	vst.add.f32.msk $0xffff, v18;
	s3 =	sor.u32 $0x60, s0  }
0x262: {  	s0 =	sor.u32 $0x70, s0;
	[tilespmem:s3+$0x0] =	vst.add.f32.msk $0xffff, v19  }
0x263: {  	[tilespmem:s0+$0x0] =	vst.add.f32.msk $0xffff, v26  }
0x264: {  	s0 =	sor.u32 $0x10, s18;
	[tilespmem:s18+$0x0] =	vst.add.f32.msk $0xffff, v3  }
0x265: {  	[tilespmem:s0+$0x0] =	vst.add.f32.msk $0xffff, v4;
	s0 =	sor.u32 $0x20, s18  }
0x266: {  	[tilespmem:s0+$0x0] =	vst.add.f32.msk $0xffff, v5;
	s0 =	sor.u32 $0x30, s18  }
0x267: {  	[tilespmem:s0+$0x0] =	vst.add.f32.msk $0xffff, v6;
	s0 =	sor.u32 $0x40, s18  }
0x268: {  	[tilespmem:s0+$0x0] =	vst.add.f32.msk $0xffff, v7;
	s0 =	sor.u32 $0x50, s18  }
0x269: {  	[tilespmem:s0+$0x0] =	vst.add.f32.msk $0xffff, v8;
	s0 =	sor.u32 $0x60, s18  }
0x26a: {  	[tilespmem:s0+$0x0] =	vst.add.f32.msk $0xffff, v9;
	s0 =	sor.u32 $0x70, s18  }
0x26b: {  	[tilespmem:s0+$0x0] =	vst.add.f32.msk $0xffff, v10  }
0x26c: {  	s0 =	sor.u32 $0x10, s14;
	[tilespmem:s14+$0x0] =	vst.add.f32.msk $0xffff, v11  }
0x26d: {  	[tilespmem:s0+$0x0] =	vst.add.f32.msk $0xffff, v12;
	s0 =	sor.u32 $0x20, s14  }
0x26e: {  	[tilespmem:s0+$0x0] =	vst.add.f32.msk $0xffff, v13;
	s0 =	sor.u32 $0x30, s14  }
0x26f: {  	[tilespmem:s0+$0x0] =	vst.add.f32.msk $0xffff, v14;
	s0 =	sor.u32 $0x40, s14  }
0x270: {  	[tilespmem:s0+$0x0] =	vst.add.f32.msk $0xffff, v15;
	s0 =	sor.u32 $0x50, s14  }
0x271: {  	[tilespmem:s0+$0x0] =	vst.add.f32.msk $0xffff, v16;
	s0 =	sor.u32 $0x60, s14  }
0x272: {  	[tilespmem:s0+$0x0] =	vst.add.f32.msk $0xffff, v17;
	s0 =	sor.u32 $0x70, s14  }
0x273: {  	[tilespmem:s0+$0x0] =	vst.add.f32.msk $0xffff, v20  }
0x274: {  	s0 =	sor.u32 $0x10, s7;
	[tilespmem:s7+$0x0] =	vst.add.f32.msk $0xffff, v25  }
0x275: {  	[tilespmem:s0+$0x0] =	vst.add.f32.msk $0xffff, v21;
	s0 =	sor.u32 $0x20, s7  }
0x276: {  	[tilespmem:s0+$0x0] =	vst.add.f32.msk $0xffff, v22;
	s0 =	sor.u32 $0x30, s7  }
0x277: {  	[tilespmem:s0+$0x0] =	vst.add.f32.msk $0xffff, v23;
	s0 =	sor.u32 $0x40, s7  }
0x278: {  	[tilespmem:s0+$0x0] =	vst.add.f32.msk $0xffff, v24;
	s0 =	sor.u32 $0x50, s7  }
0x279: {  	[tilespmem:s0+$0x0] =	vst.add.f32.msk $0xffff, v18;
	s0 =	sor.u32 $0x60, s7  }
0x27a: {  	[tilespmem:s0+$0x0] =	vst.add.f32.msk $0xffff, v19;
	s0 =	sor.u32 $0x70, s7  }
0x27b: {  	[tilespmem:s0+$0x0] =	vst.add.f32.msk $0xffff, v26  }
0x27c: {  	s0 =	sor.u32 $0x10, s12;
	[tilespmem:s12+$0x0] =	vst.add.f32.msk $0xffff, v3  }
0x27d: {  	[tilespmem:s0+$0x0] =	vst.add.f32.msk $0xffff, v4;
	s0 =	sor.u32 $0x20, s12  }
0x27e: {  	[tilespmem:s0+$0x0] =	vst.add.f32.msk $0xffff, v5;
	s0 =	sor.u32 $0x30, s12  }
0x27f: {  	[tilespmem:s0+$0x0] =	vst.add.f32.msk $0xffff, v6;
	s0 =	sor.u32 $0x40, s12  }
0x280: {  	[tilespmem:s0+$0x0] =	vst.add.f32.msk $0xffff, v7;
	s0 =	sor.u32 $0x50, s12  }
0x281: {  	[tilespmem:s0+$0x0] =	vst.add.f32.msk $0xffff, v8;
	s0 =	sor.u32 $0x60, s12  }
0x282: {  	[tilespmem:s0+$0x0] =	vst.add.f32.msk $0xffff, v9;
	s0 =	sor.u32 $0x70, s12  }
0x283: {  	[tilespmem:s0+$0x0] =	vst.add.f32.msk $0xffff, v10  }
0x284: {  	s0 =	sor.u32 $0x10, s5;
	[tilespmem:s5+$0x0] =	vst.add.f32.msk $0xffff, v11  }
0x285: {  	[tilespmem:s0+$0x0] =	vst.add.f32.msk $0xffff, v12;
	s0 =	sor.u32 $0x20, s5  }
0x286: {  	[tilespmem:s0+$0x0] =	vst.add.f32.msk $0xffff, v13;
	s0 =	sor.u32 $0x30, s5  }
0x287: {  	[tilespmem:s0+$0x0] =	vst.add.f32.msk $0xffff, v14;
	s0 =	sor.u32 $0x40, s5  }
.Ltmp1:
0x288: {  	[tilespmem:s0+$0x0] =	vst.add.f32.msk $0xffff, v15;
	s0 =	sor.u32 $0x50, s5;
	(pc) =	sbr.rel @p2 .LBB2_5-.Ltmp1, $4  }
0x289: {  	[tilespmem:s0+$0x0] =	vst.add.f32.msk $0xffff, v16;
	s0 =	sor.u32 $0x60, s5  }
0x28a: {  	[tilespmem:s0+$0x0] =	vst.add.f32.msk $0xffff, v17;
	s0 =	sor.u32 $0x70, s5  }
0x28b: {  	[tilespmem:s0+$0x0] =	vst.add.f32.msk $0xffff, v20  }
0x28c: {  	s0 =	sor.u32 $0x10, s23;
	[tilespmem:s23+$0x0] =	vst.add.f32.msk $0xffff, v25  }
0x28d: {  	[tilespmem:s0+$0x0] =	vst.add.f32.msk $0xffff, v21  }
0x28e: {  	s3 =	sor.u32 $0x30, s23;
	[tilespmem:s2+$0x0] =	vst.add.f32.msk $0xffff, v22  }
0x28f: {  	s5 =	sor.u32 $0x40, s23;
	[tilespmem:s3+$0x0] =	vst.add.f32.msk $0xffff, v23  }
0x290: {  	s6 =	sor.u32 $0x50, s23;
	[tilespmem:s5+$0x0] =	vst.add.f32.msk $0xffff, v24  }
0x291: {  	s7 =	sor.u32 $0x60, s23;
	[tilespmem:s6+$0x0] =	vst.add.f32.msk $0xffff, v18  }
0x292: {  	s8 =	sor.u32 $0x70, s23;
	[tilespmem:s7+$0x0] =	vst.add.f32.msk $0xffff, v19  }
0x293: {  	s0 =	simm.s32 @!p0 $0xA;
	[tilespmem:s8+$0x0] =	vst.add.f32.msk $0xffff, v26  }
0x294: {  	_ =	swait.ge @!p0 [sflag:s0], $0x600  }
0x295: {  	s10 =	simm.s32 $0x16000;
	[sflag:s0] =	ssyncset.done @!p0 $0x0  }
0x296: {  	s11 =	simm.s32 $0x6;
	s3 =	rddreg [dreg:$0xa];
	[sflag:s0] =	ssyncadd.s32 @!p0 $0xFFFFFA00  }
0x297: {  	[spmem:s3] =	stream.linear.scatter [tilespmem:s10], [sflag:$0x6], $0x3000, $0x38;
	[tilespmem:$0x1F000] =	vst v63  }
0x298: {  	_ =	swait.ge [sflag:s11], $0x3000  }
0x299: {  	s12 =	rddreg [dreg:$0xb]  }
0x29a: {  	s0 =	sadd.s32 s28, s12  }
0x29b: {  	s13 =	sor.u32 $0x1C0A, s22;
	[sflag:s11] =	ssyncset.done $0x0;
	s0 =	sshrl.u32 s0, $0x3  }
0x29c: {  	s3 =	sshrl.u32 s3, $0x3;
	[sflag:s11] =	ssyncadd.s32 $0xFFFFD000;
	s0 =	sadd.s32 s17, s0  }
0x29d: {  	[hbm:s0], [sflag:s13] =	dma.local [spmem:s3], $0x600  }
0x29e: {  	s0 =	sadd.s32 @!p1 $0x80, s30  }
0x29f: {  	s30 =	sand.u32 @!p1 $0x3F80, s0  }
0x2a0: {  	v3 =	vld @!p1 [tilespmem:s30+$0x20];
	_ =	sdelay $0x4  }
0x2a1: {  	v4 =	vshrl.u32 @!p1 v3, $0x3  }
0x2a2: {  	v4 =	vmul.u32 @!p1 $0x18, v4  }
0x2a3: {  	v5 =	vlaneseq.u32 @!p1;
	v3 =	vand.u32 @!p1 $0x7, v3  }
0x2a4: {  	v6 =	vshrl.u32 @!p1 v5, $0x3;
	v3 =	vor.u32 @!p1 v3, v4;
	v4 =	vand.u32 @!p1 $0x7, v5  }
0x2a5: {  	v6 =	vmul.u32 @!p1 $0x8, v6;
	v7 =	vperm.xlane @!p1 v3, v4;
	_ =	sdelay $0x1  }
0x2a6: {  	v7 =	vadd.s32 @!p1 v6, v7  }
0x2a7: {  	v5 =	vor.u32 @!p1 $0x8, v5  }
0x2a8: {  	v3 =	vperm.xlane @!p1 v3, v5;
	_ =	sdelay $0x1  }
0x2a9: {  	s2 =	simm.s32 @!p1 $0x16000;
	s0 =	simm.s32 @!p1 $0x0;
	v3 =	vadd.s32 @!p1 v6, v3  }
0x2aa: {  	[tilespmem:s2], [sflag:$0x2] =	stream.indirect_vreg.gather @!p1 [hbm4b:s1+s0], $0x80, v7, vm2, $0xb8;
	[tilespmem:$0x1F000] =	vst v63  }
0x2ab: {  	s2 =	simm.s32 @!p1 $0x16800  }
0x2ac: {  	[tilespmem:s2], [sflag:$0x2] =	stream.indirect_vreg.gather @!p1 [hbm4b:s9+s0], $0x80, v7, vm3, $0xb8;
	[tilespmem:$0x1F000] =	vst v63  }
0x2ad: {  	s2 =	simm.s32 @!p1 $0x16C00  }
0x2ae: {  	[tilespmem:s2], [sflag:$0x2] =	stream.indirect_vreg.gather @!p1 [hbm4b:s1+s0], $0x80, v3, vm2, $0xb8;
	[tilespmem:$0x1F000] =	vst v63  }
0x2af: {  	s2 =	simm.s32 @!p1 $0x17400  }
0x2b0: {  	[tilespmem:s2], [sflag:$0x2] =	stream.indirect_vreg.gather @!p1 [hbm4b:s9+s0], $0x80, v3, vm3, $0xb8;
	[tilespmem:$0x1F000] =	vst v63  }
0x2b1: {  	v3 =	vld @!p1 [tilespmem:s30+$0x30];
	_ =	sdelay $0x4  }
0x2b2: {  	v7 =	vshrl.u32 @!p1 v3, $0x3  }
0x2b3: {  	v7 =	vmul.u32 @!p1 $0x18, v7  }
0x2b4: {  	v3 =	vand.u32 @!p1 $0x7, v3  }
0x2b5: {  	v3 =	vor.u32 @!p1 v3, v7  }
0x2b6: {  	v4 =	vperm.xlane @!p1 v3, v4;
	_ =	sdelay $0x1  }
0x2b7: {  	v4 =	vadd.s32 @!p1 v6, v4;
	_ =	sdelay $0x1  }
0x2b8: {  	v3 =	vperm.xlane @!p1 v3, v5;
	_ =	sdelay $0x1  }
0x2b9: {  	s2 =	simm.s32 @!p1 $0x17800;
	v3 =	vadd.s32 @!p1 v6, v3  }
0x2ba: {  	[tilespmem:s2], [sflag:$0x2] =	stream.indirect_vreg.gather @!p1 [hbm4b:s1+s0], $0x80, v4, vm2, $0xb8;
	[tilespmem:$0x1F000] =	vst v63  }
0x2bb: {  	s2 =	simm.s32 @!p1 $0x18000  }
0x2bc: {  	[tilespmem:s2], [sflag:$0x2] =	stream.indirect_vreg.gather @!p1 [hbm4b:s9+s0], $0x80, v4, vm3, $0xb8;
	[tilespmem:$0x1F000] =	vst v63  }
0x2bd: {  	s2 =	simm.s32 @!p1 $0x18400  }
0x2be: {  	[tilespmem:s2], [sflag:$0x2] =	stream.indirect_vreg.gather @!p1 [hbm4b:s1+s0], $0x80, v3, vm2, $0xb8;
	[tilespmem:$0x1F000] =	vst v63  }
0x2bf: {  	s2 =	simm.s32 @!p1 $0x18C00  }
0x2c0: {  	[tilespmem:s2], [sflag:$0x2] =	stream.indirect_vreg.gather @!p1 [hbm4b:s9+s0], $0x80, v3, vm3, $0xb8;
	[tilespmem:$0x1F000] =	vst v63  }
0x2c1: {  	_ =	swait.ge [sflag:s15], $0x1800  }
0x2c2: {  	[sflag:s15] =	ssyncset.done $0x0  }
0x2c3: {  	[sflag:s15] =	ssyncadd.s32 $0xFFFFE800  }
0x2c4: {  	_ =	swait.ge [sflag:s15], $0x1800  }
0x2c5: {  	[sflag:s15] =	ssyncset.done $0x0  }
0x2c6: {  	[sflag:s15] =	ssyncadd.s32 $0xFFFFE800  }
0x2c7: {  	v3 =	vld [tilespmem:s21+$0x1C00]  }
0x2c8: {  	v4 =	vld [tilespmem:s26+$0x10]  }
0x2c9: {  	v5 =	vld [tilespmem:s26+$0x20]  }
0x2ca: {  	v6 =	vld [tilespmem:s26+$0x30]  }
0x2cb: {  	v7 =	vld [tilespmem:s26+$0x40]  }
0x2cc: {  	v8 =	vld [tilespmem:s26+$0x50]  }
0x2cd: {  	v9 =	vld [tilespmem:s26+$0x60]  }
0x2ce: {  	v10 =	vld [tilespmem:s26+$0x70]  }
0x2cf: {  	v11 =	vld [tilespmem:s21+$0x2000]  }
0x2d0: {  	v12 =	vld [tilespmem:s25+$0x10]  }
0x2d1: {  	v13 =	vld [tilespmem:s25+$0x20]  }
0x2d2: {  	v14 =	vld [tilespmem:s25+$0x30]  }
0x2d3: {  	v15 =	vld [tilespmem:s25+$0x40]  }
0x2d4: {  	v16 =	vld [tilespmem:s25+$0x50]  }
0x2d5: {  	v17 =	vld [tilespmem:s25+$0x60]  }
0x2d6: {  	v20 =	vld [tilespmem:s25+$0x70]  }
0x2d7: {  	v25 =	vld [tilespmem:s21+$0x2400]  }
0x2d8: {  	v21 =	vld [tilespmem:s24+$0x10]  }
0x2d9: {  	s14 =	simm.s32 $0x0;
	v22 =	vld [tilespmem:s24+$0x20]  }
0x2da: {  	s0 =	smul.u32 $0x3000, s14;
	v23 =	vld [tilespmem:s24+$0x30]  }
0x2db: {  	v24 =	vld [tilespmem:s24+$0x40]  }
0x2dc: {  	s20 =	simm.s32 $0x0;
	s0 =	sshra.s32 s0, $0x2;
	v18 =	vld [tilespmem:s24+$0x50]  }
0x2dd: {  	s12 =	sand.u32 $0x200, s20;
	s5 =	sadd.s32 $0x19000, s0;
	v19 =	vld [tilespmem:s24+$0x60]  }
0x2de: {  	s16 =	sor.u32 s12, s5;
	v26 =	vld [tilespmem:s24+$0x70]  }
0x2df: {  	s18 =	sor.u32 $0x10, s16;
	[tilespmem:s16+$0x0] =	vst.add.f32.msk $0xffff, v3  }
0x2e0: {  	s23 =	sor.u32 $0x20, s16;
	[tilespmem:s18+$0x0] =	vst.add.f32.msk $0xffff, v4  }
0x2e1: {  	s31 =	sor.u32 $0x30, s16;
	[tilespmem:s23+$0x0] =	vst.add.f32.msk $0xffff, v5  }
0x2e2: {  	s6 =	sor.u32 $0x40, s16;
	[tilespmem:s31+$0x0] =	vst.add.f32.msk $0xffff, v6  }
0x2e3: {  	s7 =	sor.u32 $0x50, s16;
	[tilespmem:s6+$0x0] =	vst.add.f32.msk $0xffff, v7  }
0x2e4: {  	s6 =	sor.u32 $0x60, s16;
	[tilespmem:s7+$0x0] =	vst.add.f32.msk $0xffff, v8  }
0x2e5: {  	s2 =	sadd.s32 $0x19400, s0;
	s3 =	sor.u32 $0x70, s16;
	[tilespmem:s6+$0x0] =	vst.add.f32.msk $0xffff, v9  }
0x2e6: {  	s8 =	sor.u32 s12, s2;
	[tilespmem:s3+$0x0] =	vst.add.f32.msk $0xffff, v10  }
0x2e7: {  	s10 =	sor.u32 $0x10, s8;
	[tilespmem:s8+$0x0] =	vst.add.f32.msk $0xffff, v11  }
0x2e8: {  	s11 =	sor.u32 $0x20, s8;
	[tilespmem:s10+$0x0] =	vst.add.f32.msk $0xffff, v12  }
0x2e9: {  	s13 =	sor.u32 $0x30, s8;
	[tilespmem:s11+$0x0] =	vst.add.f32.msk $0xffff, v13  }
0x2ea: {  	s14 =	sor.u32 $0x40, s8;
	[tilespmem:s13+$0x0] =	vst.add.f32.msk $0xffff, v14  }
0x2eb: {  	s16 =	sor.u32 $0x50, s8;
	[tilespmem:s14+$0x0] =	vst.add.f32.msk $0xffff, v15  }
0x2ec: {  	s18 =	sor.u32 $0x60, s8;
	[tilespmem:s16+$0x0] =	vst.add.f32.msk $0xffff, v16  }
0x2ed: {  	s23 =	sor.u32 $0x70, s8;
	s7 =	sadd.s32 $0x19800, s0;
	[tilespmem:s18+$0x0] =	vst.add.f32.msk $0xffff, v17  }
0x2ee: {  	s31 =	sor.u32 s12, s7;
	[tilespmem:s23+$0x0] =	vst.add.f32.msk $0xffff, v20  }
0x2ef: {  	s8 =	sor.u32 $0x10, s31;
	[tilespmem:s31+$0x0] =	vst.add.f32.msk $0xffff, v25  }
0x2f0: {  	s10 =	sor.u32 $0x20, s31;
	[tilespmem:s8+$0x0] =	vst.add.f32.msk $0xffff, v21  }
0x2f1: {  	s11 =	sor.u32 $0x30, s31;
	[tilespmem:s10+$0x0] =	vst.add.f32.msk $0xffff, v22  }
0x2f2: {  	s13 =	sor.u32 $0x40, s31;
	[tilespmem:s11+$0x0] =	vst.add.f32.msk $0xffff, v23  }
0x2f3: {  	s14 =	sor.u32 $0x50, s31;
	[tilespmem:s13+$0x0] =	vst.add.f32.msk $0xffff, v24  }
0x2f4: {  	s16 =	sor.u32 $0x60, s31;
	[tilespmem:s14+$0x0] =	vst.add.f32.msk $0xffff, v18  }
0x2f5: {  	s6 =	sor.u32 $0x80, s12;
	s18 =	sor.u32 $0x70, s31;
	[tilespmem:s16+$0x0] =	vst.add.f32.msk $0xffff, v19  }
0x2f6: {  	s23 =	sor.u32 s6, s5;
	[tilespmem:s18+$0x0] =	vst.add.f32.msk $0xffff, v26  }
0x2f7: {  	s31 =	sor.u32 $0x10, s23;
	[tilespmem:s23+$0x0] =	vst.add.f32.msk $0xffff, v3  }
0x2f8: {  	s8 =	sor.u32 $0x20, s23;
	[tilespmem:s31+$0x0] =	vst.add.f32.msk $0xffff, v4  }
0x2f9: {  	s10 =	sor.u32 $0x30, s23;
	[tilespmem:s8+$0x0] =	vst.add.f32.msk $0xffff, v5  }
0x2fa: {  	s11 =	sor.u32 $0x40, s23;
	[tilespmem:s10+$0x0] =	vst.add.f32.msk $0xffff, v6  }
0x2fb: {  	s13 =	sor.u32 $0x50, s23;
	[tilespmem:s11+$0x0] =	vst.add.f32.msk $0xffff, v7  }
0x2fc: {  	s14 =	sor.u32 $0x60, s23;
	[tilespmem:s13+$0x0] =	vst.add.f32.msk $0xffff, v8  }
0x2fd: {  	s16 =	sor.u32 $0x70, s23;
	[tilespmem:s14+$0x0] =	vst.add.f32.msk $0xffff, v9  }
0x2fe: {  	s18 =	sor.u32 s6, s2;
	[tilespmem:s16+$0x0] =	vst.add.f32.msk $0xffff, v10  }
0x2ff: {  	s23 =	sor.u32 $0x10, s18;
	[tilespmem:s18+$0x0] =	vst.add.f32.msk $0xffff, v11  }
0x300: {  	s31 =	sor.u32 $0x20, s18;
	[tilespmem:s23+$0x0] =	vst.add.f32.msk $0xffff, v12  }
0x301: {  	s8 =	sor.u32 $0x30, s18;
	[tilespmem:s31+$0x0] =	vst.add.f32.msk $0xffff, v13  }
0x302: {  	s10 =	sor.u32 $0x40, s18;
	[tilespmem:s8+$0x0] =	vst.add.f32.msk $0xffff, v14  }
0x303: {  	s11 =	sor.u32 $0x50, s18;
	[tilespmem:s10+$0x0] =	vst.add.f32.msk $0xffff, v15  }
0x304: {  	s13 =	sor.u32 $0x60, s18;
	[tilespmem:s11+$0x0] =	vst.add.f32.msk $0xffff, v16  }
0x305: {  	s14 =	sor.u32 $0x70, s18;
	[tilespmem:s13+$0x0] =	vst.add.f32.msk $0xffff, v17  }
0x306: {  	s16 =	sor.u32 s6, s7;
	[tilespmem:s14+$0x0] =	vst.add.f32.msk $0xffff, v20  }
0x307: {  	s18 =	sor.u32 $0x10, s16;
	[tilespmem:s16+$0x0] =	vst.add.f32.msk $0xffff, v25  }
0x308: {  	s23 =	sor.u32 $0x20, s16;
	[tilespmem:s18+$0x0] =	vst.add.f32.msk $0xffff, v21  }
0x309: {  	s31 =	sor.u32 $0x30, s16;
	[tilespmem:s23+$0x0] =	vst.add.f32.msk $0xffff, v22  }
0x30a: {  	s6 =	sor.u32 $0x40, s16;
	[tilespmem:s31+$0x0] =	vst.add.f32.msk $0xffff, v23  }
0x30b: {  	s8 =	sor.u32 $0x50, s16;
	[tilespmem:s6+$0x0] =	vst.add.f32.msk $0xffff, v24  }
0x30c: {  	s10 =	sor.u32 $0x60, s16;
	[tilespmem:s8+$0x0] =	vst.add.f32.msk $0xffff, v18  }
0x30d: {  	s11 =	sor.u32 $0x70, s16;
	s6 =	sor.u32 $0x100, s12;
	[tilespmem:s10+$0x0] =	vst.add.f32.msk $0xffff, v19  }
0x30e: {  	s13 =	sor.u32 s6, s5;
	[tilespmem:s11+$0x0] =	vst.add.f32.msk $0xffff, v26  }
0x30f: {  	s14 =	sor.u32 $0x10, s13;
	[tilespmem:s13+$0x0] =	vst.add.f32.msk $0xffff, v3  }
0x310: {  	s16 =	sor.u32 $0x20, s13;
	[tilespmem:s14+$0x0] =	vst.add.f32.msk $0xffff, v4  }
0x311: {  	s18 =	sor.u32 $0x30, s13;
	[tilespmem:s16+$0x0] =	vst.add.f32.msk $0xffff, v5  }
0x312: {  	s23 =	sor.u32 $0x40, s13;
	[tilespmem:s18+$0x0] =	vst.add.f32.msk $0xffff, v6  }
0x313: {  	s31 =	sor.u32 $0x50, s13;
	[tilespmem:s23+$0x0] =	vst.add.f32.msk $0xffff, v7  }
0x314: {  	s8 =	sor.u32 $0x60, s13;
	[tilespmem:s31+$0x0] =	vst.add.f32.msk $0xffff, v8  }
0x315: {  	s10 =	sor.u32 $0x70, s13;
	[tilespmem:s8+$0x0] =	vst.add.f32.msk $0xffff, v9  }
0x316: {  	s11 =	sor.u32 s6, s2;
	[tilespmem:s10+$0x0] =	vst.add.f32.msk $0xffff, v10  }
0x317: {  	s13 =	sor.u32 $0x10, s11;
	[tilespmem:s11+$0x0] =	vst.add.f32.msk $0xffff, v11  }
0x318: {  	s14 =	sor.u32 $0x20, s11;
	[tilespmem:s13+$0x0] =	vst.add.f32.msk $0xffff, v12  }
0x319: {  	s16 =	sor.u32 $0x30, s11;
	[tilespmem:s14+$0x0] =	vst.add.f32.msk $0xffff, v13  }
0x31a: {  	s18 =	sor.u32 $0x40, s11;
	[tilespmem:s16+$0x0] =	vst.add.f32.msk $0xffff, v14  }
0x31b: {  	s23 =	sor.u32 $0x50, s11;
	[tilespmem:s18+$0x0] =	vst.add.f32.msk $0xffff, v15  }
0x31c: {  	s31 =	sor.u32 $0x60, s11;
	[tilespmem:s23+$0x0] =	vst.add.f32.msk $0xffff, v16  }
0x31d: {  	s3 =	sor.u32 $0x70, s11;
	[tilespmem:s31+$0x0] =	vst.add.f32.msk $0xffff, v17  }
0x31e: {  	s8 =	sor.u32 s6, s7;
	[tilespmem:s3+$0x0] =	vst.add.f32.msk $0xffff, v20  }
0x31f: {  	s10 =	sor.u32 $0x10, s8;
	[tilespmem:s8+$0x0] =	vst.add.f32.msk $0xffff, v25  }
0x320: {  	s11 =	sor.u32 $0x20, s8;
	[tilespmem:s10+$0x0] =	vst.add.f32.msk $0xffff, v21  }
0x321: {  	s13 =	sor.u32 $0x30, s8;
	[tilespmem:s11+$0x0] =	vst.add.f32.msk $0xffff, v22  }
0x322: {  	s14 =	sor.u32 $0x40, s8;
	[tilespmem:s13+$0x0] =	vst.add.f32.msk $0xffff, v23  }
0x323: {  	s16 =	sor.u32 $0x50, s8;
	[tilespmem:s14+$0x0] =	vst.add.f32.msk $0xffff, v24  }
0x324: {  	s18 =	sor.u32 $0x60, s8;
	[tilespmem:s16+$0x0] =	vst.add.f32.msk $0xffff, v18  }
0x325: {  	s0 =	sor.u32 $0x180, s12;
	s3 =	sor.u32 $0x70, s8;
	[tilespmem:s18+$0x0] =	vst.add.f32.msk $0xffff, v19  }
0x326: {  	s5 =	sor.u32 s0, s5;
	[tilespmem:s3+$0x0] =	vst.add.f32.msk $0xffff, v26  }
0x327: {  	s23 =	sor.u32 $0x10, s5;
	[tilespmem:s5+$0x0] =	vst.add.f32.msk $0xffff, v3  }
0x328: {  	s31 =	sor.u32 $0x20, s5;
	[tilespmem:s23+$0x0] =	vst.add.f32.msk $0xffff, v4  }
0x329: {  	s6 =	sor.u32 $0x30, s5;
	[tilespmem:s31+$0x0] =	vst.add.f32.msk $0xffff, v5  }
0x32a: {  	s8 =	sor.u32 $0x40, s5;
	[tilespmem:s6+$0x0] =	vst.add.f32.msk $0xffff, v6  }
0x32b: {  	s10 =	sor.u32 $0x50, s5;
	[tilespmem:s8+$0x0] =	vst.add.f32.msk $0xffff, v7  }
0x32c: {  	s11 =	sor.u32 $0x60, s5;
	[tilespmem:s10+$0x0] =	vst.add.f32.msk $0xffff, v8  }
0x32d: {  	s12 =	sor.u32 $0x70, s5;
	[tilespmem:s11+$0x0] =	vst.add.f32.msk $0xffff, v9  }
0x32e: {  	s2 =	sor.u32 s0, s2;
	[tilespmem:s12+$0x0] =	vst.add.f32.msk $0xffff, v10  }
0x32f: {  	s13 =	sor.u32 $0x10, s2;
	[tilespmem:s2+$0x0] =	vst.add.f32.msk $0xffff, v11  }
0x330: {  	s14 =	sor.u32 $0x20, s2;
	[tilespmem:s13+$0x0] =	vst.add.f32.msk $0xffff, v12  }
0x331: {  	s16 =	sor.u32 $0x30, s2;
	[tilespmem:s14+$0x0] =	vst.add.f32.msk $0xffff, v13  }
0x332: {  	s18 =	sor.u32 $0x40, s2;
	[tilespmem:s16+$0x0] =	vst.add.f32.msk $0xffff, v14  }
0x333: {  	s23 =	sor.u32 $0x50, s2;
	[tilespmem:s18+$0x0] =	vst.add.f32.msk $0xffff, v15  }
0x334: {  	s31 =	sor.u32 $0x60, s2;
	[tilespmem:s23+$0x0] =	vst.add.f32.msk $0xffff, v16  }
0x335: {  	s2 =	sor.u32 $0x70, s2;
	[tilespmem:s31+$0x0] =	vst.add.f32.msk $0xffff, v17  }
0x336: {  	s23 =	sor.u32 s0, s7;
	[tilespmem:s2+$0x0] =	vst.add.f32.msk $0xffff, v20  }
0x337: {  	s29 =	simm.s32 $0x0;
	s0 =	sor.u32 $0x10, s23;
	s2 =	sor.u32 $0x20, s23;
	[tilespmem:s23+$0x0] =	vst.add.f32.msk $0xffff, v25  }
.LBB2_7:
0x338: {  	s29 =	sadd.s32 $0x4, s29;
	[tilespmem:s0+$0x0] =	vst.add.f32.msk $0xffff, v21  }
0x339: {  	s0 =	sshrl.u32 s29, $0x3;
	p2 =	slt.u32 s29, $0x1C;
	[tilespmem:s2+$0x0] =	vst.add.f32.msk $0xffff, v22;
	s2 =	sor.u32 $0x30, s23  }
0x33a: {  	s0 =	smul.u32 $0x3000, s0;
	[tilespmem:s2+$0x0] =	vst.add.f32.msk $0xffff, v23;
	s2 =	sor.u32 $0x40, s23  }
0x33b: {  	s20 =	sadd.s32 $0x200, s20;
	[tilespmem:s2+$0x0] =	vst.add.f32.msk $0xffff, v24;
	s2 =	sor.u32 $0x50, s23  }
0x33c: {  	s3 =	sor.u32 $0x70, s23;
	s0 =	sshra.s32 s0, $0x2;
	[tilespmem:s2+$0x0] =	vst.add.f32.msk $0xffff, v18;
	s2 =	sor.u32 $0x60, s23  }
0x33d: {  	s5 =	sand.u32 $0x200, s20;
	s6 =	sadd.s32 $0x19000, s0;
	s10 =	sadd.s32 $0x19400, s0;
	[tilespmem:s2+$0x0] =	vst.add.f32.msk $0xffff, v19  }
0x33e: {  	s13 =	sadd.s32 $0x19800, s0;
	s2 =	sor.u32 s5, s6;
	s11 =	sor.u32 s5, s10;
	[tilespmem:s3+$0x0] =	vst.add.f32.msk $0xffff, v26  }
0x33f: {  	s7 =	sor.u32 $0x80, s5;
	s3 =	sor.u32 s5, s13;
	[tilespmem:s2+$0x0] =	vst.add.f32.msk $0xffff, v3;
	s0 =	sor.u32 $0x10, s2  }
0x340: {  	s16 =	sor.u32 s7, s6;
	s8 =	sor.u32 s7, s10;
	[tilespmem:s0+$0x0] =	vst.add.f32.msk $0xffff, v4;
	s0 =	sor.u32 $0x20, s2  }
0x341: {  	s12 =	sor.u32 $0x30, s2;
	[tilespmem:s0+$0x0] =	vst.add.f32.msk $0xffff, v5;
	s0 =	sor.u32 s7, s13;
	s7 =	sor.u32 $0x100, s5  }
0x342: {  	[tilespmem:s12+$0x0] =	vst.add.f32.msk $0xffff, v6;
	s12 =	sor.u32 $0x40, s2;
	s18 =	sor.u32 s7, s6;
	s14 =	sor.u32 s7, s10  }
0x343: {  	s23 =	sor.u32 $0x180, s5;
	s7 =	sor.u32 s7, s13;
	[tilespmem:s12+$0x0] =	vst.add.f32.msk $0xffff, v7;
	s12 =	sor.u32 $0x50, s2  }
0x344: {  	s31 =	sor.u32 $0x60, s2;
	s5 =	sor.u32 s23, s10;
	[tilespmem:s12+$0x0] =	vst.add.f32.msk $0xffff, v8;
	s12 =	sor.u32 s23, s6  }
0x345: {  	s2 =	sor.u32 $0x70, s2;
	s23 =	sor.u32 s23, s13;
	[tilespmem:s31+$0x0] =	vst.add.f32.msk $0xffff, v9  }
0x346: {  	[tilespmem:s2+$0x0] =	vst.add.f32.msk $0xffff, v10;
	s2 =	sor.u32 $0x20, s23  }
0x347: {  	s6 =	sor.u32 $0x10, s11;
	[tilespmem:s11+$0x0] =	vst.add.f32.msk $0xffff, v11  }
0x348: {  	[tilespmem:s6+$0x0] =	vst.add.f32.msk $0xffff, v12;
	s6 =	sor.u32 $0x20, s11  }
0x349: {  	[tilespmem:s6+$0x0] =	vst.add.f32.msk $0xffff, v13;
	s6 =	sor.u32 $0x30, s11  }
0x34a: {  	[tilespmem:s6+$0x0] =	vst.add.f32.msk $0xffff, v14;
	s6 =	sor.u32 $0x40, s11  }
0x34b: {  	[tilespmem:s6+$0x0] =	vst.add.f32.msk $0xffff, v15;
	s6 =	sor.u32 $0x50, s11  }
0x34c: {  	[tilespmem:s6+$0x0] =	vst.add.f32.msk $0xffff, v16;
	s6 =	sor.u32 $0x60, s11  }
0x34d: {  	[tilespmem:s6+$0x0] =	vst.add.f32.msk $0xffff, v17;
	s6 =	sor.u32 $0x70, s11  }
0x34e: {  	[tilespmem:s6+$0x0] =	vst.add.f32.msk $0xffff, v20  }
0x34f: {  	s6 =	sor.u32 $0x10, s3;
	[tilespmem:s3+$0x0] =	vst.add.f32.msk $0xffff, v25  }
0x350: {  	[tilespmem:s6+$0x0] =	vst.add.f32.msk $0xffff, v21;
	s6 =	sor.u32 $0x20, s3  }
0x351: {  	[tilespmem:s6+$0x0] =	vst.add.f32.msk $0xffff, v22;
	s6 =	sor.u32 $0x30, s3  }
0x352: {  	[tilespmem:s6+$0x0] =	vst.add.f32.msk $0xffff, v23;
	s6 =	sor.u32 $0x40, s3  }
0x353: {  	[tilespmem:s6+$0x0] =	vst.add.f32.msk $0xffff, v24;
	s6 =	sor.u32 $0x50, s3  }
0x354: {  	[tilespmem:s6+$0x0] =	vst.add.f32.msk $0xffff, v18;
	s6 =	sor.u32 $0x60, s3  }
0x355: {  	s3 =	sor.u32 $0x70, s3;
	[tilespmem:s6+$0x0] =	vst.add.f32.msk $0xffff, v19  }
0x356: {  	[tilespmem:s3+$0x0] =	vst.add.f32.msk $0xffff, v26  }
0x357: {  	s3 =	sor.u32 $0x10, s16;
	[tilespmem:s16+$0x0] =	vst.add.f32.msk $0xffff, v3  }
0x358: {  	[tilespmem:s3+$0x0] =	vst.add.f32.msk $0xffff, v4;
	s3 =	sor.u32 $0x20, s16  }
0x359: {  	[tilespmem:s3+$0x0] =	vst.add.f32.msk $0xffff, v5;
	s3 =	sor.u32 $0x30, s16  }
0x35a: {  	[tilespmem:s3+$0x0] =	vst.add.f32.msk $0xffff, v6;
	s3 =	sor.u32 $0x40, s16  }
0x35b: {  	[tilespmem:s3+$0x0] =	vst.add.f32.msk $0xffff, v7;
	s3 =	sor.u32 $0x50, s16  }
0x35c: {  	[tilespmem:s3+$0x0] =	vst.add.f32.msk $0xffff, v8;
	s3 =	sor.u32 $0x60, s16  }
0x35d: {  	[tilespmem:s3+$0x0] =	vst.add.f32.msk $0xffff, v9;
	s3 =	sor.u32 $0x70, s16  }
0x35e: {  	[tilespmem:s3+$0x0] =	vst.add.f32.msk $0xffff, v10  }
0x35f: {  	s3 =	sor.u32 $0x10, s8;
	[tilespmem:s8+$0x0] =	vst.add.f32.msk $0xffff, v11  }
0x360: {  	[tilespmem:s3+$0x0] =	vst.add.f32.msk $0xffff, v12;
	s3 =	sor.u32 $0x20, s8  }
0x361: {  	[tilespmem:s3+$0x0] =	vst.add.f32.msk $0xffff, v13;
	s3 =	sor.u32 $0x30, s8  }
0x362: {  	[tilespmem:s3+$0x0] =	vst.add.f32.msk $0xffff, v14;
	s3 =	sor.u32 $0x40, s8  }
0x363: {  	[tilespmem:s3+$0x0] =	vst.add.f32.msk $0xffff, v15;
	s3 =	sor.u32 $0x50, s8  }
0x364: {  	[tilespmem:s3+$0x0] =	vst.add.f32.msk $0xffff, v16;
	s3 =	sor.u32 $0x60, s8  }
0x365: {  	[tilespmem:s3+$0x0] =	vst.add.f32.msk $0xffff, v17;
	s3 =	sor.u32 $0x70, s8  }
0x366: {  	[tilespmem:s3+$0x0] =	vst.add.f32.msk $0xffff, v20  }
0x367: {  	s3 =	sor.u32 $0x10, s0;
	[tilespmem:s0+$0x0] =	vst.add.f32.msk $0xffff, v25  }
0x368: {  	[tilespmem:s3+$0x0] =	vst.add.f32.msk $0xffff, v21;
	s3 =	sor.u32 $0x20, s0  }
0x369: {  	[tilespmem:s3+$0x0] =	vst.add.f32.msk $0xffff, v22;
	s3 =	sor.u32 $0x30, s0  }
0x36a: {  	[tilespmem:s3+$0x0] =	vst.add.f32.msk $0xffff, v23;
	s3 =	sor.u32 $0x40, s0  }
0x36b: {  	[tilespmem:s3+$0x0] =	vst.add.f32.msk $0xffff, v24;
	s3 =	sor.u32 $0x50, s0  }
0x36c: {  	[tilespmem:s3+$0x0] =	vst.add.f32.msk $0xffff, v18;
	s3 =	sor.u32 $0x60, s0  }
0x36d: {  	s0 =	sor.u32 $0x70, s0;
	[tilespmem:s3+$0x0] =	vst.add.f32.msk $0xffff, v19  }
0x36e: {  	[tilespmem:s0+$0x0] =	vst.add.f32.msk $0xffff, v26  }
0x36f: {  	s0 =	sor.u32 $0x10, s18;
	[tilespmem:s18+$0x0] =	vst.add.f32.msk $0xffff, v3  }
0x370: {  	[tilespmem:s0+$0x0] =	vst.add.f32.msk $0xffff, v4;
	s0 =	sor.u32 $0x20, s18  }
0x371: {  	[tilespmem:s0+$0x0] =	vst.add.f32.msk $0xffff, v5;
	s0 =	sor.u32 $0x30, s18  }
0x372: {  	[tilespmem:s0+$0x0] =	vst.add.f32.msk $0xffff, v6;
	s0 =	sor.u32 $0x40, s18  }
0x373: {  	[tilespmem:s0+$0x0] =	vst.add.f32.msk $0xffff, v7;
	s0 =	sor.u32 $0x50, s18  }
0x374: {  	[tilespmem:s0+$0x0] =	vst.add.f32.msk $0xffff, v8;
	s0 =	sor.u32 $0x60, s18  }
0x375: {  	[tilespmem:s0+$0x0] =	vst.add.f32.msk $0xffff, v9;
	s0 =	sor.u32 $0x70, s18  }
0x376: {  	[tilespmem:s0+$0x0] =	vst.add.f32.msk $0xffff, v10  }
0x377: {  	s0 =	sor.u32 $0x10, s14;
	[tilespmem:s14+$0x0] =	vst.add.f32.msk $0xffff, v11  }
0x378: {  	[tilespmem:s0+$0x0] =	vst.add.f32.msk $0xffff, v12;
	s0 =	sor.u32 $0x20, s14  }
0x379: {  	[tilespmem:s0+$0x0] =	vst.add.f32.msk $0xffff, v13;
	s0 =	sor.u32 $0x30, s14  }
0x37a: {  	[tilespmem:s0+$0x0] =	vst.add.f32.msk $0xffff, v14;
	s0 =	sor.u32 $0x40, s14  }
0x37b: {  	[tilespmem:s0+$0x0] =	vst.add.f32.msk $0xffff, v15;
	s0 =	sor.u32 $0x50, s14  }
0x37c: {  	[tilespmem:s0+$0x0] =	vst.add.f32.msk $0xffff, v16;
	s0 =	sor.u32 $0x60, s14  }
0x37d: {  	[tilespmem:s0+$0x0] =	vst.add.f32.msk $0xffff, v17;
	s0 =	sor.u32 $0x70, s14  }
0x37e: {  	[tilespmem:s0+$0x0] =	vst.add.f32.msk $0xffff, v20  }
0x37f: {  	s0 =	sor.u32 $0x10, s7;
	[tilespmem:s7+$0x0] =	vst.add.f32.msk $0xffff, v25  }
0x380: {  	[tilespmem:s0+$0x0] =	vst.add.f32.msk $0xffff, v21;
	s0 =	sor.u32 $0x20, s7  }
0x381: {  	[tilespmem:s0+$0x0] =	vst.add.f32.msk $0xffff, v22;
	s0 =	sor.u32 $0x30, s7  }
0x382: {  	[tilespmem:s0+$0x0] =	vst.add.f32.msk $0xffff, v23;
	s0 =	sor.u32 $0x40, s7  }
0x383: {  	[tilespmem:s0+$0x0] =	vst.add.f32.msk $0xffff, v24;
	s0 =	sor.u32 $0x50, s7  }
0x384: {  	[tilespmem:s0+$0x0] =	vst.add.f32.msk $0xffff, v18;
	s0 =	sor.u32 $0x60, s7  }
0x385: {  	[tilespmem:s0+$0x0] =	vst.add.f32.msk $0xffff, v19;
	s0 =	sor.u32 $0x70, s7  }
0x386: {  	[tilespmem:s0+$0x0] =	vst.add.f32.msk $0xffff, v26  }
0x387: {  	s0 =	sor.u32 $0x10, s12;
	[tilespmem:s12+$0x0] =	vst.add.f32.msk $0xffff, v3  }
0x388: {  	[tilespmem:s0+$0x0] =	vst.add.f32.msk $0xffff, v4;
	s0 =	sor.u32 $0x20, s12  }
0x389: {  	[tilespmem:s0+$0x0] =	vst.add.f32.msk $0xffff, v5;
	s0 =	sor.u32 $0x30, s12  }
0x38a: {  	[tilespmem:s0+$0x0] =	vst.add.f32.msk $0xffff, v6;
	s0 =	sor.u32 $0x40, s12  }
0x38b: {  	[tilespmem:s0+$0x0] =	vst.add.f32.msk $0xffff, v7;
	s0 =	sor.u32 $0x50, s12  }
0x38c: {  	[tilespmem:s0+$0x0] =	vst.add.f32.msk $0xffff, v8;
	s0 =	sor.u32 $0x60, s12  }
0x38d: {  	[tilespmem:s0+$0x0] =	vst.add.f32.msk $0xffff, v9;
	s0 =	sor.u32 $0x70, s12  }
0x38e: {  	[tilespmem:s0+$0x0] =	vst.add.f32.msk $0xffff, v10  }
0x38f: {  	s0 =	sor.u32 $0x10, s5;
	[tilespmem:s5+$0x0] =	vst.add.f32.msk $0xffff, v11  }
0x390: {  	[tilespmem:s0+$0x0] =	vst.add.f32.msk $0xffff, v12;
	s0 =	sor.u32 $0x20, s5  }
0x391: {  	[tilespmem:s0+$0x0] =	vst.add.f32.msk $0xffff, v13;
	s0 =	sor.u32 $0x30, s5  }
0x392: {  	[tilespmem:s0+$0x0] =	vst.add.f32.msk $0xffff, v14;
	s0 =	sor.u32 $0x40, s5  }
.Ltmp2:
0x393: {  	[tilespmem:s0+$0x0] =	vst.add.f32.msk $0xffff, v15;
	s0 =	sor.u32 $0x50, s5;
	(pc) =	sbr.rel @p2 .LBB2_7-.Ltmp2, $4  }
0x394: {  	[tilespmem:s0+$0x0] =	vst.add.f32.msk $0xffff, v16;
	s0 =	sor.u32 $0x60, s5  }
0x395: {  	[tilespmem:s0+$0x0] =	vst.add.f32.msk $0xffff, v17;
	s0 =	sor.u32 $0x70, s5  }
0x396: {  	[tilespmem:s0+$0x0] =	vst.add.f32.msk $0xffff, v20  }
0x397: {  	s0 =	sor.u32 $0x10, s23;
	[tilespmem:s23+$0x0] =	vst.add.f32.msk $0xffff, v25  }
0x398: {  	[tilespmem:s0+$0x0] =	vst.add.f32.msk $0xffff, v21  }
0x399: {  	s11 =	sor.u32 $0x30, s23;
	[tilespmem:s2+$0x0] =	vst.add.f32.msk $0xffff, v22  }
0x39a: {  	s12 =	sor.u32 $0x40, s23;
	[tilespmem:s11+$0x0] =	vst.add.f32.msk $0xffff, v23  }
0x39b: {  	s13 =	sor.u32 $0x50, s23;
	[tilespmem:s12+$0x0] =	vst.add.f32.msk $0xffff, v24  }
0x39c: {  	s14 =	sor.u32 $0x60, s23;
	[tilespmem:s13+$0x0] =	vst.add.f32.msk $0xffff, v18  }
0x39d: {  	s16 =	sor.u32 $0x70, s23;
	[tilespmem:s14+$0x0] =	vst.add.f32.msk $0xffff, v19  }
0x39e: {  	s0 =	simm.s32 @!p0 $0xB;
	[tilespmem:s16+$0x0] =	vst.add.f32.msk $0xffff, v26  }
0x39f: {  	_ =	swait.ge @!p0 [sflag:s0], $0x600  }
0x3a0: {  	s18 =	simm.s32 $0x19000;
	[sflag:s0] =	ssyncset.done @!p0 $0x0  }
0x3a1: {  	s20 =	simm.s32 $0x7;
	s3 =	rddreg [dreg:$0xc];
	[sflag:s0] =	ssyncadd.s32 @!p0 $0xFFFFFA00  }
0x3a2: {  	[spmem:s3] =	stream.linear.scatter [tilespmem:s18], [sflag:$0x7], $0x3000, $0x38;
	[tilespmem:$0x1F000] =	vst v63  }
0x3a3: {  	_ =	swait.ge [sflag:s20], $0x3000  }
0x3a4: {  	s23 =	rddreg [dreg:$0xd]  }
0x3a5: {  	s0 =	sadd.s32 s28, s23  }
0x3a6: {  	s3 =	sshrl.u32 s3, $0x3;
	[sflag:s20] =	ssyncset.done $0x0;
	s0 =	sshrl.u32 s0, $0x3  }
0x3a7: {  	[sflag:s20] =	ssyncadd.s32 $0xFFFFD000;
	s28 =	sor.u32 $0x1C0B, s22;
	s0 =	sadd.s32 s17, s0  }
0x3a8: {  	[hbm:s0], [sflag:s28] =	dma.local [spmem:s3], $0x600  }
0x3a9: {  	v3 =	vld @!p1 [tilespmem:s30+$0x40];
	_ =	sdelay $0x4  }
0x3aa: {  	v4 =	vshrl.u32 @!p1 v3, $0x3  }
0x3ab: {  	v4 =	vmul.u32 @!p1 $0x18, v4  }
0x3ac: {  	v5 =	vlaneseq.u32 @!p1;
	v3 =	vand.u32 @!p1 $0x7, v3  }
0x3ad: {  	v6 =	vshrl.u32 @!p1 v5, $0x3;
	v3 =	vor.u32 @!p1 v3, v4;
	v4 =	vand.u32 @!p1 $0x7, v5  }
0x3ae: {  	v6 =	vmul.u32 @!p1 $0x8, v6;
	v7 =	vperm.xlane @!p1 v3, v4;
	_ =	sdelay $0x1  }
0x3af: {  	v7 =	vadd.s32 @!p1 v6, v7  }
0x3b0: {  	v5 =	vor.u32 @!p1 $0x8, v5  }
0x3b1: {  	v3 =	vperm.xlane @!p1 v3, v5;
	_ =	sdelay $0x1  }
0x3b2: {  	s2 =	simm.s32 @!p1 $0x19000;
	s0 =	simm.s32 @!p1 $0x0;
	v3 =	vadd.s32 @!p1 v6, v3  }
0x3b3: {  	[tilespmem:s2], [sflag:$0x3] =	stream.indirect_vreg.gather @!p1 [hbm4b:s1+s0], $0x80, v7, vm2, $0xb8;
	[tilespmem:$0x1F000] =	vst v63  }
0x3b4: {  	s2 =	simm.s32 @!p1 $0x19800  }
0x3b5: {  	[tilespmem:s2], [sflag:$0x3] =	stream.indirect_vreg.gather @!p1 [hbm4b:s9+s0], $0x80, v7, vm3, $0xb8;
	[tilespmem:$0x1F000] =	vst v63  }
0x3b6: {  	s2 =	simm.s32 @!p1 $0x19C00  }
0x3b7: {  	[tilespmem:s2], [sflag:$0x3] =	stream.indirect_vreg.gather @!p1 [hbm4b:s1+s0], $0x80, v3, vm2, $0xb8;
	[tilespmem:$0x1F000] =	vst v63  }
0x3b8: {  	s2 =	simm.s32 @!p1 $0x1A400  }
0x3b9: {  	[tilespmem:s2], [sflag:$0x3] =	stream.indirect_vreg.gather @!p1 [hbm4b:s9+s0], $0x80, v3, vm3, $0xb8;
	[tilespmem:$0x1F000] =	vst v63  }
0x3ba: {  	v3 =	vld @!p1 [tilespmem:s30+$0x50];
	_ =	sdelay $0x4  }
0x3bb: {  	v7 =	vshrl.u32 @!p1 v3, $0x3  }
0x3bc: {  	v7 =	vmul.u32 @!p1 $0x18, v7  }
0x3bd: {  	v3 =	vand.u32 @!p1 $0x7, v3  }
0x3be: {  	v3 =	vor.u32 @!p1 v3, v7  }
0x3bf: {  	v4 =	vperm.xlane @!p1 v3, v4;
	_ =	sdelay $0x1  }
0x3c0: {  	v4 =	vadd.s32 @!p1 v6, v4;
	_ =	sdelay $0x1  }
0x3c1: {  	v3 =	vperm.xlane @!p1 v3, v5;
	_ =	sdelay $0x1  }
0x3c2: {  	s2 =	simm.s32 @!p1 $0x1A800;
	v3 =	vadd.s32 @!p1 v6, v3  }
0x3c3: {  	[tilespmem:s2], [sflag:$0x3] =	stream.indirect_vreg.gather @!p1 [hbm4b:s1+s0], $0x80, v4, vm2, $0xb8;
	[tilespmem:$0x1F000] =	vst v63  }
0x3c4: {  	s2 =	simm.s32 @!p1 $0x1B000  }
0x3c5: {  	[tilespmem:s2], [sflag:$0x3] =	stream.indirect_vreg.gather @!p1 [hbm4b:s9+s0], $0x80, v4, vm3, $0xb8;
	[tilespmem:$0x1F000] =	vst v63  }
0x3c6: {  	s2 =	simm.s32 @!p1 $0x1B400  }
0x3c7: {  	[tilespmem:s2], [sflag:$0x3] =	stream.indirect_vreg.gather @!p1 [hbm4b:s1+s0], $0x80, v3, vm2, $0xb8;
	[tilespmem:$0x1F000] =	vst v63  }
0x3c8: {  	s2 =	simm.s32 @!p1 $0x1BC00  }
0x3c9: {  	[tilespmem:s2], [sflag:$0x3] =	stream.indirect_vreg.gather @!p1 [hbm4b:s9+s0], $0x80, v3, vm3, $0xb8;
	[tilespmem:$0x1F000] =	vst v63  }
0x3ca: {  	_ =	swait.ge [sflag:s19], $0x1800  }
0x3cb: {  	[sflag:s19] =	ssyncset.done $0x0  }
0x3cc: {  	[sflag:s19] =	ssyncadd.s32 $0xFFFFE800  }
0x3cd: {  	_ =	swait.ge [sflag:s19], $0x1800  }
0x3ce: {  	[sflag:s19] =	ssyncset.done $0x0  }
0x3cf: {  	[sflag:s19] =	ssyncadd.s32 $0xFFFFE800  }
0x3d0: {  	v3 =	vld [tilespmem:s21+$0x1C00]  }
0x3d1: {  	v4 =	vld [tilespmem:s26+$0x10]  }
0x3d2: {  	v5 =	vld [tilespmem:s26+$0x20]  }
0x3d3: {  	v6 =	vld [tilespmem:s26+$0x30]  }
0x3d4: {  	v7 =	vld [tilespmem:s26+$0x40]  }
0x3d5: {  	v8 =	vld [tilespmem:s26+$0x50]  }
0x3d6: {  	v9 =	vld [tilespmem:s26+$0x60]  }
0x3d7: {  	v10 =	vld [tilespmem:s26+$0x70]  }
0x3d8: {  	v11 =	vld [tilespmem:s21+$0x2000]  }
0x3d9: {  	v12 =	vld [tilespmem:s25+$0x10]  }
0x3da: {  	v13 =	vld [tilespmem:s25+$0x20]  }
0x3db: {  	v14 =	vld [tilespmem:s25+$0x30]  }
0x3dc: {  	v15 =	vld [tilespmem:s25+$0x40]  }
0x3dd: {  	v16 =	vld [tilespmem:s25+$0x50]  }
0x3de: {  	v17 =	vld [tilespmem:s25+$0x60]  }
0x3df: {  	v20 =	vld [tilespmem:s25+$0x70]  }
0x3e0: {  	v25 =	vld [tilespmem:s21+$0x2400]  }
0x3e1: {  	v21 =	vld [tilespmem:s24+$0x10]  }
0x3e2: {  	s29 =	simm.s32 $0x0;
	v22 =	vld [tilespmem:s24+$0x20]  }
0x3e3: {  	s0 =	smul.u32 $0x3000, s29;
	v23 =	vld [tilespmem:s24+$0x30]  }
0x3e4: {  	v24 =	vld [tilespmem:s24+$0x40]  }
0x3e5: {  	s20 =	simm.s32 $0x0;
	s0 =	sshra.s32 s0, $0x2;
	v18 =	vld [tilespmem:s24+$0x50]  }
0x3e6: {  	s12 =	sand.u32 $0x200, s20;
	s5 =	sadd.s32 $0x1C000, s0;
	v19 =	vld [tilespmem:s24+$0x60]  }
0x3e7: {  	s30 =	sor.u32 s12, s5;
	v26 =	vld [tilespmem:s24+$0x70]  }
0x3e8: {  	s6 =	sor.u32 $0x10, s30;
	[tilespmem:s30+$0x0] =	vst.add.f32.msk $0xffff, v3  }
0x3e9: {  	s7 =	sor.u32 $0x20, s30;
	[tilespmem:s6+$0x0] =	vst.add.f32.msk $0xffff, v4  }
0x3ea: {  	s8 =	sor.u32 $0x30, s30;
	[tilespmem:s7+$0x0] =	vst.add.f32.msk $0xffff, v5  }
0x3eb: {  	s10 =	sor.u32 $0x40, s30;
	[tilespmem:s8+$0x0] =	vst.add.f32.msk $0xffff, v6  }
0x3ec: {  	s11 =	sor.u32 $0x50, s30;
	[tilespmem:s10+$0x0] =	vst.add.f32.msk $0xffff, v7  }
0x3ed: {  	s6 =	sor.u32 $0x60, s30;
	[tilespmem:s11+$0x0] =	vst.add.f32.msk $0xffff, v8  }
0x3ee: {  	s2 =	sadd.s32 $0x1C400, s0;
	s3 =	sor.u32 $0x70, s30;
	[tilespmem:s6+$0x0] =	vst.add.f32.msk $0xffff, v9  }
0x3ef: {  	s13 =	sor.u32 s12, s2;
	[tilespmem:s3+$0x0] =	vst.add.f32.msk $0xffff, v10  }
0x3f0: {  	s14 =	sor.u32 $0x10, s13;
	[tilespmem:s13+$0x0] =	vst.add.f32.msk $0xffff, v11  }
0x3f1: {  	s16 =	sor.u32 $0x20, s13;
	[tilespmem:s14+$0x0] =	vst.add.f32.msk $0xffff, v12  }
0x3f2: {  	s31 =	smov.u32 s17;
	s17 =	sor.u32 $0x30, s13;
	[tilespmem:s16+$0x0] =	vst.add.f32.msk $0xffff, v13  }
0x3f3: {  	s18 =	sor.u32 $0x40, s13;
	[tilespmem:s17+$0x0] =	vst.add.f32.msk $0xffff, v14  }
0x3f4: {  	s21 =	sor.u32 $0x50, s13;
	[tilespmem:s18+$0x0] =	vst.add.f32.msk $0xffff, v15  }
0x3f5: {  	s23 =	sor.u32 $0x60, s13;
	[tilespmem:s21+$0x0] =	vst.add.f32.msk $0xffff, v16  }
0x3f6: {  	s24 =	sor.u32 $0x70, s13;
	s7 =	sadd.s32 $0x1C800, s0;
	[tilespmem:s23+$0x0] =	vst.add.f32.msk $0xffff, v17  }
0x3f7: {  	s25 =	sor.u32 s12, s7;
	[tilespmem:s24+$0x0] =	vst.add.f32.msk $0xffff, v20  }
0x3f8: {  	s26 =	sor.u32 $0x10, s25;
	[tilespmem:s25+$0x0] =	vst.add.f32.msk $0xffff, v25  }
0x3f9: {  	s28 =	sor.u32 $0x20, s25;
	[tilespmem:s26+$0x0] =	vst.add.f32.msk $0xffff, v21  }
0x3fa: {  	s29 =	sor.u32 $0x30, s25;
	[tilespmem:s28+$0x0] =	vst.add.f32.msk $0xffff, v22  }
0x3fb: {  	s30 =	sor.u32 $0x40, s25;
	[tilespmem:s29+$0x0] =	vst.add.f32.msk $0xffff, v23  }
0x3fc: {  	s6 =	sor.u32 $0x50, s25;
	[tilespmem:s30+$0x0] =	vst.add.f32.msk $0xffff, v24  }
0x3fd: {  	s8 =	sor.u32 $0x60, s25;
	[tilespmem:s6+$0x0] =	vst.add.f32.msk $0xffff, v18  }
0x3fe: {  	s10 =	sor.u32 $0x70, s25;
	s6 =	sor.u32 $0x80, s12;
	[tilespmem:s8+$0x0] =	vst.add.f32.msk $0xffff, v19  }
0x3ff: {  	s11 =	sor.u32 s6, s5;
	[tilespmem:s10+$0x0] =	vst.add.f32.msk $0xffff, v26  }
0x400: {  	s13 =	sor.u32 $0x10, s11;
	[tilespmem:s11+$0x0] =	vst.add.f32.msk $0xffff, v3  }
0x401: {  	s14 =	sor.u32 $0x20, s11;
	[tilespmem:s13+$0x0] =	vst.add.f32.msk $0xffff, v4  }
0x402: {  	s16 =	sor.u32 $0x30, s11;
	[tilespmem:s14+$0x0] =	vst.add.f32.msk $0xffff, v5  }
0x403: {  	s17 =	sor.u32 $0x40, s11;
	[tilespmem:s16+$0x0] =	vst.add.f32.msk $0xffff, v6  }
0x404: {  	s18 =	sor.u32 $0x50, s11;
	[tilespmem:s17+$0x0] =	vst.add.f32.msk $0xffff, v7  }
0x405: {  	s21 =	sor.u32 $0x60, s11;
	[tilespmem:s18+$0x0] =	vst.add.f32.msk $0xffff, v8  }
0x406: {  	s23 =	sor.u32 $0x70, s11;
	[tilespmem:s21+$0x0] =	vst.add.f32.msk $0xffff, v9  }
0x407: {  	s24 =	sor.u32 s6, s2;
	[tilespmem:s23+$0x0] =	vst.add.f32.msk $0xffff, v10  }
0x408: {  	s25 =	sor.u32 $0x10, s24;
	[tilespmem:s24+$0x0] =	vst.add.f32.msk $0xffff, v11  }
0x409: {  	s26 =	sor.u32 $0x20, s24;
	[tilespmem:s25+$0x0] =	vst.add.f32.msk $0xffff, v12  }
0x40a: {  	s28 =	sor.u32 $0x30, s24;
	[tilespmem:s26+$0x0] =	vst.add.f32.msk $0xffff, v13  }
0x40b: {  	s29 =	sor.u32 $0x40, s24;
	[tilespmem:s28+$0x0] =	vst.add.f32.msk $0xffff, v14  }
0x40c: {  	s30 =	sor.u32 $0x50, s24;
	[tilespmem:s29+$0x0] =	vst.add.f32.msk $0xffff, v15  }
0x40d: {  	s8 =	sor.u32 $0x60, s24;
	[tilespmem:s30+$0x0] =	vst.add.f32.msk $0xffff, v16  }
0x40e: {  	s10 =	sor.u32 $0x70, s24;
	[tilespmem:s8+$0x0] =	vst.add.f32.msk $0xffff, v17  }
0x40f: {  	s11 =	sor.u32 s6, s7;
	[tilespmem:s10+$0x0] =	vst.add.f32.msk $0xffff, v20  }
0x410: {  	s13 =	sor.u32 $0x10, s11;
	[tilespmem:s11+$0x0] =	vst.add.f32.msk $0xffff, v25  }
0x411: {  	s14 =	sor.u32 $0x20, s11;
	[tilespmem:s13+$0x0] =	vst.add.f32.msk $0xffff, v21  }
0x412: {  	s16 =	sor.u32 $0x30, s11;
	[tilespmem:s14+$0x0] =	vst.add.f32.msk $0xffff, v22  }
0x413: {  	s17 =	sor.u32 $0x40, s11;
	[tilespmem:s16+$0x0] =	vst.add.f32.msk $0xffff, v23  }
0x414: {  	s18 =	sor.u32 $0x50, s11;
	[tilespmem:s17+$0x0] =	vst.add.f32.msk $0xffff, v24  }
0x415: {  	s21 =	sor.u32 $0x60, s11;
	[tilespmem:s18+$0x0] =	vst.add.f32.msk $0xffff, v18  }
0x416: {  	s6 =	sor.u32 $0x100, s12;
	s23 =	sor.u32 $0x70, s11;
	[tilespmem:s21+$0x0] =	vst.add.f32.msk $0xffff, v19  }
0x417: {  	s24 =	sor.u32 s6, s5;
	[tilespmem:s23+$0x0] =	vst.add.f32.msk $0xffff, v26  }
0x418: {  	s25 =	sor.u32 $0x10, s24;
	[tilespmem:s24+$0x0] =	vst.add.f32.msk $0xffff, v3  }
0x419: {  	s26 =	sor.u32 $0x20, s24;
	[tilespmem:s25+$0x0] =	vst.add.f32.msk $0xffff, v4  }
0x41a: {  	s28 =	sor.u32 $0x30, s24;
	[tilespmem:s26+$0x0] =	vst.add.f32.msk $0xffff, v5  }
0x41b: {  	s29 =	sor.u32 $0x40, s24;
	[tilespmem:s28+$0x0] =	vst.add.f32.msk $0xffff, v6  }
0x41c: {  	s30 =	sor.u32 $0x50, s24;
	[tilespmem:s29+$0x0] =	vst.add.f32.msk $0xffff, v7  }
0x41d: {  	s8 =	sor.u32 $0x60, s24;
	[tilespmem:s30+$0x0] =	vst.add.f32.msk $0xffff, v8  }
0x41e: {  	s10 =	sor.u32 $0x70, s24;
	[tilespmem:s8+$0x0] =	vst.add.f32.msk $0xffff, v9  }
0x41f: {  	s11 =	sor.u32 s6, s2;
	[tilespmem:s10+$0x0] =	vst.add.f32.msk $0xffff, v10  }
0x420: {  	s13 =	sor.u32 $0x10, s11;
	[tilespmem:s11+$0x0] =	vst.add.f32.msk $0xffff, v11  }
0x421: {  	s14 =	sor.u32 $0x20, s11;
	[tilespmem:s13+$0x0] =	vst.add.f32.msk $0xffff, v12  }
0x422: {  	s16 =	sor.u32 $0x30, s11;
	[tilespmem:s14+$0x0] =	vst.add.f32.msk $0xffff, v13  }
0x423: {  	s17 =	sor.u32 $0x40, s11;
	[tilespmem:s16+$0x0] =	vst.add.f32.msk $0xffff, v14  }
0x424: {  	s18 =	sor.u32 $0x50, s11;
	[tilespmem:s17+$0x0] =	vst.add.f32.msk $0xffff, v15  }
0x425: {  	s21 =	sor.u32 $0x60, s11;
	[tilespmem:s18+$0x0] =	vst.add.f32.msk $0xffff, v16  }
0x426: {  	s23 =	sor.u32 $0x70, s11;
	[tilespmem:s21+$0x0] =	vst.add.f32.msk $0xffff, v17  }
0x427: {  	s24 =	sor.u32 s6, s7;
	[tilespmem:s23+$0x0] =	vst.add.f32.msk $0xffff, v20  }
0x428: {  	s25 =	sor.u32 $0x10, s24;
	[tilespmem:s24+$0x0] =	vst.add.f32.msk $0xffff, v25  }
0x429: {  	s26 =	sor.u32 $0x20, s24;
	[tilespmem:s25+$0x0] =	vst.add.f32.msk $0xffff, v21  }
0x42a: {  	s28 =	sor.u32 $0x30, s24;
	[tilespmem:s26+$0x0] =	vst.add.f32.msk $0xffff, v22  }
0x42b: {  	s29 =	sor.u32 $0x40, s24;
	[tilespmem:s28+$0x0] =	vst.add.f32.msk $0xffff, v23  }
0x42c: {  	s30 =	sor.u32 $0x50, s24;
	[tilespmem:s29+$0x0] =	vst.add.f32.msk $0xffff, v24  }
0x42d: {  	s6 =	sor.u32 $0x60, s24;
	[tilespmem:s30+$0x0] =	vst.add.f32.msk $0xffff, v18  }
0x42e: {  	s8 =	sor.u32 $0x180, s12;
	s10 =	sor.u32 $0x70, s24;
	[tilespmem:s6+$0x0] =	vst.add.f32.msk $0xffff, v19  }
0x42f: {  	s11 =	sor.u32 s8, s5;
	[tilespmem:s10+$0x0] =	vst.add.f32.msk $0xffff, v26  }
0x430: {  	s12 =	sor.u32 $0x10, s11;
	[tilespmem:s11+$0x0] =	vst.add.f32.msk $0xffff, v3  }
0x431: {  	s13 =	sor.u32 $0x20, s11;
	[tilespmem:s12+$0x0] =	vst.add.f32.msk $0xffff, v4  }
0x432: {  	s14 =	sor.u32 $0x30, s11;
	[tilespmem:s13+$0x0] =	vst.add.f32.msk $0xffff, v5  }
0x433: {  	s16 =	sor.u32 $0x40, s11;
	[tilespmem:s14+$0x0] =	vst.add.f32.msk $0xffff, v6  }
0x434: {  	s17 =	sor.u32 $0x50, s11;
	[tilespmem:s16+$0x0] =	vst.add.f32.msk $0xffff, v7  }
0x435: {  	s18 =	sor.u32 $0x60, s11;
	[tilespmem:s17+$0x0] =	vst.add.f32.msk $0xffff, v8  }
0x436: {  	s21 =	sor.u32 $0x70, s11;
	[tilespmem:s18+$0x0] =	vst.add.f32.msk $0xffff, v9  }
0x437: {  	s2 =	sor.u32 s8, s2;
	[tilespmem:s21+$0x0] =	vst.add.f32.msk $0xffff, v10  }
0x438: {  	s23 =	sor.u32 $0x10, s2;
	[tilespmem:s2+$0x0] =	vst.add.f32.msk $0xffff, v11  }
0x439: {  	s24 =	sor.u32 $0x20, s2;
	[tilespmem:s23+$0x0] =	vst.add.f32.msk $0xffff, v12  }
0x43a: {  	s25 =	sor.u32 $0x30, s2;
	[tilespmem:s24+$0x0] =	vst.add.f32.msk $0xffff, v13  }
0x43b: {  	s26 =	sor.u32 $0x40, s2;
	[tilespmem:s25+$0x0] =	vst.add.f32.msk $0xffff, v14  }
0x43c: {  	s28 =	sor.u32 $0x50, s2;
	[tilespmem:s26+$0x0] =	vst.add.f32.msk $0xffff, v15  }
0x43d: {  	s29 =	sor.u32 $0x60, s2;
	[tilespmem:s28+$0x0] =	vst.add.f32.msk $0xffff, v16  }
0x43e: {  	s30 =	sor.u32 $0x70, s2;
	[tilespmem:s29+$0x0] =	vst.add.f32.msk $0xffff, v17  }
0x43f: {  	s23 =	sor.u32 s8, s7;
	[tilespmem:s30+$0x0] =	vst.add.f32.msk $0xffff, v20  }
0x440: {  	s21 =	simm.s32 $0x0;
	s2 =	sor.u32 $0x20, s23;
	s0 =	sor.u32 $0x10, s23;
	[tilespmem:s23+$0x0] =	vst.add.f32.msk $0xffff, v25  }
.LBB2_9:
0x441: {  	s21 =	sadd.s32 $0x4, s21;
	[tilespmem:s0+$0x0] =	vst.add.f32.msk $0xffff, v21  }
0x442: {  	s0 =	sshrl.u32 s21, $0x3;
	p1 =	slt.u32 s21, $0x1C;
	[tilespmem:s2+$0x0] =	vst.add.f32.msk $0xffff, v22;
	s2 =	sor.u32 $0x30, s23  }
0x443: {  	s0 =	smul.u32 $0x3000, s0;
	[tilespmem:s2+$0x0] =	vst.add.f32.msk $0xffff, v23;
	s2 =	sor.u32 $0x40, s23  }
0x444: {  	s20 =	sadd.s32 $0x200, s20;
	[tilespmem:s2+$0x0] =	vst.add.f32.msk $0xffff, v24;
	s2 =	sor.u32 $0x50, s23  }
0x445: {  	s3 =	sor.u32 $0x70, s23;
	s0 =	sshra.s32 s0, $0x2;
	[tilespmem:s2+$0x0] =	vst.add.f32.msk $0xffff, v18;
	s2 =	sor.u32 $0x60, s23  }
0x446: {  	s5 =	sand.u32 $0x200, s20;
	s6 =	sadd.s32 $0x1C000, s0;
	s10 =	sadd.s32 $0x1C400, s0;
	[tilespmem:s2+$0x0] =	vst.add.f32.msk $0xffff, v19  }
0x447: {  	s13 =	sadd.s32 $0x1C800, s0;
	s2 =	sor.u32 s5, s6;
	s11 =	sor.u32 s5, s10;
	[tilespmem:s3+$0x0] =	vst.add.f32.msk $0xffff, v26  }
0x448: {  	s7 =	sor.u32 $0x80, s5;
	s3 =	sor.u32 s5, s13;
	[tilespmem:s2+$0x0] =	vst.add.f32.msk $0xffff, v3;
	s0 =	sor.u32 $0x10, s2  }
0x449: {  	s16 =	sor.u32 s7, s6;
	s8 =	sor.u32 s7, s10;
	[tilespmem:s0+$0x0] =	vst.add.f32.msk $0xffff, v4;
	s0 =	sor.u32 $0x20, s2  }
0x44a: {  	s12 =	sor.u32 $0x30, s2;
	[tilespmem:s0+$0x0] =	vst.add.f32.msk $0xffff, v5;
	s0 =	sor.u32 s7, s13;
	s7 =	sor.u32 $0x100, s5  }
0x44b: {  	[tilespmem:s12+$0x0] =	vst.add.f32.msk $0xffff, v6;
	s12 =	sor.u32 $0x40, s2;
	s18 =	sor.u32 s7, s6;
	s14 =	sor.u32 s7, s10  }
0x44c: {  	s23 =	sor.u32 $0x180, s5;
	s7 =	sor.u32 s7, s13;
	[tilespmem:s12+$0x0] =	vst.add.f32.msk $0xffff, v7;
	s12 =	sor.u32 $0x50, s2  }
0x44d: {  	s24 =	sor.u32 $0x60, s2;
	s5 =	sor.u32 s23, s10;
	[tilespmem:s12+$0x0] =	vst.add.f32.msk $0xffff, v8;
	s12 =	sor.u32 s23, s6  }
0x44e: {  	s2 =	sor.u32 $0x70, s2;
	s23 =	sor.u32 s23, s13;
	[tilespmem:s24+$0x0] =	vst.add.f32.msk $0xffff, v9  }
0x44f: {  	[tilespmem:s2+$0x0] =	vst.add.f32.msk $0xffff, v10;
	s2 =	sor.u32 $0x20, s23  }
0x450: {  	s6 =	sor.u32 $0x10, s11;
	[tilespmem:s11+$0x0] =	vst.add.f32.msk $0xffff, v11  }
0x451: {  	[tilespmem:s6+$0x0] =	vst.add.f32.msk $0xffff, v12;
	s6 =	sor.u32 $0x20, s11  }
0x452: {  	[tilespmem:s6+$0x0] =	vst.add.f32.msk $0xffff, v13;
	s6 =	sor.u32 $0x30, s11  }
0x453: {  	[tilespmem:s6+$0x0] =	vst.add.f32.msk $0xffff, v14;
	s6 =	sor.u32 $0x40, s11  }
0x454: {  	[tilespmem:s6+$0x0] =	vst.add.f32.msk $0xffff, v15;
	s6 =	sor.u32 $0x50, s11  }
0x455: {  	[tilespmem:s6+$0x0] =	vst.add.f32.msk $0xffff, v16;
	s6 =	sor.u32 $0x60, s11  }
0x456: {  	[tilespmem:s6+$0x0] =	vst.add.f32.msk $0xffff, v17;
	s6 =	sor.u32 $0x70, s11  }
0x457: {  	[tilespmem:s6+$0x0] =	vst.add.f32.msk $0xffff, v20  }
0x458: {  	s6 =	sor.u32 $0x10, s3;
	[tilespmem:s3+$0x0] =	vst.add.f32.msk $0xffff, v25  }
0x459: {  	[tilespmem:s6+$0x0] =	vst.add.f32.msk $0xffff, v21;
	s6 =	sor.u32 $0x20, s3  }
0x45a: {  	[tilespmem:s6+$0x0] =	vst.add.f32.msk $0xffff, v22;
	s6 =	sor.u32 $0x30, s3  }
0x45b: {  	[tilespmem:s6+$0x0] =	vst.add.f32.msk $0xffff, v23;
	s6 =	sor.u32 $0x40, s3  }
0x45c: {  	[tilespmem:s6+$0x0] =	vst.add.f32.msk $0xffff, v24;
	s6 =	sor.u32 $0x50, s3  }
0x45d: {  	[tilespmem:s6+$0x0] =	vst.add.f32.msk $0xffff, v18;
	s6 =	sor.u32 $0x60, s3  }
0x45e: {  	s3 =	sor.u32 $0x70, s3;
	[tilespmem:s6+$0x0] =	vst.add.f32.msk $0xffff, v19  }
0x45f: {  	[tilespmem:s3+$0x0] =	vst.add.f32.msk $0xffff, v26  }
0x460: {  	s3 =	sor.u32 $0x10, s16;
	[tilespmem:s16+$0x0] =	vst.add.f32.msk $0xffff, v3  }
0x461: {  	[tilespmem:s3+$0x0] =	vst.add.f32.msk $0xffff, v4;
	s3 =	sor.u32 $0x20, s16  }
0x462: {  	[tilespmem:s3+$0x0] =	vst.add.f32.msk $0xffff, v5;
	s3 =	sor.u32 $0x30, s16  }
0x463: {  	[tilespmem:s3+$0x0] =	vst.add.f32.msk $0xffff, v6;
	s3 =	sor.u32 $0x40, s16  }
0x464: {  	[tilespmem:s3+$0x0] =	vst.add.f32.msk $0xffff, v7;
	s3 =	sor.u32 $0x50, s16  }
0x465: {  	[tilespmem:s3+$0x0] =	vst.add.f32.msk $0xffff, v8;
	s3 =	sor.u32 $0x60, s16  }
0x466: {  	[tilespmem:s3+$0x0] =	vst.add.f32.msk $0xffff, v9;
	s3 =	sor.u32 $0x70, s16  }
0x467: {  	[tilespmem:s3+$0x0] =	vst.add.f32.msk $0xffff, v10  }
0x468: {  	s3 =	sor.u32 $0x10, s8;
	[tilespmem:s8+$0x0] =	vst.add.f32.msk $0xffff, v11  }
0x469: {  	[tilespmem:s3+$0x0] =	vst.add.f32.msk $0xffff, v12;
	s3 =	sor.u32 $0x20, s8  }
0x46a: {  	[tilespmem:s3+$0x0] =	vst.add.f32.msk $0xffff, v13;
	s3 =	sor.u32 $0x30, s8  }
0x46b: {  	[tilespmem:s3+$0x0] =	vst.add.f32.msk $0xffff, v14;
	s3 =	sor.u32 $0x40, s8  }
0x46c: {  	[tilespmem:s3+$0x0] =	vst.add.f32.msk $0xffff, v15;
	s3 =	sor.u32 $0x50, s8  }
0x46d: {  	[tilespmem:s3+$0x0] =	vst.add.f32.msk $0xffff, v16;
	s3 =	sor.u32 $0x60, s8  }
0x46e: {  	[tilespmem:s3+$0x0] =	vst.add.f32.msk $0xffff, v17;
	s3 =	sor.u32 $0x70, s8  }
0x46f: {  	[tilespmem:s3+$0x0] =	vst.add.f32.msk $0xffff, v20  }
0x470: {  	s3 =	sor.u32 $0x10, s0;
	[tilespmem:s0+$0x0] =	vst.add.f32.msk $0xffff, v25  }
0x471: {  	[tilespmem:s3+$0x0] =	vst.add.f32.msk $0xffff, v21;
	s3 =	sor.u32 $0x20, s0  }
0x472: {  	[tilespmem:s3+$0x0] =	vst.add.f32.msk $0xffff, v22;
	s3 =	sor.u32 $0x30, s0  }
0x473: {  	[tilespmem:s3+$0x0] =	vst.add.f32.msk $0xffff, v23;
	s3 =	sor.u32 $0x40, s0  }
0x474: {  	[tilespmem:s3+$0x0] =	vst.add.f32.msk $0xffff, v24;
	s3 =	sor.u32 $0x50, s0  }
0x475: {  	[tilespmem:s3+$0x0] =	vst.add.f32.msk $0xffff, v18;
	s3 =	sor.u32 $0x60, s0  }
0x476: {  	s0 =	sor.u32 $0x70, s0;
	[tilespmem:s3+$0x0] =	vst.add.f32.msk $0xffff, v19  }
0x477: {  	[tilespmem:s0+$0x0] =	vst.add.f32.msk $0xffff, v26  }
0x478: {  	s0 =	sor.u32 $0x10, s18;
	[tilespmem:s18+$0x0] =	vst.add.f32.msk $0xffff, v3  }
0x479: {  	[tilespmem:s0+$0x0] =	vst.add.f32.msk $0xffff, v4;
	s0 =	sor.u32 $0x20, s18  }
0x47a: {  	[tilespmem:s0+$0x0] =	vst.add.f32.msk $0xffff, v5;
	s0 =	sor.u32 $0x30, s18  }
0x47b: {  	[tilespmem:s0+$0x0] =	vst.add.f32.msk $0xffff, v6;
	s0 =	sor.u32 $0x40, s18  }
0x47c: {  	[tilespmem:s0+$0x0] =	vst.add.f32.msk $0xffff, v7;
	s0 =	sor.u32 $0x50, s18  }
0x47d: {  	[tilespmem:s0+$0x0] =	vst.add.f32.msk $0xffff, v8;
	s0 =	sor.u32 $0x60, s18  }
0x47e: {  	[tilespmem:s0+$0x0] =	vst.add.f32.msk $0xffff, v9;
	s0 =	sor.u32 $0x70, s18  }
0x47f: {  	[tilespmem:s0+$0x0] =	vst.add.f32.msk $0xffff, v10  }
0x480: {  	s0 =	sor.u32 $0x10, s14;
	[tilespmem:s14+$0x0] =	vst.add.f32.msk $0xffff, v11  }
0x481: {  	[tilespmem:s0+$0x0] =	vst.add.f32.msk $0xffff, v12;
	s0 =	sor.u32 $0x20, s14  }
0x482: {  	[tilespmem:s0+$0x0] =	vst.add.f32.msk $0xffff, v13;
	s0 =	sor.u32 $0x30, s14  }
0x483: {  	[tilespmem:s0+$0x0] =	vst.add.f32.msk $0xffff, v14;
	s0 =	sor.u32 $0x40, s14  }
0x484: {  	[tilespmem:s0+$0x0] =	vst.add.f32.msk $0xffff, v15;
	s0 =	sor.u32 $0x50, s14  }
0x485: {  	[tilespmem:s0+$0x0] =	vst.add.f32.msk $0xffff, v16;
	s0 =	sor.u32 $0x60, s14  }
0x486: {  	[tilespmem:s0+$0x0] =	vst.add.f32.msk $0xffff, v17;
	s0 =	sor.u32 $0x70, s14  }
0x487: {  	[tilespmem:s0+$0x0] =	vst.add.f32.msk $0xffff, v20  }
0x488: {  	s0 =	sor.u32 $0x10, s7;
	[tilespmem:s7+$0x0] =	vst.add.f32.msk $0xffff, v25  }
0x489: {  	[tilespmem:s0+$0x0] =	vst.add.f32.msk $0xffff, v21;
	s0 =	sor.u32 $0x20, s7  }
0x48a: {  	[tilespmem:s0+$0x0] =	vst.add.f32.msk $0xffff, v22;
	s0 =	sor.u32 $0x30, s7  }
0x48b: {  	[tilespmem:s0+$0x0] =	vst.add.f32.msk $0xffff, v23;
	s0 =	sor.u32 $0x40, s7  }
0x48c: {  	[tilespmem:s0+$0x0] =	vst.add.f32.msk $0xffff, v24;
	s0 =	sor.u32 $0x50, s7  }
0x48d: {  	[tilespmem:s0+$0x0] =	vst.add.f32.msk $0xffff, v18;
	s0 =	sor.u32 $0x60, s7  }
0x48e: {  	[tilespmem:s0+$0x0] =	vst.add.f32.msk $0xffff, v19;
	s0 =	sor.u32 $0x70, s7  }
0x48f: {  	[tilespmem:s0+$0x0] =	vst.add.f32.msk $0xffff, v26  }
0x490: {  	s0 =	sor.u32 $0x10, s12;
	[tilespmem:s12+$0x0] =	vst.add.f32.msk $0xffff, v3  }
0x491: {  	[tilespmem:s0+$0x0] =	vst.add.f32.msk $0xffff, v4;
	s0 =	sor.u32 $0x20, s12  }
0x492: {  	[tilespmem:s0+$0x0] =	vst.add.f32.msk $0xffff, v5;
	s0 =	sor.u32 $0x30, s12  }
0x493: {  	[tilespmem:s0+$0x0] =	vst.add.f32.msk $0xffff, v6;
	s0 =	sor.u32 $0x40, s12  }
0x494: {  	[tilespmem:s0+$0x0] =	vst.add.f32.msk $0xffff, v7;
	s0 =	sor.u32 $0x50, s12  }
0x495: {  	[tilespmem:s0+$0x0] =	vst.add.f32.msk $0xffff, v8;
	s0 =	sor.u32 $0x60, s12  }
0x496: {  	[tilespmem:s0+$0x0] =	vst.add.f32.msk $0xffff, v9;
	s0 =	sor.u32 $0x70, s12  }
0x497: {  	[tilespmem:s0+$0x0] =	vst.add.f32.msk $0xffff, v10  }
0x498: {  	s0 =	sor.u32 $0x10, s5;
	[tilespmem:s5+$0x0] =	vst.add.f32.msk $0xffff, v11  }
0x499: {  	[tilespmem:s0+$0x0] =	vst.add.f32.msk $0xffff, v12;
	s0 =	sor.u32 $0x20, s5  }
0x49a: {  	[tilespmem:s0+$0x0] =	vst.add.f32.msk $0xffff, v13;
	s0 =	sor.u32 $0x30, s5  }
0x49b: {  	[tilespmem:s0+$0x0] =	vst.add.f32.msk $0xffff, v14;
	s0 =	sor.u32 $0x40, s5  }
.Ltmp3:
0x49c: {  	[tilespmem:s0+$0x0] =	vst.add.f32.msk $0xffff, v15;
	s0 =	sor.u32 $0x50, s5;
	(pc) =	sbr.rel @p1 .LBB2_9-.Ltmp3, $4  }
0x49d: {  	[tilespmem:s0+$0x0] =	vst.add.f32.msk $0xffff, v16;
	s0 =	sor.u32 $0x60, s5  }
0x49e: {  	[tilespmem:s0+$0x0] =	vst.add.f32.msk $0xffff, v17;
	s0 =	sor.u32 $0x70, s5  }
0x49f: {  	[tilespmem:s0+$0x0] =	vst.add.f32.msk $0xffff, v20  }
0x4a0: {  	s0 =	sor.u32 $0x10, s23;
	[tilespmem:s23+$0x0] =	vst.add.f32.msk $0xffff, v25  }
0x4a1: {  	[tilespmem:s0+$0x0] =	vst.add.f32.msk $0xffff, v21  }
0x4a2: {  	s25 =	sor.u32 $0x30, s23;
	[tilespmem:s2+$0x0] =	vst.add.f32.msk $0xffff, v22  }
0x4a3: {  	s26 =	sor.u32 $0x40, s23;
	[tilespmem:s25+$0x0] =	vst.add.f32.msk $0xffff, v23  }
0x4a4: {  	s28 =	sor.u32 $0x50, s23;
	[tilespmem:s26+$0x0] =	vst.add.f32.msk $0xffff, v24  }
0x4a5: {  	s29 =	sor.u32 $0x60, s23;
	[tilespmem:s28+$0x0] =	vst.add.f32.msk $0xffff, v18  }
0x4a6: {  	s30 =	sor.u32 $0x70, s23;
	[tilespmem:s29+$0x0] =	vst.add.f32.msk $0xffff, v19  }
0x4a7: {  	s0 =	simm.s32 @!p0 $0xC;
	[tilespmem:s30+$0x0] =	vst.add.f32.msk $0xffff, v26  }
0x4a8: {  	_ =	swait.ge @!p0 [sflag:s0], $0x600  }
0x4a9: {  	s4 =	sadd.s32 $0x1, s4;
	[sflag:s0] =	ssyncset.done @!p0 $0x0  }
0x4aa: {  	[sflag:s0] =	ssyncadd.s32 @!p0 $0xFFFFFA00;
	p0 =	sne.s32 s4, $0x32  }
.Ltmp4:
0x4ab: {  	_ = 	snop;
	(pc) =	sbr.rel @p0 .LBB2_2-.Ltmp4, $3  }
0x4ac: {  	_ =	sdelay $0x1  }
0x4ad: {  	s6 =	simm.s32 $0x1C000;
	s10 =	stileid.u32;
	s5 =	rddreg [dreg:$0x9]  }
0x4ae: {  	[spmem:s5] =	stream.linear.scatter [tilespmem:s6], [sflag:$0x8], $0x3000, $0x38;
	[tilespmem:$0x1F000] =	vst v63  }
0x4af: {  	s0 =	simm.s32 $0x8  }
0x4b0: {  	_ =	swait.ge [sflag:s0], $0x3000  }
0x4b1: {  	s23 =	sor.u32 $0x1C0C, s22;
	s2 =	sshrl.u32 s5, $0x3;
	[sflag:s0] =	ssyncset.done $0x0  }
0x4b2: {  	s24 =	simm.s32 $0x9;
	s3 =	rddreg [dreg:$0xe];
	[sflag:s0] =	ssyncadd.s32 $0xFFFFD000  }
0x4b3: {  	[hbm:s3], [sflag:s23] =	dma.local [spmem:s2], $0x600  }
0x4b4: {  	_ =	swait.ge [sflag:s24], $0x600  }
0x4b5: {  	[sflag:s24] =	ssyncset.done $0x0  }
0x4b6: {  	s25 =	simm.s32 $0xA;
	[sflag:s24] =	ssyncadd.s32 $0xFFFFFA00  }
0x4b7: {  	_ =	swait.ge [sflag:s25], $0x600  }
0x4b8: {  	[sflag:s25] =	ssyncset.done $0x0  }
0x4b9: {  	s26 =	simm.s32 $0xB;
	[sflag:s25] =	ssyncadd.s32 $0xFFFFFA00  }
0x4ba: {  	_ =	swait.ge [sflag:s26], $0x600  }
0x4bb: {  	[sflag:s26] =	ssyncset.done $0x0  }
0x4bc: {  	s28 =	simm.s32 $0xC;
	[sflag:s26] =	ssyncadd.s32 $0xFFFFFA00  }
0x4bd: {  	_ =	swait.ge [sflag:s28], $0x600  }
0x4be: {  	s29 =	rddreg [dreg:$0x10]  }
0x4bf: {  	s30 =	rddreg [dreg:$0xf];
	s3 =	sadd.s32 $0x1, s29  }
0x4c0: {  	p0 =	sne.s32 s3, s30  }
.Ltmp5:
0x4c1: {  	_ = 	snop;
	(pc) =	sbr.rel @p0 .LBB2_1-.Ltmp5, $3  }
0x4c2: {  	_ =	sdelay $0x1  }
0x4c3: {  	[sflag:s28] =	ssyncset.done $0x0  }
0x4c4: {  	[sflag:s28] =	ssyncadd.s32 $0xFFFFFA00  }
0x4c5: {  	_ =	sfence.sel $0x180000  }
0x4c6: {  	[bflag:$0x0] =	sbarrier.arrive $0xFFFF  }
0x4c7: {  	_ =	strace $0x90000047  }
0x4c8: {  	[bflag:$0x2] =	sbarrier.arrive $0xFFFF  }
0x4c9: {  	p0 =	sne.s32 s10, $0x0;
	s0 =	rddreg [dreg:$0x4]  }
0x4ca: {  	s0 =	sadd.s32 @!p0 $0x100000, s0  }
0x4cb: {  	[sflag:s0] =	ssyncadd.tile.s32 @!p0 $0x1;
	_ =	shalt  }
.Lfunc_end2:
_tile_overlayer_lowered:
.L_overlay_start_2:
0x4cc: {  	(tag) =	ssettag $0x2  }
0x4cd: {  	s0 =	rddreg [dreg:$0x0];
	s2 =	stileid.u32  }
0x4ce: {  	s1 =	rddreg [dreg:$0x1];
	p0 =	sne.s32 s2, $0x0  }
0x4cf: {  	s3 =	rddreg [dreg:$0x2];
	[bflag:$0x3] =	sbarrier.arrive $0xFFFF;
	s2 =	simm.s32 @!p0 $0x1C0D  }
0x4d0: {  	[timem:s3], [sflag:s2] =	dma.local @!p0 [hbm:s0], s1  }
0x4d1: {  	s0 =	simm.s32 @!p0 $0xD  }
0x4d2: {  	_ =	swait.ge @!p0 [sflag:s0], s1  }
0x4d3: {  	s1 =	ssub.s32 @!p0 $0x0, s1;
	[sflag:s0] =	ssyncset.done @!p0 $0x0  }
0x4d4: {  	[sflag:s0] =	ssyncadd.s32 @!p0 s1  }
0x4d5: {  	[bflag:$0x3] =	sbarrier.arrive $0xFFFF  }
0x4d6: {  	_ =	shalt  }

</sc_bundles>
